<compile_context>
chip_gen: v7x
topology: tpu7x:2x2x1
jax: 0.10.2.dev20260603
libtpu: 0.0.44.dev20260713+nightly
codegen_flags: <defaults>
</compile_context>

<pallas_src>
import jax
import jax.numpy as jnp
from jax import lax
from jax.experimental import pallas as pl
from jax.experimental.pallas import tpu as pltpu
from jax.experimental.pallas import tpu_sc as plsc

_N = 10000
_NP = 10240
_E = 320000
_ET = _E + _N
_D = 128
_H1, _C1 = 8, 8
_HC = _H1 * _C1
_C2 = 40
_CHUNK = 2048
_ETP = 331776
_EHALF = _ETP // 2
_NCHUNK = _EHALF // _CHUNK

_BLK = 512
_NBLK = _NP // _BLK


def _tc1_body(x_ref, w1t_ref, asrc_ref, adst_ref, h1t_ref, as_ref, ad_ref):
    h = lax.dot_general(w1t_ref[...], x_ref[...], (((1,), (1,)), ((), ())),
                        preferred_element_type=jnp.float32)
    h1t_ref[...] = h
    as_ref[...] = jnp.dot(asrc_ref[...], h, preferred_element_type=jnp.float32)
    ad_ref[...] = jnp.dot(adst_ref[...], h, preferred_element_type=jnp.float32)


def _tc1(xp, w1t, asrc, adst):
    return pl.pallas_call(
        _tc1_body,
        grid=(_NBLK,),
        in_specs=[
            pl.BlockSpec((_BLK, _D), lambda i: (i, 0)),
            pl.BlockSpec((_HC, _D), lambda i: (0, 0)),
            pl.BlockSpec((_H1, _HC), lambda i: (0, 0)),
            pl.BlockSpec((_H1, _HC), lambda i: (0, 0)),
        ],
        out_specs=[
            pl.BlockSpec((_HC, _BLK), lambda i: (0, i)),
            pl.BlockSpec((_H1, _BLK), lambda i: (0, i)),
            pl.BlockSpec((_H1, _BLK), lambda i: (0, i)),
        ],
        out_shape=[
            jax.ShapeDtypeStruct((_HC, _NP), jnp.float32),
            jax.ShapeDtypeStruct((_H1, _NP), jnp.float32),
            jax.ShapeDtypeStruct((_H1, _NP), jnp.float32),
        ],
    )(xp, w1t, asrc, adst)


def _tc2_body(num_ref, den_ref, w2t_ref, att2_ref, b1_ref,
              h2t_ref, aa_ref):
    num = num_ref[0] + num_ref[1]
    den = den_ref[0] + den_ref[1]
    parts = [num[h * _C1:(h + 1) * _C1, :] / den[h:h + 1, :]
             for h in range(_H1)]
    o = jnp.concatenate(parts, axis=0) + b1_ref[...]
    o = jnp.where(o > 0.0, o, jnp.exp(o) - 1.0)
    h2 = jnp.dot(w2t_ref[...], o, preferred_element_type=jnp.float32)
    h2t_ref[...] = h2
    aa_ref[...] = jnp.dot(att2_ref[...], h2, preferred_element_type=jnp.float32)


def _tc2(numer1, denom1, w2t, att2, b1c):
    return pl.pallas_call(
        _tc2_body,
        grid=(_NBLK,),
        in_specs=[
            pl.BlockSpec((2, _HC, _BLK), lambda i: (0, 0, i)),
            pl.BlockSpec((2, _H1, _BLK), lambda i: (0, 0, i)),
            pl.BlockSpec((_C2, _HC), lambda i: (0, 0)),
            pl.BlockSpec((2, _C2), lambda i: (0, 0)),
            pl.BlockSpec((_HC, 1), lambda i: (0, 0)),
        ],
        out_specs=[
            pl.BlockSpec((_C2, _BLK), lambda i: (0, i)),
            pl.BlockSpec((2, _BLK), lambda i: (0, i)),
        ],
        out_shape=[
            jax.ShapeDtypeStruct((_C2, _NP), jnp.float32),
            jax.ShapeDtypeStruct((2, _NP), jnp.float32),
        ],
    )(numer1, denom1, w2t, att2, b1c)


def _tc3_body(num_ref, den_ref, b2_ref, out_ref):
    num = num_ref[0] + num_ref[1]
    den = den_ref[0] + den_ref[1]
    o = num / den + b2_ref[...]
    m = jnp.max(o, axis=0, keepdims=True)
    z = o - m
    lse = jnp.log(jnp.sum(jnp.exp(z), axis=0, keepdims=True))
    out_ref[...] = z - lse


def _tc3(numer2, denom2, b2c):
    return pl.pallas_call(
        _tc3_body,
        grid=(_NBLK,),
        in_specs=[
            pl.BlockSpec((2, _C2, _BLK), lambda i: (0, 0, i)),
            pl.BlockSpec((2, 1, _BLK), lambda i: (0, 0, i)),
            pl.BlockSpec((_C2, 1), lambda i: (0, 0)),
        ],
        out_specs=pl.BlockSpec((_C2, _BLK), lambda i: (0, i)),
        out_shape=jax.ShapeDtypeStruct((_C2, _NP), jnp.float32),
    )(numer2, denom2, b2c)


def _sweep(eidx_hbm, ebase, ebuf, tas, tad, tab, acc, accd,
           sem0, sem1, sem2, sem3):
    nch = len(tab)

    def _issue(c, slot, sem):
        off = pl.multiple_of(ebase + c * _CHUNK, 128)
        pltpu.async_copy(eidx_hbm.at[:, pl.ds(off, _CHUNK)],
                         ebuf.at[slot], sem)

    def _wait(slot, sem):
        pltpu.make_async_copy(eidx_hbm.at[:, pl.ds(0, _CHUNK)],
                              ebuf.at[slot], sem).wait()

    sems = (sem0, sem1, sem2, sem3)

    def _compute(slot):
        @plsc.parallel_loop(0, _CHUNK, 16, unroll=2)
        def _grp(b):
            bb = pl.multiple_of(b, 8)
            s16 = ebuf[slot, 0, pl.ds(bb, 16)]
            d16 = ebuf[slot, 1, pl.ds(bb, 16)]
            a = plsc.load_gather(tas, [s16]) + plsc.load_gather(tad, [d16])
            a = jnp.maximum(a, a * 0.2)
            e = jnp.exp(a)
            for j in range(nch):
                g = plsc.load_gather(tab[j], [s16])
                plsc.addupdate_scatter(acc[j], [d16], e * g)
            if accd is not None:
                plsc.addupdate_scatter(accd, [d16], e)

    for k in range(4):
        _issue(k, k, sems[k])

    zero = jnp.zeros((16,), jnp.float32)

    @plsc.parallel_loop(0, _NP, 16, unroll=8)
    def _zero(i):
        off = pl.multiple_of(i, 8)
        for j in range(nch):
            acc[j][pl.ds(off, 16)] = zero
        if accd is not None:
            accd[pl.ds(off, 16)] = zero

    @pl.loop(0, _NCHUNK // 4)
    def _quad(t):
        c = 4 * t
        for k in range(4):
            _wait(k, sems[k])
            _compute(k)

            @pl.when(c + k + 4 < _NCHUNK)
            def _():
                _issue(c + k + 4, k, sems[k])

    for c in range((_NCHUNK // 4) * 4, _NCHUNK):
        k = c % 4
        _wait(k, sems[k])
        _compute(k)


def _sc1_body(eidx_hbm, h1t_hbm, as_hbm, ad_hbm,
              numer_hbm, denom_hbm,
              tab0, tab1, tab2, tab3, acc0, acc1, acc2, acc3,
              tas, tad, accd, ebuf, sem0, sem1, sem2, sem3):
    core = lax.axis_index("c")
    sid = lax.axis_index("s")
    tab = (tab0, tab1, tab2, tab3)
    acc = (acc0, acc1, acc2, acc3)
    c0 = sid * 4
    head = sid // 2
    for j in range(4):
        pltpu.sync_copy(h1t_hbm.at[c0 + j], tab[j])
    pltpu.sync_copy(as_hbm.at[head], tas)
    pltpu.sync_copy(ad_hbm.at[head], tad)

    ebase = core * _EHALF
    _sweep(eidx_hbm, ebase, ebuf, tas, tad, tab, acc, accd,
           sem0, sem1, sem2, sem3)

    for j in range(4):
        pltpu.sync_copy(acc[j], numer_hbm.at[core, c0 + j])

    @pl.when(sid % 2 == 0)
    def _():
        pltpu.sync_copy(accd, denom_hbm.at[core, head])


def _sc2_body(eidx_hbm, h2t_hbm, aa_hbm,
              numer_hbm, denom_hbm,
              tab0, tab1, tab2, acc0, acc1, acc2,
              tas, tad, accd, ebuf, sem0, sem1, sem2, sem3):
    core = lax.axis_index("c")
    sid = lax.axis_index("s")
    pltpu.sync_copy(aa_hbm.at[0], tas)
    pltpu.sync_copy(aa_hbm.at[1], tad)
    ebase = core * _EHALF

    @pl.when(sid < 8)
    def _():
        c0 = sid * 3
        for j in range(3):
            pltpu.sync_copy(h2t_hbm.at[c0 + j], tab0 if j == 0 else
                            (tab1 if j == 1 else tab2))
        _sweep(eidx_hbm, ebase, ebuf, tas, tad, (tab0, tab1, tab2),
               (acc0, acc1, acc2), None, sem0, sem1, sem2, sem3)
        for j, aj in enumerate((acc0, acc1, acc2)):
            pltpu.sync_copy(aj, numer_hbm.at[core, c0 + j])

    @pl.when(sid >= 8)
    def _():
        c0 = 8 + sid * 2
        pltpu.sync_copy(h2t_hbm.at[c0], tab0)
        pltpu.sync_copy(h2t_hbm.at[c0 + 1], tab1)
        _sweep(eidx_hbm, ebase, ebuf, tas, tad, (tab0, tab1),
               (acc0, acc1), accd, sem0, sem1, sem2, sem3)
        pltpu.sync_copy(acc0, numer_hbm.at[core, c0])
        pltpu.sync_copy(acc1, numer_hbm.at[core, c0 + 1])

        @pl.when(sid == 15)
        def _():
            pltpu.sync_copy(accd, denom_hbm.at[core, 0])


def _sc_scratch(nch):
    rows = [pltpu.VMEM((_NP,), jnp.float32)] * (2 * nch)
    return rows + [
        pltpu.VMEM((_NP,), jnp.float32),
        pltpu.VMEM((_NP,), jnp.float32),
        pltpu.VMEM((_NP,), jnp.float32),
        pltpu.VMEM((4, 2, _CHUNK), jnp.int32),
        pltpu.SemaphoreType.DMA,
        pltpu.SemaphoreType.DMA,
        pltpu.SemaphoreType.DMA,
        pltpu.SemaphoreType.DMA,
    ]


def _sc1(eidx, h1T, asT, adT):
    mesh = plsc.VectorSubcoreMesh(core_axis_name="c", subcore_axis_name="s")
    return pl.kernel(
        _sc1_body,
        out_type=[
            jax.ShapeDtypeStruct((2, _HC, _NP), jnp.float32),
            jax.ShapeDtypeStruct((2, _H1, _NP), jnp.float32),
        ],
        mesh=mesh,
        scratch_types=_sc_scratch(4),
        compiler_params=pltpu.CompilerParams(needs_layout_passes=False),
    )(eidx, h1T, asT, adT)


def _sc2(eidx, h2T, aaT):
    mesh = plsc.VectorSubcoreMesh(core_axis_name="c", subcore_axis_name="s")
    return pl.kernel(
        _sc2_body,
        out_type=[
            jax.ShapeDtypeStruct((2, _C2, _NP), jnp.float32),
            jax.ShapeDtypeStruct((2, 1, _NP), jnp.float32),
        ],
        mesh=mesh,
        scratch_types=_sc_scratch(3),
        compiler_params=pltpu.CompilerParams(needs_layout_passes=False),
    )(eidx, h2T, aaT)


@jax.jit
def kernel(x, edge_index, W1, att_src1, att_dst1, b1, W2, att_src2,
           att_dst2, b2):
    loops = jnp.arange(_N, dtype=edge_index.dtype)
    loops2 = jnp.stack([loops, loops])
    padE = jnp.full((2, _ETP - _ET), _N, dtype=edge_index.dtype)
    eidx = jnp.concatenate([edge_index, loops2, padE], axis=1)

    xp = jnp.pad(x, ((0, _NP - _N), (0, 0)))
    w1t = W1.T
    eye = jnp.eye(_H1, dtype=jnp.float32)
    asrc = (eye[:, :, None] * att_src1[:, None, :]).reshape(_H1, _HC)
    adst = (eye[:, :, None] * att_dst1[:, None, :]).reshape(_H1, _HC)

    h1T, asT, adT = _tc1(xp, w1t, asrc, adst)
    numer1, denom1 = _sc1(eidx, h1T, asT, adT)

    w2t = W2.T
    att2 = jnp.concatenate([att_src2, att_dst2], axis=0)
    h2T, aaT = _tc2(numer1, denom1, w2t, att2, b1.reshape(_HC, 1))

    numer2, denom2 = _sc2(eidx, h2T, aaT)
    outT = _tc3(numer2, denom2, b2.reshape(_C2, 1))
    return outT[:, :_N].T

# --- scband reference (transcript-rebuilt; emitter-appended) ---
"""Pipeline reference for scband-simple-gnn-76175539962204 (READ-ONLY COPY).

The authoritative reference and input builder live on the scoring server;
editing this copy changes nothing except your own understanding.
"""

import jax, jax.numpy as jnp
import numpy as np

N = 10000
E = 320000
D = 128
H1, C1 = 8, 8
C2 = 40


def setup_inputs(seed: int = 0) -> dict:
    key = jax.random.key(seed)
    ks = jax.random.split(key, 10)
    x = jax.random.normal(ks[0], (N, D), dtype=jnp.float32)
    edge_index = jax.random.randint(ks[1], (2, E), 0, N, dtype=jnp.int32)
    W1 = jax.random.normal(ks[2], (D, H1 * C1), dtype=jnp.float32) * (1.0 / np.sqrt(D))
    att_src1 = jax.random.normal(ks[3], (H1, C1), dtype=jnp.float32) * 0.1
    att_dst1 = jax.random.normal(ks[4], (H1, C1), dtype=jnp.float32) * 0.1
    b1 = jnp.zeros((H1 * C1,), dtype=jnp.float32)
    W2 = jax.random.normal(ks[5], (H1 * C1, C2), dtype=jnp.float32) * (1.0 / np.sqrt(H1 * C1))
    att_src2 = jax.random.normal(ks[6], (1, C2), dtype=jnp.float32) * 0.1
    att_dst2 = jax.random.normal(ks[7], (1, C2), dtype=jnp.float32) * 0.1
    b2 = jnp.zeros((C2,), dtype=jnp.float32)
    return {"x": x, "edge_index": edge_index, "W1": W1, "att_src1": att_src1, "att_dst1": att_dst1, "b1": b1, "W2": W2, "att_src2": att_src2, "att_dst2": att_dst2, "b2": b2}


def gat_conv(x, src, dst, W, a_src, a_dst, b, heads, out_ch, concat):
    n = x.shape[0]
    h = (x @ W).reshape(n, heads, out_ch)
    alpha_src = jnp.sum(h * a_src[None, :, :], axis=-1)  # [n, heads]
    alpha_dst = jnp.sum(h * a_dst[None, :, :], axis=-1)
    alpha = jax.nn.leaky_relu(alpha_src[src] + alpha_dst[dst], 0.2)  # [e, heads]
    amax = jax.lax.stop_gradient(jax.ops.segment_max(alpha, dst, num_segments=n))
    e = jnp.exp(alpha - amax[dst])
    denom = jax.ops.segment_sum(e, dst, num_segments=n)
    coef = e / (denom[dst] + 1e-16)
    out = jax.ops.segment_sum(h[src] * coef[:, :, None], dst, num_segments=n)
    if concat:
        out = out.reshape(n, heads * out_ch)
    else:
        out = out.mean(axis=1)
    return out + b


def reference(x, edge_index, W1, att_src1, att_dst1, b1, W2, att_src2, att_dst2, b2):
    # eval mode: dropout is identity
    n = x.shape[0]
    loops = jnp.arange(n, dtype=edge_index.dtype)
    src = jnp.concatenate([edge_index[0], loops])  # PyG GATConv adds self-loops
    dst = jnp.concatenate([edge_index[1], loops])
    h = gat_conv(x, src, dst, W1, att_src1, att_dst1, b1, H1, C1, True)
    h = jax.nn.elu(h)
    out = gat_conv(h, src, dst, W2, att_src2, att_dst2, b2, 1, C2, False)
    return jax.nn.log_softmax(out, axis=1)

if __name__ == "__main__":
    import jax
    _d = setup_inputs()
    print(jax.jit(kernel)(*tuple(_d.values())))

</pallas_src>

<mosaic_0001>
#map = affine_map<(d0, d1) -> (0, 0)>
#map1 = affine_map<(d0, d1) -> (0, 0, 0)>
module attributes {stable_mosaic.version = 14 : i64} {
  func.func @_sc1_body(%arg0: i32, %arg1: i32, %arg2: memref<2x331776xi32, #tpu.memory_space<hbm>>, %arg3: memref<64x10240xf32, #tpu.memory_space<hbm>>, %arg4: memref<8x10240xf32, #tpu.memory_space<hbm>>, %arg5: memref<8x10240xf32, #tpu.memory_space<hbm>>, %arg6: memref<2x64x10240xf32, #tpu.memory_space<hbm>>, %arg7: memref<2x8x10240xf32, #tpu.memory_space<hbm>>, %arg8: memref<10240xf32, #tpu.memory_space<vmem>>, %arg9: memref<10240xf32, #tpu.memory_space<vmem>>, %arg10: memref<10240xf32, #tpu.memory_space<vmem>>, %arg11: memref<10240xf32, #tpu.memory_space<vmem>>, %arg12: memref<10240xf32, #tpu.memory_space<vmem>>, %arg13: memref<10240xf32, #tpu.memory_space<vmem>>, %arg14: memref<10240xf32, #tpu.memory_space<vmem>>, %arg15: memref<10240xf32, #tpu.memory_space<vmem>>, %arg16: memref<10240xf32, #tpu.memory_space<vmem>>, %arg17: memref<10240xf32, #tpu.memory_space<vmem>>, %arg18: memref<10240xf32, #tpu.memory_space<vmem>>, %arg19: memref<4x2x2048xi32, #tpu.memory_space<vmem>>, %arg20: memref<!tpu.dma_semaphore, #tpu.memory_space<semaphore_mem>>, %arg21: memref<!tpu.dma_semaphore, #tpu.memory_space<semaphore_mem>>, %arg22: memref<!tpu.dma_semaphore, #tpu.memory_space<semaphore_mem>>, %arg23: memref<!tpu.dma_semaphore, #tpu.memory_space<semaphore_mem>>) attributes {dimension_semantics = [#tpu.dimension_semantics<core_parallel>, #tpu.dimension_semantics<subcore_parallel>], iteration_bounds = array<i64: 2, 16>, scalar_prefetch = 0 : i64, scratch_operands = 16 : i64, tpu.core_type = #tpu.core_type<sc_vector_subcore>, window_params = [{transform_indices = #map}, {transform_indices = #map}, {transform_indices = #map}, {transform_indices = #map}, {transform_indices = #map1}, {transform_indices = #map1}]} {
    %mul3A = arith.constant 4 : i32
    %mul3A_0 = arith.muli %arg1, %mul3A : i32
    %jit3A = arith.constant 2 : i32
    %div3A = arith.divsi %arg1, %jit3A : i32
    %sign3A = arith.constant 0 : i32
    %sign3A_1 = arith.cmpi sgt, %arg1, %sign3A : i32
    %sign3A_2 = arith.extui %sign3A_1 : i1 to i32
    %sign3A_3 = arith.constant 0 : i32
    %sign3A_4 = arith.cmpi slt, %arg1, %sign3A_3 : i32
    %sign3A_5 = arith.extui %sign3A_4 : i1 to i32
    %sign3A_6 = arith.subi %sign3A_2, %sign3A_5 : i32
    %sign3A_7 = arith.constant 0 : i32
    %sign3A_8 = arith.cmpi sgt, %jit3A, %sign3A_7 : i32
    %sign3A_9 = arith.extui %sign3A_8 : i1 to i32
    %sign3A_10 = arith.constant 0 : i32
    %sign3A_11 = arith.cmpi slt, %jit3A, %sign3A_10 : i32
    %sign3A_12 = arith.extui %sign3A_11 : i1 to i32
    %sign3A_13 = arith.subi %sign3A_9, %sign3A_12 : i32
    %ne3A = arith.cmpi ne, %sign3A_6, %sign3A_13 : i32
    %rem3A = arith.remsi %arg1, %jit3A : i32
    %ne3A_14 = arith.constant 0 : i32
    %ne3A_15 = arith.cmpi ne, %rem3A, %ne3A_14 : i32
    %and3A = arith.andi %ne3A, %ne3A_15 : i1
    %sub3A = arith.constant 1 : i32
    %sub3A_16 = arith.subi %div3A, %sub3A : i32
    %select_n3A = arith.select %and3A, %sub3A_16, %div3A : i32
    %add3A = arith.constant 0 : i32
    %add3A_17 = arith.addi %mul3A_0, %add3A : i32
    "tpu.region"() ({
      %run_scoped3A = tpu.sem_alloc : memref<!tpu.dma_semaphore, #tpu.memory_space<semaphore_mem>>
      %dma_start3A_137 = arith.constant 0 : i32
      %dma_start3A_138 = tpu.memref_slice %arg3[%add3A_17, %dma_start3A_137] : memref<64x10240xf32, #tpu.memory_space<hbm>> -> memref<1x10240xf32, #tpu.memory_space<hbm>>
      %dma_start3A_139 = tpu.memref_squeeze %dma_start3A_138 : memref<1x10240xf32, #tpu.memory_space<hbm>> -> memref<10240xf32, #tpu.memory_space<hbm>>
      %dma_start3A_140 = arith.constant 0 : i32
      %dma_start3A_141 = tpu.memref_slice %arg3[%add3A_17, %dma_start3A_140] : memref<64x10240xf32, #tpu.memory_space<hbm>> -> memref<1x10240xf32, #tpu.memory_space<hbm>>
      %dma_start3A_142 = tpu.memref_squeeze %dma_start3A_141 : memref<1x10240xf32, #tpu.memory_space<hbm>> -> memref<10240xf32, #tpu.memory_space<hbm>>
      tpu.enqueue_dma source(%dma_start3A_142 : memref<10240xf32, #tpu.memory_space<hbm>>) target(%arg8 : memref<10240xf32, #tpu.memory_space<vmem>>) target_semaphore(%run_scoped3A : memref<!tpu.dma_semaphore, #tpu.memory_space<semaphore_mem>>)
      %dma_wait3A_143 = arith.constant 0 : i32
      %dma_wait3A_144 = tpu.memref_slice %arg3[%add3A_17, %dma_wait3A_143] : memref<64x10240xf32, #tpu.memory_space<hbm>> -> memref<1x10240xf32, #tpu.memory_space<hbm>>
      %dma_wait3A_145 = tpu.memref_squeeze %dma_wait3A_144 : memref<1x10240xf32, #tpu.memory_space<hbm>> -> memref<10240xf32, #tpu.memory_space<hbm>>
      %dma_wait3A_146 = arith.constant 0 : i32
      %dma_wait3A_147 = tpu.memref_slice %arg3[%add3A_17, %dma_wait3A_146] : memref<64x10240xf32, #tpu.memory_space<hbm>> -> memref<1x10240xf32, #tpu.memory_space<hbm>>
      %dma_wait3A_148 = tpu.memref_squeeze %dma_wait3A_147 : memref<1x10240xf32, #tpu.memory_space<hbm>> -> memref<10240xf32, #tpu.memory_space<hbm>>
      tpu.wait_dma2 semaphore(%run_scoped3A : memref<!tpu.dma_semaphore, #tpu.memory_space<semaphore_mem>>) src(%dma_wait3A_148 : memref<10240xf32, #tpu.memory_space<hbm>>) dst(%arg8 : memref<10240xf32, #tpu.memory_space<vmem>>)
      tpu.yield
    }) : () -> ()
    %add3A_18 = arith.constant 1 : i32
    %add3A_19 = arith.addi %mul3A_0, %add3A_18 : i32
    "tpu.region"() ({
      %run_scoped3A = tpu.sem_alloc : memref<!tpu.dma_semaphore, #tpu.memory_space<semaphore_mem>>
      %dma_start3A_137 = arith.constant 0 : i32
      %dma_start3A_138 = tpu.memref_slice %arg3[%add3A_19, %dma_start3A_137] : memref<64x10240xf32, #tpu.memory_space<hbm>> -> memref<1x10240xf32, #tpu.memory_space<hbm>>
      %dma_start3A_139 = tpu.memref_squeeze %dma_start3A_138 : memref<1x10240xf32, #tpu.memory_space<hbm>> -> memref<10240xf32, #tpu.memory_space<hbm>>
      %dma_start3A_140 = arith.constant 0 : i32
      %dma_start3A_141 = tpu.memref_slice %arg3[%add3A_19, %dma_start3A_140] : memref<64x10240xf32, #tpu.memory_space<hbm>> -> memref<1x10240xf32, #tpu.memory_space<hbm>>
      %dma_start3A_142 = tpu.memref_squeeze %dma_start3A_141 : memref<1x10240xf32, #tpu.memory_space<hbm>> -> memref<10240xf32, #tpu.memory_space<hbm>>
      tpu.enqueue_dma source(%dma_start3A_142 : memref<10240xf32, #tpu.memory_space<hbm>>) target(%arg9 : memref<10240xf32, #tpu.memory_space<vmem>>) target_semaphore(%run_scoped3A : memref<!tpu.dma_semaphore, #tpu.memory_space<semaphore_mem>>)
      %dma_wait3A_143 = arith.constant 0 : i32
      %dma_wait3A_144 = tpu.memref_slice %arg3[%add3A_19, %dma_wait3A_143] : memref<64x10240xf32, #tpu.memory_space<hbm>> -> memref<1x10240xf32, #tpu.memory_space<hbm>>
      %dma_wait3A_145 = tpu.memref_squeeze %dma_wait3A_144 : memref<1x10240xf32, #tpu.memory_space<hbm>> -> memref<10240xf32, #tpu.memory_space<hbm>>
      %dma_wait3A_146 = arith.constant 0 : i32
      %dma_wait3A_147 = tpu.memref_slice %arg3[%add3A_19, %dma_wait3A_146] : memref<64x10240xf32, #tpu.memory_space<hbm>> -> memref<1x10240xf32, #tpu.memory_space<hbm>>
      %dma_wait3A_148 = tpu.memref_squeeze %dma_wait3A_147 : memref<1x10240xf32, #tpu.memory_space<hbm>> -> memref<10240xf32, #tpu.memory_space<hbm>>
      tpu.wait_dma2 semaphore(%run_scoped3A : memref<!tpu.dma_semaphore, #tpu.memory_space<semaphore_mem>>) src(%dma_wait3A_148 : memref<10240xf32, #tpu.memory_space<hbm>>) dst(%arg9 : memref<10240xf32, #tpu.memory_space<vmem>>)
      tpu.yield
    }) : () -> ()
    %add3A_20 = arith.constant 2 : i32
    %add3A_21 = arith.addi %mul3A_0, %add3A_20 : i32
    "tpu.region"() ({
      %run_scoped3A = tpu.sem_alloc : memref<!tpu.dma_semaphore, #tpu.memory_space<semaphore_mem>>
      %dma_start3A_137 = arith.constant 0 : i32
      %dma_start3A_138 = tpu.memref_slice %arg3[%add3A_21, %dma_start3A_137] : memref<64x10240xf32, #tpu.memory_space<hbm>> -> memref<1x10240xf32, #tpu.memory_space<hbm>>
      %dma_start3A_139 = tpu.memref_squeeze %dma_start3A_138 : memref<1x10240xf32, #tpu.memory_space<hbm>> -> memref<10240xf32, #tpu.memory_space<hbm>>
      %dma_start3A_140 = arith.constant 0 : i32
      %dma_start3A_141 = tpu.memref_slice %arg3[%add3A_21, %dma_start3A_140] : memref<64x10240xf32, #tpu.memory_space<hbm>> -> memref<1x10240xf32, #tpu.memory_space<hbm>>
      %dma_start3A_142 = tpu.memref_squeeze %dma_start3A_141 : memref<1x10240xf32, #tpu.memory_space<hbm>> -> memref<10240xf32, #tpu.memory_space<hbm>>
      tpu.enqueue_dma source(%dma_start3A_142 : memref<10240xf32, #tpu.memory_space<hbm>>) target(%arg10 : memref<10240xf32, #tpu.memory_space<vmem>>) target_semaphore(%run_scoped3A : memref<!tpu.dma_semaphore, #tpu.memory_space<semaphore_mem>>)
      %dma_wait3A_143 = arith.constant 0 : i32
      %dma_wait3A_144 = tpu.memref_slice %arg3[%add3A_21, %dma_wait3A_143] : memref<64x10240xf32, #tpu.memory_space<hbm>> -> memref<1x10240xf32, #tpu.memory_space<hbm>>
      %dma_wait3A_145 = tpu.memref_squeeze %dma_wait3A_144 : memref<1x10240xf32, #tpu.memory_space<hbm>> -> memref<10240xf32, #tpu.memory_space<hbm>>
      %dma_wait3A_146 = arith.constant 0 : i32
      %dma_wait3A_147 = tpu.memref_slice %arg3[%add3A_21, %dma_wait3A_146] : memref<64x10240xf32, #tpu.memory_space<hbm>> -> memref<1x10240xf32, #tpu.memory_space<hbm>>
      %dma_wait3A_148 = tpu.memref_squeeze %dma_wait3A_147 : memref<1x10240xf32, #tpu.memory_space<hbm>> -> memref<10240xf32, #tpu.memory_space<hbm>>
      tpu.wait_dma2 semaphore(%run_scoped3A : memref<!tpu.dma_semaphore, #tpu.memory_space<semaphore_mem>>) src(%dma_wait3A_148 : memref<10240xf32, #tpu.memory_space<hbm>>) dst(%arg10 : memref<10240xf32, #tpu.memory_space<vmem>>)
      tpu.yield
    }) : () -> ()
    %add3A_22 = arith.constant 3 : i32
    %add3A_23 = arith.addi %mul3A_0, %add3A_22 : i32
    "tpu.region"() ({
      %run_scoped3A = tpu.sem_alloc : memref<!tpu.dma_semaphore, #tpu.memory_space<semaphore_mem>>
      %dma_start3A_137 = arith.constant 0 : i32
      %dma_start3A_138 = tpu.memref_slice %arg3[%add3A_23, %dma_start3A_137] : memref<64x10240xf32, #tpu.memory_space<hbm>> -> memref<1x10240xf32, #tpu.memory_space<hbm>>
      %dma_start3A_139 = tpu.memref_squeeze %dma_start3A_138 : memref<1x10240xf32, #tpu.memory_space<hbm>> -> memref<10240xf32, #tpu.memory_space<hbm>>
      %dma_start3A_140 = arith.constant 0 : i32
      %dma_start3A_141 = tpu.memref_slice %arg3[%add3A_23, %dma_start3A_140] : memref<64x10240xf32, #tpu.memory_space<hbm>> -> memref<1x10240xf32, #tpu.memory_space<hbm>>
      %dma_start3A_142 = tpu.memref_squeeze %dma_start3A_141 : memref<1x10240xf32, #tpu.memory_space<hbm>> -> memref<10240xf32, #tpu.memory_space<hbm>>
      tpu.enqueue_dma source(%dma_start3A_142 : memref<10240xf32, #tpu.memory_space<hbm>>) target(%arg11 : memref<10240xf32, #tpu.memory_space<vmem>>) target_semaphore(%run_scoped3A : memref<!tpu.dma_semaphore, #tpu.memory_space<semaphore_mem>>)
      %dma_wait3A_143 = arith.constant 0 : i32
      %dma_wait3A_144 = tpu.memref_slice %arg3[%add3A_23, %dma_wait3A_143] : memref<64x10240xf32, #tpu.memory_space<hbm>> -> memref<1x10240xf32, #tpu.memory_space<hbm>>
      %dma_wait3A_145 = tpu.memref_squeeze %dma_wait3A_144 : memref<1x10240xf32, #tpu.memory_space<hbm>> -> memref<10240xf32, #tpu.memory_space<hbm>>
      %dma_wait3A_146 = arith.constant 0 : i32
      %dma_wait3A_147 = tpu.memref_slice %arg3[%add3A_23, %dma_wait3A_146] : memref<64x10240xf32, #tpu.memory_space<hbm>> -> memref<1x10240xf32, #tpu.memory_space<hbm>>
      %dma_wait3A_148 = tpu.memref_squeeze %dma_wait3A_147 : memref<1x10240xf32, #tpu.memory_space<hbm>> -> memref<10240xf32, #tpu.memory_space<hbm>>
      tpu.wait_dma2 semaphore(%run_scoped3A : memref<!tpu.dma_semaphore, #tpu.memory_space<semaphore_mem>>) src(%dma_wait3A_148 : memref<10240xf32, #tpu.memory_space<hbm>>) dst(%arg11 : memref<10240xf32, #tpu.memory_space<vmem>>)
      tpu.yield
    }) : () -> ()
    "tpu.region"() ({
      %run_scoped3A = tpu.sem_alloc : memref<!tpu.dma_semaphore, #tpu.memory_space<semaphore_mem>>
      %dma_start3A_137 = arith.constant 0 : i32
      %dma_start3A_138 = tpu.memref_slice %arg4[%select_n3A, %dma_start3A_137] : memref<8x10240xf32, #tpu.memory_space<hbm>> -> memref<1x10240xf32, #tpu.memory_space<hbm>>
      %dma_start3A_139 = tpu.memref_squeeze %dma_start3A_138 : memref<1x10240xf32, #tpu.memory_space<hbm>> -> memref<10240xf32, #tpu.memory_space<hbm>>
      %dma_start3A_140 = arith.constant 0 : i32
      %dma_start3A_141 = tpu.memref_slice %arg4[%select_n3A, %dma_start3A_140] : memref<8x10240xf32, #tpu.memory_space<hbm>> -> memref<1x10240xf32, #tpu.memory_space<hbm>>
      %dma_start3A_142 = tpu.memref_squeeze %dma_start3A_141 : memref<1x10240xf32, #tpu.memory_space<hbm>> -> memref<10240xf32, #tpu.memory_space<hbm>>
      tpu.enqueue_dma source(%dma_start3A_142 : memref<10240xf32, #tpu.memory_space<hbm>>) target(%arg16 : memref<10240xf32, #tpu.memory_space<vmem>>) target_semaphore(%run_scoped3A : memref<!tpu.dma_semaphore, #tpu.memory_space<semaphore_mem>>)
      %dma_wait3A_143 = arith.constant 0 : i32
      %dma_wait3A_144 = tpu.memref_slice %arg4[%select_n3A, %dma_wait3A_143] : memref<8x10240xf32, #tpu.memory_space<hbm>> -> memref<1x10240xf32, #tpu.memory_space<hbm>>
      %dma_wait3A_145 = tpu.memref_squeeze %dma_wait3A_144 : memref<1x10240xf32, #tpu.memory_space<hbm>> -> memref<10240xf32, #tpu.memory_space<hbm>>
      %dma_wait3A_146 = arith.constant 0 : i32
      %dma_wait3A_147 = tpu.memref_slice %arg4[%select_n3A, %dma_wait3A_146] : memref<8x10240xf32, #tpu.memory_space<hbm>> -> memref<1x10240xf32, #tpu.memory_space<hbm>>
      %dma_wait3A_148 = tpu.memref_squeeze %dma_wait3A_147 : memref<1x10240xf32, #tpu.memory_space<hbm>> -> memref<10240xf32, #tpu.memory_space<hbm>>
      tpu.wait_dma2 semaphore(%run_scoped3A : memref<!tpu.dma_semaphore, #tpu.memory_space<semaphore_mem>>) src(%dma_wait3A_148 : memref<10240xf32, #tpu.memory_space<hbm>>) dst(%arg16 : memref<10240xf32, #tpu.memory_space<vmem>>)
      tpu.yield
    }) : () -> ()
    "tpu.region"() ({
      %run_scoped3A = tpu.sem_alloc : memref<!tpu.dma_semaphore, #tpu.memory_space<semaphore_mem>>
      %dma_start3A_137 = arith.constant 0 : i32
      %dma_start3A_138 = tpu.memref_slice %arg5[%select_n3A, %dma_start3A_137] : memref<8x10240xf32, #tpu.memory_space<hbm>> -> memref<1x10240xf32, #tpu.memory_space<hbm>>
      %dma_start3A_139 = tpu.memref_squeeze %dma_start3A_138 : memref<1x10240xf32, #tpu.memory_space<hbm>> -> memref<10240xf32, #tpu.memory_space<hbm>>
      %dma_start3A_140 = arith.constant 0 : i32
      %dma_start3A_141 = tpu.memref_slice %arg5[%select_n3A, %dma_start3A_140] : memref<8x10240xf32, #tpu.memory_space<hbm>> -> memref<1x10240xf32, #tpu.memory_space<hbm>>
      %dma_start3A_142 = tpu.memref_squeeze %dma_start3A_141 : memref<1x10240xf32, #tpu.memory_space<hbm>> -> memref<10240xf32, #tpu.memory_space<hbm>>
      tpu.enqueue_dma source(%dma_start3A_142 : memref<10240xf32, #tpu.memory_space<hbm>>) target(%arg17 : memref<10240xf32, #tpu.memory_space<vmem>>) target_semaphore(%run_scoped3A : memref<!tpu.dma_semaphore, #tpu.memory_space<semaphore_mem>>)
      %dma_wait3A_143 = arith.constant 0 : i32
      %dma_wait3A_144 = tpu.memref_slice %arg5[%select_n3A, %dma_wait3A_143] : memref<8x10240xf32, #tpu.memory_space<hbm>> -> memref<1x10240xf32, #tpu.memory_space<hbm>>
      %dma_wait3A_145 = tpu.memref_squeeze %dma_wait3A_144 : memref<1x10240xf32, #tpu.memory_space<hbm>> -> memref<10240xf32, #tpu.memory_space<hbm>>
      %dma_wait3A_146 = arith.constant 0 : i32
      %dma_wait3A_147 = tpu.memref_slice %arg5[%select_n3A, %dma_wait3A_146] : memref<8x10240xf32, #tpu.memory_space<hbm>> -> memref<1x10240xf32, #tpu.memory_space<hbm>>
      %dma_wait3A_148 = tpu.memref_squeeze %dma_wait3A_147 : memref<1x10240xf32, #tpu.memory_space<hbm>> -> memref<10240xf32, #tpu.memory_space<hbm>>
      tpu.wait_dma2 semaphore(%run_scoped3A : memref<!tpu.dma_semaphore, #tpu.memory_space<semaphore_mem>>) src(%dma_wait3A_148 : memref<10240xf32, #tpu.memory_space<hbm>>) dst(%arg17 : memref<10240xf32, #tpu.memory_space<vmem>>)
      tpu.yield
    }) : () -> ()
    %mul3A_24 = arith.constant 165888 : i32
    %mul3A_25 = arith.muli %arg0, %mul3A_24 : i32
    %add3A_26 = arith.constant 0 : i32
    %add3A_27 = arith.addi %mul3A_25, %add3A_26 : i32
    %multiple_of3A = tpu.assume_multiple %add3A_27, 128 : i32
    %dma_start3A = arith.constant 0 : i32
    %dma_start3A_28 = arith.constant 0 : i32
    %dma_start3A_29 = arith.constant 0 : i32
    %dma_start3A_30 = tpu.memref_slice %arg19[%dma_start3A, %dma_start3A_28, %dma_start3A_29] : memref<4x2x2048xi32, #tpu.memory_space<vmem>> -> memref<1x2x2048xi32, #tpu.memory_space<vmem>>
    %dma_start3A_31 = tpu.memref_squeeze %dma_start3A_30 : memref<1x2x2048xi32, #tpu.memory_space<vmem>> -> memref<2x2048xi32, #tpu.memory_space<vmem>>
    %dma_start3A_32 = arith.constant 0 : i32
    %dma_start3A_33 = tpu.memref_slice %arg2[%dma_start3A_32, %multiple_of3A] : memref<2x331776xi32, #tpu.memory_space<hbm>> -> memref<2x2048xi32, #tpu.memory_space<hbm>>
    %dma_start3A_34 = arith.constant 0 : i32
    %dma_start3A_35 = arith.constant 0 : i32
    %dma_start3A_36 = tpu.memref_slice %arg19[%dma_start3A, %dma_start3A_34, %dma_start3A_35] : memref<4x2x2048xi32, #tpu.memory_space<vmem>> -> memref<1x2x2048xi32, #tpu.memory_space<vmem>>
    %dma_start3A_37 = tpu.memref_squeeze %dma_start3A_36 : memref<1x2x2048xi32, #tpu.memory_space<vmem>> -> memref<2x2048xi32, #tpu.memory_space<vmem>>
    %dma_start3A_38 = arith.constant 0 : i32
    %dma_start3A_39 = tpu.memref_slice %arg2[%dma_start3A_38, %multiple_of3A] : memref<2x331776xi32, #tpu.memory_space<hbm>> -> memref<2x2048xi32, #tpu.memory_space<hbm>>
    tpu.enqueue_dma source(%dma_start3A_39 : memref<2x2048xi32, #tpu.memory_space<hbm>>) target(%dma_start3A_37 : memref<2x2048xi32, #tpu.memory_space<vmem>>) target_semaphore(%arg20 : memref<!tpu.dma_semaphore, #tpu.memory_space<semaphore_mem>>)
    %add3A_40 = arith.constant 2048 : i32
    %add3A_41 = arith.addi %mul3A_25, %add3A_40 : i32
    %multiple_of3A_42 = tpu.assume_multiple %add3A_41, 128 : i32
    %dma_start3A_43 = arith.constant 1 : i32
    %dma_start3A_44 = arith.constant 0 : i32
    %dma_start3A_45 = arith.constant 0 : i32
    %dma_start3A_46 = tpu.memref_slice %arg19[%dma_start3A_43, %dma_start3A_44, %dma_start3A_45] : memref<4x2x2048xi32, #tpu.memory_space<vmem>> -> memref<1x2x2048xi32, #tpu.memory_space<vmem>>
    %dma_start3A_47 = tpu.memref_squeeze %dma_start3A_46 : memref<1x2x2048xi32, #tpu.memory_space<vmem>> -> memref<2x2048xi32, #tpu.memory_space<vmem>>
    %dma_start3A_48 = arith.constant 0 : i32
    %dma_start3A_49 = tpu.memref_slice %arg2[%dma_start3A_48, %multiple_of3A_42] : memref<2x331776xi32, #tpu.memory_space<hbm>> -> memref<2x2048xi32, #tpu.memory_space<hbm>>
    %dma_start3A_50 = arith.constant 0 : i32
    %dma_start3A_51 = arith.constant 0 : i32
    %dma_start3A_52 = tpu.memref_slice %arg19[%dma_start3A_43, %dma_start3A_50, %dma_start3A_51] : memref<4x2x2048xi32, #tpu.memory_space<vmem>> -> memref<1x2x2048xi32, #tpu.memory_space<vmem>>
    %dma_start3A_53 = tpu.memref_squeeze %dma_start3A_52 : memref<1x2x2048xi32, #tpu.memory_space<vmem>> -> memref<2x2048xi32, #tpu.memory_space<vmem>>
    %dma_start3A_54 = arith.constant 0 : i32
    %dma_start3A_55 = tpu.memref_slice %arg2[%dma_start3A_54, %multiple_of3A_42] : memref<2x331776xi32, #tpu.memory_space<hbm>> -> memref<2x2048xi32, #tpu.memory_space<hbm>>
    tpu.enqueue_dma source(%dma_start3A_55 : memref<2x2048xi32, #tpu.memory_space<hbm>>) target(%dma_start3A_53 : memref<2x2048xi32, #tpu.memory_space<vmem>>) target_semaphore(%arg21 : memref<!tpu.dma_semaphore, #tpu.memory_space<semaphore_mem>>)
    %add3A_56 = arith.constant 4096 : i32
    %add3A_57 = arith.addi %mul3A_25, %add3A_56 : i32
    %multiple_of3A_58 = tpu.assume_multiple %add3A_57, 128 : i32
    %dma_start3A_59 = arith.constant 2 : i32
    %dma_start3A_60 = arith.constant 0 : i32
    %dma_start3A_61 = arith.constant 0 : i32
    %dma_start3A_62 = tpu.memref_slice %arg19[%dma_start3A_59, %dma_start3A_60, %dma_start3A_61] : memref<4x2x2048xi32, #tpu.memory_space<vmem>> -> memref<1x2x2048xi32, #tpu.memory_space<vmem>>
    %dma_start3A_63 = tpu.memref_squeeze %dma_start3A_62 : memref<1x2x2048xi32, #tpu.memory_space<vmem>> -> memref<2x2048xi32, #tpu.memory_space<vmem>>
    %dma_start3A_64 = arith.constant 0 : i32
    %dma_start3A_65 = tpu.memref_slice %arg2[%dma_start3A_64, %multiple_of3A_58] : memref<2x331776xi32, #tpu.memory_space<hbm>> -> memref<2x2048xi32, #tpu.memory_space<hbm>>
    %dma_start3A_66 = arith.constant 0 : i32
    %dma_start3A_67 = arith.constant 0 : i32
    %dma_start3A_68 = tpu.memref_slice %arg19[%dma_start3A_59, %dma_start3A_66, %dma_start3A_67] : memref<4x2x2048xi32, #tpu.memory_space<vmem>> -> memref<1x2x2048xi32, #tpu.memory_space<vmem>>
    %dma_start3A_69 = tpu.memref_squeeze %dma_start3A_68 : memref<1x2x2048xi32, #tpu.memory_space<vmem>> -> memref<2x2048xi32, #tpu.memory_space<vmem>>
    %dma_start3A_70 = arith.constant 0 : i32
    %dma_start3A_71 = tpu.memref_slice %arg2[%dma_start3A_70, %multiple_of3A_58] : memref<2x331776xi32, #tpu.memory_space<hbm>> -> memref<2x2048xi32, #tpu.memory_space<hbm>>
    tpu.enqueue_dma source(%dma_start3A_71 : memref<2x2048xi32, #tpu.memory_space<hbm>>) target(%dma_start3A_69 : memref<2x2048xi32, #tpu.memory_space<vmem>>) target_semaphore(%arg22 : memref<!tpu.dma_semaphore, #tpu.memory_space<semaphore_mem>>)
    %add3A_72 = arith.constant 6144 : i32
    %add3A_73 = arith.addi %mul3A_25, %add3A_72 : i32
    %multiple_of3A_74 = tpu.assume_multiple %add3A_73, 128 : i32
    %dma_start3A_75 = arith.constant 3 : i32
    %dma_start3A_76 = arith.constant 0 : i32
    %dma_start3A_77 = arith.constant 0 : i32
    %dma_start3A_78 = tpu.memref_slice %arg19[%dma_start3A_75, %dma_start3A_76, %dma_start3A_77] : memref<4x2x2048xi32, #tpu.memory_space<vmem>> -> memref<1x2x2048xi32, #tpu.memory_space<vmem>>
    %dma_start3A_79 = tpu.memref_squeeze %dma_start3A_78 : memref<1x2x2048xi32, #tpu.memory_space<vmem>> -> memref<2x2048xi32, #tpu.memory_space<vmem>>
    %dma_start3A_80 = arith.constant 0 : i32
    %dma_start3A_81 = tpu.memref_slice %arg2[%dma_start3A_80, %multiple_of3A_74] : memref<2x331776xi32, #tpu.memory_space<hbm>> -> memref<2x2048xi32, #tpu.memory_space<hbm>>
    %dma_start3A_82 = arith.constant 0 : i32
    %dma_start3A_83 = arith.constant 0 : i32
    %dma_start3A_84 = tpu.memref_slice %arg19[%dma_start3A_75, %dma_start3A_82, %dma_start3A_83] : memref<4x2x2048xi32, #tpu.memory_space<vmem>> -> memref<1x2x2048xi32, #tpu.memory_space<vmem>>
    %dma_start3A_85 = tpu.memref_squeeze %dma_start3A_84 : memref<1x2x2048xi32, #tpu.memory_space<vmem>> -> memref<2x2048xi32, #tpu.memory_space<vmem>>
    %dma_start3A_86 = arith.constant 0 : i32
    %dma_start3A_87 = tpu.memref_slice %arg2[%dma_start3A_86, %multiple_of3A_74] : memref<2x331776xi32, #tpu.memory_space<hbm>> -> memref<2x2048xi32, #tpu.memory_space<hbm>>
    tpu.enqueue_dma source(%dma_start3A_87 : memref<2x2048xi32, #tpu.memory_space<hbm>>) target(%dma_start3A_85 : memref<2x2048xi32, #tpu.memory_space<vmem>>) target_semaphore(%arg23 : memref<!tpu.dma_semaphore, #tpu.memory_space<semaphore_mem>>)
    %broadcast_in_dim3A = arith.constant 0.000000e+00 : f32
    %broadcast_in_dim3A_88 = vector.broadcast %broadcast_in_dim3A : f32 to vector<16xf32>
    %parallel_loop3A = arith.constant 0 : i32
    %parallel_loop3A_89 = arith.constant 10240 : i32
    %parallel_loop3A_90 = arith.constant 16 : i32
    scf.for %parallel_loop3A_137 = %parallel_loop3A to %parallel_loop3A_89 step %parallel_loop3A_90  : i32 {
      %parallel_loop3A_138 = tpu.assume_multiple %parallel_loop3A_137, 8 : i32
      %parallel_loop3A_139 = arith.index_cast %parallel_loop3A_138 : i32 to index
      %parallel_loop3A_140 = tpu.vector_load %arg12[%parallel_loop3A_139] {strides = array<i32>} : memref<10240xf32, #tpu.memory_space<vmem>>, vector<16xf32>,
      tpu.vector_store %arg12[%parallel_loop3A_139], %broadcast_in_dim3A_88 {strides = array<i32>} : memref<10240xf32, #tpu.memory_space<vmem>>, vector<16xf32>,
      %parallel_loop3A_141 = arith.index_cast %parallel_loop3A_138 : i32 to index
      %parallel_loop3A_142 = tpu.vector_load %arg13[%parallel_loop3A_141] {strides = array<i32>} : memref<10240xf32, #tpu.memory_space<vmem>>, vector<16xf32>,
      tpu.vector_store %arg13[%parallel_loop3A_141], %broadcast_in_dim3A_88 {strides = array<i32>} : memref<10240xf32, #tpu.memory_space<vmem>>, vector<16xf32>,
      %parallel_loop3A_143 = arith.index_cast %parallel_loop3A_138 : i32 to index
      %parallel_loop3A_144 = tpu.vector_load %arg14[%parallel_loop3A_143] {strides = array<i32>} : memref<10240xf32, #tpu.memory_space<vmem>>, vector<16xf32>,
      tpu.vector_store %arg14[%parallel_loop3A_143], %broadcast_in_dim3A_88 {strides = array<i32>} : memref<10240xf32, #tpu.memory_space<vmem>>, vector<16xf32>,
      %parallel_loop3A_145 = arith.index_cast %parallel_loop3A_138 : i32 to index
      %parallel_loop3A_146 = tpu.vector_load %arg15[%parallel_loop3A_145] {strides = array<i32>} : memref<10240xf32, #tpu.memory_space<vmem>>, vector<16xf32>,
      tpu.vector_store %arg15[%parallel_loop3A_145], %broadcast_in_dim3A_88 {strides = array<i32>} : memref<10240xf32, #tpu.memory_space<vmem>>, vector<16xf32>,
      %parallel_loop3A_147 = arith.index_cast %parallel_loop3A_138 : i32 to index
      %parallel_loop3A_148 = tpu.vector_load %arg18[%parallel_loop3A_147] {strides = array<i32>} : memref<10240xf32, #tpu.memory_space<vmem>>, vector<16xf32>,
      tpu.vector_store %arg18[%parallel_loop3A_147], %broadcast_in_dim3A_88 {strides = array<i32>} : memref<10240xf32, #tpu.memory_space<vmem>>, vector<16xf32>,
    } {sc.loop_unroll_factor = 8 : i64, sc.parallel_access}
    %scan3A = arith.constant 0 : i32
    %scan3A_91 = arith.constant 20 : i32
    %scan3A_92 = arith.addi %scan3A, %scan3A_91 : i32
    %scan3A_93 = arith.constant 1 : i32
    scf.for %scan3A_137 = %scan3A to %scan3A_92 step %scan3A_93  : i32 {
      %mul3A_138 = arith.constant 1 : i32
      %mul3A_139 = arith.muli %scan3A_137, %mul3A_138 : i32
      %add3A_140 = arith.constant 0 : i32
      %add3A_141 = arith.addi %add3A_140, %mul3A_139 : i32
      %mul3A_142 = arith.constant 4 : i32
      %mul3A_143 = arith.muli %mul3A_142, %add3A_141 : i32
      %dma_wait3A_144 = arith.constant 0 : i32
      %dma_wait3A_145 = arith.constant 0 : i32
      %dma_wait3A_146 = arith.constant 0 : i32
      %dma_wait3A_147 = tpu.memref_slice %arg19[%dma_wait3A_144, %dma_wait3A_145, %dma_wait3A_146] : memref<4x2x2048xi32, #tpu.memory_space<vmem>> -> memref<1x2x2048xi32, #tpu.memory_space<vmem>>
      %dma_wait3A_148 = tpu.memref_squeeze %dma_wait3A_147 : memref<1x2x2048xi32, #tpu.memory_space<vmem>> -> memref<2x2048xi32, #tpu.memory_space<vmem>>
      %dma_wait3A_149 = arith.constant 0 : i32
      %dma_wait3A_150 = arith.constant 0 : i32
      %dma_wait3A_151 = tpu.memref_slice %arg2[%dma_wait3A_149, %dma_wait3A_150] : memref<2x331776xi32, #tpu.memory_space<hbm>> -> memref<2x2048xi32, #tpu.memory_space<hbm>>
      %dma_wait3A_152 = arith.constant 0 : i32
      %dma_wait3A_153 = arith.constant 0 : i32
      %dma_wait3A_154 = tpu.memref_slice %arg19[%dma_wait3A_144, %dma_wait3A_152, %dma_wait3A_153] : memref<4x2x2048xi32, #tpu.memory_space<vmem>> -> memref<1x2x2048xi32, #tpu.memory_space<vmem>>
      %dma_wait3A_155 = tpu.memref_squeeze %dma_wait3A_154 : memref<1x2x2048xi32, #tpu.memory_space<vmem>> -> memref<2x2048xi32, #tpu.memory_space<vmem>>
      %dma_wait3A_156 = arith.constant 0 : i32
      %dma_wait3A_157 = arith.constant 0 : i32
      %dma_wait3A_158 = tpu.memref_slice %arg2[%dma_wait3A_156, %dma_wait3A_157] : memref<2x331776xi32, #tpu.memory_space<hbm>> -> memref<2x2048xi32, #tpu.memory_space<hbm>>
      tpu.wait_dma2 semaphore(%arg20 : memref<!tpu.dma_semaphore, #tpu.memory_space<semaphore_mem>>) src(%dma_wait3A_158 : memref<2x2048xi32, #tpu.memory_space<hbm>>) dst(%dma_wait3A_155 : memref<2x2048xi32, #tpu.memory_space<vmem>>)
      %parallel_loop3A_159 = arith.constant 0 : i32
      %parallel_loop3A_160 = arith.constant 2048 : i32
      %parallel_loop3A_161 = arith.constant 16 : i32
      scf.for %parallel_loop3A_252 = %parallel_loop3A_159 to %parallel_loop3A_160 step %parallel_loop3A_161  : i32 {
        %parallel_loop3A_253 = tpu.assume_multiple %parallel_loop3A_252, 8 : i32
        %parallel_loop3A_254 = arith.constant 0 : i32
        %parallel_loop3A_255 = arith.constant 0 : i32
        %parallel_loop3A_256 = arith.index_cast %parallel_loop3A_254 : i32 to index
        %parallel_loop3A_257 = arith.index_cast %parallel_loop3A_255 : i32 to index
        %parallel_loop3A_258 = arith.index_cast %parallel_loop3A_253 : i32 to index
        %parallel_loop3A_259 = tpu.vector_load %arg19[%parallel_loop3A_256, %parallel_loop3A_257, %parallel_loop3A_258] {strides = array<i32>} : memref<4x2x2048xi32, #tpu.memory_space<vmem>>, vector<16xi32>,
        %parallel_loop3A_260 = arith.constant 0 : i32
        %parallel_loop3A_261 = arith.constant 1 : i32
        %parallel_loop3A_262 = arith.index_cast %parallel_loop3A_260 : i32 to index
        %parallel_loop3A_263 = arith.index_cast %parallel_loop3A_261 : i32 to index
        %parallel_loop3A_264 = arith.index_cast %parallel_loop3A_253 : i32 to index
        %parallel_loop3A_265 = tpu.vector_load %arg19[%parallel_loop3A_262, %parallel_loop3A_263, %parallel_loop3A_264] {strides = array<i32>} : memref<4x2x2048xi32, #tpu.memory_space<vmem>>, vector<16xi32>,
        %parallel_loop3A_266 = tpu.vector_load_idx %arg16[%parallel_loop3A_259] : memref<10240xf32, #tpu.memory_space<vmem>>[vector<16xi32>], vector<16xf32>,
        %parallel_loop3A_267 = tpu.vector_load_idx %arg17[%parallel_loop3A_265] : memref<10240xf32, #tpu.memory_space<vmem>>[vector<16xi32>], vector<16xf32>,
        %parallel_loop3A_268 = arith.addf %parallel_loop3A_266, %parallel_loop3A_267 : vector<16xf32>
        %parallel_loop3A_269 = arith.constant 2.000000e-01 : f32
        %parallel_loop3A_270 = vector.broadcast %parallel_loop3A_269 : f32 to vector<16xf32>
        %parallel_loop3A_271 = arith.mulf %parallel_loop3A_268, %parallel_loop3A_270 : vector<16xf32>
        %parallel_loop3A_272 = arith.maximumf %parallel_loop3A_268, %parallel_loop3A_271 : vector<16xf32>
        %parallel_loop3A_273 = math.exp %parallel_loop3A_272 : vector<16xf32>
        %parallel_loop3A_274 = tpu.vector_load_idx %arg8[%parallel_loop3A_259] : memref<10240xf32, #tpu.memory_space<vmem>>[vector<16xi32>], vector<16xf32>,
        %parallel_loop3A_275 = arith.mulf %parallel_loop3A_273, %parallel_loop3A_274 : vector<16xf32>
        tpu.vector_store_idx %arg12[%parallel_loop3A_265], %parallel_loop3A_275 {add = true} : memref<10240xf32, #tpu.memory_space<vmem>>[vector<16xi32>], vector<16xf32>,
        %parallel_loop3A_276 = tpu.vector_load_idx %arg9[%parallel_loop3A_259] : memref<10240xf32, #tpu.memory_space<vmem>>[vector<16xi32>], vector<16xf32>,
        %parallel_loop3A_277 = arith.mulf %parallel_loop3A_273, %parallel_loop3A_276 : vector<16xf32>
        tpu.vector_store_idx %arg13[%parallel_loop3A_265], %parallel_loop3A_277 {add = true} : memref<10240xf32, #tpu.memory_space<vmem>>[vector<16xi32>], vector<16xf32>,
        %parallel_loop3A_278 = tpu.vector_load_idx %arg10[%parallel_loop3A_259] : memref<10240xf32, #tpu.memory_space<vmem>>[vector<16xi32>], vector<16xf32>,
        %parallel_loop3A_279 = arith.mulf %parallel_loop3A_273, %parallel_loop3A_278 : vector<16xf32>
        tpu.vector_store_idx %arg14[%parallel_loop3A_265], %parallel_loop3A_279 {add = true} : memref<10240xf32, #tpu.memory_space<vmem>>[vector<16xi32>], vector<16xf32>,
        %parallel_loop3A_280 = tpu.vector_load_idx %arg11[%parallel_loop3A_259] : memref<10240xf32, #tpu.memory_space<vmem>>[vector<16xi32>], vector<16xf32>,
        %parallel_loop3A_281 = arith.mulf %parallel_loop3A_273, %parallel_loop3A_280 : vector<16xf32>
        tpu.vector_store_idx %arg15[%parallel_loop3A_265], %parallel_loop3A_281 {add = true} : memref<10240xf32, #tpu.memory_space<vmem>>[vector<16xi32>], vector<16xf32>,
        tpu.vector_store_idx %arg18[%parallel_loop3A_265], %parallel_loop3A_273 {add = true} : memref<10240xf32, #tpu.memory_space<vmem>>[vector<16xi32>], vector<16xf32>,
      } {sc.loop_unroll_factor = 2 : i64, sc.parallel_access}
      %add3A_162 = arith.constant 0 : i32
      %add3A_163 = arith.addi %mul3A_143, %add3A_162 : i32
      %add3A_164 = arith.constant 4 : i32
      %add3A_165 = arith.addi %add3A_163, %add3A_164 : i32
      %lt3A_166 = arith.constant 81 : i32
      %lt3A_167 = arith.cmpi slt, %add3A_165, %lt3A_166 : i32
      %convert_element_type3A_168 = arith.extui %lt3A_167 : i1 to i32
      %cond3A_169 = arith.constant 0 : i32
      %cond3A_170 = arith.cmpi ne, %convert_element_type3A_168, %cond3A_169 : i32
      scf.if %cond3A_170 {
        %add3A_252 = arith.constant 0 : i32
        %add3A_253 = arith.addi %mul3A_143, %add3A_252 : i32
        %add3A_254 = arith.constant 4 : i32
        %add3A_255 = arith.addi %add3A_253, %add3A_254 : i32
        %mul3A_256 = arith.constant 2048 : i32
        %mul3A_257 = arith.muli %add3A_255, %mul3A_256 : i32
        %add3A_258 = arith.addi %mul3A_25, %mul3A_257 : i32
        %multiple_of3A_259 = tpu.assume_multiple %add3A_258, 128 : i32
        %dma_start3A_260 = arith.constant 0 : i32
        %dma_start3A_261 = arith.constant 0 : i32
        %dma_start3A_262 = arith.constant 0 : i32
        %dma_start3A_263 = tpu.memref_slice %arg19[%dma_start3A_260, %dma_start3A_261, %dma_start3A_262] : memref<4x2x2048xi32, #tpu.memory_space<vmem>> -> memref<1x2x2048xi32, #tpu.memory_space<vmem>>
        %dma_start3A_264 = tpu.memref_squeeze %dma_start3A_263 : memref<1x2x2048xi32, #tpu.memory_space<vmem>> -> memref<2x2048xi32, #tpu.memory_space<vmem>>
        %dma_start3A_265 = arith.constant 0 : i32
        %dma_start3A_266 = tpu.memref_slice %arg2[%dma_start3A_265, %multiple_of3A_259] : memref<2x331776xi32, #tpu.memory_space<hbm>> -> memref<2x2048xi32, #tpu.memory_space<hbm>>
        %dma_start3A_267 = arith.constant 0 : i32
        %dma_start3A_268 = arith.constant 0 : i32
        %dma_start3A_269 = tpu.memref_slice %arg19[%dma_start3A_260, %dma_start3A_267, %dma_start3A_268] : memref<4x2x2048xi32, #tpu.memory_space<vmem>> -> memref<1x2x2048xi32, #tpu.memory_space<vmem>>
        %dma_start3A_270 = tpu.memref_squeeze %dma_start3A_269 : memref<1x2x2048xi32, #tpu.memory_space<vmem>> -> memref<2x2048xi32, #tpu.memory_space<vmem>>
        %dma_start3A_271 = arith.constant 0 : i32
        %dma_start3A_272 = tpu.memref_slice %arg2[%dma_start3A_271, %multiple_of3A_259] : memref<2x331776xi32, #tpu.memory_space<hbm>> -> memref<2x2048xi32, #tpu.memory_space<hbm>>
        tpu.enqueue_dma source(%dma_start3A_272 : memref<2x2048xi32, #tpu.memory_space<hbm>>) target(%dma_start3A_270 : memref<2x2048xi32, #tpu.memory_space<vmem>>) target_semaphore(%arg20 : memref<!tpu.dma_semaphore, #tpu.memory_space<semaphore_mem>>)
      } else {
      }
      %dma_wait3A_171 = arith.constant 1 : i32
      %dma_wait3A_172 = arith.constant 0 : i32
      %dma_wait3A_173 = arith.constant 0 : i32
      %dma_wait3A_174 = tpu.memref_slice %arg19[%dma_wait3A_171, %dma_wait3A_172, %dma_wait3A_173] : memref<4x2x2048xi32, #tpu.memory_space<vmem>> -> memref<1x2x2048xi32, #tpu.memory_space<vmem>>
      %dma_wait3A_175 = tpu.memref_squeeze %dma_wait3A_174 : memref<1x2x2048xi32, #tpu.memory_space<vmem>> -> memref<2x2048xi32, #tpu.memory_space<vmem>>
      %dma_wait3A_176 = arith.constant 0 : i32
      %dma_wait3A_177 = arith.constant 0 : i32
      %dma_wait3A_178 = tpu.memref_slice %arg2[%dma_wait3A_176, %dma_wait3A_177] : memref<2x331776xi32, #tpu.memory_space<hbm>> -> memref<2x2048xi32, #tpu.memory_space<hbm>>
      %dma_wait3A_179 = arith.constant 0 : i32
      %dma_wait3A_180 = arith.constant 0 : i32
      %dma_wait3A_181 = tpu.memref_slice %arg19[%dma_wait3A_171, %dma_wait3A_179, %dma_wait3A_180] : memref<4x2x2048xi32, #tpu.memory_space<vmem>> -> memref<1x2x2048xi32, #tpu.memory_space<vmem>>
      %dma_wait3A_182 = tpu.memref_squeeze %dma_wait3A_181 : memref<1x2x2048xi32, #tpu.memory_space<vmem>> -> memref<2x2048xi32, #tpu.memory_space<vmem>>
      %dma_wait3A_183 = arith.constant 0 : i32
      %dma_wait3A_184 = arith.constant 0 : i32
      %dma_wait3A_185 = tpu.memref_slice %arg2[%dma_wait3A_183, %dma_wait3A_184] : memref<2x331776xi32, #tpu.memory_space<hbm>> -> memref<2x2048xi32, #tpu.memory_space<hbm>>
      tpu.wait_dma2 semaphore(%arg21 : memref<!tpu.dma_semaphore, #tpu.memory_space<semaphore_mem>>) src(%dma_wait3A_185 : memref<2x2048xi32, #tpu.memory_space<hbm>>) dst(%dma_wait3A_182 : memref<2x2048xi32, #tpu.memory_space<vmem>>)
      %parallel_loop3A_186 = arith.constant 0 : i32
      %parallel_loop3A_187 = arith.constant 2048 : i32
      %parallel_loop3A_188 = arith.constant 16 : i32
      scf.for %parallel_loop3A_252 = %parallel_loop3A_186 to %parallel_loop3A_187 step %parallel_loop3A_188  : i32 {
        %parallel_loop3A_253 = tpu.assume_multiple %parallel_loop3A_252, 8 : i32
        %parallel_loop3A_254 = arith.constant 1 : i32
        %parallel_loop3A_255 = arith.constant 0 : i32
        %parallel_loop3A_256 = arith.index_cast %parallel_loop3A_254 : i32 to index
        %parallel_loop3A_257 = arith.index_cast %parallel_loop3A_255 : i32 to index
        %parallel_loop3A_258 = arith.index_cast %parallel_loop3A_253 : i32 to index
        %parallel_loop3A_259 = tpu.vector_load %arg19[%parallel_loop3A_256, %parallel_loop3A_257, %parallel_loop3A_258] {strides = array<i32>} : memref<4x2x2048xi32, #tpu.memory_space<vmem>>, vector<16xi32>,
        %parallel_loop3A_260 = arith.constant 1 : i32
        %parallel_loop3A_261 = arith.constant 1 : i32
        %parallel_loop3A_262 = arith.index_cast %parallel_loop3A_260 : i32 to index
        %parallel_loop3A_263 = arith.index_cast %parallel_loop3A_261 : i32 to index
        %parallel_loop3A_264 = arith.index_cast %parallel_loop3A_253 : i32 to index
        %parallel_loop3A_265 = tpu.vector_load %arg19[%parallel_loop3A_262, %parallel_loop3A_263, %parallel_loop3A_264] {strides = array<i32>} : memref<4x2x2048xi32, #tpu.memory_space<vmem>>, vector<16xi32>,
        %parallel_loop3A_266 = tpu.vector_load_idx %arg16[%parallel_loop3A_259] : memref<10240xf32, #tpu.memory_space<vmem>>[vector<16xi32>], vector<16xf32>,
        %parallel_loop3A_267 = tpu.vector_load_idx %arg17[%parallel_loop3A_265] : memref<10240xf32, #tpu.memory_space<vmem>>[vector<16xi32>], vector<16xf32>,
        %parallel_loop3A_268 = arith.addf %parallel_loop3A_266, %parallel_loop3A_267 : vector<16xf32>
        %parallel_loop3A_269 = arith.constant 2.000000e-01 : f32
        %parallel_loop3A_270 = vector.broadcast %parallel_loop3A_269 : f32 to vector<16xf32>
        %parallel_loop3A_271 = arith.mulf %parallel_loop3A_268, %parallel_loop3A_270 : vector<16xf32>
        %parallel_loop3A_272 = arith.maximumf %parallel_loop3A_268, %parallel_loop3A_271 : vector<16xf32>
        %parallel_loop3A_273 = math.exp %parallel_loop3A_272 : vector<16xf32>
        %parallel_loop3A_274 = tpu.vector_load_idx %arg8[%parallel_loop3A_259] : memref<10240xf32, #tpu.memory_space<vmem>>[vector<16xi32>], vector<16xf32>,
        %parallel_loop3A_275 = arith.mulf %parallel_loop3A_273, %parallel_loop3A_274 : vector<16xf32>
        tpu.vector_store_idx %arg12[%parallel_loop3A_265], %parallel_loop3A_275 {add = true} : memref<10240xf32, #tpu.memory_space<vmem>>[vector<16xi32>], vector<16xf32>,
        %parallel_loop3A_276 = tpu.vector_load_idx %arg9[%parallel_loop3A_259] : memref<10240xf32, #tpu.memory_space<vmem>>[vector<16xi32>], vector<16xf32>,
        %parallel_loop3A_277 = arith.mulf %parallel_loop3A_273, %parallel_loop3A_276 : vector<16xf32>
        tpu.vector_store_idx %arg13[%parallel_loop3A_265], %parallel_loop3A_277 {add = true} : memref<10240xf32, #tpu.memory_space<vmem>>[vector<16xi32>], vector<16xf32>,
        %parallel_loop3A_278 = tpu.vector_load_idx %arg10[%parallel_loop3A_259] : memref<10240xf32, #tpu.memory_space<vmem>>[vector<16xi32>], vector<16xf32>,
        %parallel_loop3A_279 = arith.mulf %parallel_loop3A_273, %parallel_loop3A_278 : vector<16xf32>
        tpu.vector_store_idx %arg14[%parallel_loop3A_265], %parallel_loop3A_279 {add = true} : memref<10240xf32, #tpu.memory_space<vmem>>[vector<16xi32>], vector<16xf32>,
        %parallel_loop3A_280 = tpu.vector_load_idx %arg11[%parallel_loop3A_259] : memref<10240xf32, #tpu.memory_space<vmem>>[vector<16xi32>], vector<16xf32>,
        %parallel_loop3A_281 = arith.mulf %parallel_loop3A_273, %parallel_loop3A_280 : vector<16xf32>
        tpu.vector_store_idx %arg15[%parallel_loop3A_265], %parallel_loop3A_281 {add = true} : memref<10240xf32, #tpu.memory_space<vmem>>[vector<16xi32>], vector<16xf32>,
        tpu.vector_store_idx %arg18[%parallel_loop3A_265], %parallel_loop3A_273 {add = true} : memref<10240xf32, #tpu.memory_space<vmem>>[vector<16xi32>], vector<16xf32>,
      } {sc.loop_unroll_factor = 2 : i64, sc.parallel_access}
      %add3A_189 = arith.constant 1 : i32
      %add3A_190 = arith.addi %mul3A_143, %add3A_189 : i32
      %add3A_191 = arith.constant 4 : i32
      %add3A_192 = arith.addi %add3A_190, %add3A_191 : i32
      %lt3A_193 = arith.constant 81 : i32
      %lt3A_194 = arith.cmpi slt, %add3A_192, %lt3A_193 : i32
      %convert_element_type3A_195 = arith.extui %lt3A_194 : i1 to i32
      %cond3A_196 = arith.constant 0 : i32
      %cond3A_197 = arith.cmpi ne, %convert_element_type3A_195, %cond3A_196 : i32
      scf.if %cond3A_197 {
        %add3A_252 = arith.constant 1 : i32
        %add3A_253 = arith.addi %mul3A_143, %add3A_252 : i32
        %add3A_254 = arith.constant 4 : i32
        %add3A_255 = arith.addi %add3A_253, %add3A_254 : i32
        %mul3A_256 = arith.constant 2048 : i32
        %mul3A_257 = arith.muli %add3A_255, %mul3A_256 : i32
        %add3A_258 = arith.addi %mul3A_25, %mul3A_257 : i32
        %multiple_of3A_259 = tpu.assume_multiple %add3A_258, 128 : i32
        %dma_start3A_260 = arith.constant 1 : i32
        %dma_start3A_261 = arith.constant 0 : i32
        %dma_start3A_262 = arith.constant 0 : i32
        %dma_start3A_263 = tpu.memref_slice %arg19[%dma_start3A_260, %dma_start3A_261, %dma_start3A_262] : memref<4x2x2048xi32, #tpu.memory_space<vmem>> -> memref<1x2x2048xi32, #tpu.memory_space<vmem>>
        %dma_start3A_264 = tpu.memref_squeeze %dma_start3A_263 : memref<1x2x2048xi32, #tpu.memory_space<vmem>> -> memref<2x2048xi32, #tpu.memory_space<vmem>>
        %dma_start3A_265 = arith.constant 0 : i32
        %dma_start3A_266 = tpu.memref_slice %arg2[%dma_start3A_265, %multiple_of3A_259] : memref<2x331776xi32, #tpu.memory_space<hbm>> -> memref<2x2048xi32, #tpu.memory_space<hbm>>
        %dma_start3A_267 = arith.constant 0 : i32
        %dma_start3A_268 = arith.constant 0 : i32
        %dma_start3A_269 = tpu.memref_slice %arg19[%dma_start3A_260, %dma_start3A_267, %dma_start3A_268] : memref<4x2x2048xi32, #tpu.memory_space<vmem>> -> memref<1x2x2048xi32, #tpu.memory_space<vmem>>
        %dma_start3A_270 = tpu.memref_squeeze %dma_start3A_269 : memref<1x2x2048xi32, #tpu.memory_space<vmem>> -> memref<2x2048xi32, #tpu.memory_space<vmem>>
        %dma_start3A_271 = arith.constant 0 : i32
        %dma_start3A_272 = tpu.memref_slice %arg2[%dma_start3A_271, %multiple_of3A_259] : memref<2x331776xi32, #tpu.memory_space<hbm>> -> memref<2x2048xi32, #tpu.memory_space<hbm>>
        tpu.enqueue_dma source(%dma_start3A_272 : memref<2x2048xi32, #tpu.memory_space<hbm>>) target(%dma_start3A_270 : memref<2x2048xi32, #tpu.memory_space<vmem>>) target_semaphore(%arg21 : memref<!tpu.dma_semaphore, #tpu.memory_space<semaphore_mem>>)
      } else {
      }
      %dma_wait3A_198 = arith.constant 2 : i32
      %dma_wait3A_199 = arith.constant 0 : i32
      %dma_wait3A_200 = arith.constant 0 : i32
      %dma_wait3A_201 = tpu.memref_slice %arg19[%dma_wait3A_198, %dma_wait3A_199, %dma_wait3A_200] : memref<4x2x2048xi32, #tpu.memory_space<vmem>> -> memref<1x2x2048xi32, #tpu.memory_space<vmem>>
      %dma_wait3A_202 = tpu.memref_squeeze %dma_wait3A_201 : memref<1x2x2048xi32, #tpu.memory_space<vmem>> -> memref<2x2048xi32, #tpu.memory_space<vmem>>
      %dma_wait3A_203 = arith.constant 0 : i32
      %dma_wait3A_204 = arith.constant 0 : i32
      %dma_wait3A_205 = tpu.memref_slice %arg2[%dma_wait3A_203, %dma_wait3A_204] : memref<2x331776xi32, #tpu.memory_space<hbm>> -> memref<2x2048xi32, #tpu.memory_space<hbm>>
      %dma_wait3A_206 = arith.constant 0 : i32
      %dma_wait3A_207 = arith.constant 0 : i32
      %dma_wait3A_208 = tpu.memref_slice %arg19[%dma_wait3A_198, %dma_wait3A_206, %dma_wait3A_207] : memref<4x2x2048xi32, #tpu.memory_space<vmem>> -> memref<1x2x2048xi32, #tpu.memory_space<vmem>>
      %dma_wait3A_209 = tpu.memref_squeeze %dma_wait3A_208 : memref<1x2x2048xi32, #tpu.memory_space<vmem>> -> memref<2x2048xi32, #tpu.memory_space<vmem>>
      %dma_wait3A_210 = arith.constant 0 : i32
      %dma_wait3A_211 = arith.constant 0 : i32
      %dma_wait3A_212 = tpu.memref_slice %arg2[%dma_wait3A_210, %dma_wait3A_211] : memref<2x331776xi32, #tpu.memory_space<hbm>> -> memref<2x2048xi32, #tpu.memory_space<hbm>>
      tpu.wait_dma2 semaphore(%arg22 : memref<!tpu.dma_semaphore, #tpu.memory_space<semaphore_mem>>) src(%dma_wait3A_212 : memref<2x2048xi32, #tpu.memory_space<hbm>>) dst(%dma_wait3A_209 : memref<2x2048xi32, #tpu.memory_space<vmem>>)
      %parallel_loop3A_213 = arith.constant 0 : i32
      %parallel_loop3A_214 = arith.constant 2048 : i32
      %parallel_loop3A_215 = arith.constant 16 : i32
      scf.for %parallel_loop3A_252 = %parallel_loop3A_213 to %parallel_loop3A_214 step %parallel_loop3A_215  : i32 {
        %parallel_loop3A_253 = tpu.assume_multiple %parallel_loop3A_252, 8 : i32
        %parallel_loop3A_254 = arith.constant 2 : i32
        %parallel_loop3A_255 = arith.constant 0 : i32
        %parallel_loop3A_256 = arith.index_cast %parallel_loop3A_254 : i32 to index
        %parallel_loop3A_257 = arith.index_cast %parallel_loop3A_255 : i32 to index
        %parallel_loop3A_258 = arith.index_cast %parallel_loop3A_253 : i32 to index
        %parallel_loop3A_259 = tpu.vector_load %arg19[%parallel_loop3A_256, %parallel_loop3A_257, %parallel_loop3A_258] {strides = array<i32>} : memref<4x2x2048xi32, #tpu.memory_space<vmem>>, vector<16xi32>,
        %parallel_loop3A_260 = arith.constant 2 : i32
        %parallel_loop3A_261 = arith.constant 1 : i32
        %parallel_loop3A_262 = arith.index_cast %parallel_loop3A_260 : i32 to index
        %parallel_loop3A_263 = arith.index_cast %parallel_loop3A_261 : i32 to index
        %parallel_loop3A_264 = arith.index_cast %parallel_loop3A_253 : i32 to index
        %parallel_loop3A_265 = tpu.vector_load %arg19[%parallel_loop3A_262, %parallel_loop3A_263, %parallel_loop3A_264] {strides = array<i32>} : memref<4x2x2048xi32, #tpu.memory_space<vmem>>, vector<16xi32>,
        %parallel_loop3A_266 = tpu.vector_load_idx %arg16[%parallel_loop3A_259] : memref<10240xf32, #tpu.memory_space<vmem>>[vector<16xi32>], vector<16xf32>,
        %parallel_loop3A_267 = tpu.vector_load_idx %arg17[%parallel_loop3A_265] : memref<10240xf32, #tpu.memory_space<vmem>>[vector<16xi32>], vector<16xf32>,
        %parallel_loop3A_268 = arith.addf %parallel_loop3A_266, %parallel_loop3A_267 : vector<16xf32>
        %parallel_loop3A_269 = arith.constant 2.000000e-01 : f32
        %parallel_loop3A_270 = vector.broadcast %parallel_loop3A_269 : f32 to vector<16xf32>
        %parallel_loop3A_271 = arith.mulf %parallel_loop3A_268, %parallel_loop3A_270 : vector<16xf32>
        %parallel_loop3A_272 = arith.maximumf %parallel_loop3A_268, %parallel_loop3A_271 : vector<16xf32>
        %parallel_loop3A_273 = math.exp %parallel_loop3A_272 : vector<16xf32>
        %parallel_loop3A_274 = tpu.vector_load_idx %arg8[%parallel_loop3A_259] : memref<10240xf32, #tpu.memory_space<vmem>>[vector<16xi32>], vector<16xf32>,
        %parallel_loop3A_275 = arith.mulf %parallel_loop3A_273, %parallel_loop3A_274 : vector<16xf32>
        tpu.vector_store_idx %arg12[%parallel_loop3A_265], %parallel_loop3A_275 {add = true} : memref<10240xf32, #tpu.memory_space<vmem>>[vector<16xi32>], vector<16xf32>,
        %parallel_loop3A_276 = tpu.vector_load_idx %arg9[%parallel_loop3A_259] : memref<10240xf32, #tpu.memory_space<vmem>>[vector<16xi32>], vector<16xf32>,
        %parallel_loop3A_277 = arith.mulf %parallel_loop3A_273, %parallel_loop3A_276 : vector<16xf32>
        tpu.vector_store_idx %arg13[%parallel_loop3A_265], %parallel_loop3A_277 {add = true} : memref<10240xf32, #tpu.memory_space<vmem>>[vector<16xi32>], vector<16xf32>,
        %parallel_loop3A_278 = tpu.vector_load_idx %arg10[%parallel_loop3A_259] : memref<10240xf32, #tpu.memory_space<vmem>>[vector<16xi32>], vector<16xf32>,
        %parallel_loop3A_279 = arith.mulf %parallel_loop3A_273, %parallel_loop3A_278 : vector<16xf32>
        tpu.vector_store_idx %arg14[%parallel_loop3A_265], %parallel_loop3A_279 {add = true} : memref<10240xf32, #tpu.memory_space<vmem>>[vector<16xi32>], vector<16xf32>,
        %parallel_loop3A_280 = tpu.vector_load_idx %arg11[%parallel_loop3A_259] : memref<10240xf32, #tpu.memory_space<vmem>>[vector<16xi32>], vector<16xf32>,
        %parallel_loop3A_281 = arith.mulf %parallel_loop3A_273, %parallel_loop3A_280 : vector<16xf32>
        tpu.vector_store_idx %arg15[%parallel_loop3A_265], %parallel_loop3A_281 {add = true} : memref<10240xf32, #tpu.memory_space<vmem>>[vector<16xi32>], vector<16xf32>,
        tpu.vector_store_idx %arg18[%parallel_loop3A_265], %parallel_loop3A_273 {add = true} : memref<10240xf32, #tpu.memory_space<vmem>>[vector<16xi32>], vector<16xf32>,
      } {sc.loop_unroll_factor = 2 : i64, sc.parallel_access}
      %add3A_216 = arith.constant 2 : i32
      %add3A_217 = arith.addi %mul3A_143, %add3A_216 : i32
      %add3A_218 = arith.constant 4 : i32
      %add3A_219 = arith.addi %add3A_217, %add3A_218 : i32
      %lt3A_220 = arith.constant 81 : i32
      %lt3A_221 = arith.cmpi slt, %add3A_219, %lt3A_220 : i32
      %convert_element_type3A_222 = arith.extui %lt3A_221 : i1 to i32
      %cond3A_223 = arith.constant 0 : i32
      %cond3A_224 = arith.cmpi ne, %convert_element_type3A_222, %cond3A_223 : i32
      scf.if %cond3A_224 {
        %add3A_252 = arith.constant 2 : i32
        %add3A_253 = arith.addi %mul3A_143, %add3A_252 : i32
        %add3A_254 = arith.constant 4 : i32
        %add3A_255 = arith.addi %add3A_253, %add3A_254 : i32
        %mul3A_256 = arith.constant 2048 : i32
        %mul3A_257 = arith.muli %add3A_255, %mul3A_256 : i32
        %add3A_258 = arith.addi %mul3A_25, %mul3A_257 : i32
        %multiple_of3A_259 = tpu.assume_multiple %add3A_258, 128 : i32
        %dma_start3A_260 = arith.constant 2 : i32
        %dma_start3A_261 = arith.constant 0 : i32
        %dma_start3A_262 = arith.constant 0 : i32
        %dma_start3A_263 = tpu.memref_slice %arg19[%dma_start3A_260, %dma_start3A_261, %dma_start3A_262] : memref<4x2x2048xi32, #tpu.memory_space<vmem>> -> memref<1x2x2048xi32, #tpu.memory_space<vmem>>
        %dma_start3A_264 = tpu.memref_squeeze %dma_start3A_263 : memref<1x2x2048xi32, #tpu.memory_space<vmem>> -> memref<2x2048xi32, #tpu.memory_space<vmem>>
        %dma_start3A_265 = arith.constant 0 : i32
        %dma_start3A_266 = tpu.memref_slice %arg2[%dma_start3A_265, %multiple_of3A_259] : memref<2x331776xi32, #tpu.memory_space<hbm>> -> memref<2x2048xi32, #tpu.memory_space<hbm>>
        %dma_start3A_267 = arith.constant 0 : i32
        %dma_start3A_268 = arith.constant 0 : i32
        %dma_start3A_269 = tpu.memref_slice %arg19[%dma_start3A_260, %dma_start3A_267, %dma_start3A_268] : memref<4x2x2048xi32, #tpu.memory_space<vmem>> -> memref<1x2x2048xi32, #tpu.memory_space<vmem>>
        %dma_start3A_270 = tpu.memref_squeeze %dma_start3A_269 : memref<1x2x2048xi32, #tpu.memory_space<vmem>> -> memref<2x2048xi32, #tpu.memory_space<vmem>>
        %dma_start3A_271 = arith.constant 0 : i32
        %dma_start3A_272 = tpu.memref_slice %arg2[%dma_start3A_271, %multiple_of3A_259] : memref<2x331776xi32, #tpu.memory_space<hbm>> -> memref<2x2048xi32, #tpu.memory_space<hbm>>
        tpu.enqueue_dma source(%dma_start3A_272 : memref<2x2048xi32, #tpu.memory_space<hbm>>) target(%dma_start3A_270 : memref<2x2048xi32, #tpu.memory_space<vmem>>) target_semaphore(%arg22 : memref<!tpu.dma_semaphore, #tpu.memory_space<semaphore_mem>>)
      } else {
      }
      %dma_wait3A_225 = arith.constant 3 : i32
      %dma_wait3A_226 = arith.constant 0 : i32
      %dma_wait3A_227 = arith.constant 0 : i32
      %dma_wait3A_228 = tpu.memref_slice %arg19[%dma_wait3A_225, %dma_wait3A_226, %dma_wait3A_227] : memref<4x2x2048xi32, #tpu.memory_space<vmem>> -> memref<1x2x2048xi32, #tpu.memory_space<vmem>>
      %dma_wait3A_229 = tpu.memref_squeeze %dma_wait3A_228 : memref<1x2x2048xi32, #tpu.memory_space<vmem>> -> memref<2x2048xi32, #tpu.memory_space<vmem>>
      %dma_wait3A_230 = arith.constant 0 : i32
      %dma_wait3A_231 = arith.constant 0 : i32
      %dma_wait3A_232 = tpu.memref_slice %arg2[%dma_wait3A_230, %dma_wait3A_231] : memref<2x331776xi32, #tpu.memory_space<hbm>> -> memref<2x2048xi32, #tpu.memory_space<hbm>>
      %dma_wait3A_233 = arith.constant 0 : i32
      %dma_wait3A_234 = arith.constant 0 : i32
      %dma_wait3A_235 = tpu.memref_slice %arg19[%dma_wait3A_225, %dma_wait3A_233, %dma_wait3A_234] : memref<4x2x2048xi32, #tpu.memory_space<vmem>> -> memref<1x2x2048xi32, #tpu.memory_space<vmem>>
      %dma_wait3A_236 = tpu.memref_squeeze %dma_wait3A_235 : memref<1x2x2048xi32, #tpu.memory_space<vmem>> -> memref<2x2048xi32, #tpu.memory_space<vmem>>
      %dma_wait3A_237 = arith.constant 0 : i32
      %dma_wait3A_238 = arith.constant 0 : i32
      %dma_wait3A_239 = tpu.memref_slice %arg2[%dma_wait3A_237, %dma_wait3A_238] : memref<2x331776xi32, #tpu.memory_space<hbm>> -> memref<2x2048xi32, #tpu.memory_space<hbm>>
      tpu.wait_dma2 semaphore(%arg23 : memref<!tpu.dma_semaphore, #tpu.memory_space<semaphore_mem>>) src(%dma_wait3A_239 : memref<2x2048xi32, #tpu.memory_space<hbm>>) dst(%dma_wait3A_236 : memref<2x2048xi32, #tpu.memory_space<vmem>>)
      %parallel_loop3A_240 = arith.constant 0 : i32
      %parallel_loop3A_241 = arith.constant 2048 : i32
      %parallel_loop3A_242 = arith.constant 16 : i32
      scf.for %parallel_loop3A_252 = %parallel_loop3A_240 to %parallel_loop3A_241 step %parallel_loop3A_242  : i32 {
        %parallel_loop3A_253 = tpu.assume_multiple %parallel_loop3A_252, 8 : i32
        %parallel_loop3A_254 = arith.constant 3 : i32
        %parallel_loop3A_255 = arith.constant 0 : i32
        %parallel_loop3A_256 = arith.index_cast %parallel_loop3A_254 : i32 to index
        %parallel_loop3A_257 = arith.index_cast %parallel_loop3A_255 : i32 to index
        %parallel_loop3A_258 = arith.index_cast %parallel_loop3A_253 : i32 to index
        %parallel_loop3A_259 = tpu.vector_load %arg19[%parallel_loop3A_256, %parallel_loop3A_257, %parallel_loop3A_258] {strides = array<i32>} : memref<4x2x2048xi32, #tpu.memory_space<vmem>>, vector<16xi32>,
        %parallel_loop3A_260 = arith.constant 3 : i32
        %parallel_loop3A_261 = arith.constant 1 : i32
        %parallel_loop3A_262 = arith.index_cast %parallel_loop3A_260 : i32 to index
        %parallel_loop3A_263 = arith.index_cast %parallel_loop3A_261 : i32 to index
        %parallel_loop3A_264 = arith.index_cast %parallel_loop3A_253 : i32 to index
        %parallel_loop3A_265 = tpu.vector_load %arg19[%parallel_loop3A_262, %parallel_loop3A_263, %parallel_loop3A_264] {strides = array<i32>} : memref<4x2x2048xi32, #tpu.memory_space<vmem>>, vector<16xi32>,
        %parallel_loop3A_266 = tpu.vector_load_idx %arg16[%parallel_loop3A_259] : memref<10240xf32, #tpu.memory_space<vmem>>[vector<16xi32>], vector<16xf32>,
        %parallel_loop3A_267 = tpu.vector_load_idx %arg17[%parallel_loop3A_265] : memref<10240xf32, #tpu.memory_space<vmem>>[vector<16xi32>], vector<16xf32>,
        %parallel_loop3A_268 = arith.addf %parallel_loop3A_266, %parallel_loop3A_267 : vector<16xf32>
        %parallel_loop3A_269 = arith.constant 2.000000e-01 : f32
        %parallel_loop3A_270 = vector.broadcast %parallel_loop3A_269 : f32 to vector<16xf32>
        %parallel_loop3A_271 = arith.mulf %parallel_loop3A_268, %parallel_loop3A_270 : vector<16xf32>
        %parallel_loop3A_272 = arith.maximumf %parallel_loop3A_268, %parallel_loop3A_271 : vector<16xf32>
        %parallel_loop3A_273 = math.exp %parallel_loop3A_272 : vector<16xf32>
        %parallel_loop3A_274 = tpu.vector_load_idx %arg8[%parallel_loop3A_259] : memref<10240xf32, #tpu.memory_space<vmem>>[vector<16xi32>], vector<16xf32>,
        %parallel_loop3A_275 = arith.mulf %parallel_loop3A_273, %parallel_loop3A_274 : vector<16xf32>
        tpu.vector_store_idx %arg12[%parallel_loop3A_265], %parallel_loop3A_275 {add = true} : memref<10240xf32, #tpu.memory_space<vmem>>[vector<16xi32>], vector<16xf32>,
        %parallel_loop3A_276 = tpu.vector_load_idx %arg9[%parallel_loop3A_259] : memref<10240xf32, #tpu.memory_space<vmem>>[vector<16xi32>], vector<16xf32>,
        %parallel_loop3A_277 = arith.mulf %parallel_loop3A_273, %parallel_loop3A_276 : vector<16xf32>
        tpu.vector_store_idx %arg13[%parallel_loop3A_265], %parallel_loop3A_277 {add = true} : memref<10240xf32, #tpu.memory_space<vmem>>[vector<16xi32>], vector<16xf32>,
        %parallel_loop3A_278 = tpu.vector_load_idx %arg10[%parallel_loop3A_259] : memref<10240xf32, #tpu.memory_space<vmem>>[vector<16xi32>], vector<16xf32>,
        %parallel_loop3A_279 = arith.mulf %parallel_loop3A_273, %parallel_loop3A_278 : vector<16xf32>
        tpu.vector_store_idx %arg14[%parallel_loop3A_265], %parallel_loop3A_279 {add = true} : memref<10240xf32, #tpu.memory_space<vmem>>[vector<16xi32>], vector<16xf32>,
        %parallel_loop3A_280 = tpu.vector_load_idx %arg11[%parallel_loop3A_259] : memref<10240xf32, #tpu.memory_space<vmem>>[vector<16xi32>], vector<16xf32>,
        %parallel_loop3A_281 = arith.mulf %parallel_loop3A_273, %parallel_loop3A_280 : vector<16xf32>
        tpu.vector_store_idx %arg15[%parallel_loop3A_265], %parallel_loop3A_281 {add = true} : memref<10240xf32, #tpu.memory_space<vmem>>[vector<16xi32>], vector<16xf32>,
        tpu.vector_store_idx %arg18[%parallel_loop3A_265], %parallel_loop3A_273 {add = true} : memref<10240xf32, #tpu.memory_space<vmem>>[vector<16xi32>], vector<16xf32>,
      } {sc.loop_unroll_factor = 2 : i64, sc.parallel_access}
      %add3A_243 = arith.constant 3 : i32
      %add3A_244 = arith.addi %mul3A_143, %add3A_243 : i32
      %add3A_245 = arith.constant 4 : i32
      %add3A_246 = arith.addi %add3A_244, %add3A_245 : i32
      %lt3A_247 = arith.constant 81 : i32
      %lt3A_248 = arith.cmpi slt, %add3A_246, %lt3A_247 : i32
      %convert_element_type3A_249 = arith.extui %lt3A_248 : i1 to i32
      %cond3A_250 = arith.constant 0 : i32
      %cond3A_251 = arith.cmpi ne, %convert_element_type3A_249, %cond3A_250 : i32
      scf.if %cond3A_251 {
        %add3A_252 = arith.constant 3 : i32
        %add3A_253 = arith.addi %mul3A_143, %add3A_252 : i32
        %add3A_254 = arith.constant 4 : i32
        %add3A_255 = arith.addi %add3A_253, %add3A_254 : i32
        %mul3A_256 = arith.constant 2048 : i32
        %mul3A_257 = arith.muli %add3A_255, %mul3A_256 : i32
        %add3A_258 = arith.addi %mul3A_25, %mul3A_257 : i32
        %multiple_of3A_259 = tpu.assume_multiple %add3A_258, 128 : i32
        %dma_start3A_260 = arith.constant 3 : i32
        %dma_start3A_261 = arith.constant 0 : i32
        %dma_start3A_262 = arith.constant 0 : i32
        %dma_start3A_263 = tpu.memref_slice %arg19[%dma_start3A_260, %dma_start3A_261, %dma_start3A_262] : memref<4x2x2048xi32, #tpu.memory_space<vmem>> -> memref<1x2x2048xi32, #tpu.memory_space<vmem>>
        %dma_start3A_264 = tpu.memref_squeeze %dma_start3A_263 : memref<1x2x2048xi32, #tpu.memory_space<vmem>> -> memref<2x2048xi32, #tpu.memory_space<vmem>>
        %dma_start3A_265 = arith.constant 0 : i32
        %dma_start3A_266 = tpu.memref_slice %arg2[%dma_start3A_265, %multiple_of3A_259] : memref<2x331776xi32, #tpu.memory_space<hbm>> -> memref<2x2048xi32, #tpu.memory_space<hbm>>
        %dma_start3A_267 = arith.constant 0 : i32
        %dma_start3A_268 = arith.constant 0 : i32
        %dma_start3A_269 = tpu.memref_slice %arg19[%dma_start3A_260, %dma_start3A_267, %dma_start3A_268] : memref<4x2x2048xi32, #tpu.memory_space<vmem>> -> memref<1x2x2048xi32, #tpu.memory_space<vmem>>
        %dma_start3A_270 = tpu.memref_squeeze %dma_start3A_269 : memref<1x2x2048xi32, #tpu.memory_space<vmem>> -> memref<2x2048xi32, #tpu.memory_space<vmem>>
        %dma_start3A_271 = arith.constant 0 : i32
        %dma_start3A_272 = tpu.memref_slice %arg2[%dma_start3A_271, %multiple_of3A_259] : memref<2x331776xi32, #tpu.memory_space<hbm>> -> memref<2x2048xi32, #tpu.memory_space<hbm>>
        tpu.enqueue_dma source(%dma_start3A_272 : memref<2x2048xi32, #tpu.memory_space<hbm>>) target(%dma_start3A_270 : memref<2x2048xi32, #tpu.memory_space<vmem>>) target_semaphore(%arg23 : memref<!tpu.dma_semaphore, #tpu.memory_space<semaphore_mem>>)
      } else {
      }
    }
    %scan3A_94 = arith.constant 20 : i32
    %dma_wait3A = arith.constant 0 : i32
    %dma_wait3A_95 = arith.constant 0 : i32
    %dma_wait3A_96 = arith.constant 0 : i32
    %dma_wait3A_97 = tpu.memref_slice %arg19[%dma_wait3A, %dma_wait3A_95, %dma_wait3A_96] : memref<4x2x2048xi32, #tpu.memory_space<vmem>> -> memref<1x2x2048xi32, #tpu.memory_space<vmem>>
    %dma_wait3A_98 = tpu.memref_squeeze %dma_wait3A_97 : memref<1x2x2048xi32, #tpu.memory_space<vmem>> -> memref<2x2048xi32, #tpu.memory_space<vmem>>
    %dma_wait3A_99 = arith.constant 0 : i32
    %dma_wait3A_100 = arith.constant 0 : i32
    %dma_wait3A_101 = tpu.memref_slice %arg2[%dma_wait3A_99, %dma_wait3A_100] : memref<2x331776xi32, #tpu.memory_space<hbm>> -> memref<2x2048xi32, #tpu.memory_space<hbm>>
    %dma_wait3A_102 = arith.constant 0 : i32
    %dma_wait3A_103 = arith.constant 0 : i32
    %dma_wait3A_104 = tpu.memref_slice %arg19[%dma_wait3A, %dma_wait3A_102, %dma_wait3A_103] : memref<4x2x2048xi32, #tpu.memory_space<vmem>> -> memref<1x2x2048xi32, #tpu.memory_space<vmem>>
    %dma_wait3A_105 = tpu.memref_squeeze %dma_wait3A_104 : memref<1x2x2048xi32, #tpu.memory_space<vmem>> -> memref<2x2048xi32, #tpu.memory_space<vmem>>
    %dma_wait3A_106 = arith.constant 0 : i32
    %dma_wait3A_107 = arith.constant 0 : i32
    %dma_wait3A_108 = tpu.memref_slice %arg2[%dma_wait3A_106, %dma_wait3A_107] : memref<2x331776xi32, #tpu.memory_space<hbm>> -> memref<2x2048xi32, #tpu.memory_space<hbm>>
    tpu.wait_dma2 semaphore(%arg20 : memref<!tpu.dma_semaphore, #tpu.memory_space<semaphore_mem>>) src(%dma_wait3A_108 : memref<2x2048xi32, #tpu.memory_space<hbm>>) dst(%dma_wait3A_105 : memref<2x2048xi32, #tpu.memory_space<vmem>>)
    %parallel_loop3A_109 = arith.constant 0 : i32
    %parallel_loop3A_110 = arith.constant 2048 : i32
    %parallel_loop3A_111 = arith.constant 16 : i32
    scf.for %parallel_loop3A_137 = %parallel_loop3A_109 to %parallel_loop3A_110 step %parallel_loop3A_111  : i32 {
      %parallel_loop3A_138 = tpu.assume_multiple %parallel_loop3A_137, 8 : i32
      %parallel_loop3A_139 = arith.constant 0 : i32
      %parallel_loop3A_140 = arith.constant 0 : i32
      %parallel_loop3A_141 = arith.index_cast %parallel_loop3A_139 : i32 to index
      %parallel_loop3A_142 = arith.index_cast %parallel_loop3A_140 : i32 to index
      %parallel_loop3A_143 = arith.index_cast %parallel_loop3A_138 : i32 to index
      %parallel_loop3A_144 = tpu.vector_load %arg19[%parallel_loop3A_141, %parallel_loop3A_142, %parallel_loop3A_143] {strides = array<i32>} : memref<4x2x2048xi32, #tpu.memory_space<vmem>>, vector<16xi32>,
      %parallel_loop3A_145 = arith.constant 0 : i32
      %parallel_loop3A_146 = arith.constant 1 : i32
      %parallel_loop3A_147 = arith.index_cast %parallel_loop3A_145 : i32 to index
      %parallel_loop3A_148 = arith.index_cast %parallel_loop3A_146 : i32 to index
      %parallel_loop3A_149 = arith.index_cast %parallel_loop3A_138 : i32 to index
      %parallel_loop3A_150 = tpu.vector_load %arg19[%parallel_loop3A_147, %parallel_loop3A_148, %parallel_loop3A_149] {strides = array<i32>} : memref<4x2x2048xi32, #tpu.memory_space<vmem>>, vector<16xi32>,
      %parallel_loop3A_151 = tpu.vector_load_idx %arg16[%parallel_loop3A_144] : memref<10240xf32, #tpu.memory_space<vmem>>[vector<16xi32>], vector<16xf32>,
      %parallel_loop3A_152 = tpu.vector_load_idx %arg17[%parallel_loop3A_150] : memref<10240xf32, #tpu.memory_space<vmem>>[vector<16xi32>], vector<16xf32>,
      %parallel_loop3A_153 = arith.addf %parallel_loop3A_151, %parallel_loop3A_152 : vector<16xf32>
      %parallel_loop3A_154 = arith.constant 2.000000e-01 : f32
      %parallel_loop3A_155 = vector.broadcast %parallel_loop3A_154 : f32 to vector<16xf32>
      %parallel_loop3A_156 = arith.mulf %parallel_loop3A_153, %parallel_loop3A_155 : vector<16xf32>
      %parallel_loop3A_157 = arith.maximumf %parallel_loop3A_153, %parallel_loop3A_156 : vector<16xf32>
      %parallel_loop3A_158 = math.exp %parallel_loop3A_157 : vector<16xf32>
      %parallel_loop3A_159 = tpu.vector_load_idx %arg8[%parallel_loop3A_144] : memref<10240xf32, #tpu.memory_space<vmem>>[vector<16xi32>], vector<16xf32>,
      %parallel_loop3A_160 = arith.mulf %parallel_loop3A_158, %parallel_loop3A_159 : vector<16xf32>
      tpu.vector_store_idx %arg12[%parallel_loop3A_150], %parallel_loop3A_160 {add = true} : memref<10240xf32, #tpu.memory_space<vmem>>[vector<16xi32>], vector<16xf32>,
      %parallel_loop3A_161 = tpu.vector_load_idx %arg9[%parallel_loop3A_144] : memref<10240xf32, #tpu.memory_space<vmem>>[vector<16xi32>], vector<16xf32>,
      %parallel_loop3A_162 = arith.mulf %parallel_loop3A_158, %parallel_loop3A_161 : vector<16xf32>
      tpu.vector_store_idx %arg13[%parallel_loop3A_150], %parallel_loop3A_162 {add = true} : memref<10240xf32, #tpu.memory_space<vmem>>[vector<16xi32>], vector<16xf32>,
      %parallel_loop3A_163 = tpu.vector_load_idx %arg10[%parallel_loop3A_144] : memref<10240xf32, #tpu.memory_space<vmem>>[vector<16xi32>], vector<16xf32>,
      %parallel_loop3A_164 = arith.mulf %parallel_loop3A_158, %parallel_loop3A_163 : vector<16xf32>
      tpu.vector_store_idx %arg14[%parallel_loop3A_150], %parallel_loop3A_164 {add = true} : memref<10240xf32, #tpu.memory_space<vmem>>[vector<16xi32>], vector<16xf32>,
      %parallel_loop3A_165 = tpu.vector_load_idx %arg11[%parallel_loop3A_144] : memref<10240xf32, #tpu.memory_space<vmem>>[vector<16xi32>], vector<16xf32>,
      %parallel_loop3A_166 = arith.mulf %parallel_loop3A_158, %parallel_loop3A_165 : vector<16xf32>
      tpu.vector_store_idx %arg15[%parallel_loop3A_150], %parallel_loop3A_166 {add = true} : memref<10240xf32, #tpu.memory_space<vmem>>[vector<16xi32>], vector<16xf32>,
      tpu.vector_store_idx %arg18[%parallel_loop3A_150], %parallel_loop3A_158 {add = true} : memref<10240xf32, #tpu.memory_space<vmem>>[vector<16xi32>], vector<16xf32>,
    } {sc.loop_unroll_factor = 2 : i64, sc.parallel_access}
    %add3A_112 = arith.constant 0 : i32
    %add3A_113 = arith.addi %mul3A_0, %add3A_112 : i32
    "tpu.region"() ({
      %run_scoped3A = tpu.sem_alloc : memref<!tpu.dma_semaphore, #tpu.memory_space<semaphore_mem>>
      %dma_start3A_137 = arith.constant 0 : i32
      %dma_start3A_138 = tpu.memref_slice %arg6[%arg0, %add3A_113, %dma_start3A_137] : memref<2x64x10240xf32, #tpu.memory_space<hbm>> -> memref<1x1x10240xf32, #tpu.memory_space<hbm>>
      %dma_start3A_139 = tpu.memref_squeeze %dma_start3A_138 : memref<1x1x10240xf32, #tpu.memory_space<hbm>> -> memref<10240xf32, #tpu.memory_space<hbm>>
      %dma_start3A_140 = arith.constant 0 : i32
      %dma_start3A_141 = tpu.memref_slice %arg6[%arg0, %add3A_113, %dma_start3A_140] : memref<2x64x10240xf32, #tpu.memory_space<hbm>> -> memref<1x1x10240xf32, #tpu.memory_space<hbm>>
      %dma_start3A_142 = tpu.memref_squeeze %dma_start3A_141 : memref<1x1x10240xf32, #tpu.memory_space<hbm>> -> memref<10240xf32, #tpu.memory_space<hbm>>
      tpu.enqueue_dma source(%arg12 : memref<10240xf32, #tpu.memory_space<vmem>>) target(%dma_start3A_142 : memref<10240xf32, #tpu.memory_space<hbm>>) target_semaphore(%run_scoped3A : memref<!tpu.dma_semaphore, #tpu.memory_space<semaphore_mem>>)
      %dma_wait3A_143 = arith.constant 0 : i32
      %dma_wait3A_144 = tpu.memref_slice %arg6[%arg0, %add3A_113, %dma_wait3A_143] : memref<2x64x10240xf32, #tpu.memory_space<hbm>> -> memref<1x1x10240xf32, #tpu.memory_space<hbm>>
      %dma_wait3A_145 = tpu.memref_squeeze %dma_wait3A_144 : memref<1x1x10240xf32, #tpu.memory_space<hbm>> -> memref<10240xf32, #tpu.memory_space<hbm>>
      %dma_wait3A_146 = arith.constant 0 : i32
      %dma_wait3A_147 = tpu.memref_slice %arg6[%arg0, %add3A_113, %dma_wait3A_146] : memref<2x64x10240xf32, #tpu.memory_space<hbm>> -> memref<1x1x10240xf32, #tpu.memory_space<hbm>>
      %dma_wait3A_148 = tpu.memref_squeeze %dma_wait3A_147 : memref<1x1x10240xf32, #tpu.memory_space<hbm>> -> memref<10240xf32, #tpu.memory_space<hbm>>
      tpu.wait_dma2 semaphore(%run_scoped3A : memref<!tpu.dma_semaphore, #tpu.memory_space<semaphore_mem>>) src(%arg12 : memref<10240xf32, #tpu.memory_space<vmem>>) dst(%dma_wait3A_148 : memref<10240xf32, #tpu.memory_space<hbm>>)
      tpu.yield
    }) : () -> ()
    %add3A_114 = arith.constant 1 : i32
    %add3A_115 = arith.addi %mul3A_0, %add3A_114 : i32
    "tpu.region"() ({
      %run_scoped3A = tpu.sem_alloc : memref<!tpu.dma_semaphore, #tpu.memory_space<semaphore_mem>>
      %dma_start3A_137 = arith.constant 0 : i32
      %dma_start3A_138 = tpu.memref_slice %arg6[%arg0, %add3A_115, %dma_start3A_137] : memref<2x64x10240xf32, #tpu.memory_space<hbm>> -> memref<1x1x10240xf32, #tpu.memory_space<hbm>>
      %dma_start3A_139 = tpu.memref_squeeze %dma_start3A_138 : memref<1x1x10240xf32, #tpu.memory_space<hbm>> -> memref<10240xf32, #tpu.memory_space<hbm>>
      %dma_start3A_140 = arith.constant 0 : i32
      %dma_start3A_141 = tpu.memref_slice %arg6[%arg0, %add3A_115, %dma_start3A_140] : memref<2x64x10240xf32, #tpu.memory_space<hbm>> -> memref<1x1x10240xf32, #tpu.memory_space<hbm>>
      %dma_start3A_142 = tpu.memref_squeeze %dma_start3A_141 : memref<1x1x10240xf32, #tpu.memory_space<hbm>> -> memref<10240xf32, #tpu.memory_space<hbm>>
      tpu.enqueue_dma source(%arg13 : memref<10240xf32, #tpu.memory_space<vmem>>) target(%dma_start3A_142 : memref<10240xf32, #tpu.memory_space<hbm>>) target_semaphore(%run_scoped3A : memref<!tpu.dma_semaphore, #tpu.memory_space<semaphore_mem>>)
      %dma_wait3A_143 = arith.constant 0 : i32
      %dma_wait3A_144 = tpu.memref_slice %arg6[%arg0, %add3A_115, %dma_wait3A_143] : memref<2x64x10240xf32, #tpu.memory_space<hbm>> -> memref<1x1x10240xf32, #tpu.memory_space<hbm>>
      %dma_wait3A_145 = tpu.memref_squeeze %dma_wait3A_144 : memref<1x1x10240xf32, #tpu.memory_space<hbm>> -> memref<10240xf32, #tpu.memory_space<hbm>>
      %dma_wait3A_146 = arith.constant 0 : i32
      %dma_wait3A_147 = tpu.memref_slice %arg6[%arg0, %add3A_115, %dma_wait3A_146] : memref<2x64x10240xf32, #tpu.memory_space<hbm>> -> memref<1x1x10240xf32, #tpu.memory_space<hbm>>
      %dma_wait3A_148 = tpu.memref_squeeze %dma_wait3A_147 : memref<1x1x10240xf32, #tpu.memory_space<hbm>> -> memref<10240xf32, #tpu.memory_space<hbm>>
      tpu.wait_dma2 semaphore(%run_scoped3A : memref<!tpu.dma_semaphore, #tpu.memory_space<semaphore_mem>>) src(%arg13 : memref<10240xf32, #tpu.memory_space<vmem>>) dst(%dma_wait3A_148 : memref<10240xf32, #tpu.memory_space<hbm>>)
      tpu.yield
    }) : () -> ()
    %add3A_116 = arith.constant 2 : i32
    %add3A_117 = arith.addi %mul3A_0, %add3A_116 : i32
    "tpu.region"() ({
      %run_scoped3A = tpu.sem_alloc : memref<!tpu.dma_semaphore, #tpu.memory_space<semaphore_mem>>
      %dma_start3A_137 = arith.constant 0 : i32
      %dma_start3A_138 = tpu.memref_slice %arg6[%arg0, %add3A_117, %dma_start3A_137] : memref<2x64x10240xf32, #tpu.memory_space<hbm>> -> memref<1x1x10240xf32, #tpu.memory_space<hbm>>
      %dma_start3A_139 = tpu.memref_squeeze %dma_start3A_138 : memref<1x1x10240xf32, #tpu.memory_space<hbm>> -> memref<10240xf32, #tpu.memory_space<hbm>>
      %dma_start3A_140 = arith.constant 0 : i32
      %dma_start3A_141 = tpu.memref_slice %arg6[%arg0, %add3A_117, %dma_start3A_140] : memref<2x64x10240xf32, #tpu.memory_space<hbm>> -> memref<1x1x10240xf32, #tpu.memory_space<hbm>>
      %dma_start3A_142 = tpu.memref_squeeze %dma_start3A_141 : memref<1x1x10240xf32, #tpu.memory_space<hbm>> -> memref<10240xf32, #tpu.memory_space<hbm>>
      tpu.enqueue_dma source(%arg14 : memref<10240xf32, #tpu.memory_space<vmem>>) target(%dma_start3A_142 : memref<10240xf32, #tpu.memory_space<hbm>>) target_semaphore(%run_scoped3A : memref<!tpu.dma_semaphore, #tpu.memory_space<semaphore_mem>>)
      %dma_wait3A_143 = arith.constant 0 : i32
      %dma_wait3A_144 = tpu.memref_slice %arg6[%arg0, %add3A_117, %dma_wait3A_143] : memref<2x64x10240xf32, #tpu.memory_space<hbm>> -> memref<1x1x10240xf32, #tpu.memory_space<hbm>>
      %dma_wait3A_145 = tpu.memref_squeeze %dma_wait3A_144 : memref<1x1x10240xf32, #tpu.memory_space<hbm>> -> memref<10240xf32, #tpu.memory_space<hbm>>
      %dma_wait3A_146 = arith.constant 0 : i32
      %dma_wait3A_147 = tpu.memref_slice %arg6[%arg0, %add3A_117, %dma_wait3A_146] : memref<2x64x10240xf32, #tpu.memory_space<hbm>> -> memref<1x1x10240xf32, #tpu.memory_space<hbm>>
      %dma_wait3A_148 = tpu.memref_squeeze %dma_wait3A_147 : memref<1x1x10240xf32, #tpu.memory_space<hbm>> -> memref<10240xf32, #tpu.memory_space<hbm>>
      tpu.wait_dma2 semaphore(%run_scoped3A : memref<!tpu.dma_semaphore, #tpu.memory_space<semaphore_mem>>) src(%arg14 : memref<10240xf32, #tpu.memory_space<vmem>>) dst(%dma_wait3A_148 : memref<10240xf32, #tpu.memory_space<hbm>>)
      tpu.yield
    }) : () -> ()
    %add3A_118 = arith.constant 3 : i32
    %add3A_119 = arith.addi %mul3A_0, %add3A_118 : i32
    "tpu.region"() ({
      %run_scoped3A = tpu.sem_alloc : memref<!tpu.dma_semaphore, #tpu.memory_space<semaphore_mem>>
      %dma_start3A_137 = arith.constant 0 : i32
      %dma_start3A_138 = tpu.memref_slice %arg6[%arg0, %add3A_119, %dma_start3A_137] : memref<2x64x10240xf32, #tpu.memory_space<hbm>> -> memref<1x1x10240xf32, #tpu.memory_space<hbm>>
      %dma_start3A_139 = tpu.memref_squeeze %dma_start3A_138 : memref<1x1x10240xf32, #tpu.memory_space<hbm>> -> memref<10240xf32, #tpu.memory_space<hbm>>
      %dma_start3A_140 = arith.constant 0 : i32
      %dma_start3A_141 = tpu.memref_slice %arg6[%arg0, %add3A_119, %dma_start3A_140] : memref<2x64x10240xf32, #tpu.memory_space<hbm>> -> memref<1x1x10240xf32, #tpu.memory_space<hbm>>
      %dma_start3A_142 = tpu.memref_squeeze %dma_start3A_141 : memref<1x1x10240xf32, #tpu.memory_space<hbm>> -> memref<10240xf32, #tpu.memory_space<hbm>>
      tpu.enqueue_dma source(%arg15 : memref<10240xf32, #tpu.memory_space<vmem>>) target(%dma_start3A_142 : memref<10240xf32, #tpu.memory_space<hbm>>) target_semaphore(%run_scoped3A : memref<!tpu.dma_semaphore, #tpu.memory_space<semaphore_mem>>)
      %dma_wait3A_143 = arith.constant 0 : i32
      %dma_wait3A_144 = tpu.memref_slice %arg6[%arg0, %add3A_119, %dma_wait3A_143] : memref<2x64x10240xf32, #tpu.memory_space<hbm>> -> memref<1x1x10240xf32, #tpu.memory_space<hbm>>
      %dma_wait3A_145 = tpu.memref_squeeze %dma_wait3A_144 : memref<1x1x10240xf32, #tpu.memory_space<hbm>> -> memref<10240xf32, #tpu.memory_space<hbm>>
      %dma_wait3A_146 = arith.constant 0 : i32
      %dma_wait3A_147 = tpu.memref_slice %arg6[%arg0, %add3A_119, %dma_wait3A_146] : memref<2x64x10240xf32, #tpu.memory_space<hbm>> -> memref<1x1x10240xf32, #tpu.memory_space<hbm>>
      %dma_wait3A_148 = tpu.memref_squeeze %dma_wait3A_147 : memref<1x1x10240xf32, #tpu.memory_space<hbm>> -> memref<10240xf32, #tpu.memory_space<hbm>>
      tpu.wait_dma2 semaphore(%run_scoped3A : memref<!tpu.dma_semaphore, #tpu.memory_space<semaphore_mem>>) src(%arg15 : memref<10240xf32, #tpu.memory_space<vmem>>) dst(%dma_wait3A_148 : memref<10240xf32, #tpu.memory_space<hbm>>)
      tpu.yield
    }) : () -> ()
    %jit3A_120 = arith.constant 2 : i32
    %eq3A = arith.constant 0 : i32
    %eq3A_121 = arith.cmpi eq, %jit3A_120, %eq3A : i32
    %jit3A_122 = arith.constant 1 : i32
    %select_n3A_123 = arith.select %eq3A_121, %jit3A_122, %jit3A_120 : i32
    %rem3A_124 = arith.remsi %arg1, %select_n3A_123 : i32
    %ne3A_125 = arith.constant 0 : i32
    %ne3A_126 = arith.cmpi ne, %rem3A_124, %ne3A_125 : i32
    %lt3A = arith.constant 0 : i32
    %lt3A_127 = arith.cmpi slt, %rem3A_124, %lt3A : i32
    %lt3A_128 = arith.constant 0 : i32
    %lt3A_129 = arith.cmpi slt, %select_n3A_123, %lt3A_128 : i32
    %ne3A_130 = arith.xori %lt3A_127, %lt3A_129 : i1
    %and3A_131 = arith.andi %ne3A_130, %ne3A_126 : i1
    %add3A_132 = arith.addi %rem3A_124, %select_n3A_123 : i32
    %select_n3A_133 = arith.select %and3A_131, %add3A_132, %rem3A_124 : i32
    %eq3A_134 = arith.constant 0 : i32
    %eq3A_135 = arith.cmpi eq, %select_n3A_133, %eq3A_134 : i32
    %convert_element_type3A = arith.extui %eq3A_135 : i1 to i32
    %cond3A = arith.constant 0 : i32
    %cond3A_136 = arith.cmpi ne, %convert_element_type3A, %cond3A : i32
    scf.if %cond3A_136 {
      "tpu.region"() ({
        %run_scoped3A = tpu.sem_alloc : memref<!tpu.dma_semaphore, #tpu.memory_space<semaphore_mem>>
        %dma_start3A_137 = arith.constant 0 : i32
        %dma_start3A_138 = tpu.memref_slice %arg7[%arg0, %select_n3A, %dma_start3A_137] : memref<2x8x10240xf32, #tpu.memory_space<hbm>> -> memref<1x1x10240xf32, #tpu.memory_space<hbm>>
        %dma_start3A_139 = tpu.memref_squeeze %dma_start3A_138 : memref<1x1x10240xf32, #tpu.memory_space<hbm>> -> memref<10240xf32, #tpu.memory_space<hbm>>
        %dma_start3A_140 = arith.constant 0 : i32
        %dma_start3A_141 = tpu.memref_slice %arg7[%arg0, %select_n3A, %dma_start3A_140] : memref<2x8x10240xf32, #tpu.memory_space<hbm>> -> memref<1x1x10240xf32, #tpu.memory_space<hbm>>
        %dma_start3A_142 = tpu.memref_squeeze %dma_start3A_141 : memref<1x1x10240xf32, #tpu.memory_space<hbm>> -> memref<10240xf32, #tpu.memory_space<hbm>>
        tpu.enqueue_dma source(%arg18 : memref<10240xf32, #tpu.memory_space<vmem>>) target(%dma_start3A_142 : memref<10240xf32, #tpu.memory_space<hbm>>) target_semaphore(%run_scoped3A : memref<!tpu.dma_semaphore, #tpu.memory_space<semaphore_mem>>)
        %dma_wait3A_143 = arith.constant 0 : i32
        %dma_wait3A_144 = tpu.memref_slice %arg7[%arg0, %select_n3A, %dma_wait3A_143] : memref<2x8x10240xf32, #tpu.memory_space<hbm>> -> memref<1x1x10240xf32, #tpu.memory_space<hbm>>
        %dma_wait3A_145 = tpu.memref_squeeze %dma_wait3A_144 : memref<1x1x10240xf32, #tpu.memory_space<hbm>> -> memref<10240xf32, #tpu.memory_space<hbm>>
        %dma_wait3A_146 = arith.constant 0 : i32
        %dma_wait3A_147 = tpu.memref_slice %arg7[%arg0, %select_n3A, %dma_wait3A_146] : memref<2x8x10240xf32, #tpu.memory_space<hbm>> -> memref<1x1x10240xf32, #tpu.memory_space<hbm>>
        %dma_wait3A_148 = tpu.memref_squeeze %dma_wait3A_147 : memref<1x1x10240xf32, #tpu.memory_space<hbm>> -> memref<10240xf32, #tpu.memory_space<hbm>>
        tpu.wait_dma2 semaphore(%run_scoped3A : memref<!tpu.dma_semaphore, #tpu.memory_space<semaphore_mem>>) src(%arg18 : memref<10240xf32, #tpu.memory_space<vmem>>) dst(%dma_wait3A_148 : memref<10240xf32, #tpu.memory_space<hbm>>)
        tpu.yield
      }) : () -> ()
    } else {
    }
    return
  }
}

#map = affine_map<(d0, d1) -> (0, 0)>
#map1 = affine_map<(d0, d1) -> (0, 0, 0)>
module attributes {stable_mosaic.version = 14 : i64} {
  func.func @_sc2_body(%arg0: i32, %arg1: i32, %arg2: memref<2x331776xi32, #tpu.memory_space<hbm>>, %arg3: memref<40x10240xf32, #tpu.memory_space<hbm>>, %arg4: memref<2x10240xf32, #tpu.memory_space<hbm>>, %arg5: memref<2x40x10240xf32, #tpu.memory_space<hbm>>, %arg6: memref<2x1x10240xf32, #tpu.memory_space<hbm>>, %arg7: memref<10240xf32, #tpu.memory_space<vmem>>, %arg8: memref<10240xf32, #tpu.memory_space<vmem>>, %arg9: memref<10240xf32, #tpu.memory_space<vmem>>, %arg10: memref<10240xf32, #tpu.memory_space<vmem>>, %arg11: memref<10240xf32, #tpu.memory_space<vmem>>, %arg12: memref<10240xf32, #tpu.memory_space<vmem>>, %arg13: memref<10240xf32, #tpu.memory_space<vmem>>, %arg14: memref<10240xf32, #tpu.memory_space<vmem>>, %arg15: memref<10240xf32, #tpu.memory_space<vmem>>, %arg16: memref<4x2x2048xi32, #tpu.memory_space<vmem>>, %arg17: memref<!tpu.dma_semaphore, #tpu.memory_space<semaphore_mem>>, %arg18: memref<!tpu.dma_semaphore, #tpu.memory_space<semaphore_mem>>, %arg19: memref<!tpu.dma_semaphore, #tpu.memory_space<semaphore_mem>>, %arg20: memref<!tpu.dma_semaphore, #tpu.memory_space<semaphore_mem>>) attributes {dimension_semantics = [#tpu.dimension_semantics<core_parallel>, #tpu.dimension_semantics<subcore_parallel>], iteration_bounds = array<i64: 2, 16>, scalar_prefetch = 0 : i64, scratch_operands = 14 : i64, tpu.core_type = #tpu.core_type<sc_vector_subcore>, window_params = [{transform_indices = #map}, {transform_indices = #map}, {transform_indices = #map}, {transform_indices = #map1}, {transform_indices = #map1}]} {
    %run_scoped3A = arith.constant 0 : i32
    "tpu.region"() ({
      %run_scoped3A_8 = tpu.sem_alloc : memref<!tpu.dma_semaphore, #tpu.memory_space<semaphore_mem>>
      %dma_start3A = arith.constant 0 : i32
      %dma_start3A_9 = tpu.memref_slice %arg4[%run_scoped3A, %dma_start3A] : memref<2x10240xf32, #tpu.memory_space<hbm>> -> memref<1x10240xf32, #tpu.memory_space<hbm>>
      %dma_start3A_10 = tpu.memref_squeeze %dma_start3A_9 : memref<1x10240xf32, #tpu.memory_space<hbm>> -> memref<10240xf32, #tpu.memory_space<hbm>>
      %dma_start3A_11 = arith.constant 0 : i32
      %dma_start3A_12 = tpu.memref_slice %arg4[%run_scoped3A, %dma_start3A_11] : memref<2x10240xf32, #tpu.memory_space<hbm>> -> memref<1x10240xf32, #tpu.memory_space<hbm>>
      %dma_start3A_13 = tpu.memref_squeeze %dma_start3A_12 : memref<1x10240xf32, #tpu.memory_space<hbm>> -> memref<10240xf32, #tpu.memory_space<hbm>>
      tpu.enqueue_dma source(%dma_start3A_13 : memref<10240xf32, #tpu.memory_space<hbm>>) target(%arg13 : memref<10240xf32, #tpu.memory_space<vmem>>) target_semaphore(%run_scoped3A_8 : memref<!tpu.dma_semaphore, #tpu.memory_space<semaphore_mem>>)
      %dma_wait3A = arith.constant 0 : i32
      %dma_wait3A_14 = tpu.memref_slice %arg4[%run_scoped3A, %dma_wait3A] : memref<2x10240xf32, #tpu.memory_space<hbm>> -> memref<1x10240xf32, #tpu.memory_space<hbm>>
      %dma_wait3A_15 = tpu.memref_squeeze %dma_wait3A_14 : memref<1x10240xf32, #tpu.memory_space<hbm>> -> memref<10240xf32, #tpu.memory_space<hbm>>
      %dma_wait3A_16 = arith.constant 0 : i32
      %dma_wait3A_17 = tpu.memref_slice %arg4[%run_scoped3A, %dma_wait3A_16] : memref<2x10240xf32, #tpu.memory_space<hbm>> -> memref<1x10240xf32, #tpu.memory_space<hbm>>
      %dma_wait3A_18 = tpu.memref_squeeze %dma_wait3A_17 : memref<1x10240xf32, #tpu.memory_space<hbm>> -> memref<10240xf32, #tpu.memory_space<hbm>>
      tpu.wait_dma2 semaphore(%run_scoped3A_8 : memref<!tpu.dma_semaphore, #tpu.memory_space<semaphore_mem>>) src(%dma_wait3A_18 : memref<10240xf32, #tpu.memory_space<hbm>>) dst(%arg13 : memref<10240xf32, #tpu.memory_space<vmem>>)
      tpu.yield
    }) : () -> ()
    %run_scoped3A_0 = arith.constant 1 : i32
    "tpu.region"() ({
      %run_scoped3A_8 = tpu.sem_alloc : memref<!tpu.dma_semaphore, #tpu.memory_space<semaphore_mem>>
      %dma_start3A = arith.constant 0 : i32
      %dma_start3A_9 = tpu.memref_slice %arg4[%run_scoped3A_0, %dma_start3A] : memref<2x10240xf32, #tpu.memory_space<hbm>> -> memref<1x10240xf32, #tpu.memory_space<hbm>>
      %dma_start3A_10 = tpu.memref_squeeze %dma_start3A_9 : memref<1x10240xf32, #tpu.memory_space<hbm>> -> memref<10240xf32, #tpu.memory_space<hbm>>
      %dma_start3A_11 = arith.constant 0 : i32
      %dma_start3A_12 = tpu.memref_slice %arg4[%run_scoped3A_0, %dma_start3A_11] : memref<2x10240xf32, #tpu.memory_space<hbm>> -> memref<1x10240xf32, #tpu.memory_space<hbm>>
      %dma_start3A_13 = tpu.memref_squeeze %dma_start3A_12 : memref<1x10240xf32, #tpu.memory_space<hbm>> -> memref<10240xf32, #tpu.memory_space<hbm>>
      tpu.enqueue_dma source(%dma_start3A_13 : memref<10240xf32, #tpu.memory_space<hbm>>) target(%arg14 : memref<10240xf32, #tpu.memory_space<vmem>>) target_semaphore(%run_scoped3A_8 : memref<!tpu.dma_semaphore, #tpu.memory_space<semaphore_mem>>)
      %dma_wait3A = arith.constant 0 : i32
      %dma_wait3A_14 = tpu.memref_slice %arg4[%run_scoped3A_0, %dma_wait3A] : memref<2x10240xf32, #tpu.memory_space<hbm>> -> memref<1x10240xf32, #tpu.memory_space<hbm>>
      %dma_wait3A_15 = tpu.memref_squeeze %dma_wait3A_14 : memref<1x10240xf32, #tpu.memory_space<hbm>> -> memref<10240xf32, #tpu.memory_space<hbm>>
      %dma_wait3A_16 = arith.constant 0 : i32
      %dma_wait3A_17 = tpu.memref_slice %arg4[%run_scoped3A_0, %dma_wait3A_16] : memref<2x10240xf32, #tpu.memory_space<hbm>> -> memref<1x10240xf32, #tpu.memory_space<hbm>>
      %dma_wait3A_18 = tpu.memref_squeeze %dma_wait3A_17 : memref<1x10240xf32, #tpu.memory_space<hbm>> -> memref<10240xf32, #tpu.memory_space<hbm>>
      tpu.wait_dma2 semaphore(%run_scoped3A_8 : memref<!tpu.dma_semaphore, #tpu.memory_space<semaphore_mem>>) src(%dma_wait3A_18 : memref<10240xf32, #tpu.memory_space<hbm>>) dst(%arg14 : memref<10240xf32, #tpu.memory_space<vmem>>)
      tpu.yield
    }) : () -> ()
    %mul3A = arith.constant 165888 : i32
    %mul3A_1 = arith.muli %arg0, %mul3A : i32
    %lt3A = arith.constant 8 : i32
    %lt3A_2 = arith.cmpi slt, %arg1, %lt3A : i32
    %convert_element_type3A = arith.extui %lt3A_2 : i1 to i32
    %cond3A = arith.constant 0 : i32
    %cond3A_3 = arith.cmpi ne, %convert_element_type3A, %cond3A : i32
    scf.if %cond3A_3 {
      %mul3A_8 = arith.constant 3 : i32
      %mul3A_9 = arith.muli %arg1, %mul3A_8 : i32
      %add3A = arith.constant 0 : i32
      %add3A_10 = arith.addi %mul3A_9, %add3A : i32
      "tpu.region"() ({
        %run_scoped3A_107 = tpu.sem_alloc : memref<!tpu.dma_semaphore, #tpu.memory_space<semaphore_mem>>
        %dma_start3A_108 = arith.constant 0 : i32
        %dma_start3A_109 = tpu.memref_slice %arg3[%add3A_10, %dma_start3A_108] : memref<40x10240xf32, #tpu.memory_space<hbm>> -> memref<1x10240xf32, #tpu.memory_space<hbm>>
        %dma_start3A_110 = tpu.memref_squeeze %dma_start3A_109 : memref<1x10240xf32, #tpu.memory_space<hbm>> -> memref<10240xf32, #tpu.memory_space<hbm>>
        %dma_start3A_111 = arith.constant 0 : i32
        %dma_start3A_112 = tpu.memref_slice %arg3[%add3A_10, %dma_start3A_111] : memref<40x10240xf32, #tpu.memory_space<hbm>> -> memref<1x10240xf32, #tpu.memory_space<hbm>>
        %dma_start3A_113 = tpu.memref_squeeze %dma_start3A_112 : memref<1x10240xf32, #tpu.memory_space<hbm>> -> memref<10240xf32, #tpu.memory_space<hbm>>
        tpu.enqueue_dma source(%dma_start3A_113 : memref<10240xf32, #tpu.memory_space<hbm>>) target(%arg7 : memref<10240xf32, #tpu.memory_space<vmem>>) target_semaphore(%run_scoped3A_107 : memref<!tpu.dma_semaphore, #tpu.memory_space<semaphore_mem>>)
        %dma_wait3A_114 = arith.constant 0 : i32
        %dma_wait3A_115 = tpu.memref_slice %arg3[%add3A_10, %dma_wait3A_114] : memref<40x10240xf32, #tpu.memory_space<hbm>> -> memref<1x10240xf32, #tpu.memory_space<hbm>>
        %dma_wait3A_116 = tpu.memref_squeeze %dma_wait3A_115 : memref<1x10240xf32, #tpu.memory_space<hbm>> -> memref<10240xf32, #tpu.memory_space<hbm>>
        %dma_wait3A_117 = arith.constant 0 : i32
        %dma_wait3A_118 = tpu.memref_slice %arg3[%add3A_10, %dma_wait3A_117] : memref<40x10240xf32, #tpu.memory_space<hbm>> -> memref<1x10240xf32, #tpu.memory_space<hbm>>
        %dma_wait3A_119 = tpu.memref_squeeze %dma_wait3A_118 : memref<1x10240xf32, #tpu.memory_space<hbm>> -> memref<10240xf32, #tpu.memory_space<hbm>>
        tpu.wait_dma2 semaphore(%run_scoped3A_107 : memref<!tpu.dma_semaphore, #tpu.memory_space<semaphore_mem>>) src(%dma_wait3A_119 : memref<10240xf32, #tpu.memory_space<hbm>>) dst(%arg7 : memref<10240xf32, #tpu.memory_space<vmem>>)
        tpu.yield
      }) : () -> ()
      %add3A_11 = arith.constant 1 : i32
      %add3A_12 = arith.addi %mul3A_9, %add3A_11 : i32
      "tpu.region"() ({
        %run_scoped3A_107 = tpu.sem_alloc : memref<!tpu.dma_semaphore, #tpu.memory_space<semaphore_mem>>
        %dma_start3A_108 = arith.constant 0 : i32
        %dma_start3A_109 = tpu.memref_slice %arg3[%add3A_12, %dma_start3A_108] : memref<40x10240xf32, #tpu.memory_space<hbm>> -> memref<1x10240xf32, #tpu.memory_space<hbm>>
        %dma_start3A_110 = tpu.memref_squeeze %dma_start3A_109 : memref<1x10240xf32, #tpu.memory_space<hbm>> -> memref<10240xf32, #tpu.memory_space<hbm>>
        %dma_start3A_111 = arith.constant 0 : i32
        %dma_start3A_112 = tpu.memref_slice %arg3[%add3A_12, %dma_start3A_111] : memref<40x10240xf32, #tpu.memory_space<hbm>> -> memref<1x10240xf32, #tpu.memory_space<hbm>>
        %dma_start3A_113 = tpu.memref_squeeze %dma_start3A_112 : memref<1x10240xf32, #tpu.memory_space<hbm>> -> memref<10240xf32, #tpu.memory_space<hbm>>
        tpu.enqueue_dma source(%dma_start3A_113 : memref<10240xf32, #tpu.memory_space<hbm>>) target(%arg8 : memref<10240xf32, #tpu.memory_space<vmem>>) target_semaphore(%run_scoped3A_107 : memref<!tpu.dma_semaphore, #tpu.memory_space<semaphore_mem>>)
        %dma_wait3A_114 = arith.constant 0 : i32
        %dma_wait3A_115 = tpu.memref_slice %arg3[%add3A_12, %dma_wait3A_114] : memref<40x10240xf32, #tpu.memory_space<hbm>> -> memref<1x10240xf32, #tpu.memory_space<hbm>>
        %dma_wait3A_116 = tpu.memref_squeeze %dma_wait3A_115 : memref<1x10240xf32, #tpu.memory_space<hbm>> -> memref<10240xf32, #tpu.memory_space<hbm>>
        %dma_wait3A_117 = arith.constant 0 : i32
        %dma_wait3A_118 = tpu.memref_slice %arg3[%add3A_12, %dma_wait3A_117] : memref<40x10240xf32, #tpu.memory_space<hbm>> -> memref<1x10240xf32, #tpu.memory_space<hbm>>
        %dma_wait3A_119 = tpu.memref_squeeze %dma_wait3A_118 : memref<1x10240xf32, #tpu.memory_space<hbm>> -> memref<10240xf32, #tpu.memory_space<hbm>>
        tpu.wait_dma2 semaphore(%run_scoped3A_107 : memref<!tpu.dma_semaphore, #tpu.memory_space<semaphore_mem>>) src(%dma_wait3A_119 : memref<10240xf32, #tpu.memory_space<hbm>>) dst(%arg8 : memref<10240xf32, #tpu.memory_space<vmem>>)
        tpu.yield
      }) : () -> ()
      %add3A_13 = arith.constant 2 : i32
      %add3A_14 = arith.addi %mul3A_9, %add3A_13 : i32
      "tpu.region"() ({
        %run_scoped3A_107 = tpu.sem_alloc : memref<!tpu.dma_semaphore, #tpu.memory_space<semaphore_mem>>
        %dma_start3A_108 = arith.constant 0 : i32
        %dma_start3A_109 = tpu.memref_slice %arg3[%add3A_14, %dma_start3A_108] : memref<40x10240xf32, #tpu.memory_space<hbm>> -> memref<1x10240xf32, #tpu.memory_space<hbm>>
        %dma_start3A_110 = tpu.memref_squeeze %dma_start3A_109 : memref<1x10240xf32, #tpu.memory_space<hbm>> -> memref<10240xf32, #tpu.memory_space<hbm>>
        %dma_start3A_111 = arith.constant 0 : i32
        %dma_start3A_112 = tpu.memref_slice %arg3[%add3A_14, %dma_start3A_111] : memref<40x10240xf32, #tpu.memory_space<hbm>> -> memref<1x10240xf32, #tpu.memory_space<hbm>>
        %dma_start3A_113 = tpu.memref_squeeze %dma_start3A_112 : memref<1x10240xf32, #tpu.memory_space<hbm>> -> memref<10240xf32, #tpu.memory_space<hbm>>
        tpu.enqueue_dma source(%dma_start3A_113 : memref<10240xf32, #tpu.memory_space<hbm>>) target(%arg9 : memref<10240xf32, #tpu.memory_space<vmem>>) target_semaphore(%run_scoped3A_107 : memref<!tpu.dma_semaphore, #tpu.memory_space<semaphore_mem>>)
        %dma_wait3A_114 = arith.constant 0 : i32
        %dma_wait3A_115 = tpu.memref_slice %arg3[%add3A_14, %dma_wait3A_114] : memref<40x10240xf32, #tpu.memory_space<hbm>> -> memref<1x10240xf32, #tpu.memory_space<hbm>>
        %dma_wait3A_116 = tpu.memref_squeeze %dma_wait3A_115 : memref<1x10240xf32, #tpu.memory_space<hbm>> -> memref<10240xf32, #tpu.memory_space<hbm>>
        %dma_wait3A_117 = arith.constant 0 : i32
        %dma_wait3A_118 = tpu.memref_slice %arg3[%add3A_14, %dma_wait3A_117] : memref<40x10240xf32, #tpu.memory_space<hbm>> -> memref<1x10240xf32, #tpu.memory_space<hbm>>
        %dma_wait3A_119 = tpu.memref_squeeze %dma_wait3A_118 : memref<1x10240xf32, #tpu.memory_space<hbm>> -> memref<10240xf32, #tpu.memory_space<hbm>>
        tpu.wait_dma2 semaphore(%run_scoped3A_107 : memref<!tpu.dma_semaphore, #tpu.memory_space<semaphore_mem>>) src(%dma_wait3A_119 : memref<10240xf32, #tpu.memory_space<hbm>>) dst(%arg9 : memref<10240xf32, #tpu.memory_space<vmem>>)
        tpu.yield
      }) : () -> ()
      %add3A_15 = arith.constant 0 : i32
      %add3A_16 = arith.addi %mul3A_1, %add3A_15 : i32
      %multiple_of3A = tpu.assume_multiple %add3A_16, 128 : i32
      %dma_start3A = arith.constant 0 : i32
      %dma_start3A_17 = arith.constant 0 : i32
      %dma_start3A_18 = arith.constant 0 : i32
      %dma_start3A_19 = tpu.memref_slice %arg16[%dma_start3A, %dma_start3A_17, %dma_start3A_18] : memref<4x2x2048xi32, #tpu.memory_space<vmem>> -> memref<1x2x2048xi32, #tpu.memory_space<vmem>>
      %dma_start3A_20 = tpu.memref_squeeze %dma_start3A_19 : memref<1x2x2048xi32, #tpu.memory_space<vmem>> -> memref<2x2048xi32, #tpu.memory_space<vmem>>
      %dma_start3A_21 = arith.constant 0 : i32
      %dma_start3A_22 = tpu.memref_slice %arg2[%dma_start3A_21, %multiple_of3A] : memref<2x331776xi32, #tpu.memory_space<hbm>> -> memref<2x2048xi32, #tpu.memory_space<hbm>>
      %dma_start3A_23 = arith.constant 0 : i32
      %dma_start3A_24 = arith.constant 0 : i32
      %dma_start3A_25 = tpu.memref_slice %arg16[%dma_start3A, %dma_start3A_23, %dma_start3A_24] : memref<4x2x2048xi32, #tpu.memory_space<vmem>> -> memref<1x2x2048xi32, #tpu.memory_space<vmem>>
      %dma_start3A_26 = tpu.memref_squeeze %dma_start3A_25 : memref<1x2x2048xi32, #tpu.memory_space<vmem>> -> memref<2x2048xi32, #tpu.memory_space<vmem>>
      %dma_start3A_27 = arith.constant 0 : i32
      %dma_start3A_28 = tpu.memref_slice %arg2[%dma_start3A_27, %multiple_of3A] : memref<2x331776xi32, #tpu.memory_space<hbm>> -> memref<2x2048xi32, #tpu.memory_space<hbm>>
      tpu.enqueue_dma source(%dma_start3A_28 : memref<2x2048xi32, #tpu.memory_space<hbm>>) target(%dma_start3A_26 : memref<2x2048xi32, #tpu.memory_space<vmem>>) target_semaphore(%arg17 : memref<!tpu.dma_semaphore, #tpu.memory_space<semaphore_mem>>)
      %add3A_29 = arith.constant 2048 : i32
      %add3A_30 = arith.addi %mul3A_1, %add3A_29 : i32
      %multiple_of3A_31 = tpu.assume_multiple %add3A_30, 128 : i32
      %dma_start3A_32 = arith.constant 1 : i32
      %dma_start3A_33 = arith.constant 0 : i32
      %dma_start3A_34 = arith.constant 0 : i32
      %dma_start3A_35 = tpu.memref_slice %arg16[%dma_start3A_32, %dma_start3A_33, %dma_start3A_34] : memref<4x2x2048xi32, #tpu.memory_space<vmem>> -> memref<1x2x2048xi32, #tpu.memory_space<vmem>>
      %dma_start3A_36 = tpu.memref_squeeze %dma_start3A_35 : memref<1x2x2048xi32, #tpu.memory_space<vmem>> -> memref<2x2048xi32, #tpu.memory_space<vmem>>
      %dma_start3A_37 = arith.constant 0 : i32
      %dma_start3A_38 = tpu.memref_slice %arg2[%dma_start3A_37, %multiple_of3A_31] : memref<2x331776xi32, #tpu.memory_space<hbm>> -> memref<2x2048xi32, #tpu.memory_space<hbm>>
      %dma_start3A_39 = arith.constant 0 : i32
      %dma_start3A_40 = arith.constant 0 : i32
      %dma_start3A_41 = tpu.memref_slice %arg16[%dma_start3A_32, %dma_start3A_39, %dma_start3A_40] : memref<4x2x2048xi32, #tpu.memory_space<vmem>> -> memref<1x2x2048xi32, #tpu.memory_space<vmem>>
      %dma_start3A_42 = tpu.memref_squeeze %dma_start3A_41 : memref<1x2x2048xi32, #tpu.memory_space<vmem>> -> memref<2x2048xi32, #tpu.memory_space<vmem>>
      %dma_start3A_43 = arith.constant 0 : i32
      %dma_start3A_44 = tpu.memref_slice %arg2[%dma_start3A_43, %multiple_of3A_31] : memref<2x331776xi32, #tpu.memory_space<hbm>> -> memref<2x2048xi32, #tpu.memory_space<hbm>>
      tpu.enqueue_dma source(%dma_start3A_44 : memref<2x2048xi32, #tpu.memory_space<hbm>>) target(%dma_start3A_42 : memref<2x2048xi32, #tpu.memory_space<vmem>>) target_semaphore(%arg18 : memref<!tpu.dma_semaphore, #tpu.memory_space<semaphore_mem>>)
      %add3A_45 = arith.constant 4096 : i32
      %add3A_46 = arith.addi %mul3A_1, %add3A_45 : i32
      %multiple_of3A_47 = tpu.assume_multiple %add3A_46, 128 : i32
      %dma_start3A_48 = arith.constant 2 : i32
      %dma_start3A_49 = arith.constant 0 : i32
      %dma_start3A_50 = arith.constant 0 : i32
      %dma_start3A_51 = tpu.memref_slice %arg16[%dma_start3A_48, %dma_start3A_49, %dma_start3A_50] : memref<4x2x2048xi32, #tpu.memory_space<vmem>> -> memref<1x2x2048xi32, #tpu.memory_space<vmem>>
      %dma_start3A_52 = tpu.memref_squeeze %dma_start3A_51 : memref<1x2x2048xi32, #tpu.memory_space<vmem>> -> memref<2x2048xi32, #tpu.memory_space<vmem>>
      %dma_start3A_53 = arith.constant 0 : i32
      %dma_start3A_54 = tpu.memref_slice %arg2[%dma_start3A_53, %multiple_of3A_47] : memref<2x331776xi32, #tpu.memory_space<hbm>> -> memref<2x2048xi32, #tpu.memory_space<hbm>>
      %dma_start3A_55 = arith.constant 0 : i32
      %dma_start3A_56 = arith.constant 0 : i32
      %dma_start3A_57 = tpu.memref_slice %arg16[%dma_start3A_48, %dma_start3A_55, %dma_start3A_56] : memref<4x2x2048xi32, #tpu.memory_space<vmem>> -> memref<1x2x2048xi32, #tpu.memory_space<vmem>>
      %dma_start3A_58 = tpu.memref_squeeze %dma_start3A_57 : memref<1x2x2048xi32, #tpu.memory_space<vmem>> -> memref<2x2048xi32, #tpu.memory_space<vmem>>
      %dma_start3A_59 = arith.constant 0 : i32
      %dma_start3A_60 = tpu.memref_slice %arg2[%dma_start3A_59, %multiple_of3A_47] : memref<2x331776xi32, #tpu.memory_space<hbm>> -> memref<2x2048xi32, #tpu.memory_space<hbm>>
      tpu.enqueue_dma source(%dma_start3A_60 : memref<2x2048xi32, #tpu.memory_space<hbm>>) target(%dma_start3A_58 : memref<2x2048xi32, #tpu.memory_space<vmem>>) target_semaphore(%arg19 : memref<!tpu.dma_semaphore, #tpu.memory_space<semaphore_mem>>)
      %add3A_61 = arith.constant 6144 : i32
      %add3A_62 = arith.addi %mul3A_1, %add3A_61 : i32
      %multiple_of3A_63 = tpu.assume_multiple %add3A_62, 128 : i32
      %dma_start3A_64 = arith.constant 3 : i32
      %dma_start3A_65 = arith.constant 0 : i32
      %dma_start3A_66 = arith.constant 0 : i32
      %dma_start3A_67 = tpu.memref_slice %arg16[%dma_start3A_64, %dma_start3A_65, %dma_start3A_66] : memref<4x2x2048xi32, #tpu.memory_space<vmem>> -> memref<1x2x2048xi32, #tpu.memory_space<vmem>>
      %dma_start3A_68 = tpu.memref_squeeze %dma_start3A_67 : memref<1x2x2048xi32, #tpu.memory_space<vmem>> -> memref<2x2048xi32, #tpu.memory_space<vmem>>
      %dma_start3A_69 = arith.constant 0 : i32
      %dma_start3A_70 = tpu.memref_slice %arg2[%dma_start3A_69, %multiple_of3A_63] : memref<2x331776xi32, #tpu.memory_space<hbm>> -> memref<2x2048xi32, #tpu.memory_space<hbm>>
      %dma_start3A_71 = arith.constant 0 : i32
      %dma_start3A_72 = arith.constant 0 : i32
      %dma_start3A_73 = tpu.memref_slice %arg16[%dma_start3A_64, %dma_start3A_71, %dma_start3A_72] : memref<4x2x2048xi32, #tpu.memory_space<vmem>> -> memref<1x2x2048xi32, #tpu.memory_space<vmem>>
      %dma_start3A_74 = tpu.memref_squeeze %dma_start3A_73 : memref<1x2x2048xi32, #tpu.memory_space<vmem>> -> memref<2x2048xi32, #tpu.memory_space<vmem>>
      %dma_start3A_75 = arith.constant 0 : i32
      %dma_start3A_76 = tpu.memref_slice %arg2[%dma_start3A_75, %multiple_of3A_63] : memref<2x331776xi32, #tpu.memory_space<hbm>> -> memref<2x2048xi32, #tpu.memory_space<hbm>>
      tpu.enqueue_dma source(%dma_start3A_76 : memref<2x2048xi32, #tpu.memory_space<hbm>>) target(%dma_start3A_74 : memref<2x2048xi32, #tpu.memory_space<vmem>>) target_semaphore(%arg20 : memref<!tpu.dma_semaphore, #tpu.memory_space<semaphore_mem>>)
      %broadcast_in_dim3A = arith.constant 0.000000e+00 : f32
      %broadcast_in_dim3A_77 = vector.broadcast %broadcast_in_dim3A : f32 to vector<16xf32>
      %parallel_loop3A = arith.constant 0 : i32
      %parallel_loop3A_78 = arith.constant 10240 : i32
      %parallel_loop3A_79 = arith.constant 16 : i32
      scf.for %parallel_loop3A_107 = %parallel_loop3A to %parallel_loop3A_78 step %parallel_loop3A_79  : i32 {
        %parallel_loop3A_108 = tpu.assume_multiple %parallel_loop3A_107, 8 : i32
        %parallel_loop3A_109 = arith.index_cast %parallel_loop3A_108 : i32 to index
        %parallel_loop3A_110 = tpu.vector_load %arg10[%parallel_loop3A_109] {strides = array<i32>} : memref<10240xf32, #tpu.memory_space<vmem>>, vector<16xf32>,
        tpu.vector_store %arg10[%parallel_loop3A_109], %broadcast_in_dim3A_77 {strides = array<i32>} : memref<10240xf32, #tpu.memory_space<vmem>>, vector<16xf32>,
        %parallel_loop3A_111 = arith.index_cast %parallel_loop3A_108 : i32 to index
        %parallel_loop3A_112 = tpu.vector_load %arg11[%parallel_loop3A_111] {strides = array<i32>} : memref<10240xf32, #tpu.memory_space<vmem>>, vector<16xf32>,
        tpu.vector_store %arg11[%parallel_loop3A_111], %broadcast_in_dim3A_77 {strides = array<i32>} : memref<10240xf32, #tpu.memory_space<vmem>>, vector<16xf32>,
        %parallel_loop3A_113 = arith.index_cast %parallel_loop3A_108 : i32 to index
        %parallel_loop3A_114 = tpu.vector_load %arg12[%parallel_loop3A_113] {strides = array<i32>} : memref<10240xf32, #tpu.memory_space<vmem>>, vector<16xf32>,
        tpu.vector_store %arg12[%parallel_loop3A_113], %broadcast_in_dim3A_77 {strides = array<i32>} : memref<10240xf32, #tpu.memory_space<vmem>>, vector<16xf32>,
      } {sc.loop_unroll_factor = 8 : i64, sc.parallel_access}
      %scan3A = arith.constant 0 : i32
      %scan3A_80 = arith.constant 20 : i32
      %scan3A_81 = arith.addi %scan3A, %scan3A_80 : i32
      %scan3A_82 = arith.constant 1 : i32
      scf.for %scan3A_107 = %scan3A to %scan3A_81 step %scan3A_82  : i32 {
        %mul3A_108 = arith.constant 1 : i32
        %mul3A_109 = arith.muli %scan3A_107, %mul3A_108 : i32
        %add3A_110 = arith.constant 0 : i32
        %add3A_111 = arith.addi %add3A_110, %mul3A_109 : i32
        %mul3A_112 = arith.constant 4 : i32
        %mul3A_113 = arith.muli %mul3A_112, %add3A_111 : i32
        %dma_wait3A_114 = arith.constant 0 : i32
        %dma_wait3A_115 = arith.constant 0 : i32
        %dma_wait3A_116 = arith.constant 0 : i32
        %dma_wait3A_117 = tpu.memref_slice %arg16[%dma_wait3A_114, %dma_wait3A_115, %dma_wait3A_116] : memref<4x2x2048xi32, #tpu.memory_space<vmem>> -> memref<1x2x2048xi32, #tpu.memory_space<vmem>>
        %dma_wait3A_118 = tpu.memref_squeeze %dma_wait3A_117 : memref<1x2x2048xi32, #tpu.memory_space<vmem>> -> memref<2x2048xi32, #tpu.memory_space<vmem>>
        %dma_wait3A_119 = arith.constant 0 : i32
        %dma_wait3A_120 = arith.constant 0 : i32
        %dma_wait3A_121 = tpu.memref_slice %arg2[%dma_wait3A_119, %dma_wait3A_120] : memref<2x331776xi32, #tpu.memory_space<hbm>> -> memref<2x2048xi32, #tpu.memory_space<hbm>>
        %dma_wait3A_122 = arith.constant 0 : i32
        %dma_wait3A_123 = arith.constant 0 : i32
        %dma_wait3A_124 = tpu.memref_slice %arg16[%dma_wait3A_114, %dma_wait3A_122, %dma_wait3A_123] : memref<4x2x2048xi32, #tpu.memory_space<vmem>> -> memref<1x2x2048xi32, #tpu.memory_space<vmem>>
        %dma_wait3A_125 = tpu.memref_squeeze %dma_wait3A_124 : memref<1x2x2048xi32, #tpu.memory_space<vmem>> -> memref<2x2048xi32, #tpu.memory_space<vmem>>
        %dma_wait3A_126 = arith.constant 0 : i32
        %dma_wait3A_127 = arith.constant 0 : i32
        %dma_wait3A_128 = tpu.memref_slice %arg2[%dma_wait3A_126, %dma_wait3A_127] : memref<2x331776xi32, #tpu.memory_space<hbm>> -> memref<2x2048xi32, #tpu.memory_space<hbm>>
        tpu.wait_dma2 semaphore(%arg17 : memref<!tpu.dma_semaphore, #tpu.memory_space<semaphore_mem>>) src(%dma_wait3A_128 : memref<2x2048xi32, #tpu.memory_space<hbm>>) dst(%dma_wait3A_125 : memref<2x2048xi32, #tpu.memory_space<vmem>>)
        %parallel_loop3A_129 = arith.constant 0 : i32
        %parallel_loop3A_130 = arith.constant 2048 : i32
        %parallel_loop3A_131 = arith.constant 16 : i32
        scf.for %parallel_loop3A_222 = %parallel_loop3A_129 to %parallel_loop3A_130 step %parallel_loop3A_131  : i32 {
          %parallel_loop3A_223 = tpu.assume_multiple %parallel_loop3A_222, 8 : i32
          %parallel_loop3A_224 = arith.constant 0 : i32
          %parallel_loop3A_225 = arith.constant 0 : i32
          %parallel_loop3A_226 = arith.index_cast %parallel_loop3A_224 : i32 to index
          %parallel_loop3A_227 = arith.index_cast %parallel_loop3A_225 : i32 to index
          %parallel_loop3A_228 = arith.index_cast %parallel_loop3A_223 : i32 to index
          %parallel_loop3A_229 = tpu.vector_load %arg16[%parallel_loop3A_226, %parallel_loop3A_227, %parallel_loop3A_228] {strides = array<i32>} : memref<4x2x2048xi32, #tpu.memory_space<vmem>>, vector<16xi32>,
          %parallel_loop3A_230 = arith.constant 0 : i32
          %parallel_loop3A_231 = arith.constant 1 : i32
          %parallel_loop3A_232 = arith.index_cast %parallel_loop3A_230 : i32 to index
          %parallel_loop3A_233 = arith.index_cast %parallel_loop3A_231 : i32 to index
          %parallel_loop3A_234 = arith.index_cast %parallel_loop3A_223 : i32 to index
          %parallel_loop3A_235 = tpu.vector_load %arg16[%parallel_loop3A_232, %parallel_loop3A_233, %parallel_loop3A_234] {strides = array<i32>} : memref<4x2x2048xi32, #tpu.memory_space<vmem>>, vector<16xi32>,
          %parallel_loop3A_236 = tpu.vector_load_idx %arg13[%parallel_loop3A_229] : memref<10240xf32, #tpu.memory_space<vmem>>[vector<16xi32>], vector<16xf32>,
          %parallel_loop3A_237 = tpu.vector_load_idx %arg14[%parallel_loop3A_235] : memref<10240xf32, #tpu.memory_space<vmem>>[vector<16xi32>], vector<16xf32>,
          %parallel_loop3A_238 = arith.addf %parallel_loop3A_236, %parallel_loop3A_237 : vector<16xf32>
          %parallel_loop3A_239 = arith.constant 2.000000e-01 : f32
          %parallel_loop3A_240 = vector.broadcast %parallel_loop3A_239 : f32 to vector<16xf32>
          %parallel_loop3A_241 = arith.mulf %parallel_loop3A_238, %parallel_loop3A_240 : vector<16xf32>
          %parallel_loop3A_242 = arith.maximumf %parallel_loop3A_238, %parallel_loop3A_241 : vector<16xf32>
          %parallel_loop3A_243 = math.exp %parallel_loop3A_242 : vector<16xf32>
          %parallel_loop3A_244 = tpu.vector_load_idx %arg7[%parallel_loop3A_229] : memref<10240xf32, #tpu.memory_space<vmem>>[vector<16xi32>], vector<16xf32>,
          %parallel_loop3A_245 = arith.mulf %parallel_loop3A_243, %parallel_loop3A_244 : vector<16xf32>
          tpu.vector_store_idx %arg10[%parallel_loop3A_235], %parallel_loop3A_245 {add = true} : memref<10240xf32, #tpu.memory_space<vmem>>[vector<16xi32>], vector<16xf32>,
          %parallel_loop3A_246 = tpu.vector_load_idx %arg8[%parallel_loop3A_229] : memref<10240xf32, #tpu.memory_space<vmem>>[vector<16xi32>], vector<16xf32>,
          %parallel_loop3A_247 = arith.mulf %parallel_loop3A_243, %parallel_loop3A_246 : vector<16xf32>
          tpu.vector_store_idx %arg11[%parallel_loop3A_235], %parallel_loop3A_247 {add = true} : memref<10240xf32, #tpu.memory_space<vmem>>[vector<16xi32>], vector<16xf32>,
          %parallel_loop3A_248 = tpu.vector_load_idx %arg9[%parallel_loop3A_229] : memref<10240xf32, #tpu.memory_space<vmem>>[vector<16xi32>], vector<16xf32>,
          %parallel_loop3A_249 = arith.mulf %parallel_loop3A_243, %parallel_loop3A_248 : vector<16xf32>
          tpu.vector_store_idx %arg12[%parallel_loop3A_235], %parallel_loop3A_249 {add = true} : memref<10240xf32, #tpu.memory_space<vmem>>[vector<16xi32>], vector<16xf32>,
        } {sc.loop_unroll_factor = 2 : i64, sc.parallel_access}
        %add3A_132 = arith.constant 0 : i32
        %add3A_133 = arith.addi %mul3A_113, %add3A_132 : i32
        %add3A_134 = arith.constant 4 : i32
        %add3A_135 = arith.addi %add3A_133, %add3A_134 : i32
        %lt3A_136 = arith.constant 81 : i32
        %lt3A_137 = arith.cmpi slt, %add3A_135, %lt3A_136 : i32
        %convert_element_type3A_138 = arith.extui %lt3A_137 : i1 to i32
        %cond3A_139 = arith.constant 0 : i32
        %cond3A_140 = arith.cmpi ne, %convert_element_type3A_138, %cond3A_139 : i32
        scf.if %cond3A_140 {
          %add3A_222 = arith.constant 0 : i32
          %add3A_223 = arith.addi %mul3A_113, %add3A_222 : i32
          %add3A_224 = arith.constant 4 : i32
          %add3A_225 = arith.addi %add3A_223, %add3A_224 : i32
          %mul3A_226 = arith.constant 2048 : i32
          %mul3A_227 = arith.muli %add3A_225, %mul3A_226 : i32
          %add3A_228 = arith.addi %mul3A_1, %mul3A_227 : i32
          %multiple_of3A_229 = tpu.assume_multiple %add3A_228, 128 : i32
          %dma_start3A_230 = arith.constant 0 : i32
          %dma_start3A_231 = arith.constant 0 : i32
          %dma_start3A_232 = arith.constant 0 : i32
          %dma_start3A_233 = tpu.memref_slice %arg16[%dma_start3A_230, %dma_start3A_231, %dma_start3A_232] : memref<4x2x2048xi32, #tpu.memory_space<vmem>> -> memref<1x2x2048xi32, #tpu.memory_space<vmem>>
          %dma_start3A_234 = tpu.memref_squeeze %dma_start3A_233 : memref<1x2x2048xi32, #tpu.memory_space<vmem>> -> memref<2x2048xi32, #tpu.memory_space<vmem>>
          %dma_start3A_235 = arith.constant 0 : i32
          %dma_start3A_236 = tpu.memref_slice %arg2[%dma_start3A_235, %multiple_of3A_229] : memref<2x331776xi32, #tpu.memory_space<hbm>> -> memref<2x2048xi32, #tpu.memory_space<hbm>>
          %dma_start3A_237 = arith.constant 0 : i32
          %dma_start3A_238 = arith.constant 0 : i32
          %dma_start3A_239 = tpu.memref_slice %arg16[%dma_start3A_230, %dma_start3A_237, %dma_start3A_238] : memref<4x2x2048xi32, #tpu.memory_space<vmem>> -> memref<1x2x2048xi32, #tpu.memory_space<vmem>>
          %dma_start3A_240 = tpu.memref_squeeze %dma_start3A_239 : memref<1x2x2048xi32, #tpu.memory_space<vmem>> -> memref<2x2048xi32, #tpu.memory_space<vmem>>
          %dma_start3A_241 = arith.constant 0 : i32
          %dma_start3A_242 = tpu.memref_slice %arg2[%dma_start3A_241, %multiple_of3A_229] : memref<2x331776xi32, #tpu.memory_space<hbm>> -> memref<2x2048xi32, #tpu.memory_space<hbm>>
          tpu.enqueue_dma source(%dma_start3A_242 : memref<2x2048xi32, #tpu.memory_space<hbm>>) target(%dma_start3A_240 : memref<2x2048xi32, #tpu.memory_space<vmem>>) target_semaphore(%arg17 : memref<!tpu.dma_semaphore, #tpu.memory_space<semaphore_mem>>)
        } else {
        }
        %dma_wait3A_141 = arith.constant 1 : i32
        %dma_wait3A_142 = arith.constant 0 : i32
        %dma_wait3A_143 = arith.constant 0 : i32
        %dma_wait3A_144 = tpu.memref_slice %arg16[%dma_wait3A_141, %dma_wait3A_142, %dma_wait3A_143] : memref<4x2x2048xi32, #tpu.memory_space<vmem>> -> memref<1x2x2048xi32, #tpu.memory_space<vmem>>
        %dma_wait3A_145 = tpu.memref_squeeze %dma_wait3A_144 : memref<1x2x2048xi32, #tpu.memory_space<vmem>> -> memref<2x2048xi32, #tpu.memory_space<vmem>>
        %dma_wait3A_146 = arith.constant 0 : i32
        %dma_wait3A_147 = arith.constant 0 : i32
        %dma_wait3A_148 = tpu.memref_slice %arg2[%dma_wait3A_146, %dma_wait3A_147] : memref<2x331776xi32, #tpu.memory_space<hbm>> -> memref<2x2048xi32, #tpu.memory_space<hbm>>
        %dma_wait3A_149 = arith.constant 0 : i32
        %dma_wait3A_150 = arith.constant 0 : i32
        %dma_wait3A_151 = tpu.memref_slice %arg16[%dma_wait3A_141, %dma_wait3A_149, %dma_wait3A_150] : memref<4x2x2048xi32, #tpu.memory_space<vmem>> -> memref<1x2x2048xi32, #tpu.memory_space<vmem>>
        %dma_wait3A_152 = tpu.memref_squeeze %dma_wait3A_151 : memref<1x2x2048xi32, #tpu.memory_space<vmem>> -> memref<2x2048xi32, #tpu.memory_space<vmem>>
        %dma_wait3A_153 = arith.constant 0 : i32
        %dma_wait3A_154 = arith.constant 0 : i32
        %dma_wait3A_155 = tpu.memref_slice %arg2[%dma_wait3A_153, %dma_wait3A_154] : memref<2x331776xi32, #tpu.memory_space<hbm>> -> memref<2x2048xi32, #tpu.memory_space<hbm>>
        tpu.wait_dma2 semaphore(%arg18 : memref<!tpu.dma_semaphore, #tpu.memory_space<semaphore_mem>>) src(%dma_wait3A_155 : memref<2x2048xi32, #tpu.memory_space<hbm>>) dst(%dma_wait3A_152 : memref<2x2048xi32, #tpu.memory_space<vmem>>)
        %parallel_loop3A_156 = arith.constant 0 : i32
        %parallel_loop3A_157 = arith.constant 2048 : i32
        %parallel_loop3A_158 = arith.constant 16 : i32
        scf.for %parallel_loop3A_222 = %parallel_loop3A_156 to %parallel_loop3A_157 step %parallel_loop3A_158  : i32 {
          %parallel_loop3A_223 = tpu.assume_multiple %parallel_loop3A_222, 8 : i32
          %parallel_loop3A_224 = arith.constant 1 : i32
          %parallel_loop3A_225 = arith.constant 0 : i32
          %parallel_loop3A_226 = arith.index_cast %parallel_loop3A_224 : i32 to index
          %parallel_loop3A_227 = arith.index_cast %parallel_loop3A_225 : i32 to index
          %parallel_loop3A_228 = arith.index_cast %parallel_loop3A_223 : i32 to index
          %parallel_loop3A_229 = tpu.vector_load %arg16[%parallel_loop3A_226, %parallel_loop3A_227, %parallel_loop3A_228] {strides = array<i32>} : memref<4x2x2048xi32, #tpu.memory_space<vmem>>, vector<16xi32>,
          %parallel_loop3A_230 = arith.constant 1 : i32
          %parallel_loop3A_231 = arith.constant 1 : i32
          %parallel_loop3A_232 = arith.index_cast %parallel_loop3A_230 : i32 to index
          %parallel_loop3A_233 = arith.index_cast %parallel_loop3A_231 : i32 to index
          %parallel_loop3A_234 = arith.index_cast %parallel_loop3A_223 : i32 to index
          %parallel_loop3A_235 = tpu.vector_load %arg16[%parallel_loop3A_232, %parallel_loop3A_233, %parallel_loop3A_234] {strides = array<i32>} : memref<4x2x2048xi32, #tpu.memory_space<vmem>>, vector<16xi32>,
          %parallel_loop3A_236 = tpu.vector_load_idx %arg13[%parallel_loop3A_229] : memref<10240xf32, #tpu.memory_space<vmem>>[vector<16xi32>], vector<16xf32>,
          %parallel_loop3A_237 = tpu.vector_load_idx %arg14[%parallel_loop3A_235] : memref<10240xf32, #tpu.memory_space<vmem>>[vector<16xi32>], vector<16xf32>,
          %parallel_loop3A_238 = arith.addf %parallel_loop3A_236, %parallel_loop3A_237 : vector<16xf32>
          %parallel_loop3A_239 = arith.constant 2.000000e-01 : f32
          %parallel_loop3A_240 = vector.broadcast %parallel_loop3A_239 : f32 to vector<16xf32>
          %parallel_loop3A_241 = arith.mulf %parallel_loop3A_238, %parallel_loop3A_240 : vector<16xf32>
          %parallel_loop3A_242 = arith.maximumf %parallel_loop3A_238, %parallel_loop3A_241 : vector<16xf32>
          %parallel_loop3A_243 = math.exp %parallel_loop3A_242 : vector<16xf32>
          %parallel_loop3A_244 = tpu.vector_load_idx %arg7[%parallel_loop3A_229] : memref<10240xf32, #tpu.memory_space<vmem>>[vector<16xi32>], vector<16xf32>,
          %parallel_loop3A_245 = arith.mulf %parallel_loop3A_243, %parallel_loop3A_244 : vector<16xf32>
          tpu.vector_store_idx %arg10[%parallel_loop3A_235], %parallel_loop3A_245 {add = true} : memref<10240xf32, #tpu.memory_space<vmem>>[vector<16xi32>], vector<16xf32>,
          %parallel_loop3A_246 = tpu.vector_load_idx %arg8[%parallel_loop3A_229] : memref<10240xf32, #tpu.memory_space<vmem>>[vector<16xi32>], vector<16xf32>,
          %parallel_loop3A_247 = arith.mulf %parallel_loop3A_243, %parallel_loop3A_246 : vector<16xf32>
          tpu.vector_store_idx %arg11[%parallel_loop3A_235], %parallel_loop3A_247 {add = true} : memref<10240xf32, #tpu.memory_space<vmem>>[vector<16xi32>], vector<16xf32>,
          %parallel_loop3A_248 = tpu.vector_load_idx %arg9[%parallel_loop3A_229] : memref<10240xf32, #tpu.memory_space<vmem>>[vector<16xi32>], vector<16xf32>,
          %parallel_loop3A_249 = arith.mulf %parallel_loop3A_243, %parallel_loop3A_248 : vector<16xf32>
          tpu.vector_store_idx %arg12[%parallel_loop3A_235], %parallel_loop3A_249 {add = true} : memref<10240xf32, #tpu.memory_space<vmem>>[vector<16xi32>], vector<16xf32>,
        } {sc.loop_unroll_factor = 2 : i64, sc.parallel_access}
        %add3A_159 = arith.constant 1 : i32
        %add3A_160 = arith.addi %mul3A_113, %add3A_159 : i32
        %add3A_161 = arith.constant 4 : i32
        %add3A_162 = arith.addi %add3A_160, %add3A_161 : i32
        %lt3A_163 = arith.constant 81 : i32
        %lt3A_164 = arith.cmpi slt, %add3A_162, %lt3A_163 : i32
        %convert_element_type3A_165 = arith.extui %lt3A_164 : i1 to i32
        %cond3A_166 = arith.constant 0 : i32
        %cond3A_167 = arith.cmpi ne, %convert_element_type3A_165, %cond3A_166 : i32
        scf.if %cond3A_167 {
          %add3A_222 = arith.constant 1 : i32
          %add3A_223 = arith.addi %mul3A_113, %add3A_222 : i32
          %add3A_224 = arith.constant 4 : i32
          %add3A_225 = arith.addi %add3A_223, %add3A_224 : i32
          %mul3A_226 = arith.constant 2048 : i32
          %mul3A_227 = arith.muli %add3A_225, %mul3A_226 : i32
          %add3A_228 = arith.addi %mul3A_1, %mul3A_227 : i32
          %multiple_of3A_229 = tpu.assume_multiple %add3A_228, 128 : i32
          %dma_start3A_230 = arith.constant 1 : i32
          %dma_start3A_231 = arith.constant 0 : i32
          %dma_start3A_232 = arith.constant 0 : i32
          %dma_start3A_233 = tpu.memref_slice %arg16[%dma_start3A_230, %dma_start3A_231, %dma_start3A_232] : memref<4x2x2048xi32, #tpu.memory_space<vmem>> -> memref<1x2x2048xi32, #tpu.memory_space<vmem>>
          %dma_start3A_234 = tpu.memref_squeeze %dma_start3A_233 : memref<1x2x2048xi32, #tpu.memory_space<vmem>> -> memref<2x2048xi32, #tpu.memory_space<vmem>>
          %dma_start3A_235 = arith.constant 0 : i32
          %dma_start3A_236 = tpu.memref_slice %arg2[%dma_start3A_235, %multiple_of3A_229] : memref<2x331776xi32, #tpu.memory_space<hbm>> -> memref<2x2048xi32, #tpu.memory_space<hbm>>
          %dma_start3A_237 = arith.constant 0 : i32
          %dma_start3A_238 = arith.constant 0 : i32
          %dma_start3A_239 = tpu.memref_slice %arg16[%dma_start3A_230, %dma_start3A_237, %dma_start3A_238] : memref<4x2x2048xi32, #tpu.memory_space<vmem>> -> memref<1x2x2048xi32, #tpu.memory_space<vmem>>
          %dma_start3A_240 = tpu.memref_squeeze %dma_start3A_239 : memref<1x2x2048xi32, #tpu.memory_space<vmem>> -> memref<2x2048xi32, #tpu.memory_space<vmem>>
          %dma_start3A_241 = arith.constant 0 : i32
          %dma_start3A_242 = tpu.memref_slice %arg2[%dma_start3A_241, %multiple_of3A_229] : memref<2x331776xi32, #tpu.memory_space<hbm>> -> memref<2x2048xi32, #tpu.memory_space<hbm>>
          tpu.enqueue_dma source(%dma_start3A_242 : memref<2x2048xi32, #tpu.memory_space<hbm>>) target(%dma_start3A_240 : memref<2x2048xi32, #tpu.memory_space<vmem>>) target_semaphore(%arg18 : memref<!tpu.dma_semaphore, #tpu.memory_space<semaphore_mem>>)
        } else {
        }
        %dma_wait3A_168 = arith.constant 2 : i32
        %dma_wait3A_169 = arith.constant 0 : i32
        %dma_wait3A_170 = arith.constant 0 : i32
        %dma_wait3A_171 = tpu.memref_slice %arg16[%dma_wait3A_168, %dma_wait3A_169, %dma_wait3A_170] : memref<4x2x2048xi32, #tpu.memory_space<vmem>> -> memref<1x2x2048xi32, #tpu.memory_space<vmem>>
        %dma_wait3A_172 = tpu.memref_squeeze %dma_wait3A_171 : memref<1x2x2048xi32, #tpu.memory_space<vmem>> -> memref<2x2048xi32, #tpu.memory_space<vmem>>
        %dma_wait3A_173 = arith.constant 0 : i32
        %dma_wait3A_174 = arith.constant 0 : i32
        %dma_wait3A_175 = tpu.memref_slice %arg2[%dma_wait3A_173, %dma_wait3A_174] : memref<2x331776xi32, #tpu.memory_space<hbm>> -> memref<2x2048xi32, #tpu.memory_space<hbm>>
        %dma_wait3A_176 = arith.constant 0 : i32
        %dma_wait3A_177 = arith.constant 0 : i32
        %dma_wait3A_178 = tpu.memref_slice %arg16[%dma_wait3A_168, %dma_wait3A_176, %dma_wait3A_177] : memref<4x2x2048xi32, #tpu.memory_space<vmem>> -> memref<1x2x2048xi32, #tpu.memory_space<vmem>>
        %dma_wait3A_179 = tpu.memref_squeeze %dma_wait3A_178 : memref<1x2x2048xi32, #tpu.memory_space<vmem>> -> memref<2x2048xi32, #tpu.memory_space<vmem>>
        %dma_wait3A_180 = arith.constant 0 : i32
        %dma_wait3A_181 = arith.constant 0 : i32
        %dma_wait3A_182 = tpu.memref_slice %arg2[%dma_wait3A_180, %dma_wait3A_181] : memref<2x331776xi32, #tpu.memory_space<hbm>> -> memref<2x2048xi32, #tpu.memory_space<hbm>>
        tpu.wait_dma2 semaphore(%arg19 : memref<!tpu.dma_semaphore, #tpu.memory_space<semaphore_mem>>) src(%dma_wait3A_182 : memref<2x2048xi32, #tpu.memory_space<hbm>>) dst(%dma_wait3A_179 : memref<2x2048xi32, #tpu.memory_space<vmem>>)
        %parallel_loop3A_183 = arith.constant 0 : i32
        %parallel_loop3A_184 = arith.constant 2048 : i32
        %parallel_loop3A_185 = arith.constant 16 : i32
        scf.for %parallel_loop3A_222 = %parallel_loop3A_183 to %parallel_loop3A_184 step %parallel_loop3A_185  : i32 {
          %parallel_loop3A_223 = tpu.assume_multiple %parallel_loop3A_222, 8 : i32
          %parallel_loop3A_224 = arith.constant 2 : i32
          %parallel_loop3A_225 = arith.constant 0 : i32
          %parallel_loop3A_226 = arith.index_cast %parallel_loop3A_224 : i32 to index
          %parallel_loop3A_227 = arith.index_cast %parallel_loop3A_225 : i32 to index
          %parallel_loop3A_228 = arith.index_cast %parallel_loop3A_223 : i32 to index
          %parallel_loop3A_229 = tpu.vector_load %arg16[%parallel_loop3A_226, %parallel_loop3A_227, %parallel_loop3A_228] {strides = array<i32>} : memref<4x2x2048xi32, #tpu.memory_space<vmem>>, vector<16xi32>,
          %parallel_loop3A_230 = arith.constant 2 : i32
          %parallel_loop3A_231 = arith.constant 1 : i32
          %parallel_loop3A_232 = arith.index_cast %parallel_loop3A_230 : i32 to index
          %parallel_loop3A_233 = arith.index_cast %parallel_loop3A_231 : i32 to index
          %parallel_loop3A_234 = arith.index_cast %parallel_loop3A_223 : i32 to index
          %parallel_loop3A_235 = tpu.vector_load %arg16[%parallel_loop3A_232, %parallel_loop3A_233, %parallel_loop3A_234] {strides = array<i32>} : memref<4x2x2048xi32, #tpu.memory_space<vmem>>, vector<16xi32>,
          %parallel_loop3A_236 = tpu.vector_load_idx %arg13[%parallel_loop3A_229] : memref<10240xf32, #tpu.memory_space<vmem>>[vector<16xi32>], vector<16xf32>,
          %parallel_loop3A_237 = tpu.vector_load_idx %arg14[%parallel_loop3A_235] : memref<10240xf32, #tpu.memory_space<vmem>>[vector<16xi32>], vector<16xf32>,
          %parallel_loop3A_238 = arith.addf %parallel_loop3A_236, %parallel_loop3A_237 : vector<16xf32>
          %parallel_loop3A_239 = arith.constant 2.000000e-01 : f32
          %parallel_loop3A_240 = vector.broadcast %parallel_loop3A_239 : f32 to vector<16xf32>
          %parallel_loop3A_241 = arith.mulf %parallel_loop3A_238, %parallel_loop3A_240 : vector<16xf32>
          %parallel_loop3A_242 = arith.maximumf %parallel_loop3A_238, %parallel_loop3A_241 : vector<16xf32>
          %parallel_loop3A_243 = math.exp %parallel_loop3A_242 : vector<16xf32>
          %parallel_loop3A_244 = tpu.vector_load_idx %arg7[%parallel_loop3A_229] : memref<10240xf32, #tpu.memory_space<vmem>>[vector<16xi32>], vector<16xf32>,
          %parallel_loop3A_245 = arith.mulf %parallel_loop3A_243, %parallel_loop3A_244 : vector<16xf32>
          tpu.vector_store_idx %arg10[%parallel_loop3A_235], %parallel_loop3A_245 {add = true} : memref<10240xf32, #tpu.memory_space<vmem>>[vector<16xi32>], vector<16xf32>,
          %parallel_loop3A_246 = tpu.vector_load_idx %arg8[%parallel_loop3A_229] : memref<10240xf32, #tpu.memory_space<vmem>>[vector<16xi32>], vector<16xf32>,
          %parallel_loop3A_247 = arith.mulf %parallel_loop3A_243, %parallel_loop3A_246 : vector<16xf32>
          tpu.vector_store_idx %arg11[%parallel_loop3A_235], %parallel_loop3A_247 {add = true} : memref<10240xf32, #tpu.memory_space<vmem>>[vector<16xi32>], vector<16xf32>,
          %parallel_loop3A_248 = tpu.vector_load_idx %arg9[%parallel_loop3A_229] : memref<10240xf32, #tpu.memory_space<vmem>>[vector<16xi32>], vector<16xf32>,
          %parallel_loop3A_249 = arith.mulf %parallel_loop3A_243, %parallel_loop3A_248 : vector<16xf32>
          tpu.vector_store_idx %arg12[%parallel_loop3A_235], %parallel_loop3A_249 {add = true} : memref<10240xf32, #tpu.memory_space<vmem>>[vector<16xi32>], vector<16xf32>,
        } {sc.loop_unroll_factor = 2 : i64, sc.parallel_access}
        %add3A_186 = arith.constant 2 : i32
        %add3A_187 = arith.addi %mul3A_113, %add3A_186 : i32
        %add3A_188 = arith.constant 4 : i32
        %add3A_189 = arith.addi %add3A_187, %add3A_188 : i32
        %lt3A_190 = arith.constant 81 : i32
        %lt3A_191 = arith.cmpi slt, %add3A_189, %lt3A_190 : i32
        %convert_element_type3A_192 = arith.extui %lt3A_191 : i1 to i32
        %cond3A_193 = arith.constant 0 : i32
        %cond3A_194 = arith.cmpi ne, %convert_element_type3A_192, %cond3A_193 : i32
        scf.if %cond3A_194 {
          %add3A_222 = arith.constant 2 : i32
          %add3A_223 = arith.addi %mul3A_113, %add3A_222 : i32
          %add3A_224 = arith.constant 4 : i32
          %add3A_225 = arith.addi %add3A_223, %add3A_224 : i32
          %mul3A_226 = arith.constant 2048 : i32
          %mul3A_227 = arith.muli %add3A_225, %mul3A_226 : i32
          %add3A_228 = arith.addi %mul3A_1, %mul3A_227 : i32
          %multiple_of3A_229 = tpu.assume_multiple %add3A_228, 128 : i32
          %dma_start3A_230 = arith.constant 2 : i32
          %dma_start3A_231 = arith.constant 0 : i32
          %dma_start3A_232 = arith.constant 0 : i32
          %dma_start3A_233 = tpu.memref_slice %arg16[%dma_start3A_230, %dma_start3A_231, %dma_start3A_232] : memref<4x2x2048xi32, #tpu.memory_space<vmem>> -> memref<1x2x2048xi32, #tpu.memory_space<vmem>>
          %dma_start3A_234 = tpu.memref_squeeze %dma_start3A_233 : memref<1x2x2048xi32, #tpu.memory_space<vmem>> -> memref<2x2048xi32, #tpu.memory_space<vmem>>
          %dma_start3A_235 = arith.constant 0 : i32
          %dma_start3A_236 = tpu.memref_slice %arg2[%dma_start3A_235, %multiple_of3A_229] : memref<2x331776xi32, #tpu.memory_space<hbm>> -> memref<2x2048xi32, #tpu.memory_space<hbm>>
          %dma_start3A_237 = arith.constant 0 : i32
          %dma_start3A_238 = arith.constant 0 : i32
          %dma_start3A_239 = tpu.memref_slice %arg16[%dma_start3A_230, %dma_start3A_237, %dma_start3A_238] : memref<4x2x2048xi32, #tpu.memory_space<vmem>> -> memref<1x2x2048xi32, #tpu.memory_space<vmem>>
          %dma_start3A_240 = tpu.memref_squeeze %dma_start3A_239 : memref<1x2x2048xi32, #tpu.memory_space<vmem>> -> memref<2x2048xi32, #tpu.memory_space<vmem>>
          %dma_start3A_241 = arith.constant 0 : i32
          %dma_start3A_242 = tpu.memref_slice %arg2[%dma_start3A_241, %multiple_of3A_229] : memref<2x331776xi32, #tpu.memory_space<hbm>> -> memref<2x2048xi32, #tpu.memory_space<hbm>>
          tpu.enqueue_dma source(%dma_start3A_242 : memref<2x2048xi32, #tpu.memory_space<hbm>>) target(%dma_start3A_240 : memref<2x2048xi32, #tpu.memory_space<vmem>>) target_semaphore(%arg19 : memref<!tpu.dma_semaphore, #tpu.memory_space<semaphore_mem>>)
        } else {
        }
        %dma_wait3A_195 = arith.constant 3 : i32
        %dma_wait3A_196 = arith.constant 0 : i32
        %dma_wait3A_197 = arith.constant 0 : i32
        %dma_wait3A_198 = tpu.memref_slice %arg16[%dma_wait3A_195, %dma_wait3A_196, %dma_wait3A_197] : memref<4x2x2048xi32, #tpu.memory_space<vmem>> -> memref<1x2x2048xi32, #tpu.memory_space<vmem>>
        %dma_wait3A_199 = tpu.memref_squeeze %dma_wait3A_198 : memref<1x2x2048xi32, #tpu.memory_space<vmem>> -> memref<2x2048xi32, #tpu.memory_space<vmem>>
        %dma_wait3A_200 = arith.constant 0 : i32
        %dma_wait3A_201 = arith.constant 0 : i32
        %dma_wait3A_202 = tpu.memref_slice %arg2[%dma_wait3A_200, %dma_wait3A_201] : memref<2x331776xi32, #tpu.memory_space<hbm>> -> memref<2x2048xi32, #tpu.memory_space<hbm>>
        %dma_wait3A_203 = arith.constant 0 : i32
        %dma_wait3A_204 = arith.constant 0 : i32
        %dma_wait3A_205 = tpu.memref_slice %arg16[%dma_wait3A_195, %dma_wait3A_203, %dma_wait3A_204] : memref<4x2x2048xi32, #tpu.memory_space<vmem>> -> memref<1x2x2048xi32, #tpu.memory_space<vmem>>
        %dma_wait3A_206 = tpu.memref_squeeze %dma_wait3A_205 : memref<1x2x2048xi32, #tpu.memory_space<vmem>> -> memref<2x2048xi32, #tpu.memory_space<vmem>>
        %dma_wait3A_207 = arith.constant 0 : i32
        %dma_wait3A_208 = arith.constant 0 : i32
        %dma_wait3A_209 = tpu.memref_slice %arg2[%dma_wait3A_207, %dma_wait3A_208] : memref<2x331776xi32, #tpu.memory_space<hbm>> -> memref<2x2048xi32, #tpu.memory_space<hbm>>
        tpu.wait_dma2 semaphore(%arg20 : memref<!tpu.dma_semaphore, #tpu.memory_space<semaphore_mem>>) src(%dma_wait3A_209 : memref<2x2048xi32, #tpu.memory_space<hbm>>) dst(%dma_wait3A_206 : memref<2x2048xi32, #tpu.memory_space<vmem>>)
        %parallel_loop3A_210 = arith.constant 0 : i32
        %parallel_loop3A_211 = arith.constant 2048 : i32
        %parallel_loop3A_212 = arith.constant 16 : i32
        scf.for %parallel_loop3A_222 = %parallel_loop3A_210 to %parallel_loop3A_211 step %parallel_loop3A_212  : i32 {
          %parallel_loop3A_223 = tpu.assume_multiple %parallel_loop3A_222, 8 : i32
          %parallel_loop3A_224 = arith.constant 3 : i32
          %parallel_loop3A_225 = arith.constant 0 : i32
          %parallel_loop3A_226 = arith.index_cast %parallel_loop3A_224 : i32 to index
          %parallel_loop3A_227 = arith.index_cast %parallel_loop3A_225 : i32 to index
          %parallel_loop3A_228 = arith.index_cast %parallel_loop3A_223 : i32 to index
          %parallel_loop3A_229 = tpu.vector_load %arg16[%parallel_loop3A_226, %parallel_loop3A_227, %parallel_loop3A_228] {strides = array<i32>} : memref<4x2x2048xi32, #tpu.memory_space<vmem>>, vector<16xi32>,
          %parallel_loop3A_230 = arith.constant 3 : i32
          %parallel_loop3A_231 = arith.constant 1 : i32
          %parallel_loop3A_232 = arith.index_cast %parallel_loop3A_230 : i32 to index
          %parallel_loop3A_233 = arith.index_cast %parallel_loop3A_231 : i32 to index
          %parallel_loop3A_234 = arith.index_cast %parallel_loop3A_223 : i32 to index
          %parallel_loop3A_235 = tpu.vector_load %arg16[%parallel_loop3A_232, %parallel_loop3A_233, %parallel_loop3A_234] {strides = array<i32>} : memref<4x2x2048xi32, #tpu.memory_space<vmem>>, vector<16xi32>,
          %parallel_loop3A_236 = tpu.vector_load_idx %arg13[%parallel_loop3A_229] : memref<10240xf32, #tpu.memory_space<vmem>>[vector<16xi32>], vector<16xf32>,
          %parallel_loop3A_237 = tpu.vector_load_idx %arg14[%parallel_loop3A_235] : memref<10240xf32, #tpu.memory_space<vmem>>[vector<16xi32>], vector<16xf32>,
          %parallel_loop3A_238 = arith.addf %parallel_loop3A_236, %parallel_loop3A_237 : vector<16xf32>
          %parallel_loop3A_239 = arith.constant 2.000000e-01 : f32
          %parallel_loop3A_240 = vector.broadcast %parallel_loop3A_239 : f32 to vector<16xf32>
          %parallel_loop3A_241 = arith.mulf %parallel_loop3A_238, %parallel_loop3A_240 : vector<16xf32>
          %parallel_loop3A_242 = arith.maximumf %parallel_loop3A_238, %parallel_loop3A_241 : vector<16xf32>
          %parallel_loop3A_243 = math.exp %parallel_loop3A_242 : vector<16xf32>
          %parallel_loop3A_244 = tpu.vector_load_idx %arg7[%parallel_loop3A_229] : memref<10240xf32, #tpu.memory_space<vmem>>[vector<16xi32>], vector<16xf32>,
          %parallel_loop3A_245 = arith.mulf %parallel_loop3A_243, %parallel_loop3A_244 : vector<16xf32>
          tpu.vector_store_idx %arg10[%parallel_loop3A_235], %parallel_loop3A_245 {add = true} : memref<10240xf32, #tpu.memory_space<vmem>>[vector<16xi32>], vector<16xf32>,
          %parallel_loop3A_246 = tpu.vector_load_idx %arg8[%parallel_loop3A_229] : memref<10240xf32, #tpu.memory_space<vmem>>[vector<16xi32>], vector<16xf32>,
          %parallel_loop3A_247 = arith.mulf %parallel_loop3A_243, %parallel_loop3A_246 : vector<16xf32>
          tpu.vector_store_idx %arg11[%parallel_loop3A_235], %parallel_loop3A_247 {add = true} : memref<10240xf32, #tpu.memory_space<vmem>>[vector<16xi32>], vector<16xf32>,
          %parallel_loop3A_248 = tpu.vector_load_idx %arg9[%parallel_loop3A_229] : memref<10240xf32, #tpu.memory_space<vmem>>[vector<16xi32>], vector<16xf32>,
          %parallel_loop3A_249 = arith.mulf %parallel_loop3A_243, %parallel_loop3A_248 : vector<16xf32>
          tpu.vector_store_idx %arg12[%parallel_loop3A_235], %parallel_loop3A_249 {add = true} : memref<10240xf32, #tpu.memory_space<vmem>>[vector<16xi32>], vector<16xf32>,
        } {sc.loop_unroll_factor = 2 : i64, sc.parallel_access}
        %add3A_213 = arith.constant 3 : i32
        %add3A_214 = arith.addi %mul3A_113, %add3A_213 : i32
        %add3A_215 = arith.constant 4 : i32
        %add3A_216 = arith.addi %add3A_214, %add3A_215 : i32
        %lt3A_217 = arith.constant 81 : i32
        %lt3A_218 = arith.cmpi slt, %add3A_216, %lt3A_217 : i32
        %convert_element_type3A_219 = arith.extui %lt3A_218 : i1 to i32
        %cond3A_220 = arith.constant 0 : i32
        %cond3A_221 = arith.cmpi ne, %convert_element_type3A_219, %cond3A_220 : i32
        scf.if %cond3A_221 {
          %add3A_222 = arith.constant 3 : i32
          %add3A_223 = arith.addi %mul3A_113, %add3A_222 : i32
          %add3A_224 = arith.constant 4 : i32
          %add3A_225 = arith.addi %add3A_223, %add3A_224 : i32
          %mul3A_226 = arith.constant 2048 : i32
          %mul3A_227 = arith.muli %add3A_225, %mul3A_226 : i32
          %add3A_228 = arith.addi %mul3A_1, %mul3A_227 : i32
          %multiple_of3A_229 = tpu.assume_multiple %add3A_228, 128 : i32
          %dma_start3A_230 = arith.constant 3 : i32
          %dma_start3A_231 = arith.constant 0 : i32
          %dma_start3A_232 = arith.constant 0 : i32
          %dma_start3A_233 = tpu.memref_slice %arg16[%dma_start3A_230, %dma_start3A_231, %dma_start3A_232] : memref<4x2x2048xi32, #tpu.memory_space<vmem>> -> memref<1x2x2048xi32, #tpu.memory_space<vmem>>
          %dma_start3A_234 = tpu.memref_squeeze %dma_start3A_233 : memref<1x2x2048xi32, #tpu.memory_space<vmem>> -> memref<2x2048xi32, #tpu.memory_space<vmem>>
          %dma_start3A_235 = arith.constant 0 : i32
          %dma_start3A_236 = tpu.memref_slice %arg2[%dma_start3A_235, %multiple_of3A_229] : memref<2x331776xi32, #tpu.memory_space<hbm>> -> memref<2x2048xi32, #tpu.memory_space<hbm>>
          %dma_start3A_237 = arith.constant 0 : i32
          %dma_start3A_238 = arith.constant 0 : i32
          %dma_start3A_239 = tpu.memref_slice %arg16[%dma_start3A_230, %dma_start3A_237, %dma_start3A_238] : memref<4x2x2048xi32, #tpu.memory_space<vmem>> -> memref<1x2x2048xi32, #tpu.memory_space<vmem>>
          %dma_start3A_240 = tpu.memref_squeeze %dma_start3A_239 : memref<1x2x2048xi32, #tpu.memory_space<vmem>> -> memref<2x2048xi32, #tpu.memory_space<vmem>>
          %dma_start3A_241 = arith.constant 0 : i32
          %dma_start3A_242 = tpu.memref_slice %arg2[%dma_start3A_241, %multiple_of3A_229] : memref<2x331776xi32, #tpu.memory_space<hbm>> -> memref<2x2048xi32, #tpu.memory_space<hbm>>
          tpu.enqueue_dma source(%dma_start3A_242 : memref<2x2048xi32, #tpu.memory_space<hbm>>) target(%dma_start3A_240 : memref<2x2048xi32, #tpu.memory_space<vmem>>) target_semaphore(%arg20 : memref<!tpu.dma_semaphore, #tpu.memory_space<semaphore_mem>>)
        } else {
        }
      }
      %scan3A_83 = arith.constant 20 : i32
      %dma_wait3A = arith.constant 0 : i32
      %dma_wait3A_84 = arith.constant 0 : i32
      %dma_wait3A_85 = arith.constant 0 : i32
      %dma_wait3A_86 = tpu.memref_slice %arg16[%dma_wait3A, %dma_wait3A_84, %dma_wait3A_85] : memref<4x2x2048xi32, #tpu.memory_space<vmem>> -> memref<1x2x2048xi32, #tpu.memory_space<vmem>>
      %dma_wait3A_87 = tpu.memref_squeeze %dma_wait3A_86 : memref<1x2x2048xi32, #tpu.memory_space<vmem>> -> memref<2x2048xi32, #tpu.memory_space<vmem>>
      %dma_wait3A_88 = arith.constant 0 : i32
      %dma_wait3A_89 = arith.constant 0 : i32
      %dma_wait3A_90 = tpu.memref_slice %arg2[%dma_wait3A_88, %dma_wait3A_89] : memref<2x331776xi32, #tpu.memory_space<hbm>> -> memref<2x2048xi32, #tpu.memory_space<hbm>>
      %dma_wait3A_91 = arith.constant 0 : i32
      %dma_wait3A_92 = arith.constant 0 : i32
      %dma_wait3A_93 = tpu.memref_slice %arg16[%dma_wait3A, %dma_wait3A_91, %dma_wait3A_92] : memref<4x2x2048xi32, #tpu.memory_space<vmem>> -> memref<1x2x2048xi32, #tpu.memory_space<vmem>>
      %dma_wait3A_94 = tpu.memref_squeeze %dma_wait3A_93 : memref<1x2x2048xi32, #tpu.memory_space<vmem>> -> memref<2x2048xi32, #tpu.memory_space<vmem>>
      %dma_wait3A_95 = arith.constant 0 : i32
      %dma_wait3A_96 = arith.constant 0 : i32
      %dma_wait3A_97 = tpu.memref_slice %arg2[%dma_wait3A_95, %dma_wait3A_96] : memref<2x331776xi32, #tpu.memory_space<hbm>> -> memref<2x2048xi32, #tpu.memory_space<hbm>>
      tpu.wait_dma2 semaphore(%arg17 : memref<!tpu.dma_semaphore, #tpu.memory_space<semaphore_mem>>) src(%dma_wait3A_97 : memref<2x2048xi32, #tpu.memory_space<hbm>>) dst(%dma_wait3A_94 : memref<2x2048xi32, #tpu.memory_space<vmem>>)
      %parallel_loop3A_98 = arith.constant 0 : i32
      %parallel_loop3A_99 = arith.constant 2048 : i32
      %parallel_loop3A_100 = arith.constant 16 : i32
      scf.for %parallel_loop3A_107 = %parallel_loop3A_98 to %parallel_loop3A_99 step %parallel_loop3A_100  : i32 {
        %parallel_loop3A_108 = tpu.assume_multiple %parallel_loop3A_107, 8 : i32
        %parallel_loop3A_109 = arith.constant 0 : i32
        %parallel_loop3A_110 = arith.constant 0 : i32
        %parallel_loop3A_111 = arith.index_cast %parallel_loop3A_109 : i32 to index
        %parallel_loop3A_112 = arith.index_cast %parallel_loop3A_110 : i32 to index
        %parallel_loop3A_113 = arith.index_cast %parallel_loop3A_108 : i32 to index
        %parallel_loop3A_114 = tpu.vector_load %arg16[%parallel_loop3A_111, %parallel_loop3A_112, %parallel_loop3A_113] {strides = array<i32>} : memref<4x2x2048xi32, #tpu.memory_space<vmem>>, vector<16xi32>,
        %parallel_loop3A_115 = arith.constant 0 : i32
        %parallel_loop3A_116 = arith.constant 1 : i32
        %parallel_loop3A_117 = arith.index_cast %parallel_loop3A_115 : i32 to index
        %parallel_loop3A_118 = arith.index_cast %parallel_loop3A_116 : i32 to index
        %parallel_loop3A_119 = arith.index_cast %parallel_loop3A_108 : i32 to index
        %parallel_loop3A_120 = tpu.vector_load %arg16[%parallel_loop3A_117, %parallel_loop3A_118, %parallel_loop3A_119] {strides = array<i32>} : memref<4x2x2048xi32, #tpu.memory_space<vmem>>, vector<16xi32>,
        %parallel_loop3A_121 = tpu.vector_load_idx %arg13[%parallel_loop3A_114] : memref<10240xf32, #tpu.memory_space<vmem>>[vector<16xi32>], vector<16xf32>,
        %parallel_loop3A_122 = tpu.vector_load_idx %arg14[%parallel_loop3A_120] : memref<10240xf32, #tpu.memory_space<vmem>>[vector<16xi32>], vector<16xf32>,
        %parallel_loop3A_123 = arith.addf %parallel_loop3A_121, %parallel_loop3A_122 : vector<16xf32>
        %parallel_loop3A_124 = arith.constant 2.000000e-01 : f32
        %parallel_loop3A_125 = vector.broadcast %parallel_loop3A_124 : f32 to vector<16xf32>
        %parallel_loop3A_126 = arith.mulf %parallel_loop3A_123, %parallel_loop3A_125 : vector<16xf32>
        %parallel_loop3A_127 = arith.maximumf %parallel_loop3A_123, %parallel_loop3A_126 : vector<16xf32>
        %parallel_loop3A_128 = math.exp %parallel_loop3A_127 : vector<16xf32>
        %parallel_loop3A_129 = tpu.vector_load_idx %arg7[%parallel_loop3A_114] : memref<10240xf32, #tpu.memory_space<vmem>>[vector<16xi32>], vector<16xf32>,
        %parallel_loop3A_130 = arith.mulf %parallel_loop3A_128, %parallel_loop3A_129 : vector<16xf32>
        tpu.vector_store_idx %arg10[%parallel_loop3A_120], %parallel_loop3A_130 {add = true} : memref<10240xf32, #tpu.memory_space<vmem>>[vector<16xi32>], vector<16xf32>,
        %parallel_loop3A_131 = tpu.vector_load_idx %arg8[%parallel_loop3A_114] : memref<10240xf32, #tpu.memory_space<vmem>>[vector<16xi32>], vector<16xf32>,
        %parallel_loop3A_132 = arith.mulf %parallel_loop3A_128, %parallel_loop3A_131 : vector<16xf32>
        tpu.vector_store_idx %arg11[%parallel_loop3A_120], %parallel_loop3A_132 {add = true} : memref<10240xf32, #tpu.memory_space<vmem>>[vector<16xi32>], vector<16xf32>,
        %parallel_loop3A_133 = tpu.vector_load_idx %arg9[%parallel_loop3A_114] : memref<10240xf32, #tpu.memory_space<vmem>>[vector<16xi32>], vector<16xf32>,
        %parallel_loop3A_134 = arith.mulf %parallel_loop3A_128, %parallel_loop3A_133 : vector<16xf32>
        tpu.vector_store_idx %arg12[%parallel_loop3A_120], %parallel_loop3A_134 {add = true} : memref<10240xf32, #tpu.memory_space<vmem>>[vector<16xi32>], vector<16xf32>,
      } {sc.loop_unroll_factor = 2 : i64, sc.parallel_access}
      %add3A_101 = arith.constant 0 : i32
      %add3A_102 = arith.addi %mul3A_9, %add3A_101 : i32
      "tpu.region"() ({
        %run_scoped3A_107 = tpu.sem_alloc : memref<!tpu.dma_semaphore, #tpu.memory_space<semaphore_mem>>
        %dma_start3A_108 = arith.constant 0 : i32
        %dma_start3A_109 = tpu.memref_slice %arg5[%arg0, %add3A_102, %dma_start3A_108] : memref<2x40x10240xf32, #tpu.memory_space<hbm>> -> memref<1x1x10240xf32, #tpu.memory_space<hbm>>
        %dma_start3A_110 = tpu.memref_squeeze %dma_start3A_109 : memref<1x1x10240xf32, #tpu.memory_space<hbm>> -> memref<10240xf32, #tpu.memory_space<hbm>>
        %dma_start3A_111 = arith.constant 0 : i32
        %dma_start3A_112 = tpu.memref_slice %arg5[%arg0, %add3A_102, %dma_start3A_111] : memref<2x40x10240xf32, #tpu.memory_space<hbm>> -> memref<1x1x10240xf32, #tpu.memory_space<hbm>>
        %dma_start3A_113 = tpu.memref_squeeze %dma_start3A_112 : memref<1x1x10240xf32, #tpu.memory_space<hbm>> -> memref<10240xf32, #tpu.memory_space<hbm>>
        tpu.enqueue_dma source(%arg10 : memref<10240xf32, #tpu.memory_space<vmem>>) target(%dma_start3A_113 : memref<10240xf32, #tpu.memory_space<hbm>>) target_semaphore(%run_scoped3A_107 : memref<!tpu.dma_semaphore, #tpu.memory_space<semaphore_mem>>)
        %dma_wait3A_114 = arith.constant 0 : i32
        %dma_wait3A_115 = tpu.memref_slice %arg5[%arg0, %add3A_102, %dma_wait3A_114] : memref<2x40x10240xf32, #tpu.memory_space<hbm>> -> memref<1x1x10240xf32, #tpu.memory_space<hbm>>
        %dma_wait3A_116 = tpu.memref_squeeze %dma_wait3A_115 : memref<1x1x10240xf32, #tpu.memory_space<hbm>> -> memref<10240xf32, #tpu.memory_space<hbm>>
        %dma_wait3A_117 = arith.constant 0 : i32
        %dma_wait3A_118 = tpu.memref_slice %arg5[%arg0, %add3A_102, %dma_wait3A_117] : memref<2x40x10240xf32, #tpu.memory_space<hbm>> -> memref<1x1x10240xf32, #tpu.memory_space<hbm>>
        %dma_wait3A_119 = tpu.memref_squeeze %dma_wait3A_118 : memref<1x1x10240xf32, #tpu.memory_space<hbm>> -> memref<10240xf32, #tpu.memory_space<hbm>>
        tpu.wait_dma2 semaphore(%run_scoped3A_107 : memref<!tpu.dma_semaphore, #tpu.memory_space<semaphore_mem>>) src(%arg10 : memref<10240xf32, #tpu.memory_space<vmem>>) dst(%dma_wait3A_119 : memref<10240xf32, #tpu.memory_space<hbm>>)
        tpu.yield
      }) : () -> ()
      %add3A_103 = arith.constant 1 : i32
      %add3A_104 = arith.addi %mul3A_9, %add3A_103 : i32
      "tpu.region"() ({
        %run_scoped3A_107 = tpu.sem_alloc : memref<!tpu.dma_semaphore, #tpu.memory_space<semaphore_mem>>
        %dma_start3A_108 = arith.constant 0 : i32
        %dma_start3A_109 = tpu.memref_slice %arg5[%arg0, %add3A_104, %dma_start3A_108] : memref<2x40x10240xf32, #tpu.memory_space<hbm>> -> memref<1x1x10240xf32, #tpu.memory_space<hbm>>
        %dma_start3A_110 = tpu.memref_squeeze %dma_start3A_109 : memref<1x1x10240xf32, #tpu.memory_space<hbm>> -> memref<10240xf32, #tpu.memory_space<hbm>>
        %dma_start3A_111 = arith.constant 0 : i32
        %dma_start3A_112 = tpu.memref_slice %arg5[%arg0, %add3A_104, %dma_start3A_111] : memref<2x40x10240xf32, #tpu.memory_space<hbm>> -> memref<1x1x10240xf32, #tpu.memory_space<hbm>>
        %dma_start3A_113 = tpu.memref_squeeze %dma_start3A_112 : memref<1x1x10240xf32, #tpu.memory_space<hbm>> -> memref<10240xf32, #tpu.memory_space<hbm>>
        tpu.enqueue_dma source(%arg11 : memref<10240xf32, #tpu.memory_space<vmem>>) target(%dma_start3A_113 : memref<10240xf32, #tpu.memory_space<hbm>>) target_semaphore(%run_scoped3A_107 : memref<!tpu.dma_semaphore, #tpu.memory_space<semaphore_mem>>)
        %dma_wait3A_114 = arith.constant 0 : i32
        %dma_wait3A_115 = tpu.memref_slice %arg5[%arg0, %add3A_104, %dma_wait3A_114] : memref<2x40x10240xf32, #tpu.memory_space<hbm>> -> memref<1x1x10240xf32, #tpu.memory_space<hbm>>
        %dma_wait3A_116 = tpu.memref_squeeze %dma_wait3A_115 : memref<1x1x10240xf32, #tpu.memory_space<hbm>> -> memref<10240xf32, #tpu.memory_space<hbm>>
        %dma_wait3A_117 = arith.constant 0 : i32
        %dma_wait3A_118 = tpu.memref_slice %arg5[%arg0, %add3A_104, %dma_wait3A_117] : memref<2x40x10240xf32, #tpu.memory_space<hbm>> -> memref<1x1x10240xf32, #tpu.memory_space<hbm>>
        %dma_wait3A_119 = tpu.memref_squeeze %dma_wait3A_118 : memref<1x1x10240xf32, #tpu.memory_space<hbm>> -> memref<10240xf32, #tpu.memory_space<hbm>>
        tpu.wait_dma2 semaphore(%run_scoped3A_107 : memref<!tpu.dma_semaphore, #tpu.memory_space<semaphore_mem>>) src(%arg11 : memref<10240xf32, #tpu.memory_space<vmem>>) dst(%dma_wait3A_119 : memref<10240xf32, #tpu.memory_space<hbm>>)
        tpu.yield
      }) : () -> ()
      %add3A_105 = arith.constant 2 : i32
      %add3A_106 = arith.addi %mul3A_9, %add3A_105 : i32
      "tpu.region"() ({
        %run_scoped3A_107 = tpu.sem_alloc : memref<!tpu.dma_semaphore, #tpu.memory_space<semaphore_mem>>
        %dma_start3A_108 = arith.constant 0 : i32
        %dma_start3A_109 = tpu.memref_slice %arg5[%arg0, %add3A_106, %dma_start3A_108] : memref<2x40x10240xf32, #tpu.memory_space<hbm>> -> memref<1x1x10240xf32, #tpu.memory_space<hbm>>
        %dma_start3A_110 = tpu.memref_squeeze %dma_start3A_109 : memref<1x1x10240xf32, #tpu.memory_space<hbm>> -> memref<10240xf32, #tpu.memory_space<hbm>>
        %dma_start3A_111 = arith.constant 0 : i32
        %dma_start3A_112 = tpu.memref_slice %arg5[%arg0, %add3A_106, %dma_start3A_111] : memref<2x40x10240xf32, #tpu.memory_space<hbm>> -> memref<1x1x10240xf32, #tpu.memory_space<hbm>>
        %dma_start3A_113 = tpu.memref_squeeze %dma_start3A_112 : memref<1x1x10240xf32, #tpu.memory_space<hbm>> -> memref<10240xf32, #tpu.memory_space<hbm>>
        tpu.enqueue_dma source(%arg12 : memref<10240xf32, #tpu.memory_space<vmem>>) target(%dma_start3A_113 : memref<10240xf32, #tpu.memory_space<hbm>>) target_semaphore(%run_scoped3A_107 : memref<!tpu.dma_semaphore, #tpu.memory_space<semaphore_mem>>)
        %dma_wait3A_114 = arith.constant 0 : i32
        %dma_wait3A_115 = tpu.memref_slice %arg5[%arg0, %add3A_106, %dma_wait3A_114] : memref<2x40x10240xf32, #tpu.memory_space<hbm>> -> memref<1x1x10240xf32, #tpu.memory_space<hbm>>
        %dma_wait3A_116 = tpu.memref_squeeze %dma_wait3A_115 : memref<1x1x10240xf32, #tpu.memory_space<hbm>> -> memref<10240xf32, #tpu.memory_space<hbm>>
        %dma_wait3A_117 = arith.constant 0 : i32
        %dma_wait3A_118 = tpu.memref_slice %arg5[%arg0, %add3A_106, %dma_wait3A_117] : memref<2x40x10240xf32, #tpu.memory_space<hbm>> -> memref<1x1x10240xf32, #tpu.memory_space<hbm>>
        %dma_wait3A_119 = tpu.memref_squeeze %dma_wait3A_118 : memref<1x1x10240xf32, #tpu.memory_space<hbm>> -> memref<10240xf32, #tpu.memory_space<hbm>>
        tpu.wait_dma2 semaphore(%run_scoped3A_107 : memref<!tpu.dma_semaphore, #tpu.memory_space<semaphore_mem>>) src(%arg12 : memref<10240xf32, #tpu.memory_space<vmem>>) dst(%dma_wait3A_119 : memref<10240xf32, #tpu.memory_space<hbm>>)
        tpu.yield
      }) : () -> ()
    } else {
    }
    %ge3A = arith.constant 8 : i32
    %ge3A_4 = arith.cmpi sge, %arg1, %ge3A : i32
    %convert_element_type3A_5 = arith.extui %ge3A_4 : i1 to i32
    %cond3A_6 = arith.constant 0 : i32
    %cond3A_7 = arith.cmpi ne, %convert_element_type3A_5, %cond3A_6 : i32
    scf.if %cond3A_7 {
      %mul3A_8 = arith.constant 2 : i32
      %mul3A_9 = arith.muli %arg1, %mul3A_8 : i32
      %add3A = arith.constant 8 : i32
      %add3A_10 = arith.addi %add3A, %mul3A_9 : i32
      "tpu.region"() ({
        %run_scoped3A_105 = tpu.sem_alloc : memref<!tpu.dma_semaphore, #tpu.memory_space<semaphore_mem>>
        %dma_start3A_106 = arith.constant 0 : i32
        %dma_start3A_107 = tpu.memref_slice %arg3[%add3A_10, %dma_start3A_106] : memref<40x10240xf32, #tpu.memory_space<hbm>> -> memref<1x10240xf32, #tpu.memory_space<hbm>>
        %dma_start3A_108 = tpu.memref_squeeze %dma_start3A_107 : memref<1x10240xf32, #tpu.memory_space<hbm>> -> memref<10240xf32, #tpu.memory_space<hbm>>
        %dma_start3A_109 = arith.constant 0 : i32
        %dma_start3A_110 = tpu.memref_slice %arg3[%add3A_10, %dma_start3A_109] : memref<40x10240xf32, #tpu.memory_space<hbm>> -> memref<1x10240xf32, #tpu.memory_space<hbm>>
        %dma_start3A_111 = tpu.memref_squeeze %dma_start3A_110 : memref<1x10240xf32, #tpu.memory_space<hbm>> -> memref<10240xf32, #tpu.memory_space<hbm>>
        tpu.enqueue_dma source(%dma_start3A_111 : memref<10240xf32, #tpu.memory_space<hbm>>) target(%arg7 : memref<10240xf32, #tpu.memory_space<vmem>>) target_semaphore(%run_scoped3A_105 : memref<!tpu.dma_semaphore, #tpu.memory_space<semaphore_mem>>)
        %dma_wait3A_112 = arith.constant 0 : i32
        %dma_wait3A_113 = tpu.memref_slice %arg3[%add3A_10, %dma_wait3A_112] : memref<40x10240xf32, #tpu.memory_space<hbm>> -> memref<1x10240xf32, #tpu.memory_space<hbm>>
        %dma_wait3A_114 = tpu.memref_squeeze %dma_wait3A_113 : memref<1x10240xf32, #tpu.memory_space<hbm>> -> memref<10240xf32, #tpu.memory_space<hbm>>
        %dma_wait3A_115 = arith.constant 0 : i32
        %dma_wait3A_116 = tpu.memref_slice %arg3[%add3A_10, %dma_wait3A_115] : memref<40x10240xf32, #tpu.memory_space<hbm>> -> memref<1x10240xf32, #tpu.memory_space<hbm>>
        %dma_wait3A_117 = tpu.memref_squeeze %dma_wait3A_116 : memref<1x10240xf32, #tpu.memory_space<hbm>> -> memref<10240xf32, #tpu.memory_space<hbm>>
        tpu.wait_dma2 semaphore(%run_scoped3A_105 : memref<!tpu.dma_semaphore, #tpu.memory_space<semaphore_mem>>) src(%dma_wait3A_117 : memref<10240xf32, #tpu.memory_space<hbm>>) dst(%arg7 : memref<10240xf32, #tpu.memory_space<vmem>>)
        tpu.yield
      }) : () -> ()
      %add3A_11 = arith.constant 1 : i32
      %add3A_12 = arith.addi %add3A_10, %add3A_11 : i32
      "tpu.region"() ({
        %run_scoped3A_105 = tpu.sem_alloc : memref<!tpu.dma_semaphore, #tpu.memory_space<semaphore_mem>>
        %dma_start3A_106 = arith.constant 0 : i32
        %dma_start3A_107 = tpu.memref_slice %arg3[%add3A_12, %dma_start3A_106] : memref<40x10240xf32, #tpu.memory_space<hbm>> -> memref<1x10240xf32, #tpu.memory_space<hbm>>
        %dma_start3A_108 = tpu.memref_squeeze %dma_start3A_107 : memref<1x10240xf32, #tpu.memory_space<hbm>> -> memref<10240xf32, #tpu.memory_space<hbm>>
        %dma_start3A_109 = arith.constant 0 : i32
        %dma_start3A_110 = tpu.memref_slice %arg3[%add3A_12, %dma_start3A_109] : memref<40x10240xf32, #tpu.memory_space<hbm>> -> memref<1x10240xf32, #tpu.memory_space<hbm>>
        %dma_start3A_111 = tpu.memref_squeeze %dma_start3A_110 : memref<1x10240xf32, #tpu.memory_space<hbm>> -> memref<10240xf32, #tpu.memory_space<hbm>>
        tpu.enqueue_dma source(%dma_start3A_111 : memref<10240xf32, #tpu.memory_space<hbm>>) target(%arg8 : memref<10240xf32, #tpu.memory_space<vmem>>) target_semaphore(%run_scoped3A_105 : memref<!tpu.dma_semaphore, #tpu.memory_space<semaphore_mem>>)
        %dma_wait3A_112 = arith.constant 0 : i32
        %dma_wait3A_113 = tpu.memref_slice %arg3[%add3A_12, %dma_wait3A_112] : memref<40x10240xf32, #tpu.memory_space<hbm>> -> memref<1x10240xf32, #tpu.memory_space<hbm>>
        %dma_wait3A_114 = tpu.memref_squeeze %dma_wait3A_113 : memref<1x10240xf32, #tpu.memory_space<hbm>> -> memref<10240xf32, #tpu.memory_space<hbm>>
        %dma_wait3A_115 = arith.constant 0 : i32
        %dma_wait3A_116 = tpu.memref_slice %arg3[%add3A_12, %dma_wait3A_115] : memref<40x10240xf32, #tpu.memory_space<hbm>> -> memref<1x10240xf32, #tpu.memory_space<hbm>>
        %dma_wait3A_117 = tpu.memref_squeeze %dma_wait3A_116 : memref<1x10240xf32, #tpu.memory_space<hbm>> -> memref<10240xf32, #tpu.memory_space<hbm>>
        tpu.wait_dma2 semaphore(%run_scoped3A_105 : memref<!tpu.dma_semaphore, #tpu.memory_space<semaphore_mem>>) src(%dma_wait3A_117 : memref<10240xf32, #tpu.memory_space<hbm>>) dst(%arg8 : memref<10240xf32, #tpu.memory_space<vmem>>)
        tpu.yield
      }) : () -> ()
      %add3A_13 = arith.constant 0 : i32
      %add3A_14 = arith.addi %mul3A_1, %add3A_13 : i32
      %multiple_of3A = tpu.assume_multiple %add3A_14, 128 : i32
      %dma_start3A = arith.constant 0 : i32
      %dma_start3A_15 = arith.constant 0 : i32
      %dma_start3A_16 = arith.constant 0 : i32
      %dma_start3A_17 = tpu.memref_slice %arg16[%dma_start3A, %dma_start3A_15, %dma_start3A_16] : memref<4x2x2048xi32, #tpu.memory_space<vmem>> -> memref<1x2x2048xi32, #tpu.memory_space<vmem>>
      %dma_start3A_18 = tpu.memref_squeeze %dma_start3A_17 : memref<1x2x2048xi32, #tpu.memory_space<vmem>> -> memref<2x2048xi32, #tpu.memory_space<vmem>>
      %dma_start3A_19 = arith.constant 0 : i32
      %dma_start3A_20 = tpu.memref_slice %arg2[%dma_start3A_19, %multiple_of3A] : memref<2x331776xi32, #tpu.memory_space<hbm>> -> memref<2x2048xi32, #tpu.memory_space<hbm>>
      %dma_start3A_21 = arith.constant 0 : i32
      %dma_start3A_22 = arith.constant 0 : i32
      %dma_start3A_23 = tpu.memref_slice %arg16[%dma_start3A, %dma_start3A_21, %dma_start3A_22] : memref<4x2x2048xi32, #tpu.memory_space<vmem>> -> memref<1x2x2048xi32, #tpu.memory_space<vmem>>
      %dma_start3A_24 = tpu.memref_squeeze %dma_start3A_23 : memref<1x2x2048xi32, #tpu.memory_space<vmem>> -> memref<2x2048xi32, #tpu.memory_space<vmem>>
      %dma_start3A_25 = arith.constant 0 : i32
      %dma_start3A_26 = tpu.memref_slice %arg2[%dma_start3A_25, %multiple_of3A] : memref<2x331776xi32, #tpu.memory_space<hbm>> -> memref<2x2048xi32, #tpu.memory_space<hbm>>
      tpu.enqueue_dma source(%dma_start3A_26 : memref<2x2048xi32, #tpu.memory_space<hbm>>) target(%dma_start3A_24 : memref<2x2048xi32, #tpu.memory_space<vmem>>) target_semaphore(%arg17 : memref<!tpu.dma_semaphore, #tpu.memory_space<semaphore_mem>>)
      %add3A_27 = arith.constant 2048 : i32
      %add3A_28 = arith.addi %mul3A_1, %add3A_27 : i32
      %multiple_of3A_29 = tpu.assume_multiple %add3A_28, 128 : i32
      %dma_start3A_30 = arith.constant 1 : i32
      %dma_start3A_31 = arith.constant 0 : i32
      %dma_start3A_32 = arith.constant 0 : i32
      %dma_start3A_33 = tpu.memref_slice %arg16[%dma_start3A_30, %dma_start3A_31, %dma_start3A_32] : memref<4x2x2048xi32, #tpu.memory_space<vmem>> -> memref<1x2x2048xi32, #tpu.memory_space<vmem>>
      %dma_start3A_34 = tpu.memref_squeeze %dma_start3A_33 : memref<1x2x2048xi32, #tpu.memory_space<vmem>> -> memref<2x2048xi32, #tpu.memory_space<vmem>>
      %dma_start3A_35 = arith.constant 0 : i32
      %dma_start3A_36 = tpu.memref_slice %arg2[%dma_start3A_35, %multiple_of3A_29] : memref<2x331776xi32, #tpu.memory_space<hbm>> -> memref<2x2048xi32, #tpu.memory_space<hbm>>
      %dma_start3A_37 = arith.constant 0 : i32
      %dma_start3A_38 = arith.constant 0 : i32
      %dma_start3A_39 = tpu.memref_slice %arg16[%dma_start3A_30, %dma_start3A_37, %dma_start3A_38] : memref<4x2x2048xi32, #tpu.memory_space<vmem>> -> memref<1x2x2048xi32, #tpu.memory_space<vmem>>
      %dma_start3A_40 = tpu.memref_squeeze %dma_start3A_39 : memref<1x2x2048xi32, #tpu.memory_space<vmem>> -> memref<2x2048xi32, #tpu.memory_space<vmem>>
      %dma_start3A_41 = arith.constant 0 : i32
      %dma_start3A_42 = tpu.memref_slice %arg2[%dma_start3A_41, %multiple_of3A_29] : memref<2x331776xi32, #tpu.memory_space<hbm>> -> memref<2x2048xi32, #tpu.memory_space<hbm>>
      tpu.enqueue_dma source(%dma_start3A_42 : memref<2x2048xi32, #tpu.memory_space<hbm>>) target(%dma_start3A_40 : memref<2x2048xi32, #tpu.memory_space<vmem>>) target_semaphore(%arg18 : memref<!tpu.dma_semaphore, #tpu.memory_space<semaphore_mem>>)
      %add3A_43 = arith.constant 4096 : i32
      %add3A_44 = arith.addi %mul3A_1, %add3A_43 : i32
      %multiple_of3A_45 = tpu.assume_multiple %add3A_44, 128 : i32
      %dma_start3A_46 = arith.constant 2 : i32
      %dma_start3A_47 = arith.constant 0 : i32
      %dma_start3A_48 = arith.constant 0 : i32
      %dma_start3A_49 = tpu.memref_slice %arg16[%dma_start3A_46, %dma_start3A_47, %dma_start3A_48] : memref<4x2x2048xi32, #tpu.memory_space<vmem>> -> memref<1x2x2048xi32, #tpu.memory_space<vmem>>
      %dma_start3A_50 = tpu.memref_squeeze %dma_start3A_49 : memref<1x2x2048xi32, #tpu.memory_space<vmem>> -> memref<2x2048xi32, #tpu.memory_space<vmem>>
      %dma_start3A_51 = arith.constant 0 : i32
      %dma_start3A_52 = tpu.memref_slice %arg2[%dma_start3A_51, %multiple_of3A_45] : memref<2x331776xi32, #tpu.memory_space<hbm>> -> memref<2x2048xi32, #tpu.memory_space<hbm>>
      %dma_start3A_53 = arith.constant 0 : i32
      %dma_start3A_54 = arith.constant 0 : i32
      %dma_start3A_55 = tpu.memref_slice %arg16[%dma_start3A_46, %dma_start3A_53, %dma_start3A_54] : memref<4x2x2048xi32, #tpu.memory_space<vmem>> -> memref<1x2x2048xi32, #tpu.memory_space<vmem>>
      %dma_start3A_56 = tpu.memref_squeeze %dma_start3A_55 : memref<1x2x2048xi32, #tpu.memory_space<vmem>> -> memref<2x2048xi32, #tpu.memory_space<vmem>>
      %dma_start3A_57 = arith.constant 0 : i32
      %dma_start3A_58 = tpu.memref_slice %arg2[%dma_start3A_57, %multiple_of3A_45] : memref<2x331776xi32, #tpu.memory_space<hbm>> -> memref<2x2048xi32, #tpu.memory_space<hbm>>
      tpu.enqueue_dma source(%dma_start3A_58 : memref<2x2048xi32, #tpu.memory_space<hbm>>) target(%dma_start3A_56 : memref<2x2048xi32, #tpu.memory_space<vmem>>) target_semaphore(%arg19 : memref<!tpu.dma_semaphore, #tpu.memory_space<semaphore_mem>>)
      %add3A_59 = arith.constant 6144 : i32
      %add3A_60 = arith.addi %mul3A_1, %add3A_59 : i32
      %multiple_of3A_61 = tpu.assume_multiple %add3A_60, 128 : i32
      %dma_start3A_62 = arith.constant 3 : i32
      %dma_start3A_63 = arith.constant 0 : i32
      %dma_start3A_64 = arith.constant 0 : i32
      %dma_start3A_65 = tpu.memref_slice %arg16[%dma_start3A_62, %dma_start3A_63, %dma_start3A_64] : memref<4x2x2048xi32, #tpu.memory_space<vmem>> -> memref<1x2x2048xi32, #tpu.memory_space<vmem>>
      %dma_start3A_66 = tpu.memref_squeeze %dma_start3A_65 : memref<1x2x2048xi32, #tpu.memory_space<vmem>> -> memref<2x2048xi32, #tpu.memory_space<vmem>>
      %dma_start3A_67 = arith.constant 0 : i32
      %dma_start3A_68 = tpu.memref_slice %arg2[%dma_start3A_67, %multiple_of3A_61] : memref<2x331776xi32, #tpu.memory_space<hbm>> -> memref<2x2048xi32, #tpu.memory_space<hbm>>
      %dma_start3A_69 = arith.constant 0 : i32
      %dma_start3A_70 = arith.constant 0 : i32
      %dma_start3A_71 = tpu.memref_slice %arg16[%dma_start3A_62, %dma_start3A_69, %dma_start3A_70] : memref<4x2x2048xi32, #tpu.memory_space<vmem>> -> memref<1x2x2048xi32, #tpu.memory_space<vmem>>
      %dma_start3A_72 = tpu.memref_squeeze %dma_start3A_71 : memref<1x2x2048xi32, #tpu.memory_space<vmem>> -> memref<2x2048xi32, #tpu.memory_space<vmem>>
      %dma_start3A_73 = arith.constant 0 : i32
      %dma_start3A_74 = tpu.memref_slice %arg2[%dma_start3A_73, %multiple_of3A_61] : memref<2x331776xi32, #tpu.memory_space<hbm>> -> memref<2x2048xi32, #tpu.memory_space<hbm>>
      tpu.enqueue_dma source(%dma_start3A_74 : memref<2x2048xi32, #tpu.memory_space<hbm>>) target(%dma_start3A_72 : memref<2x2048xi32, #tpu.memory_space<vmem>>) target_semaphore(%arg20 : memref<!tpu.dma_semaphore, #tpu.memory_space<semaphore_mem>>)
      %broadcast_in_dim3A = arith.constant 0.000000e+00 : f32
      %broadcast_in_dim3A_75 = vector.broadcast %broadcast_in_dim3A : f32 to vector<16xf32>
      %parallel_loop3A = arith.constant 0 : i32
      %parallel_loop3A_76 = arith.constant 10240 : i32
      %parallel_loop3A_77 = arith.constant 16 : i32
      scf.for %parallel_loop3A_105 = %parallel_loop3A to %parallel_loop3A_76 step %parallel_loop3A_77  : i32 {
        %parallel_loop3A_106 = tpu.assume_multiple %parallel_loop3A_105, 8 : i32
        %parallel_loop3A_107 = arith.index_cast %parallel_loop3A_106 : i32 to index
        %parallel_loop3A_108 = tpu.vector_load %arg10[%parallel_loop3A_107] {strides = array<i32>} : memref<10240xf32, #tpu.memory_space<vmem>>, vector<16xf32>,
        tpu.vector_store %arg10[%parallel_loop3A_107], %broadcast_in_dim3A_75 {strides = array<i32>} : memref<10240xf32, #tpu.memory_space<vmem>>, vector<16xf32>,
        %parallel_loop3A_109 = arith.index_cast %parallel_loop3A_106 : i32 to index
        %parallel_loop3A_110 = tpu.vector_load %arg11[%parallel_loop3A_109] {strides = array<i32>} : memref<10240xf32, #tpu.memory_space<vmem>>, vector<16xf32>,
        tpu.vector_store %arg11[%parallel_loop3A_109], %broadcast_in_dim3A_75 {strides = array<i32>} : memref<10240xf32, #tpu.memory_space<vmem>>, vector<16xf32>,
        %parallel_loop3A_111 = arith.index_cast %parallel_loop3A_106 : i32 to index
        %parallel_loop3A_112 = tpu.vector_load %arg15[%parallel_loop3A_111] {strides = array<i32>} : memref<10240xf32, #tpu.memory_space<vmem>>, vector<16xf32>,
        tpu.vector_store %arg15[%parallel_loop3A_111], %broadcast_in_dim3A_75 {strides = array<i32>} : memref<10240xf32, #tpu.memory_space<vmem>>, vector<16xf32>,
      } {sc.loop_unroll_factor = 8 : i64, sc.parallel_access}
      %scan3A = arith.constant 0 : i32
      %scan3A_78 = arith.constant 20 : i32
      %scan3A_79 = arith.addi %scan3A, %scan3A_78 : i32
      %scan3A_80 = arith.constant 1 : i32
      scf.for %scan3A_105 = %scan3A to %scan3A_79 step %scan3A_80  : i32 {
        %mul3A_106 = arith.constant 1 : i32
        %mul3A_107 = arith.muli %scan3A_105, %mul3A_106 : i32
        %add3A_108 = arith.constant 0 : i32
        %add3A_109 = arith.addi %add3A_108, %mul3A_107 : i32
        %mul3A_110 = arith.constant 4 : i32
        %mul3A_111 = arith.muli %mul3A_110, %add3A_109 : i32
        %dma_wait3A_112 = arith.constant 0 : i32
        %dma_wait3A_113 = arith.constant 0 : i32
        %dma_wait3A_114 = arith.constant 0 : i32
        %dma_wait3A_115 = tpu.memref_slice %arg16[%dma_wait3A_112, %dma_wait3A_113, %dma_wait3A_114] : memref<4x2x2048xi32, #tpu.memory_space<vmem>> -> memref<1x2x2048xi32, #tpu.memory_space<vmem>>
        %dma_wait3A_116 = tpu.memref_squeeze %dma_wait3A_115 : memref<1x2x2048xi32, #tpu.memory_space<vmem>> -> memref<2x2048xi32, #tpu.memory_space<vmem>>
        %dma_wait3A_117 = arith.constant 0 : i32
        %dma_wait3A_118 = arith.constant 0 : i32
        %dma_wait3A_119 = tpu.memref_slice %arg2[%dma_wait3A_117, %dma_wait3A_118] : memref<2x331776xi32, #tpu.memory_space<hbm>> -> memref<2x2048xi32, #tpu.memory_space<hbm>>
        %dma_wait3A_120 = arith.constant 0 : i32
        %dma_wait3A_121 = arith.constant 0 : i32
        %dma_wait3A_122 = tpu.memref_slice %arg16[%dma_wait3A_112, %dma_wait3A_120, %dma_wait3A_121] : memref<4x2x2048xi32, #tpu.memory_space<vmem>> -> memref<1x2x2048xi32, #tpu.memory_space<vmem>>
        %dma_wait3A_123 = tpu.memref_squeeze %dma_wait3A_122 : memref<1x2x2048xi32, #tpu.memory_space<vmem>> -> memref<2x2048xi32, #tpu.memory_space<vmem>>
        %dma_wait3A_124 = arith.constant 0 : i32
        %dma_wait3A_125 = arith.constant 0 : i32
        %dma_wait3A_126 = tpu.memref_slice %arg2[%dma_wait3A_124, %dma_wait3A_125] : memref<2x331776xi32, #tpu.memory_space<hbm>> -> memref<2x2048xi32, #tpu.memory_space<hbm>>
        tpu.wait_dma2 semaphore(%arg17 : memref<!tpu.dma_semaphore, #tpu.memory_space<semaphore_mem>>) src(%dma_wait3A_126 : memref<2x2048xi32, #tpu.memory_space<hbm>>) dst(%dma_wait3A_123 : memref<2x2048xi32, #tpu.memory_space<vmem>>)
        %parallel_loop3A_127 = arith.constant 0 : i32
        %parallel_loop3A_128 = arith.constant 2048 : i32
        %parallel_loop3A_129 = arith.constant 16 : i32
        scf.for %parallel_loop3A_220 = %parallel_loop3A_127 to %parallel_loop3A_128 step %parallel_loop3A_129  : i32 {
          %parallel_loop3A_221 = tpu.assume_multiple %parallel_loop3A_220, 8 : i32
          %parallel_loop3A_222 = arith.constant 0 : i32
          %parallel_loop3A_223 = arith.constant 0 : i32
          %parallel_loop3A_224 = arith.index_cast %parallel_loop3A_222 : i32 to index
          %parallel_loop3A_225 = arith.index_cast %parallel_loop3A_223 : i32 to index
          %parallel_loop3A_226 = arith.index_cast %parallel_loop3A_221 : i32 to index
          %parallel_loop3A_227 = tpu.vector_load %arg16[%parallel_loop3A_224, %parallel_loop3A_225, %parallel_loop3A_226] {strides = array<i32>} : memref<4x2x2048xi32, #tpu.memory_space<vmem>>, vector<16xi32>,
          %parallel_loop3A_228 = arith.constant 0 : i32
          %parallel_loop3A_229 = arith.constant 1 : i32
          %parallel_loop3A_230 = arith.index_cast %parallel_loop3A_228 : i32 to index
          %parallel_loop3A_231 = arith.index_cast %parallel_loop3A_229 : i32 to index
          %parallel_loop3A_232 = arith.index_cast %parallel_loop3A_221 : i32 to index
          %parallel_loop3A_233 = tpu.vector_load %arg16[%parallel_loop3A_230, %parallel_loop3A_231, %parallel_loop3A_232] {strides = array<i32>} : memref<4x2x2048xi32, #tpu.memory_space<vmem>>, vector<16xi32>,
          %parallel_loop3A_234 = tpu.vector_load_idx %arg13[%parallel_loop3A_227] : memref<10240xf32, #tpu.memory_space<vmem>>[vector<16xi32>], vector<16xf32>,
          %parallel_loop3A_235 = tpu.vector_load_idx %arg14[%parallel_loop3A_233] : memref<10240xf32, #tpu.memory_space<vmem>>[vector<16xi32>], vector<16xf32>,
          %parallel_loop3A_236 = arith.addf %parallel_loop3A_234, %parallel_loop3A_235 : vector<16xf32>
          %parallel_loop3A_237 = arith.constant 2.000000e-01 : f32
          %parallel_loop3A_238 = vector.broadcast %parallel_loop3A_237 : f32 to vector<16xf32>
          %parallel_loop3A_239 = arith.mulf %parallel_loop3A_236, %parallel_loop3A_238 : vector<16xf32>
          %parallel_loop3A_240 = arith.maximumf %parallel_loop3A_236, %parallel_loop3A_239 : vector<16xf32>
          %parallel_loop3A_241 = math.exp %parallel_loop3A_240 : vector<16xf32>
          %parallel_loop3A_242 = tpu.vector_load_idx %arg7[%parallel_loop3A_227] : memref<10240xf32, #tpu.memory_space<vmem>>[vector<16xi32>], vector<16xf32>,
          %parallel_loop3A_243 = arith.mulf %parallel_loop3A_241, %parallel_loop3A_242 : vector<16xf32>
          tpu.vector_store_idx %arg10[%parallel_loop3A_233], %parallel_loop3A_243 {add = true} : memref<10240xf32, #tpu.memory_space<vmem>>[vector<16xi32>], vector<16xf32>,
          %parallel_loop3A_244 = tpu.vector_load_idx %arg8[%parallel_loop3A_227] : memref<10240xf32, #tpu.memory_space<vmem>>[vector<16xi32>], vector<16xf32>,
          %parallel_loop3A_245 = arith.mulf %parallel_loop3A_241, %parallel_loop3A_244 : vector<16xf32>
          tpu.vector_store_idx %arg11[%parallel_loop3A_233], %parallel_loop3A_245 {add = true} : memref<10240xf32, #tpu.memory_space<vmem>>[vector<16xi32>], vector<16xf32>,
          tpu.vector_store_idx %arg15[%parallel_loop3A_233], %parallel_loop3A_241 {add = true} : memref<10240xf32, #tpu.memory_space<vmem>>[vector<16xi32>], vector<16xf32>,
        } {sc.loop_unroll_factor = 2 : i64, sc.parallel_access}
        %add3A_130 = arith.constant 0 : i32
        %add3A_131 = arith.addi %mul3A_111, %add3A_130 : i32
        %add3A_132 = arith.constant 4 : i32
        %add3A_133 = arith.addi %add3A_131, %add3A_132 : i32
        %lt3A_134 = arith.constant 81 : i32
        %lt3A_135 = arith.cmpi slt, %add3A_133, %lt3A_134 : i32
        %convert_element_type3A_136 = arith.extui %lt3A_135 : i1 to i32
        %cond3A_137 = arith.constant 0 : i32
        %cond3A_138 = arith.cmpi ne, %convert_element_type3A_136, %cond3A_137 : i32
        scf.if %cond3A_138 {
          %add3A_220 = arith.constant 0 : i32
          %add3A_221 = arith.addi %mul3A_111, %add3A_220 : i32
          %add3A_222 = arith.constant 4 : i32
          %add3A_223 = arith.addi %add3A_221, %add3A_222 : i32
          %mul3A_224 = arith.constant 2048 : i32
          %mul3A_225 = arith.muli %add3A_223, %mul3A_224 : i32
          %add3A_226 = arith.addi %mul3A_1, %mul3A_225 : i32
          %multiple_of3A_227 = tpu.assume_multiple %add3A_226, 128 : i32
          %dma_start3A_228 = arith.constant 0 : i32
          %dma_start3A_229 = arith.constant 0 : i32
          %dma_start3A_230 = arith.constant 0 : i32
          %dma_start3A_231 = tpu.memref_slice %arg16[%dma_start3A_228, %dma_start3A_229, %dma_start3A_230] : memref<4x2x2048xi32, #tpu.memory_space<vmem>> -> memref<1x2x2048xi32, #tpu.memory_space<vmem>>
          %dma_start3A_232 = tpu.memref_squeeze %dma_start3A_231 : memref<1x2x2048xi32, #tpu.memory_space<vmem>> -> memref<2x2048xi32, #tpu.memory_space<vmem>>
          %dma_start3A_233 = arith.constant 0 : i32
          %dma_start3A_234 = tpu.memref_slice %arg2[%dma_start3A_233, %multiple_of3A_227] : memref<2x331776xi32, #tpu.memory_space<hbm>> -> memref<2x2048xi32, #tpu.memory_space<hbm>>
          %dma_start3A_235 = arith.constant 0 : i32
          %dma_start3A_236 = arith.constant 0 : i32
          %dma_start3A_237 = tpu.memref_slice %arg16[%dma_start3A_228, %dma_start3A_235, %dma_start3A_236] : memref<4x2x2048xi32, #tpu.memory_space<vmem>> -> memref<1x2x2048xi32, #tpu.memory_space<vmem>>
          %dma_start3A_238 = tpu.memref_squeeze %dma_start3A_237 : memref<1x2x2048xi32, #tpu.memory_space<vmem>> -> memref<2x2048xi32, #tpu.memory_space<vmem>>
          %dma_start3A_239 = arith.constant 0 : i32
          %dma_start3A_240 = tpu.memref_slice %arg2[%dma_start3A_239, %multiple_of3A_227] : memref<2x331776xi32, #tpu.memory_space<hbm>> -> memref<2x2048xi32, #tpu.memory_space<hbm>>
          tpu.enqueue_dma source(%dma_start3A_240 : memref<2x2048xi32, #tpu.memory_space<hbm>>) target(%dma_start3A_238 : memref<2x2048xi32, #tpu.memory_space<vmem>>) target_semaphore(%arg17 : memref<!tpu.dma_semaphore, #tpu.memory_space<semaphore_mem>>)
        } else {
        }
        %dma_wait3A_139 = arith.constant 1 : i32
        %dma_wait3A_140 = arith.constant 0 : i32
        %dma_wait3A_141 = arith.constant 0 : i32
        %dma_wait3A_142 = tpu.memref_slice %arg16[%dma_wait3A_139, %dma_wait3A_140, %dma_wait3A_141] : memref<4x2x2048xi32, #tpu.memory_space<vmem>> -> memref<1x2x2048xi32, #tpu.memory_space<vmem>>
        %dma_wait3A_143 = tpu.memref_squeeze %dma_wait3A_142 : memref<1x2x2048xi32, #tpu.memory_space<vmem>> -> memref<2x2048xi32, #tpu.memory_space<vmem>>
        %dma_wait3A_144 = arith.constant 0 : i32
        %dma_wait3A_145 = arith.constant 0 : i32
        %dma_wait3A_146 = tpu.memref_slice %arg2[%dma_wait3A_144, %dma_wait3A_145] : memref<2x331776xi32, #tpu.memory_space<hbm>> -> memref<2x2048xi32, #tpu.memory_space<hbm>>
        %dma_wait3A_147 = arith.constant 0 : i32
        %dma_wait3A_148 = arith.constant 0 : i32
        %dma_wait3A_149 = tpu.memref_slice %arg16[%dma_wait3A_139, %dma_wait3A_147, %dma_wait3A_148] : memref<4x2x2048xi32, #tpu.memory_space<vmem>> -> memref<1x2x2048xi32, #tpu.memory_space<vmem>>
        %dma_wait3A_150 = tpu.memref_squeeze %dma_wait3A_149 : memref<1x2x2048xi32, #tpu.memory_space<vmem>> -> memref<2x2048xi32, #tpu.memory_space<vmem>>
        %dma_wait3A_151 = arith.constant 0 : i32
        %dma_wait3A_152 = arith.constant 0 : i32
        %dma_wait3A_153 = tpu.memref_slice %arg2[%dma_wait3A_151, %dma_wait3A_152] : memref<2x331776xi32, #tpu.memory_space<hbm>> -> memref<2x2048xi32, #tpu.memory_space<hbm>>
        tpu.wait_dma2 semaphore(%arg18 : memref<!tpu.dma_semaphore, #tpu.memory_space<semaphore_mem>>) src(%dma_wait3A_153 : memref<2x2048xi32, #tpu.memory_space<hbm>>) dst(%dma_wait3A_150 : memref<2x2048xi32, #tpu.memory_space<vmem>>)
        %parallel_loop3A_154 = arith.constant 0 : i32
        %parallel_loop3A_155 = arith.constant 2048 : i32
        %parallel_loop3A_156 = arith.constant 16 : i32
        scf.for %parallel_loop3A_220 = %parallel_loop3A_154 to %parallel_loop3A_155 step %parallel_loop3A_156  : i32 {
          %parallel_loop3A_221 = tpu.assume_multiple %parallel_loop3A_220, 8 : i32
          %parallel_loop3A_222 = arith.constant 1 : i32
          %parallel_loop3A_223 = arith.constant 0 : i32
          %parallel_loop3A_224 = arith.index_cast %parallel_loop3A_222 : i32 to index
          %parallel_loop3A_225 = arith.index_cast %parallel_loop3A_223 : i32 to index
          %parallel_loop3A_226 = arith.index_cast %parallel_loop3A_221 : i32 to index
          %parallel_loop3A_227 = tpu.vector_load %arg16[%parallel_loop3A_224, %parallel_loop3A_225, %parallel_loop3A_226] {strides = array<i32>} : memref<4x2x2048xi32, #tpu.memory_space<vmem>>, vector<16xi32>,
          %parallel_loop3A_228 = arith.constant 1 : i32
          %parallel_loop3A_229 = arith.constant 1 : i32
          %parallel_loop3A_230 = arith.index_cast %parallel_loop3A_228 : i32 to index
          %parallel_loop3A_231 = arith.index_cast %parallel_loop3A_229 : i32 to index
          %parallel_loop3A_232 = arith.index_cast %parallel_loop3A_221 : i32 to index
          %parallel_loop3A_233 = tpu.vector_load %arg16[%parallel_loop3A_230, %parallel_loop3A_231, %parallel_loop3A_232] {strides = array<i32>} : memref<4x2x2048xi32, #tpu.memory_space<vmem>>, vector<16xi32>,
          %parallel_loop3A_234 = tpu.vector_load_idx %arg13[%parallel_loop3A_227] : memref<10240xf32, #tpu.memory_space<vmem>>[vector<16xi32>], vector<16xf32>,
          %parallel_loop3A_235 = tpu.vector_load_idx %arg14[%parallel_loop3A_233] : memref<10240xf32, #tpu.memory_space<vmem>>[vector<16xi32>], vector<16xf32>,
          %parallel_loop3A_236 = arith.addf %parallel_loop3A_234, %parallel_loop3A_235 : vector<16xf32>
          %parallel_loop3A_237 = arith.constant 2.000000e-01 : f32
          %parallel_loop3A_238 = vector.broadcast %parallel_loop3A_237 : f32 to vector<16xf32>
          %parallel_loop3A_239 = arith.mulf %parallel_loop3A_236, %parallel_loop3A_238 : vector<16xf32>
          %parallel_loop3A_240 = arith.maximumf %parallel_loop3A_236, %parallel_loop3A_239 : vector<16xf32>
          %parallel_loop3A_241 = math.exp %parallel_loop3A_240 : vector<16xf32>
          %parallel_loop3A_242 = tpu.vector_load_idx %arg7[%parallel_loop3A_227] : memref<10240xf32, #tpu.memory_space<vmem>>[vector<16xi32>], vector<16xf32>,
          %parallel_loop3A_243 = arith.mulf %parallel_loop3A_241, %parallel_loop3A_242 : vector<16xf32>
          tpu.vector_store_idx %arg10[%parallel_loop3A_233], %parallel_loop3A_243 {add = true} : memref<10240xf32, #tpu.memory_space<vmem>>[vector<16xi32>], vector<16xf32>,
          %parallel_loop3A_244 = tpu.vector_load_idx %arg8[%parallel_loop3A_227] : memref<10240xf32, #tpu.memory_space<vmem>>[vector<16xi32>], vector<16xf32>,
          %parallel_loop3A_245 = arith.mulf %parallel_loop3A_241, %parallel_loop3A_244 : vector<16xf32>
          tpu.vector_store_idx %arg11[%parallel_loop3A_233], %parallel_loop3A_245 {add = true} : memref<10240xf32, #tpu.memory_space<vmem>>[vector<16xi32>], vector<16xf32>,
          tpu.vector_store_idx %arg15[%parallel_loop3A_233], %parallel_loop3A_241 {add = true} : memref<10240xf32, #tpu.memory_space<vmem>>[vector<16xi32>], vector<16xf32>,
        } {sc.loop_unroll_factor = 2 : i64, sc.parallel_access}
        %add3A_157 = arith.constant 1 : i32
        %add3A_158 = arith.addi %mul3A_111, %add3A_157 : i32
        %add3A_159 = arith.constant 4 : i32
        %add3A_160 = arith.addi %add3A_158, %add3A_159 : i32
        %lt3A_161 = arith.constant 81 : i32
        %lt3A_162 = arith.cmpi slt, %add3A_160, %lt3A_161 : i32
        %convert_element_type3A_163 = arith.extui %lt3A_162 : i1 to i32
        %cond3A_164 = arith.constant 0 : i32
        %cond3A_165 = arith.cmpi ne, %convert_element_type3A_163, %cond3A_164 : i32
        scf.if %cond3A_165 {
          %add3A_220 = arith.constant 1 : i32
          %add3A_221 = arith.addi %mul3A_111, %add3A_220 : i32
          %add3A_222 = arith.constant 4 : i32
          %add3A_223 = arith.addi %add3A_221, %add3A_222 : i32
          %mul3A_224 = arith.constant 2048 : i32
          %mul3A_225 = arith.muli %add3A_223, %mul3A_224 : i32
          %add3A_226 = arith.addi %mul3A_1, %mul3A_225 : i32
          %multiple_of3A_227 = tpu.assume_multiple %add3A_226, 128 : i32
          %dma_start3A_228 = arith.constant 1 : i32
          %dma_start3A_229 = arith.constant 0 : i32
          %dma_start3A_230 = arith.constant 0 : i32
          %dma_start3A_231 = tpu.memref_slice %arg16[%dma_start3A_228, %dma_start3A_229, %dma_start3A_230] : memref<4x2x2048xi32, #tpu.memory_space<vmem>> -> memref<1x2x2048xi32, #tpu.memory_space<vmem>>
          %dma_start3A_232 = tpu.memref_squeeze %dma_start3A_231 : memref<1x2x2048xi32, #tpu.memory_space<vmem>> -> memref<2x2048xi32, #tpu.memory_space<vmem>>
          %dma_start3A_233 = arith.constant 0 : i32
          %dma_start3A_234 = tpu.memref_slice %arg2[%dma_start3A_233, %multiple_of3A_227] : memref<2x331776xi32, #tpu.memory_space<hbm>> -> memref<2x2048xi32, #tpu.memory_space<hbm>>
          %dma_start3A_235 = arith.constant 0 : i32
          %dma_start3A_236 = arith.constant 0 : i32
          %dma_start3A_237 = tpu.memref_slice %arg16[%dma_start3A_228, %dma_start3A_235, %dma_start3A_236] : memref<4x2x2048xi32, #tpu.memory_space<vmem>> -> memref<1x2x2048xi32, #tpu.memory_space<vmem>>
          %dma_start3A_238 = tpu.memref_squeeze %dma_start3A_237 : memref<1x2x2048xi32, #tpu.memory_space<vmem>> -> memref<2x2048xi32, #tpu.memory_space<vmem>>
          %dma_start3A_239 = arith.constant 0 : i32
          %dma_start3A_240 = tpu.memref_slice %arg2[%dma_start3A_239, %multiple_of3A_227] : memref<2x331776xi32, #tpu.memory_space<hbm>> -> memref<2x2048xi32, #tpu.memory_space<hbm>>
          tpu.enqueue_dma source(%dma_start3A_240 : memref<2x2048xi32, #tpu.memory_space<hbm>>) target(%dma_start3A_238 : memref<2x2048xi32, #tpu.memory_space<vmem>>) target_semaphore(%arg18 : memref<!tpu.dma_semaphore, #tpu.memory_space<semaphore_mem>>)
        } else {
        }
        %dma_wait3A_166 = arith.constant 2 : i32
        %dma_wait3A_167 = arith.constant 0 : i32
        %dma_wait3A_168 = arith.constant 0 : i32
        %dma_wait3A_169 = tpu.memref_slice %arg16[%dma_wait3A_166, %dma_wait3A_167, %dma_wait3A_168] : memref<4x2x2048xi32, #tpu.memory_space<vmem>> -> memref<1x2x2048xi32, #tpu.memory_space<vmem>>
        %dma_wait3A_170 = tpu.memref_squeeze %dma_wait3A_169 : memref<1x2x2048xi32, #tpu.memory_space<vmem>> -> memref<2x2048xi32, #tpu.memory_space<vmem>>
        %dma_wait3A_171 = arith.constant 0 : i32
        %dma_wait3A_172 = arith.constant 0 : i32
        %dma_wait3A_173 = tpu.memref_slice %arg2[%dma_wait3A_171, %dma_wait3A_172] : memref<2x331776xi32, #tpu.memory_space<hbm>> -> memref<2x2048xi32, #tpu.memory_space<hbm>>
        %dma_wait3A_174 = arith.constant 0 : i32
        %dma_wait3A_175 = arith.constant 0 : i32
        %dma_wait3A_176 = tpu.memref_slice %arg16[%dma_wait3A_166, %dma_wait3A_174, %dma_wait3A_175] : memref<4x2x2048xi32, #tpu.memory_space<vmem>> -> memref<1x2x2048xi32, #tpu.memory_space<vmem>>
        %dma_wait3A_177 = tpu.memref_squeeze %dma_wait3A_176 : memref<1x2x2048xi32, #tpu.memory_space<vmem>> -> memref<2x2048xi32, #tpu.memory_space<vmem>>
        %dma_wait3A_178 = arith.constant 0 : i32
        %dma_wait3A_179 = arith.constant 0 : i32
        %dma_wait3A_180 = tpu.memref_slice %arg2[%dma_wait3A_178, %dma_wait3A_179] : memref<2x331776xi32, #tpu.memory_space<hbm>> -> memref<2x2048xi32, #tpu.memory_space<hbm>>
        tpu.wait_dma2 semaphore(%arg19 : memref<!tpu.dma_semaphore, #tpu.memory_space<semaphore_mem>>) src(%dma_wait3A_180 : memref<2x2048xi32, #tpu.memory_space<hbm>>) dst(%dma_wait3A_177 : memref<2x2048xi32, #tpu.memory_space<vmem>>)
        %parallel_loop3A_181 = arith.constant 0 : i32
        %parallel_loop3A_182 = arith.constant 2048 : i32
        %parallel_loop3A_183 = arith.constant 16 : i32
        scf.for %parallel_loop3A_220 = %parallel_loop3A_181 to %parallel_loop3A_182 step %parallel_loop3A_183  : i32 {
          %parallel_loop3A_221 = tpu.assume_multiple %parallel_loop3A_220, 8 : i32
          %parallel_loop3A_222 = arith.constant 2 : i32
          %parallel_loop3A_223 = arith.constant 0 : i32
          %parallel_loop3A_224 = arith.index_cast %parallel_loop3A_222 : i32 to index
          %parallel_loop3A_225 = arith.index_cast %parallel_loop3A_223 : i32 to index
          %parallel_loop3A_226 = arith.index_cast %parallel_loop3A_221 : i32 to index
          %parallel_loop3A_227 = tpu.vector_load %arg16[%parallel_loop3A_224, %parallel_loop3A_225, %parallel_loop3A_226] {strides = array<i32>} : memref<4x2x2048xi32, #tpu.memory_space<vmem>>, vector<16xi32>,
          %parallel_loop3A_228 = arith.constant 2 : i32
          %parallel_loop3A_229 = arith.constant 1 : i32
          %parallel_loop3A_230 = arith.index_cast %parallel_loop3A_228 : i32 to index
          %parallel_loop3A_231 = arith.index_cast %parallel_loop3A_229 : i32 to index
          %parallel_loop3A_232 = arith.index_cast %parallel_loop3A_221 : i32 to index
          %parallel_loop3A_233 = tpu.vector_load %arg16[%parallel_loop3A_230, %parallel_loop3A_231, %parallel_loop3A_232] {strides = array<i32>} : memref<4x2x2048xi32, #tpu.memory_space<vmem>>, vector<16xi32>,
          %parallel_loop3A_234 = tpu.vector_load_idx %arg13[%parallel_loop3A_227] : memref<10240xf32, #tpu.memory_space<vmem>>[vector<16xi32>], vector<16xf32>,
          %parallel_loop3A_235 = tpu.vector_load_idx %arg14[%parallel_loop3A_233] : memref<10240xf32, #tpu.memory_space<vmem>>[vector<16xi32>], vector<16xf32>,
          %parallel_loop3A_236 = arith.addf %parallel_loop3A_234, %parallel_loop3A_235 : vector<16xf32>
          %parallel_loop3A_237 = arith.constant 2.000000e-01 : f32
          %parallel_loop3A_238 = vector.broadcast %parallel_loop3A_237 : f32 to vector<16xf32>
          %parallel_loop3A_239 = arith.mulf %parallel_loop3A_236, %parallel_loop3A_238 : vector<16xf32>
          %parallel_loop3A_240 = arith.maximumf %parallel_loop3A_236, %parallel_loop3A_239 : vector<16xf32>
          %parallel_loop3A_241 = math.exp %parallel_loop3A_240 : vector<16xf32>
          %parallel_loop3A_242 = tpu.vector_load_idx %arg7[%parallel_loop3A_227] : memref<10240xf32, #tpu.memory_space<vmem>>[vector<16xi32>], vector<16xf32>,
          %parallel_loop3A_243 = arith.mulf %parallel_loop3A_241, %parallel_loop3A_242 : vector<16xf32>
          tpu.vector_store_idx %arg10[%parallel_loop3A_233], %parallel_loop3A_243 {add = true} : memref<10240xf32, #tpu.memory_space<vmem>>[vector<16xi32>], vector<16xf32>,
          %parallel_loop3A_244 = tpu.vector_load_idx %arg8[%parallel_loop3A_227] : memref<10240xf32, #tpu.memory_space<vmem>>[vector<16xi32>], vector<16xf32>,
          %parallel_loop3A_245 = arith.mulf %parallel_loop3A_241, %parallel_loop3A_244 : vector<16xf32>
          tpu.vector_store_idx %arg11[%parallel_loop3A_233], %parallel_loop3A_245 {add = true} : memref<10240xf32, #tpu.memory_space<vmem>>[vector<16xi32>], vector<16xf32>,
          tpu.vector_store_idx %arg15[%parallel_loop3A_233], %parallel_loop3A_241 {add = true} : memref<10240xf32, #tpu.memory_space<vmem>>[vector<16xi32>], vector<16xf32>,
        } {sc.loop_unroll_factor = 2 : i64, sc.parallel_access}
        %add3A_184 = arith.constant 2 : i32
        %add3A_185 = arith.addi %mul3A_111, %add3A_184 : i32
        %add3A_186 = arith.constant 4 : i32
        %add3A_187 = arith.addi %add3A_185, %add3A_186 : i32
        %lt3A_188 = arith.constant 81 : i32
        %lt3A_189 = arith.cmpi slt, %add3A_187, %lt3A_188 : i32
        %convert_element_type3A_190 = arith.extui %lt3A_189 : i1 to i32
        %cond3A_191 = arith.constant 0 : i32
        %cond3A_192 = arith.cmpi ne, %convert_element_type3A_190, %cond3A_191 : i32
        scf.if %cond3A_192 {
          %add3A_220 = arith.constant 2 : i32
          %add3A_221 = arith.addi %mul3A_111, %add3A_220 : i32
          %add3A_222 = arith.constant 4 : i32
          %add3A_223 = arith.addi %add3A_221, %add3A_222 : i32
          %mul3A_224 = arith.constant 2048 : i32
          %mul3A_225 = arith.muli %add3A_223, %mul3A_224 : i32
          %add3A_226 = arith.addi %mul3A_1, %mul3A_225 : i32
          %multiple_of3A_227 = tpu.assume_multiple %add3A_226, 128 : i32
          %dma_start3A_228 = arith.constant 2 : i32
          %dma_start3A_229 = arith.constant 0 : i32
          %dma_start3A_230 = arith.constant 0 : i32
          %dma_start3A_231 = tpu.memref_slice %arg16[%dma_start3A_228, %dma_start3A_229, %dma_start3A_230] : memref<4x2x2048xi32, #tpu.memory_space<vmem>> -> memref<1x2x2048xi32, #tpu.memory_space<vmem>>
          %dma_start3A_232 = tpu.memref_squeeze %dma_start3A_231 : memref<1x2x2048xi32, #tpu.memory_space<vmem>> -> memref<2x2048xi32, #tpu.memory_space<vmem>>
          %dma_start3A_233 = arith.constant 0 : i32
          %dma_start3A_234 = tpu.memref_slice %arg2[%dma_start3A_233, %multiple_of3A_227] : memref<2x331776xi32, #tpu.memory_space<hbm>> -> memref<2x2048xi32, #tpu.memory_space<hbm>>
          %dma_start3A_235 = arith.constant 0 : i32
          %dma_start3A_236 = arith.constant 0 : i32
          %dma_start3A_237 = tpu.memref_slice %arg16[%dma_start3A_228, %dma_start3A_235, %dma_start3A_236] : memref<4x2x2048xi32, #tpu.memory_space<vmem>> -> memref<1x2x2048xi32, #tpu.memory_space<vmem>>
          %dma_start3A_238 = tpu.memref_squeeze %dma_start3A_237 : memref<1x2x2048xi32, #tpu.memory_space<vmem>> -> memref<2x2048xi32, #tpu.memory_space<vmem>>
          %dma_start3A_239 = arith.constant 0 : i32
          %dma_start3A_240 = tpu.memref_slice %arg2[%dma_start3A_239, %multiple_of3A_227] : memref<2x331776xi32, #tpu.memory_space<hbm>> -> memref<2x2048xi32, #tpu.memory_space<hbm>>
          tpu.enqueue_dma source(%dma_start3A_240 : memref<2x2048xi32, #tpu.memory_space<hbm>>) target(%dma_start3A_238 : memref<2x2048xi32, #tpu.memory_space<vmem>>) target_semaphore(%arg19 : memref<!tpu.dma_semaphore, #tpu.memory_space<semaphore_mem>>)
        } else {
        }
        %dma_wait3A_193 = arith.constant 3 : i32
        %dma_wait3A_194 = arith.constant 0 : i32
        %dma_wait3A_195 = arith.constant 0 : i32
        %dma_wait3A_196 = tpu.memref_slice %arg16[%dma_wait3A_193, %dma_wait3A_194, %dma_wait3A_195] : memref<4x2x2048xi32, #tpu.memory_space<vmem>> -> memref<1x2x2048xi32, #tpu.memory_space<vmem>>
        %dma_wait3A_197 = tpu.memref_squeeze %dma_wait3A_196 : memref<1x2x2048xi32, #tpu.memory_space<vmem>> -> memref<2x2048xi32, #tpu.memory_space<vmem>>
        %dma_wait3A_198 = arith.constant 0 : i32
        %dma_wait3A_199 = arith.constant 0 : i32
        %dma_wait3A_200 = tpu.memref_slice %arg2[%dma_wait3A_198, %dma_wait3A_199] : memref<2x331776xi32, #tpu.memory_space<hbm>> -> memref<2x2048xi32, #tpu.memory_space<hbm>>
        %dma_wait3A_201 = arith.constant 0 : i32
        %dma_wait3A_202 = arith.constant 0 : i32
        %dma_wait3A_203 = tpu.memref_slice %arg16[%dma_wait3A_193, %dma_wait3A_201, %dma_wait3A_202] : memref<4x2x2048xi32, #tpu.memory_space<vmem>> -> memref<1x2x2048xi32, #tpu.memory_space<vmem>>
        %dma_wait3A_204 = tpu.memref_squeeze %dma_wait3A_203 : memref<1x2x2048xi32, #tpu.memory_space<vmem>> -> memref<2x2048xi32, #tpu.memory_space<vmem>>
        %dma_wait3A_205 = arith.constant 0 : i32
        %dma_wait3A_206 = arith.constant 0 : i32
        %dma_wait3A_207 = tpu.memref_slice %arg2[%dma_wait3A_205, %dma_wait3A_206] : memref<2x331776xi32, #tpu.memory_space<hbm>> -> memref<2x2048xi32, #tpu.memory_space<hbm>>
        tpu.wait_dma2 semaphore(%arg20 : memref<!tpu.dma_semaphore, #tpu.memory_space<semaphore_mem>>) src(%dma_wait3A_207 : memref<2x2048xi32, #tpu.memory_space<hbm>>) dst(%dma_wait3A_204 : memref<2x2048xi32, #tpu.memory_space<vmem>>)
        %parallel_loop3A_208 = arith.constant 0 : i32
        %parallel_loop3A_209 = arith.constant 2048 : i32
        %parallel_loop3A_210 = arith.constant 16 : i32
        scf.for %parallel_loop3A_220 = %parallel_loop3A_208 to %parallel_loop3A_209 step %parallel_loop3A_210  : i32 {
          %parallel_loop3A_221 = tpu.assume_multiple %parallel_loop3A_220, 8 : i32
          %parallel_loop3A_222 = arith.constant 3 : i32
          %parallel_loop3A_223 = arith.constant 0 : i32
          %parallel_loop3A_224 = arith.index_cast %parallel_loop3A_222 : i32 to index
          %parallel_loop3A_225 = arith.index_cast %parallel_loop3A_223 : i32 to index
          %parallel_loop3A_226 = arith.index_cast %parallel_loop3A_221 : i32 to index
          %parallel_loop3A_227 = tpu.vector_load %arg16[%parallel_loop3A_224, %parallel_loop3A_225, %parallel_loop3A_226] {strides = array<i32>} : memref<4x2x2048xi32, #tpu.memory_space<vmem>>, vector<16xi32>,
          %parallel_loop3A_228 = arith.constant 3 : i32
          %parallel_loop3A_229 = arith.constant 1 : i32
          %parallel_loop3A_230 = arith.index_cast %parallel_loop3A_228 : i32 to index
          %parallel_loop3A_231 = arith.index_cast %parallel_loop3A_229 : i32 to index
          %parallel_loop3A_232 = arith.index_cast %parallel_loop3A_221 : i32 to index
          %parallel_loop3A_233 = tpu.vector_load %arg16[%parallel_loop3A_230, %parallel_loop3A_231, %parallel_loop3A_232] {strides = array<i32>} : memref<4x2x2048xi32, #tpu.memory_space<vmem>>, vector<16xi32>,
          %parallel_loop3A_234 = tpu.vector_load_idx %arg13[%parallel_loop3A_227] : memref<10240xf32, #tpu.memory_space<vmem>>[vector<16xi32>], vector<16xf32>,
          %parallel_loop3A_235 = tpu.vector_load_idx %arg14[%parallel_loop3A_233] : memref<10240xf32, #tpu.memory_space<vmem>>[vector<16xi32>], vector<16xf32>,
          %parallel_loop3A_236 = arith.addf %parallel_loop3A_234, %parallel_loop3A_235 : vector<16xf32>
          %parallel_loop3A_237 = arith.constant 2.000000e-01 : f32
          %parallel_loop3A_238 = vector.broadcast %parallel_loop3A_237 : f32 to vector<16xf32>
          %parallel_loop3A_239 = arith.mulf %parallel_loop3A_236, %parallel_loop3A_238 : vector<16xf32>
          %parallel_loop3A_240 = arith.maximumf %parallel_loop3A_236, %parallel_loop3A_239 : vector<16xf32>
          %parallel_loop3A_241 = math.exp %parallel_loop3A_240 : vector<16xf32>
          %parallel_loop3A_242 = tpu.vector_load_idx %arg7[%parallel_loop3A_227] : memref<10240xf32, #tpu.memory_space<vmem>>[vector<16xi32>], vector<16xf32>,
          %parallel_loop3A_243 = arith.mulf %parallel_loop3A_241, %parallel_loop3A_242 : vector<16xf32>
          tpu.vector_store_idx %arg10[%parallel_loop3A_233], %parallel_loop3A_243 {add = true} : memref<10240xf32, #tpu.memory_space<vmem>>[vector<16xi32>], vector<16xf32>,
          %parallel_loop3A_244 = tpu.vector_load_idx %arg8[%parallel_loop3A_227] : memref<10240xf32, #tpu.memory_space<vmem>>[vector<16xi32>], vector<16xf32>,
          %parallel_loop3A_245 = arith.mulf %parallel_loop3A_241, %parallel_loop3A_244 : vector<16xf32>
          tpu.vector_store_idx %arg11[%parallel_loop3A_233], %parallel_loop3A_245 {add = true} : memref<10240xf32, #tpu.memory_space<vmem>>[vector<16xi32>], vector<16xf32>,
          tpu.vector_store_idx %arg15[%parallel_loop3A_233], %parallel_loop3A_241 {add = true} : memref<10240xf32, #tpu.memory_space<vmem>>[vector<16xi32>], vector<16xf32>,
        } {sc.loop_unroll_factor = 2 : i64, sc.parallel_access}
        %add3A_211 = arith.constant 3 : i32
        %add3A_212 = arith.addi %mul3A_111, %add3A_211 : i32
        %add3A_213 = arith.constant 4 : i32
        %add3A_214 = arith.addi %add3A_212, %add3A_213 : i32
        %lt3A_215 = arith.constant 81 : i32
        %lt3A_216 = arith.cmpi slt, %add3A_214, %lt3A_215 : i32
        %convert_element_type3A_217 = arith.extui %lt3A_216 : i1 to i32
        %cond3A_218 = arith.constant 0 : i32
        %cond3A_219 = arith.cmpi ne, %convert_element_type3A_217, %cond3A_218 : i32
        scf.if %cond3A_219 {
          %add3A_220 = arith.constant 3 : i32
          %add3A_221 = arith.addi %mul3A_111, %add3A_220 : i32
          %add3A_222 = arith.constant 4 : i32
          %add3A_223 = arith.addi %add3A_221, %add3A_222 : i32
          %mul3A_224 = arith.constant 2048 : i32
          %mul3A_225 = arith.muli %add3A_223, %mul3A_224 : i32
          %add3A_226 = arith.addi %mul3A_1, %mul3A_225 : i32
          %multiple_of3A_227 = tpu.assume_multiple %add3A_226, 128 : i32
          %dma_start3A_228 = arith.constant 3 : i32
          %dma_start3A_229 = arith.constant 0 : i32
          %dma_start3A_230 = arith.constant 0 : i32
          %dma_start3A_231 = tpu.memref_slice %arg16[%dma_start3A_228, %dma_start3A_229, %dma_start3A_230] : memref<4x2x2048xi32, #tpu.memory_space<vmem>> -> memref<1x2x2048xi32, #tpu.memory_space<vmem>>
          %dma_start3A_232 = tpu.memref_squeeze %dma_start3A_231 : memref<1x2x2048xi32, #tpu.memory_space<vmem>> -> memref<2x2048xi32, #tpu.memory_space<vmem>>
          %dma_start3A_233 = arith.constant 0 : i32
          %dma_start3A_234 = tpu.memref_slice %arg2[%dma_start3A_233, %multiple_of3A_227] : memref<2x331776xi32, #tpu.memory_space<hbm>> -> memref<2x2048xi32, #tpu.memory_space<hbm>>
          %dma_start3A_235 = arith.constant 0 : i32
          %dma_start3A_236 = arith.constant 0 : i32
          %dma_start3A_237 = tpu.memref_slice %arg16[%dma_start3A_228, %dma_start3A_235, %dma_start3A_236] : memref<4x2x2048xi32, #tpu.memory_space<vmem>> -> memref<1x2x2048xi32, #tpu.memory_space<vmem>>
          %dma_start3A_238 = tpu.memref_squeeze %dma_start3A_237 : memref<1x2x2048xi32, #tpu.memory_space<vmem>> -> memref<2x2048xi32, #tpu.memory_space<vmem>>
          %dma_start3A_239 = arith.constant 0 : i32
          %dma_start3A_240 = tpu.memref_slice %arg2[%dma_start3A_239, %multiple_of3A_227] : memref<2x331776xi32, #tpu.memory_space<hbm>> -> memref<2x2048xi32, #tpu.memory_space<hbm>>
          tpu.enqueue_dma source(%dma_start3A_240 : memref<2x2048xi32, #tpu.memory_space<hbm>>) target(%dma_start3A_238 : memref<2x2048xi32, #tpu.memory_space<vmem>>) target_semaphore(%arg20 : memref<!tpu.dma_semaphore, #tpu.memory_space<semaphore_mem>>)
        } else {
        }
      }
      %scan3A_81 = arith.constant 20 : i32
      %dma_wait3A = arith.constant 0 : i32
      %dma_wait3A_82 = arith.constant 0 : i32
      %dma_wait3A_83 = arith.constant 0 : i32
      %dma_wait3A_84 = tpu.memref_slice %arg16[%dma_wait3A, %dma_wait3A_82, %dma_wait3A_83] : memref<4x2x2048xi32, #tpu.memory_space<vmem>> -> memref<1x2x2048xi32, #tpu.memory_space<vmem>>
      %dma_wait3A_85 = tpu.memref_squeeze %dma_wait3A_84 : memref<1x2x2048xi32, #tpu.memory_space<vmem>> -> memref<2x2048xi32, #tpu.memory_space<vmem>>
      %dma_wait3A_86 = arith.constant 0 : i32
      %dma_wait3A_87 = arith.constant 0 : i32
      %dma_wait3A_88 = tpu.memref_slice %arg2[%dma_wait3A_86, %dma_wait3A_87] : memref<2x331776xi32, #tpu.memory_space<hbm>> -> memref<2x2048xi32, #tpu.memory_space<hbm>>
      %dma_wait3A_89 = arith.constant 0 : i32
      %dma_wait3A_90 = arith.constant 0 : i32
      %dma_wait3A_91 = tpu.memref_slice %arg16[%dma_wait3A, %dma_wait3A_89, %dma_wait3A_90] : memref<4x2x2048xi32, #tpu.memory_space<vmem>> -> memref<1x2x2048xi32, #tpu.memory_space<vmem>>
      %dma_wait3A_92 = tpu.memref_squeeze %dma_wait3A_91 : memref<1x2x2048xi32, #tpu.memory_space<vmem>> -> memref<2x2048xi32, #tpu.memory_space<vmem>>
      %dma_wait3A_93 = arith.constant 0 : i32
      %dma_wait3A_94 = arith.constant 0 : i32
      %dma_wait3A_95 = tpu.memref_slice %arg2[%dma_wait3A_93, %dma_wait3A_94] : memref<2x331776xi32, #tpu.memory_space<hbm>> -> memref<2x2048xi32, #tpu.memory_space<hbm>>
      tpu.wait_dma2 semaphore(%arg17 : memref<!tpu.dma_semaphore, #tpu.memory_space<semaphore_mem>>) src(%dma_wait3A_95 : memref<2x2048xi32, #tpu.memory_space<hbm>>) dst(%dma_wait3A_92 : memref<2x2048xi32, #tpu.memory_space<vmem>>)
      %parallel_loop3A_96 = arith.constant 0 : i32
      %parallel_loop3A_97 = arith.constant 2048 : i32
      %parallel_loop3A_98 = arith.constant 16 : i32
      scf.for %parallel_loop3A_105 = %parallel_loop3A_96 to %parallel_loop3A_97 step %parallel_loop3A_98  : i32 {
        %parallel_loop3A_106 = tpu.assume_multiple %parallel_loop3A_105, 8 : i32
        %parallel_loop3A_107 = arith.constant 0 : i32
        %parallel_loop3A_108 = arith.constant 0 : i32
        %parallel_loop3A_109 = arith.index_cast %parallel_loop3A_107 : i32 to index
        %parallel_loop3A_110 = arith.index_cast %parallel_loop3A_108 : i32 to index
        %parallel_loop3A_111 = arith.index_cast %parallel_loop3A_106 : i32 to index
        %parallel_loop3A_112 = tpu.vector_load %arg16[%parallel_loop3A_109, %parallel_loop3A_110, %parallel_loop3A_111] {strides = array<i32>} : memref<4x2x2048xi32, #tpu.memory_space<vmem>>, vector<16xi32>,
        %parallel_loop3A_113 = arith.constant 0 : i32
        %parallel_loop3A_114 = arith.constant 1 : i32
        %parallel_loop3A_115 = arith.index_cast %parallel_loop3A_113 : i32 to index
        %parallel_loop3A_116 = arith.index_cast %parallel_loop3A_114 : i32 to index
        %parallel_loop3A_117 = arith.index_cast %parallel_loop3A_106 : i32 to index
        %parallel_loop3A_118 = tpu.vector_load %arg16[%parallel_loop3A_115, %parallel_loop3A_116, %parallel_loop3A_117] {strides = array<i32>} : memref<4x2x2048xi32, #tpu.memory_space<vmem>>, vector<16xi32>,
        %parallel_loop3A_119 = tpu.vector_load_idx %arg13[%parallel_loop3A_112] : memref<10240xf32, #tpu.memory_space<vmem>>[vector<16xi32>], vector<16xf32>,
        %parallel_loop3A_120 = tpu.vector_load_idx %arg14[%parallel_loop3A_118] : memref<10240xf32, #tpu.memory_space<vmem>>[vector<16xi32>], vector<16xf32>,
        %parallel_loop3A_121 = arith.addf %parallel_loop3A_119, %parallel_loop3A_120 : vector<16xf32>
        %parallel_loop3A_122 = arith.constant 2.000000e-01 : f32
        %parallel_loop3A_123 = vector.broadcast %parallel_loop3A_122 : f32 to vector<16xf32>
        %parallel_loop3A_124 = arith.mulf %parallel_loop3A_121, %parallel_loop3A_123 : vector<16xf32>
        %parallel_loop3A_125 = arith.maximumf %parallel_loop3A_121, %parallel_loop3A_124 : vector<16xf32>
        %parallel_loop3A_126 = math.exp %parallel_loop3A_125 : vector<16xf32>
        %parallel_loop3A_127 = tpu.vector_load_idx %arg7[%parallel_loop3A_112] : memref<10240xf32, #tpu.memory_space<vmem>>[vector<16xi32>], vector<16xf32>,
        %parallel_loop3A_128 = arith.mulf %parallel_loop3A_126, %parallel_loop3A_127 : vector<16xf32>
        tpu.vector_store_idx %arg10[%parallel_loop3A_118], %parallel_loop3A_128 {add = true} : memref<10240xf32, #tpu.memory_space<vmem>>[vector<16xi32>], vector<16xf32>,
        %parallel_loop3A_129 = tpu.vector_load_idx %arg8[%parallel_loop3A_112] : memref<10240xf32, #tpu.memory_space<vmem>>[vector<16xi32>], vector<16xf32>,
        %parallel_loop3A_130 = arith.mulf %parallel_loop3A_126, %parallel_loop3A_129 : vector<16xf32>
        tpu.vector_store_idx %arg11[%parallel_loop3A_118], %parallel_loop3A_130 {add = true} : memref<10240xf32, #tpu.memory_space<vmem>>[vector<16xi32>], vector<16xf32>,
        tpu.vector_store_idx %arg15[%parallel_loop3A_118], %parallel_loop3A_126 {add = true} : memref<10240xf32, #tpu.memory_space<vmem>>[vector<16xi32>], vector<16xf32>,
      } {sc.loop_unroll_factor = 2 : i64, sc.parallel_access}
      "tpu.region"() ({
        %run_scoped3A_105 = tpu.sem_alloc : memref<!tpu.dma_semaphore, #tpu.memory_space<semaphore_mem>>
        %dma_start3A_106 = arith.constant 0 : i32
        %dma_start3A_107 = tpu.memref_slice %arg5[%arg0, %add3A_10, %dma_start3A_106] : memref<2x40x10240xf32, #tpu.memory_space<hbm>> -> memref<1x1x10240xf32, #tpu.memory_space<hbm>>
        %dma_start3A_108 = tpu.memref_squeeze %dma_start3A_107 : memref<1x1x10240xf32, #tpu.memory_space<hbm>> -> memref<10240xf32, #tpu.memory_space<hbm>>
        %dma_start3A_109 = arith.constant 0 : i32
        %dma_start3A_110 = tpu.memref_slice %arg5[%arg0, %add3A_10, %dma_start3A_109] : memref<2x40x10240xf32, #tpu.memory_space<hbm>> -> memref<1x1x10240xf32, #tpu.memory_space<hbm>>
        %dma_start3A_111 = tpu.memref_squeeze %dma_start3A_110 : memref<1x1x10240xf32, #tpu.memory_space<hbm>> -> memref<10240xf32, #tpu.memory_space<hbm>>
        tpu.enqueue_dma source(%arg10 : memref<10240xf32, #tpu.memory_space<vmem>>) target(%dma_start3A_111 : memref<10240xf32, #tpu.memory_space<hbm>>) target_semaphore(%run_scoped3A_105 : memref<!tpu.dma_semaphore, #tpu.memory_space<semaphore_mem>>)
        %dma_wait3A_112 = arith.constant 0 : i32
        %dma_wait3A_113 = tpu.memref_slice %arg5[%arg0, %add3A_10, %dma_wait3A_112] : memref<2x40x10240xf32, #tpu.memory_space<hbm>> -> memref<1x1x10240xf32, #tpu.memory_space<hbm>>
        %dma_wait3A_114 = tpu.memref_squeeze %dma_wait3A_113 : memref<1x1x10240xf32, #tpu.memory_space<hbm>> -> memref<10240xf32, #tpu.memory_space<hbm>>
        %dma_wait3A_115 = arith.constant 0 : i32
        %dma_wait3A_116 = tpu.memref_slice %arg5[%arg0, %add3A_10, %dma_wait3A_115] : memref<2x40x10240xf32, #tpu.memory_space<hbm>> -> memref<1x1x10240xf32, #tpu.memory_space<hbm>>
        %dma_wait3A_117 = tpu.memref_squeeze %dma_wait3A_116 : memref<1x1x10240xf32, #tpu.memory_space<hbm>> -> memref<10240xf32, #tpu.memory_space<hbm>>
        tpu.wait_dma2 semaphore(%run_scoped3A_105 : memref<!tpu.dma_semaphore, #tpu.memory_space<semaphore_mem>>) src(%arg10 : memref<10240xf32, #tpu.memory_space<vmem>>) dst(%dma_wait3A_117 : memref<10240xf32, #tpu.memory_space<hbm>>)
        tpu.yield
      }) : () -> ()
      %add3A_99 = arith.constant 1 : i32
      %add3A_100 = arith.addi %add3A_10, %add3A_99 : i32
      "tpu.region"() ({
        %run_scoped3A_105 = tpu.sem_alloc : memref<!tpu.dma_semaphore, #tpu.memory_space<semaphore_mem>>
        %dma_start3A_106 = arith.constant 0 : i32
        %dma_start3A_107 = tpu.memref_slice %arg5[%arg0, %add3A_100, %dma_start3A_106] : memref<2x40x10240xf32, #tpu.memory_space<hbm>> -> memref<1x1x10240xf32, #tpu.memory_space<hbm>>
        %dma_start3A_108 = tpu.memref_squeeze %dma_start3A_107 : memref<1x1x10240xf32, #tpu.memory_space<hbm>> -> memref<10240xf32, #tpu.memory_space<hbm>>
        %dma_start3A_109 = arith.constant 0 : i32
        %dma_start3A_110 = tpu.memref_slice %arg5[%arg0, %add3A_100, %dma_start3A_109] : memref<2x40x10240xf32, #tpu.memory_space<hbm>> -> memref<1x1x10240xf32, #tpu.memory_space<hbm>>
        %dma_start3A_111 = tpu.memref_squeeze %dma_start3A_110 : memref<1x1x10240xf32, #tpu.memory_space<hbm>> -> memref<10240xf32, #tpu.memory_space<hbm>>
        tpu.enqueue_dma source(%arg11 : memref<10240xf32, #tpu.memory_space<vmem>>) target(%dma_start3A_111 : memref<10240xf32, #tpu.memory_space<hbm>>) target_semaphore(%run_scoped3A_105 : memref<!tpu.dma_semaphore, #tpu.memory_space<semaphore_mem>>)
        %dma_wait3A_112 = arith.constant 0 : i32
        %dma_wait3A_113 = tpu.memref_slice %arg5[%arg0, %add3A_100, %dma_wait3A_112] : memref<2x40x10240xf32, #tpu.memory_space<hbm>> -> memref<1x1x10240xf32, #tpu.memory_space<hbm>>
        %dma_wait3A_114 = tpu.memref_squeeze %dma_wait3A_113 : memref<1x1x10240xf32, #tpu.memory_space<hbm>> -> memref<10240xf32, #tpu.memory_space<hbm>>
        %dma_wait3A_115 = arith.constant 0 : i32
        %dma_wait3A_116 = tpu.memref_slice %arg5[%arg0, %add3A_100, %dma_wait3A_115] : memref<2x40x10240xf32, #tpu.memory_space<hbm>> -> memref<1x1x10240xf32, #tpu.memory_space<hbm>>
        %dma_wait3A_117 = tpu.memref_squeeze %dma_wait3A_116 : memref<1x1x10240xf32, #tpu.memory_space<hbm>> -> memref<10240xf32, #tpu.memory_space<hbm>>
        tpu.wait_dma2 semaphore(%run_scoped3A_105 : memref<!tpu.dma_semaphore, #tpu.memory_space<semaphore_mem>>) src(%arg11 : memref<10240xf32, #tpu.memory_space<vmem>>) dst(%dma_wait3A_117 : memref<10240xf32, #tpu.memory_space<hbm>>)
        tpu.yield
      }) : () -> ()
      %eq3A = arith.constant 15 : i32
      %eq3A_101 = arith.cmpi eq, %arg1, %eq3A : i32
      %convert_element_type3A_102 = arith.extui %eq3A_101 : i1 to i32
      %cond3A_103 = arith.constant 0 : i32
      %cond3A_104 = arith.cmpi ne, %convert_element_type3A_102, %cond3A_103 : i32
      scf.if %cond3A_104 {
        %run_scoped3A_105 = arith.constant 0 : i32
        "tpu.region"() ({
          %run_scoped3A_106 = tpu.sem_alloc : memref<!tpu.dma_semaphore, #tpu.memory_space<semaphore_mem>>
          %dma_start3A_107 = arith.constant 0 : i32
          %dma_start3A_108 = tpu.memref_slice %arg6[%arg0, %run_scoped3A_105, %dma_start3A_107] : memref<2x1x10240xf32, #tpu.memory_space<hbm>> -> memref<1x1x10240xf32, #tpu.memory_space<hbm>>
          %dma_start3A_109 = tpu.memref_squeeze %dma_start3A_108 : memref<1x1x10240xf32, #tpu.memory_space<hbm>> -> memref<10240xf32, #tpu.memory_space<hbm>>
          %dma_start3A_110 = arith.constant 0 : i32
          %dma_start3A_111 = tpu.memref_slice %arg6[%arg0, %run_scoped3A_105, %dma_start3A_110] : memref<2x1x10240xf32, #tpu.memory_space<hbm>> -> memref<1x1x10240xf32, #tpu.memory_space<hbm>>
          %dma_start3A_112 = tpu.memref_squeeze %dma_start3A_111 : memref<1x1x10240xf32, #tpu.memory_space<hbm>> -> memref<10240xf32, #tpu.memory_space<hbm>>
          tpu.enqueue_dma source(%arg15 : memref<10240xf32, #tpu.memory_space<vmem>>) target(%dma_start3A_112 : memref<10240xf32, #tpu.memory_space<hbm>>) target_semaphore(%run_scoped3A_106 : memref<!tpu.dma_semaphore, #tpu.memory_space<semaphore_mem>>)
          %dma_wait3A_113 = arith.constant 0 : i32
          %dma_wait3A_114 = tpu.memref_slice %arg6[%arg0, %run_scoped3A_105, %dma_wait3A_113] : memref<2x1x10240xf32, #tpu.memory_space<hbm>> -> memref<1x1x10240xf32, #tpu.memory_space<hbm>>
          %dma_wait3A_115 = tpu.memref_squeeze %dma_wait3A_114 : memref<1x1x10240xf32, #tpu.memory_space<hbm>> -> memref<10240xf32, #tpu.memory_space<hbm>>
          %dma_wait3A_116 = arith.constant 0 : i32
          %dma_wait3A_117 = tpu.memref_slice %arg6[%arg0, %run_scoped3A_105, %dma_wait3A_116] : memref<2x1x10240xf32, #tpu.memory_space<hbm>> -> memref<1x1x10240xf32, #tpu.memory_space<hbm>>
          %dma_wait3A_118 = tpu.memref_squeeze %dma_wait3A_117 : memref<1x1x10240xf32, #tpu.memory_space<hbm>> -> memref<10240xf32, #tpu.memory_space<hbm>>
          tpu.wait_dma2 semaphore(%run_scoped3A_106 : memref<!tpu.dma_semaphore, #tpu.memory_space<semaphore_mem>>) src(%arg15 : memref<10240xf32, #tpu.memory_space<vmem>>) dst(%dma_wait3A_118 : memref<10240xf32, #tpu.memory_space<hbm>>)
          tpu.yield
        }) : () -> ()
      } else {
      }
    } else {
    }
    return
  }
}

module attributes {stable_mosaic.version = 14 : i64} {
  func.func @_tc1_body(%arg0: i32, %arg1: memref<512x128xf32, #tpu.memory_space<vmem>>, %arg2: memref<64x128xf32, #tpu.memory_space<vmem>>, %arg3: memref<8x64xf32, #tpu.memory_space<vmem>>, %arg4: memref<8x64xf32, #tpu.memory_space<vmem>>, %arg5: memref<64x512xf32, #tpu.memory_space<vmem>>, %arg6: memref<8x512xf32, #tpu.memory_space<vmem>>, %arg7: memref<8x512xf32, #tpu.memory_space<vmem>>) attributes {dimension_semantics = [#tpu.dimension_semantics<arbitrary>], iteration_bounds = array<i64: 20>, scalar_prefetch = 0 : i64, scratch_operands = 0 : i64, tpu.core_type = #tpu.core_type<tc>, window_params = [{transform_indices = @transform_0, window_bounds = array<i64: 512, 128>}, {pipeline_mode = #tpu.pipeline_mode<synchronous>, transform_indices = @transform_1, window_bounds = array<i64: 64, 128>}, {pipeline_mode = #tpu.pipeline_mode<synchronous>, transform_indices = @transform_2, window_bounds = array<i64: 8, 64>}, {pipeline_mode = #tpu.pipeline_mode<synchronous>, transform_indices = @transform_3, window_bounds = array<i64: 8, 64>}, {transform_indices = @transform_4, window_bounds = array<i64: 64, 512>}, {transform_indices = @transform_5, window_bounds = array<i64: 8, 512>}, {transform_indices = @transform_6, window_bounds = array<i64: 8, 512>}]} {
    %get3A = arith.constant 0 : index
    %get3A_0 = arith.constant 0 : index
    %get3A_1 = vector.load %arg2[%get3A, %get3A_0] : memref<64x128xf32, #tpu.memory_space<vmem>>, vector<64x128xf32>
    %get3A_2 = arith.constant 0 : index
    %get3A_3 = arith.constant 0 : index
    %get3A_4 = vector.load %arg1[%get3A_2, %get3A_3] : memref<512x128xf32, #tpu.memory_space<vmem>>, vector<512x128xf32>
    %dot_general3A = arith.constant dense<0.000000e+00> : vector<64x512xf32>
    %dot_general3A_5 = tpu.matmul %get3A_1, %get3A_4, %dot_general3A {dimension_numbers = #tpu.dot_dimension_numbers<[1], [1], [0], [0], [0, 0, 1, 0], [], []>, transpose_lhs_hint = false} : vector<64x128xf32>, vector<512x128xf32>, vector<64x512xf32> -> vector<64x512xf32>
    %swap3A = arith.constant 0 : index
    %swap3A_6 = arith.constant 0 : index
    %swap3A_7 = vector.load %arg5[%swap3A, %swap3A_6] : memref<64x512xf32, #tpu.memory_space<vmem>>, vector<64x512xf32>
    tpu.vector_store %arg5[%swap3A, %swap3A_6], %dot_general3A_5 {strides = array<i32>} : memref<64x512xf32, #tpu.memory_space<vmem>>, vector<64x512xf32>,
    %get3A_8 = arith.constant 0 : index
    %get3A_9 = arith.constant 0 : index
    %get3A_10 = vector.load %arg3[%get3A_8, %get3A_9] : memref<8x64xf32, #tpu.memory_space<vmem>>, vector<8x64xf32>
    %dot_general3A_11 = arith.constant dense<0.000000e+00> : vector<8x512xf32>
    %dot_general3A_12 = tpu.matmul %get3A_10, %dot_general3A_5, %dot_general3A_11 {dimension_numbers = #tpu.dot_dimension_numbers<[1], [0], [0], [1], [0, 0, 1, 1], [], []>, transpose_lhs_hint = false} : vector<8x64xf32>, vector<64x512xf32>, vector<8x512xf32> -> vector<8x512xf32>
    %swap3A_13 = arith.constant 0 : index
    %swap3A_14 = arith.constant 0 : index
    %swap3A_15 = vector.load %arg6[%swap3A_13, %swap3A_14] : memref<8x512xf32, #tpu.memory_space<vmem>>, vector<8x512xf32>
    tpu.vector_store %arg6[%swap3A_13, %swap3A_14], %dot_general3A_12 {strides = array<i32>} : memref<8x512xf32, #tpu.memory_space<vmem>>, vector<8x512xf32>,
    %get3A_16 = arith.constant 0 : index
    %get3A_17 = arith.constant 0 : index
    %get3A_18 = vector.load %arg4[%get3A_16, %get3A_17] : memref<8x64xf32, #tpu.memory_space<vmem>>, vector<8x64xf32>
    %dot_general3A_19 = arith.constant dense<0.000000e+00> : vector<8x512xf32>
    %dot_general3A_20 = tpu.matmul %get3A_18, %dot_general3A_5, %dot_general3A_19 {dimension_numbers = #tpu.dot_dimension_numbers<[1], [0], [0], [1], [0, 0, 1, 1], [], []>, transpose_lhs_hint = false} : vector<8x64xf32>, vector<64x512xf32>, vector<8x512xf32> -> vector<8x512xf32>
    %swap3A_21 = arith.constant 0 : index
    %swap3A_22 = arith.constant 0 : index
    %swap3A_23 = vector.load %arg7[%swap3A_21, %swap3A_22] : memref<8x512xf32, #tpu.memory_space<vmem>>, vector<8x512xf32>
    tpu.vector_store %arg7[%swap3A_21, %swap3A_22], %dot_general3A_20 {strides = array<i32>} : memref<8x512xf32, #tpu.memory_space<vmem>>, vector<8x512xf32>,
    return
  }
  func.func @transform_0(%arg0: i32) -> (i32, i32) {
    %c0_i32 = arith.constant 0 : i32
    %c0_i32_0 = arith.constant 0 : i32
    return %arg0, %c0_i32 : i32, i32
  }
  func.func @transform_1(%arg0: i32) -> (i32, i32) {
    %c0_i32 = arith.constant 0 : i32
    %c0_i32_0 = arith.constant 0 : i32
    %c0_i32_1 = arith.constant 0 : i32
    return %c0_i32, %c0_i32_0 : i32, i32
  }
  func.func @transform_2(%arg0: i32) -> (i32, i32) {
    %c0_i32 = arith.constant 0 : i32
    %c0_i32_0 = arith.constant 0 : i32
    %c0_i32_1 = arith.constant 0 : i32
    return %c0_i32, %c0_i32_0 : i32, i32
  }
  func.func @transform_3(%arg0: i32) -> (i32, i32) {
    %c0_i32 = arith.constant 0 : i32
    %c0_i32_0 = arith.constant 0 : i32
    %c0_i32_1 = arith.constant 0 : i32
    return %c0_i32, %c0_i32_0 : i32, i32
  }
  func.func @transform_4(%arg0: i32) -> (i32, i32) {
    %c0_i32 = arith.constant 0 : i32
    %c0_i32_0 = arith.constant 0 : i32
    return %c0_i32, %arg0 : i32, i32
  }
  func.func @transform_5(%arg0: i32) -> (i32, i32) {
    %c0_i32 = arith.constant 0 : i32
    %c0_i32_0 = arith.constant 0 : i32
    return %c0_i32, %arg0 : i32, i32
  }
  func.func @transform_6(%arg0: i32) -> (i32, i32) {
    %c0_i32 = arith.constant 0 : i32
    %c0_i32_0 = arith.constant 0 : i32
    return %c0_i32, %arg0 : i32, i32
  }
}

module attributes {stable_mosaic.version = 14 : i64} {
  func.func @_tc2_body(%arg0: i32, %arg1: memref<2x64x512xf32, #tpu.memory_space<vmem>>, %arg2: memref<2x8x512xf32, #tpu.memory_space<vmem>>, %arg3: memref<40x64xf32, #tpu.memory_space<vmem>>, %arg4: memref<2x40xf32, #tpu.memory_space<vmem>>, %arg5: memref<64x1xf32, #tpu.memory_space<vmem>>, %arg6: memref<40x512xf32, #tpu.memory_space<vmem>>, %arg7: memref<2x512xf32, #tpu.memory_space<vmem>>) attributes {dimension_semantics = [#tpu.dimension_semantics<arbitrary>], iteration_bounds = array<i64: 20>, scalar_prefetch = 0 : i64, scratch_operands = 0 : i64, tpu.core_type = #tpu.core_type<tc>, window_params = [{transform_indices = @transform_0, window_bounds = array<i64: 2, 64, 512>}, {transform_indices = @transform_1, window_bounds = array<i64: 2, 8, 512>}, {pipeline_mode = #tpu.pipeline_mode<synchronous>, transform_indices = @transform_2, window_bounds = array<i64: 40, 64>}, {pipeline_mode = #tpu.pipeline_mode<synchronous>, transform_indices = @transform_3, window_bounds = array<i64: 2, 40>}, {pipeline_mode = #tpu.pipeline_mode<synchronous>, transform_indices = @transform_4, window_bounds = array<i64: 64, 1>}, {transform_indices = @transform_5, window_bounds = array<i64: 40, 512>}, {transform_indices = @transform_6, window_bounds = array<i64: 2, 512>}]} {
    %get3A = arith.constant 0 : index
    %get3A_0 = arith.constant 0 : index
    %get3A_1 = arith.constant 0 : index
    %get3A_2 = vector.load %arg1[%get3A, %get3A_0, %get3A_1] : memref<2x64x512xf32, #tpu.memory_space<vmem>>, vector<1x64x512xf32>
    %get3A_3 = vector.shape_cast %get3A_2 : vector<1x64x512xf32> to vector<64x512xf32>
    %get3A_4 = arith.constant 1 : index
    %get3A_5 = arith.constant 0 : index
    %get3A_6 = arith.constant 0 : index
    %get3A_7 = vector.load %arg1[%get3A_4, %get3A_5, %get3A_6] : memref<2x64x512xf32, #tpu.memory_space<vmem>>, vector<1x64x512xf32>
    %get3A_8 = vector.shape_cast %get3A_7 : vector<1x64x512xf32> to vector<64x512xf32>
    %add3A = arith.addf %get3A_3, %get3A_8 : vector<64x512xf32>
    %get3A_9 = arith.constant 0 : index
    %get3A_10 = arith.constant 0 : index
    %get3A_11 = arith.constant 0 : index
    %get3A_12 = vector.load %arg2[%get3A_9, %get3A_10, %get3A_11] : memref<2x8x512xf32, #tpu.memory_space<vmem>>, vector<1x8x512xf32>
    %get3A_13 = vector.shape_cast %get3A_12 : vector<1x8x512xf32> to vector<8x512xf32>
    %get3A_14 = arith.constant 1 : index
    %get3A_15 = arith.constant 0 : index
    %get3A_16 = arith.constant 0 : index
    %get3A_17 = vector.load %arg2[%get3A_14, %get3A_15, %get3A_16] : memref<2x8x512xf32, #tpu.memory_space<vmem>>, vector<1x8x512xf32>
    %get3A_18 = vector.shape_cast %get3A_17 : vector<1x8x512xf32> to vector<8x512xf32>
    %add3A_19 = arith.addf %get3A_13, %get3A_18 : vector<8x512xf32>
    %slice3A = vector.extract_strided_slice %add3A {offsets = [0, 0], sizes = [8, 512], strides = [1, 1]} : vector<64x512xf32> to vector<8x512xf32>
    %slice3A_20 = vector.extract_strided_slice %add3A_19 {offsets = [0, 0], sizes = [1, 512], strides = [1, 1]} : vector<8x512xf32> to vector<1x512xf32>
    %div3A = vector.broadcast %slice3A_20 : vector<1x512xf32> to vector<8x512xf32>
    %div3A_21 = arith.divf %slice3A, %div3A : vector<8x512xf32>
    %slice3A_22 = vector.extract_strided_slice %add3A {offsets = [8, 0], sizes = [8, 512], strides = [1, 1]} : vector<64x512xf32> to vector<8x512xf32>
    %slice3A_23 = vector.extract_strided_slice %add3A_19 {offsets = [1, 0], sizes = [1, 512], strides = [1, 1]} : vector<8x512xf32> to vector<1x512xf32>
    %div3A_24 = vector.broadcast %slice3A_23 : vector<1x512xf32> to vector<8x512xf32>
    %div3A_25 = arith.divf %slice3A_22, %div3A_24 : vector<8x512xf32>
    %slice3A_26 = vector.extract_strided_slice %add3A {offsets = [16, 0], sizes = [8, 512], strides = [1, 1]} : vector<64x512xf32> to vector<8x512xf32>
    %slice3A_27 = vector.extract_strided_slice %add3A_19 {offsets = [2, 0], sizes = [1, 512], strides = [1, 1]} : vector<8x512xf32> to vector<1x512xf32>
    %div3A_28 = vector.broadcast %slice3A_27 : vector<1x512xf32> to vector<8x512xf32>
    %div3A_29 = arith.divf %slice3A_26, %div3A_28 : vector<8x512xf32>
    %slice3A_30 = vector.extract_strided_slice %add3A {offsets = [24, 0], sizes = [8, 512], strides = [1, 1]} : vector<64x512xf32> to vector<8x512xf32>
    %slice3A_31 = vector.extract_strided_slice %add3A_19 {offsets = [3, 0], sizes = [1, 512], strides = [1, 1]} : vector<8x512xf32> to vector<1x512xf32>
    %div3A_32 = vector.broadcast %slice3A_31 : vector<1x512xf32> to vector<8x512xf32>
    %div3A_33 = arith.divf %slice3A_30, %div3A_32 : vector<8x512xf32>
    %slice3A_34 = vector.extract_strided_slice %add3A {offsets = [32, 0], sizes = [8, 512], strides = [1, 1]} : vector<64x512xf32> to vector<8x512xf32>
    %slice3A_35 = vector.extract_strided_slice %add3A_19 {offsets = [4, 0], sizes = [1, 512], strides = [1, 1]} : vector<8x512xf32> to vector<1x512xf32>
    %div3A_36 = vector.broadcast %slice3A_35 : vector<1x512xf32> to vector<8x512xf32>
    %div3A_37 = arith.divf %slice3A_34, %div3A_36 : vector<8x512xf32>
    %slice3A_38 = vector.extract_strided_slice %add3A {offsets = [40, 0], sizes = [8, 512], strides = [1, 1]} : vector<64x512xf32> to vector<8x512xf32>
    %slice3A_39 = vector.extract_strided_slice %add3A_19 {offsets = [5, 0], sizes = [1, 512], strides = [1, 1]} : vector<8x512xf32> to vector<1x512xf32>
    %div3A_40 = vector.broadcast %slice3A_39 : vector<1x512xf32> to vector<8x512xf32>
    %div3A_41 = arith.divf %slice3A_38, %div3A_40 : vector<8x512xf32>
    %slice3A_42 = vector.extract_strided_slice %add3A {offsets = [48, 0], sizes = [8, 512], strides = [1, 1]} : vector<64x512xf32> to vector<8x512xf32>
    %slice3A_43 = vector.extract_strided_slice %add3A_19 {offsets = [6, 0], sizes = [1, 512], strides = [1, 1]} : vector<8x512xf32> to vector<1x512xf32>
    %div3A_44 = vector.broadcast %slice3A_43 : vector<1x512xf32> to vector<8x512xf32>
    %div3A_45 = arith.divf %slice3A_42, %div3A_44 : vector<8x512xf32>
    %slice3A_46 = vector.extract_strided_slice %add3A {offsets = [56, 0], sizes = [8, 512], strides = [1, 1]} : vector<64x512xf32> to vector<8x512xf32>
    %slice3A_47 = vector.extract_strided_slice %add3A_19 {offsets = [7, 0], sizes = [1, 512], strides = [1, 1]} : vector<8x512xf32> to vector<1x512xf32>
    %div3A_48 = vector.broadcast %slice3A_47 : vector<1x512xf32> to vector<8x512xf32>
    %div3A_49 = arith.divf %slice3A_46, %div3A_48 : vector<8x512xf32>
    %concatenate3A = tpu.concatenate %div3A_21, %div3A_25, %div3A_29, %div3A_33, %div3A_37, %div3A_41, %div3A_45, %div3A_49 in 0 : vector<8x512xf32>, vector<8x512xf32>, vector<8x512xf32>, vector<8x512xf32>, vector<8x512xf32>, vector<8x512xf32>, vector<8x512xf32>, vector<8x512xf32> -> vector<64x512xf32>
    %get3A_50 = arith.constant 0 : index
    %get3A_51 = arith.constant 0 : index
    %get3A_52 = vector.load %arg5[%get3A_50, %get3A_51] : memref<64x1xf32, #tpu.memory_space<vmem>>, vector<64x1xf32>
    %add3A_53 = vector.broadcast %get3A_52 : vector<64x1xf32> to vector<64x512xf32>
    %add3A_54 = arith.addf %concatenate3A, %add3A_53 : vector<64x512xf32>
    %gt3A = arith.constant 0.000000e+00 : f32
    %gt3A_55 = vector.broadcast %gt3A : f32 to vector<64x512xf32>
    %gt3A_56 = arith.cmpf ogt, %add3A_54, %gt3A_55 : vector<64x512xf32>
    %exp3A = math.exp %add3A_54 : vector<64x512xf32>
    %sub3A = arith.constant 1.000000e+00 : f32
    %sub3A_57 = vector.broadcast %sub3A : f32 to vector<64x512xf32>
    %sub3A_58 = arith.subf %exp3A, %sub3A_57 : vector<64x512xf32>
    %select_n3A = arith.select %gt3A_56, %add3A_54, %sub3A_58 : vector<64x512xi1>, vector<64x512xf32>
    %get3A_59 = arith.constant 0 : index
    %get3A_60 = arith.constant 0 : index
    %get3A_61 = vector.load %arg3[%get3A_59, %get3A_60] : memref<40x64xf32, #tpu.memory_space<vmem>>, vector<40x64xf32>
    %dot_general3A = arith.constant dense<0.000000e+00> : vector<40x512xf32>
    %dot_general3A_62 = tpu.matmul %get3A_61, %select_n3A, %dot_general3A {dimension_numbers = #tpu.dot_dimension_numbers<[1], [0], [0], [1], [0, 0, 1, 1], [], []>, transpose_lhs_hint = false} : vector<40x64xf32>, vector<64x512xf32>, vector<40x512xf32> -> vector<40x512xf32>
    %swap3A = arith.constant 0 : index
    %swap3A_63 = arith.constant 0 : index
    %swap3A_64 = vector.load %arg6[%swap3A, %swap3A_63] : memref<40x512xf32, #tpu.memory_space<vmem>>, vector<40x512xf32>
    tpu.vector_store %arg6[%swap3A, %swap3A_63], %dot_general3A_62 {strides = array<i32>} : memref<40x512xf32, #tpu.memory_space<vmem>>, vector<40x512xf32>,
    %get3A_65 = arith.constant 0 : index
    %get3A_66 = arith.constant 0 : index
    %get3A_67 = vector.load %arg4[%get3A_65, %get3A_66] : memref<2x40xf32, #tpu.memory_space<vmem>>, vector<2x40xf32>
    %dot_general3A_68 = arith.constant dense<0.000000e+00> : vector<2x512xf32>
    %dot_general3A_69 = tpu.matmul %get3A_67, %dot_general3A_62, %dot_general3A_68 {dimension_numbers = #tpu.dot_dimension_numbers<[1], [0], [0], [1], [0, 0, 1, 1], [], []>, transpose_lhs_hint = false} : vector<2x40xf32>, vector<40x512xf32>, vector<2x512xf32> -> vector<2x512xf32>
    %swap3A_70 = arith.constant 0 : index
    %swap3A_71 = arith.constant 0 : index
    %swap3A_72 = vector.load %arg7[%swap3A_70, %swap3A_71] : memref<2x512xf32, #tpu.memory_space<vmem>>, vector<2x512xf32>
    tpu.vector_store %arg7[%swap3A_70, %swap3A_71], %dot_general3A_69 {strides = array<i32>} : memref<2x512xf32, #tpu.memory_space<vmem>>, vector<2x512xf32>,
    return
  }
  func.func @transform_0(%arg0: i32) -> (i32, i32, i32) {
    %c0_i32 = arith.constant 0 : i32
    %c0_i32_0 = arith.constant 0 : i32
    %c0_i32_1 = arith.constant 0 : i32
    return %c0_i32, %c0_i32_0, %arg0 : i32, i32, i32
  }
  func.func @transform_1(%arg0: i32) -> (i32, i32, i32) {
    %c0_i32 = arith.constant 0 : i32
    %c0_i32_0 = arith.constant 0 : i32
    %c0_i32_1 = arith.constant 0 : i32
    return %c0_i32, %c0_i32_0, %arg0 : i32, i32, i32
  }
  func.func @transform_2(%arg0: i32) -> (i32, i32) {
    %c0_i32 = arith.constant 0 : i32
    %c0_i32_0 = arith.constant 0 : i32
    %c0_i32_1 = arith.constant 0 : i32
    return %c0_i32, %c0_i32_0 : i32, i32
  }
  func.func @transform_3(%arg0: i32) -> (i32, i32) {
    %c0_i32 = arith.constant 0 : i32
    %c0_i32_0 = arith.constant 0 : i32
    %c0_i32_1 = arith.constant 0 : i32
    return %c0_i32, %c0_i32_0 : i32, i32
  }
  func.func @transform_4(%arg0: i32) -> (i32, i32) {
    %c0_i32 = arith.constant 0 : i32
    %c0_i32_0 = arith.constant 0 : i32
    %c0_i32_1 = arith.constant 0 : i32
    return %c0_i32, %c0_i32_0 : i32, i32
  }
  func.func @transform_5(%arg0: i32) -> (i32, i32) {
    %c0_i32 = arith.constant 0 : i32
    %c0_i32_0 = arith.constant 0 : i32
    return %c0_i32, %arg0 : i32, i32
  }
  func.func @transform_6(%arg0: i32) -> (i32, i32) {
    %c0_i32 = arith.constant 0 : i32
    %c0_i32_0 = arith.constant 0 : i32
    return %c0_i32, %arg0 : i32, i32
  }
}

module attributes {stable_mosaic.version = 14 : i64} {
  func.func @_tc3_body(%arg0: i32, %arg1: memref<2x40x512xf32, #tpu.memory_space<vmem>>, %arg2: memref<2x1x512xf32, #tpu.memory_space<vmem>>, %arg3: memref<40x1xf32, #tpu.memory_space<vmem>>, %arg4: memref<40x512xf32, #tpu.memory_space<vmem>>) attributes {dimension_semantics = [#tpu.dimension_semantics<arbitrary>], iteration_bounds = array<i64: 20>, scalar_prefetch = 0 : i64, scratch_operands = 0 : i64, tpu.core_type = #tpu.core_type<tc>, window_params = [{transform_indices = @transform_0, window_bounds = array<i64: 2, 40, 512>}, {transform_indices = @transform_1, window_bounds = array<i64: 2, 1, 512>}, {pipeline_mode = #tpu.pipeline_mode<synchronous>, transform_indices = @transform_2, window_bounds = array<i64: 40, 1>}, {transform_indices = @transform_3, window_bounds = array<i64: 40, 512>}]} {
    %get3A = arith.constant 0 : index
    %get3A_0 = arith.constant 0 : index
    %get3A_1 = arith.constant 0 : index
    %get3A_2 = vector.load %arg1[%get3A, %get3A_0, %get3A_1] : memref<2x40x512xf32, #tpu.memory_space<vmem>>, vector<1x40x512xf32>
    %get3A_3 = vector.shape_cast %get3A_2 : vector<1x40x512xf32> to vector<40x512xf32>
    %get3A_4 = arith.constant 1 : index
    %get3A_5 = arith.constant 0 : index
    %get3A_6 = arith.constant 0 : index
    %get3A_7 = vector.load %arg1[%get3A_4, %get3A_5, %get3A_6] : memref<2x40x512xf32, #tpu.memory_space<vmem>>, vector<1x40x512xf32>
    %get3A_8 = vector.shape_cast %get3A_7 : vector<1x40x512xf32> to vector<40x512xf32>
    %add3A = arith.addf %get3A_3, %get3A_8 : vector<40x512xf32>
    %get3A_9 = arith.constant 0 : index
    %get3A_10 = arith.constant 0 : index
    %get3A_11 = arith.constant 0 : index
    %get3A_12 = vector.load %arg2[%get3A_9, %get3A_10, %get3A_11] : memref<2x1x512xf32, #tpu.memory_space<vmem>>, vector<1x1x512xf32>
    %get3A_13 = vector.shape_cast %get3A_12 : vector<1x1x512xf32> to vector<1x512xf32>
    %get3A_14 = arith.constant 1 : index
    %get3A_15 = arith.constant 0 : index
    %get3A_16 = arith.constant 0 : index
    %get3A_17 = vector.load %arg2[%get3A_14, %get3A_15, %get3A_16] : memref<2x1x512xf32, #tpu.memory_space<vmem>>, vector<1x1x512xf32>
    %get3A_18 = vector.shape_cast %get3A_17 : vector<1x1x512xf32> to vector<1x512xf32>
    %add3A_19 = arith.addf %get3A_13, %get3A_18 : vector<1x512xf32>
    %div3A = vector.broadcast %add3A_19 : vector<1x512xf32> to vector<40x512xf32>
    %div3A_20 = arith.divf %add3A, %div3A : vector<40x512xf32>
    %get3A_21 = arith.constant 0 : index
    %get3A_22 = arith.constant 0 : index
    %get3A_23 = vector.load %arg3[%get3A_21, %get3A_22] : memref<40x1xf32, #tpu.memory_space<vmem>>, vector<40x1xf32>
    %add3A_24 = vector.broadcast %get3A_23 : vector<40x1xf32> to vector<40x512xf32>
    %add3A_25 = arith.addf %div3A_20, %add3A_24 : vector<40x512xf32>
    %reduce_max3A = arith.constant dense<0xFF800000> : vector<512xf32>
    %reduce_max3A_26 = vector.multi_reduction <maximumf>, %add3A_25, %reduce_max3A [0] : vector<40x512xf32> to vector<512xf32>
    %broadcast_in_dim3A = vector.shape_cast %reduce_max3A_26 : vector<512xf32> to vector<1x512xf32>
    %sub3A = vector.broadcast %broadcast_in_dim3A : vector<1x512xf32> to vector<40x512xf32>
    %sub3A_27 = arith.subf %add3A_25, %sub3A : vector<40x512xf32>
    %exp3A = math.exp %sub3A_27 : vector<40x512xf32>
    %reduce_sum3A = arith.constant dense<0.000000e+00> : vector<512xf32>
    %reduce_sum3A_28 = vector.multi_reduction <add>, %exp3A, %reduce_sum3A [0] : vector<40x512xf32> to vector<512xf32>
    %broadcast_in_dim3A_29 = vector.shape_cast %reduce_sum3A_28 : vector<512xf32> to vector<1x512xf32>
    %log3A = math.log %broadcast_in_dim3A_29 : vector<1x512xf32>
    %sub3A_30 = vector.broadcast %log3A : vector<1x512xf32> to vector<40x512xf32>
    %sub3A_31 = arith.subf %sub3A_27, %sub3A_30 : vector<40x512xf32>
    %swap3A = arith.constant 0 : index
    %swap3A_32 = arith.constant 0 : index
    %swap3A_33 = vector.load %arg4[%swap3A, %swap3A_32] : memref<40x512xf32, #tpu.memory_space<vmem>>, vector<40x512xf32>
    tpu.vector_store %arg4[%swap3A, %swap3A_32], %sub3A_31 {strides = array<i32>} : memref<40x512xf32, #tpu.memory_space<vmem>>, vector<40x512xf32>,
    return
  }
  func.func @transform_0(%arg0: i32) -> (i32, i32, i32) {
    %c0_i32 = arith.constant 0 : i32
    %c0_i32_0 = arith.constant 0 : i32
    %c0_i32_1 = arith.constant 0 : i32
    return %c0_i32, %c0_i32_0, %arg0 : i32, i32, i32
  }
  func.func @transform_1(%arg0: i32) -> (i32, i32, i32) {
    %c0_i32 = arith.constant 0 : i32
    %c0_i32_0 = arith.constant 0 : i32
    %c0_i32_1 = arith.constant 0 : i32
    return %c0_i32, %c0_i32_0, %arg0 : i32, i32, i32
  }
  func.func @transform_2(%arg0: i32) -> (i32, i32) {
    %c0_i32 = arith.constant 0 : i32
    %c0_i32_0 = arith.constant 0 : i32
    %c0_i32_1 = arith.constant 0 : i32
    return %c0_i32, %c0_i32_0 : i32, i32
  }
  func.func @transform_3(%arg0: i32) -> (i32, i32) {
    %c0_i32 = arith.constant 0 : i32
    %c0_i32_0 = arith.constant 0 : i32
    return %c0_i32, %arg0 : i32, i32
  }
}

</mosaic_0001>

<sc_bundles>
// kernel: kernel.10.cloned.1.call-start
scs
__scs_entry_jumppad:
0x0: {  	(pc) =	sbr.rel $0x88, $3  }
0x1: {  	(tag) =	ssettag $0x0;
	lr =	simm.s32 $0x1  }
0x2: {  	[smem:$0x3F97] =	sst lr;
	_ =	strace $0xD0000000  }
0x3: {  	_ = 	snop  }
0x4: {  	_ = 	snop  }
0x5: {  	_ = 	snop  }
0x6: {  	_ = 	snop  }
0x7: {  	_ = 	snop  }
__scs_overlays_trampoline_lowered:
0x8: {  	[smem:$0x3FA6] =	sst s0  }
0x9: {  	[smem:$0x3FA7] =	sst s1  }
0xa: {  	[smem:$0x3FA8] =	sst s2  }
0xb: {  	[smem:$0x3FA9] =	sst s3  }
0xc: {  	[smem:$0x3FAA] =	sst s4  }
0xd: {  	[smem:$0x3FAB] =	sst s5  }
0xe: {  	[smem:$0x3FAC] =	sst s6  }
0xf: {  	[smem:$0x3FAD] =	sst s7  }
0x10: {  	[smem:$0x3FAE] =	sst s8  }
0x11: {  	[smem:$0x3FAF] =	sst s9;
	s0 =	simm.s32 @!p0 $0x0  }
0x12: {  	s1 =	sld [smem:$0x3F95];
	s0 =	simm.s32 @p0 $0x1  }
0x13: {  	[smem:$0x3FB0] =	sst s0;
	s0 =	simm.s32 @!p1 $0x0  }
0x14: {  	s2 =	sld [smem:$0x3F94];
	s0 =	simm.s32 @p1 $0x1  }
0x15: {  	[smem:$0x3FB1] =	sst s0;
	s0 =	simm.s32 @!p2 $0x0  }
0x16: {  	s3 =	sld [smem:$0x3FDB];
	s0 =	simm.s32 @p2 $0x1  }
0x17: {  	s4 =	simm.s32 $0x1BF5;
	[smem:$0x3FB3] =	sst s0  }
0x18: {  	s0 =	sld [smem:$0x3F96];
	_ =	swait.ge [sflag:s4], $0x0  }
0x19: {  	s7 =	sld [smem:$0x3F97]  }
0x1a: {  	s8 =	sadd.s32 $0xFFFFE003, lr  }
0x1b: {  	s9 =	sadd.s32 $0xFFFFFEF7, lr;
	s5 =	simm.s32 $0xFFFFFFFF;
	p2 =	slt.u32 s8, $0xFFFFF086  }
0x1c: {  	p1 =	slt.u32 s9, $0xF7A;
	s5 =	simm.s32 @!p2 $0x0  }
0x1d: {  	s5 =	simm.s32 @p1 $0x1;
	p0 =	seq.s32 s7, s2  }
0x1e: {  	s7 =	smul.u32 @!p0 $0xF7A, s2;
	p2 =	seq.s32 @!p0 s5, $0x0  }
0x1f: {  	s9 =	smul.u32 $0xF7A, s1;
	s8 =	simm.s32 @!p0 $0x1BF5;
	p2 =	por !p2, p0  }
0x20: {  	[sflag:s8] =	ssyncset.s32 @!p0 $0xFFFFF086;
	s6 =	sadd.s32 @!p0 s3, s7;
	s7 =	simm.s32 @!p0 $0x108  }
0x21: {  	s3 =	sadd.s32 s3, s9;
	s6 =	sadd.s32 @!p0 $0x88, s6;
	s7 =	simm.s32 @p2 $0x1082  }
0x22: {  	[simem:s7], [sflag:s8] =	dma.local @!p0 [hbm:s6], $0xF7A  }
0x23: {  	s9 =	sor.u32 $0xD0000000, s2;
	s6 =	simm.s32 $0x108;
	_ =	swait.ge @!p0 [sflag:s8], $0x0  }
0x24: {  	s3 =	sadd.s32 $0x88, s3;
	s6 =	simm.s32 @!p1 $0x1082;
	[sflag:s4] =	ssyncset.s32 $0xFFFFF086  }
0x25: {  	[simem:s6], [sflag:s4] =	dma.local [hbm:s3], $0xF7A  }
0x26: {  	[smem:$0x3F97] =	sst s1;
	(tag) =	ssettag s2;
	_ =	strace s9  }
0x27: {  	s1 =	sld [smem:$0x3FA7]  }
0x28: {  	s2 =	sld [smem:$0x3FA8]  }
0x29: {  	s4 =	sld [smem:$0x3FAA]  }
0x2a: {  	p0 =	seq.s32 s5, $0x0;
	s5 =	sld [smem:$0x3FAB]  }
0x2b: {  	s6 =	sld [smem:$0x3FAC]  }
0x2c: {  	s7 =	sld [smem:$0x3FAD]  }
0x2d: {  	s3 =	simm.s32 $0x108;
	s8 =	sld [smem:$0x3FAE]  }
0x2e: {  	s3 =	simm.s32 @!p0 $0x1082;
	s9 =	sld [smem:$0x3FAF]  }
0x2f: {  	lr =	sadd.s32 s0, s3;
	s0 =	sld [smem:$0x3FA6]  }
0x30: {  	s3 =	sld [smem:$0x3FA9]  }
0x31: {  	[smem:$0x3FB2] =	sst s10  }
0x32: {  	s10 =	sld [smem:$0x3FB0];
	_ =	sdelay $0x3  }
0x33: {  	p0 =	seq.s32 s10, $0x1;
	s10 =	sld [smem:$0x3FB2];
	_ =	sdelay $0x3  }
0x34: {  	[smem:$0x3FB2] =	sst s10  }
0x35: {  	s10 =	sld [smem:$0x3FB1];
	_ =	sdelay $0x3  }
0x36: {  	p1 =	seq.s32 s10, $0x1;
	s10 =	sld [smem:$0x3FB2];
	_ =	sdelay $0x3  }
0x37: {  	[smem:$0x3FB2] =	sst s10  }
0x38: {  	s10 =	sld [smem:$0x3FB3]  }
0x39: {  	_ = 	snop;
	(pc) =	sbr.ind lr, $3  }
0x3a: {  	_ = 	snop  }
0x3b: {  	_ = 	snop  }
0x3c: {  	p2 =	seq.s32 s10, $0x1;
	s10 =	sld [smem:$0x3FB2]  }
0x3d: {  	_ =	shalt  }
0x3e: {  	_ =	shalt  }
0x3f: {  	_ =	shalt  }
0x40: {  	_ =	shalt  }
0x41: {  	_ =	shalt  }
0x42: {  	_ =	shalt  }
0x43: {  	_ =	shalt  }
0x44: {  	_ =	shalt  }
0x45: {  	_ =	shalt  }
0x46: {  	_ =	shalt  }
0x47: {  	_ =	shalt  }
0x48: {  	_ =	shalt  }
0x49: {  	_ =	shalt  }
0x4a: {  	_ =	shalt  }
0x4b: {  	_ =	shalt  }
0x4c: {  	_ =	shalt  }
0x4d: {  	_ =	shalt  }
0x4e: {  	_ =	shalt  }
0x4f: {  	_ =	shalt  }
0x50: {  	_ =	shalt  }
0x51: {  	_ =	shalt  }
0x52: {  	_ =	shalt  }
0x53: {  	_ =	shalt  }
0x54: {  	_ =	shalt  }
0x55: {  	_ =	shalt  }
0x56: {  	_ =	shalt  }
0x57: {  	_ =	shalt  }
0x58: {  	_ =	shalt  }
0x59: {  	_ =	shalt  }
0x5a: {  	_ =	shalt  }
0x5b: {  	_ =	shalt  }
0x5c: {  	_ =	shalt  }
0x5d: {  	_ =	shalt  }
0x5e: {  	_ =	shalt  }
0x5f: {  	_ =	shalt  }
0x60: {  	_ =	shalt  }
0x61: {  	_ =	shalt  }
0x62: {  	_ =	shalt  }
0x63: {  	_ =	shalt  }
0x64: {  	_ =	shalt  }
0x65: {  	_ =	shalt  }
0x66: {  	_ =	shalt  }
0x67: {  	_ =	shalt  }
0x68: {  	_ =	shalt  }
0x69: {  	_ =	shalt  }
0x6a: {  	_ =	shalt  }
0x6b: {  	_ =	shalt  }
0x6c: {  	_ =	shalt  }
0x6d: {  	_ =	shalt  }
0x6e: {  	_ =	shalt  }
0x6f: {  	_ =	shalt  }
0x70: {  	_ =	shalt  }
0x71: {  	_ =	shalt  }
0x72: {  	_ =	shalt  }
0x73: {  	_ =	shalt  }
0x74: {  	_ =	shalt  }
0x75: {  	_ =	shalt  }
0x76: {  	_ =	shalt  }
0x77: {  	_ =	shalt  }
0x78: {  	_ =	shalt  }
0x79: {  	_ =	shalt  }
0x7a: {  	_ =	shalt  }
0x7b: {  	_ =	shalt  }
0x7c: {  	_ =	shalt  }
0x7d: {  	_ =	shalt  }
0x7e: {  	_ =	shalt  }
0x7f: {  	_ =	shalt  }
0x80: {  	_ =	shalt  }
0x81: {  	_ =	shalt  }
0x82: {  	_ =	shalt  }
0x83: {  	_ =	shalt  }
0x84: {  	_ =	shalt  }
0x85: {  	_ =	shalt  }
0x86: {  	_ =	shalt  }
0x87: {  	_ =	shalt  }
.Lfunc_end0:
.L_simem_size_0:
called_computation.1_lowered:
.L_overlay_start_0:
0x88: {  	s2 =	sld [smem:$0x3FD9]  }
0x89: {  	s3 =	sld [smem:$0x3FFE];
	_ =	sdelay $0x1  }
0x8a: {  	s1 =	srdreg.scid  }
0x8b: {  	s0 =	sand.u32 $0x1, s1  }
0x8c: {  	s17 =	sshll.u32 s0, $0xA;
	s2 =	sadd.s32 s3, s2  }
0x8d: {  	s2 =	sadd.s32 s2, s17  }
0x8e: {  	[smem:$0x3FBE] =	sst s2  }
0x8f: {  	_ = 	snop  }
0x90: {  	s2 =	sld [smem:$0x3FD0];
	(tm) =	ssettm $0x1  }
0x91: {  	s18 =	sld [smem:$0x3FFB];
	_ =	sdelay $0x3  }
0x92: {  	_ =	strace s18  }
0x93: {  	s3 =	sld [smem:$0x3FFC];
	_ =	sdelay $0x3  }
0x94: {  	_ =	strace s3  }
0x95: {  	s3 =	sld [smem:$0x3FFD];
	_ =	sdelay $0x3  }
0x96: {  	_ =	strace s3  }
0x97: {  	_ =	strace $0x8FFFFFFF  }
0x98: {  	s19 =	sld [smem:$0x3FDB];
	_ =	sdelay $0x1  }
0x99: {  	s4 =	simm.s32 $_scs_section_size  }
0x9a: {  	s5 =	simm.s32 $_size__tile_overlayer_lowered;
	s6 =	simm.s32 $_tile_overlayer_lowered  }
0x9b: {  	s22 =	simm.s32 $0x1BFF;
	s21 =	sshll.u32 s6, $0x1;
	s3 =	sadd.s32 s4, s19  }
0x9c: {  	s7 =	simm.s32 $0x0;
	s20 =	sshll.u32 s5, $0x1;
	s5 =	sadd.s32 s21, s3  }
0x9d: {  	[timem:s7], [sflag:s22] =	dma.local [hbm:s5], s20  }
0x9e: {  	_ =	swait.ge [sflag:s22], s20  }
0x9f: {  	s4 =	ssub.s32 $0x0, s20;
	[sflag:s22] =	ssyncset.done $0x0  }
0xa0: {  	[sflag:s22] =	ssyncadd.s32 s4;
	_ =	sdelay $0x1  }
0xa1: {  	s23 =	simm.s32 $0x1B8B  }
0xa2: {  	_ =	swait.ge [sflag:s23], $0x1  }
0xa3: {  	[sflag:s23] =	ssyncset.done $0x0  }
0xa4: {  	s25 =	simm.s32 $0x1B8E;
	s24 =	sld [smem:$0x3FFE];
	[sflag:s23] =	ssyncadd.s32 $0xFFFFFFFF  }
0xa5: {  	s26 =	simm.s32 $execute0_lowered;
	[smem:$0x3FD2] =	sst s25  }
0xa6: {  	s5 =	sshll.u32 s26, $0x1;
	_ =	strace $0x80000049;
	[dreg:$0x1] =	wrdreg $0xFFFFFFFF  }
0xa7: {  	s28 =	simm.s32 $_size_execute0_lowered;
	s3 =	sadd.s32 s3, s5;
	[dreg:$0x0] =	wrdreg $0x0  }
0xa8: {  	s5 =	sshll.u32 s28, $0x1;
	[dreg:$0x2] =	wrdreg s3  }
0xa9: {  	[dreg:$0x3] =	wrdreg s5  }
0xaa: {  	[dreg:$0x4] =	wrdreg $0xC0  }
0xab: {  	_ =	task [dreg:s7], $0x5FFFF  }
0xac: {  	[dreg:$0x1] =	wrdreg $0xFFFFFFFF  }
0xad: {  	[dreg:$0x0] =	wrdreg $0x60  }
0xae: {  	[dreg:$0x2] =	wrdreg s24  }
0xaf: {  	[dreg:$0x3] =	wrdreg s2  }
0xb0: {  	[dreg:$0x4] =	wrdreg $0x9  }
0xb1: {  	_ =	task.clear_ibuf [dreg:s7], $0x5FFFF;
	_ =	strace $0x90000049  }
0xb2: {  	s29 =	simm.s32 $0x9;
	_ =	strace $0x8000004B  }
0xb3: {  	_ =	swait.ge [sflag:s29], $0x1  }
0xb4: {  	[sflag:s29] =	ssyncadd.s32 $0xFFFFFFFF  }
0xb5: {  	_ =	strace $0x9000004B  }
0xb6: {  	_ =	sfence  }
0xb7: {  	s30 =	sld [smem:$0x0];
	_ =	sdelay $0x2  }
0xb8: {  	s31 =	sshll.u32 s1, $0xD;
	s1 =	sshrl.u32 s1, $0x2  }
0xb9: {  	s3 =	sand.u32 $0x4000, s31;
	s1 =	sadd.s32 s1, s30  }
0xba: {  	s0 =	sor.u32 s3, s0;
	s1 =	sshll.u32 s1, $0x11  }
0xbb: {  	s0 =	sor.u32 s1, s0  }
0xbc: {  	s0 =	sadd.s32 $0x8F2B, s0  }
0xbd: {  	[sflag:s0] =	ssyncadd.remote.s32 $0x1  }
0xbe: {  	_ =	sfence.sel $0xFFFF  }
0xbf: {  	[dreg:$0x0] =	wrdreg $0xFFFFFFFF;
	(pc) =	sbr.abs _section_cstart, $3  }
0xc0: {  	[dreg:$0x1] =	wrdreg $0xFFFFFFFF  }
0xc1: {  	_ =	task.clear_ibuf [dreg:s7], $0x2FFFF;
	_ =	strace $0x9FFFFFFF  }
0xc2: {  	(tm) =	ssettm $0x7FFFFFFF  }
0xc3: {  	_ =	shalt  }
tec
execute0_lowered:
.L_overlay_start_1:
0x0: {  	(tag) =	ssettag $0x1  }
0x1: {  	s1 =	rddreg [dreg:$0x0]  }
0x2: {  	s11 =	rddreg [dreg:$0x1]  }
0x3: {  	s2 =	simm.s32 $0x0;
	s0 =	srdreg.scid;
	s19 =	stileid.u32  }
0x4: {  	s29 =	simm.s32 $0xF000;
	s30 =	simm.s32 $0x5;
	s31 =	simm.s32 $0x11800  }
0x5: {  	[smem:$0x7FF] =	sst s2;
	s4 =	sadd.s32 $0x3800, s1;
	s5 =	sand.u32 $0x1, s0  }
0x6: {  	s6 =	sadd.s32 $0x17C00, s1;
	s0 =	sadd.s32 $0x24400, s1;
	s8 =	sshll.u32 s19, $0x1  }
0x7: {  	s15 =	sshll.u32 s19, $0x8;
	s11 =	sadd.s32 $0x10, s11;
	s20 =	smul.u32 $0x3, s19  }
0x8: {  	s23 =	smul.u32 $0x180, s19;
	p0 =	sgt.u32 s19, $0x7;
	p1 =	sne.s32 s19, $0xF  }
0x9: {  	s19 =	simm.s32 $0x4;
	s3 =	smul.u32 $0x500, s5;
	s7 =	ssub.s32 $0x2, s5  }
0xa: {  	s9 =	sadd.s32 $0x8, s8;
	s8 =	sadd.s32 $0x9, s8;
	s18 =	smul.u32 $0xA200, s5  }
0xb: {  	s13 =	sshrl.u32 s7, $0x1;
	s14 =	sshrl.u32 s9, $0x3;
	s10 =	sshrl.u32 s8, $0x3  }
0xc: {  	s1 =	sadd.s32 s3, s1;
	s3 =	ssub.s32 s7, s13;
	s7 =	smul.u32 $0x14000, s14  }
0xd: {  	_ =	strace $0x8000004A;
	[dreg:$0x3] =	wrdreg s11;
	s10 =	smul.u32 $0x14000, s10  }
0xe: {  	s9 =	sand.u32 $0x300, s15;
	s8 =	sshll.u32 s8, $0x7;
	s13 =	smul.u32 $0x64000, s5  }
0xf: {  	s22 =	sshrl.u32 s20, $0x3;
	s25 =	sadd.s32 $0x1, s20;
	s5 =	smul.u32 $0x51000, s5  }
0x10: {  	s8 =	sand.u32 $0x380, s8;
	s24 =	smul.u32 $0x14000, s22;
	s14 =	sshrl.u32 s25, $0x3  }
0x11: {  	s14 =	smul.u32 $0x14000, s14;
	s16 =	sor.u32 s9, s7;
	s12 =	sor.u32 s8, s10  }
0x12: {  	s7 =	sadd.s32 s13, s7;
	s21 =	sadd.s32 s13, s10;
	s10 =	sshll.u32 s25, $0x7  }
0x13: {  	s11 =	sshrl.u32 s16, $0x3;
	s17 =	sshrl.u32 s12, $0x3;
	s12 =	sadd.s32 s4, s18  }
0x14: {  	s7 =	sor.u32 s9, s7;
	s8 =	sor.u32 s8, s21;
	s10 =	sand.u32 $0x380, s10  }
0x15: {  	s9 =	sadd.s32 s13, s24;
	s11 =	sadd.s32 s6, s11;
	[dreg:$0x6] =	wrdreg s12  }
0x16: {  	s12 =	sand.u32 $0x380, s23;
	s7 =	sshrl.u32 s7, $0x3;
	s8 =	sshrl.u32 s8, $0x3  }
0x17: {  	[dreg:$0x4] =	wrdreg s11;
	s11 =	sadd.s32 s6, s17;
	s16 =	sor.u32 s12, s24  }
0x18: {  	s17 =	sor.u32 s10, s14;
	s9 =	sor.u32 s12, s9;
	s7 =	sadd.s32 s0, s7  }
0x19: {  	s22 =	sadd.s32 s0, s8;
	s12 =	simm.s32 $0x400;
	[dreg:$0x5] =	wrdreg s11  }
0x1a: {  	s8 =	simm.s32 $0x0;
	s11 =	sadd.s32 $0x2, s20;
	[dreg:$0xd] =	wrdreg s7  }
0x1b: {  	s16 =	sshrl.u32 s16, $0x3;
	s17 =	sshrl.u32 s17, $0x3;
	[dreg:$0xe] =	wrdreg s22  }
0x1c: {  	s23 =	sshrl.u32 s9, $0x3;
	s22 =	sadd.s32 $0x6000, s5;
	s9 =	simm.s32 $0x7800  }
0x1d: {  	s15 =	sshrl.u32 s11, $0x3;
	s11 =	sshll.u32 s11, $0x7;
	s16 =	sadd.s32 s6, s16  }
0x1e: {  	s26 =	sadd.s32 s6, s17;
	s17 =	sadd.s32 s13, s14;
	s7 =	sadd.s32 s0, s23  }
0x1f: {  	s23 =	sadd.s32 $0x7000, s5;
	s15 =	smul.u32 $0x14000, s15;
	[dreg:$0x7] =	wrdreg s16  }
0x20: {  	s11 =	sand.u32 $0x380, s11;
	[dreg:$0x8] =	wrdreg s26;
	s16 =	sshrl.u32 s5, $0x3  }
0x21: {  	s10 =	sor.u32 s10, s17;
	[dreg:$0xf] =	wrdreg s7;
	s26 =	sadd.s32 $0x3D400, s1  }
0x22: {  	s1 =	simm.s32 $0x16800;
	s7 =	simm.s32 $0x1;
	s17 =	simm.s32 $0x2  }
0x23: {  	s24 =	sshrl.u32 s10, $0x3;
	[dreg:$0x12] =	wrdreg s26;
	s10 =	simm.s32 $0xA000  }
0x24: {  	s18 =	sor.u32 s11, s15;
	s21 =	sadd.s32 s13, s15;
	s15 =	sadd.s32 $0x4000, s5  }
0x25: {  	s25 =	sadd.s32 s0, s24;
	s24 =	simm.s32 $0x5000;
	s28 =	sshrl.u32 s18, $0x3  }
0x26: {  	[dreg:$0x10] =	wrdreg s25;
	s6 =	sadd.s32 s6, s28;
	s28 =	smax.u32 s3, $0x1  }
0x27: {  	s3 =	simm.s32 $0x2800;
	[dreg:$0x9] =	wrdreg s6;
	s6 =	sadd.s32 s4, s16  }
0x28: {  	[dreg:$0x13] =	wrdreg s28;
	s18 =	sadd.s32 $0x200, s6;
	s20 =	sadd.s32 $0x400, s6  }
.Ltmp0:
0x29: {  	s6 =	sadd.s32 $0x600, s6;
	[dreg:$0xa] =	wrdreg s18;
	(pc) =	sbr.rel .LBB2_1-.Ltmp0, $4  }
0x2a: {  	s16 =	sadd.s32 $0x5000, s5;
	[dreg:$0xc] =	wrdreg s6;
	s6 =	sor.u32 s11, s21  }
0x2b: {  	s5 =	simm.s32 $0x80;
	[dreg:$0xb] =	wrdreg s20;
	s6 =	sshrl.u32 s6, $0x3  }
0x2c: {  	s11 =	simm.s32 $0xC800;
	s18 =	simm.s32 $0x3;
	s0 =	sadd.s32 s0, s6  }
0x2d: {  	v0 =	vimm.f32 $0.0e+00;
	s20 =	simm.s32 $0x14000;
	s6 =	simm.s32 $0x19800;
	[dreg:$0x11] =	wrdreg s0  }
.LBB2_35:
0x2e: {  	_ =	swait.ge [sflag:s30], $0x2800  }
0x2f: {  	[sflag:s30] =	ssyncset.done $0x0  }
0x30: {  	[sflag:s30] =	ssyncadd.s32 $0xFFFFD800  }
.LBB2_36:
0x31: {  	s8 =	sadd.s32 $0x1, s8;
	s0 =	rddreg [dreg:$0x13]  }
0x32: {  	p2 =	sne.s32 s8, s0  }
.Ltmp1:
0x33: {  	_ = 	snop;
	(pc) =	sbr.rel @!p2 .LBB2_37-.Ltmp1, $1  }
0x34: {  	_ =	sdelay $0x3  }
.LBB2_1:
0x35: {  	[dreg:$0x14] =	wrdreg s8  }
0x36: {  	s0 =	rddreg [dreg:$0x1];
	s26 =	simm.s32 $0x100  }
0x37: {  	[tilespmem:s29], [sflag:$0x5] =	stream.strided.gather [hbm4b:s0+s5], $0x2800, s26, s5, $0x38;
	[tilespmem:$0x1A800] =	vst v63  }
0x38: {  	_ =	swait.ge [sflag:s30], $0x2800  }
0x39: {  	[sflag:s30] =	ssyncset.done $0x0  }
.Ltmp2:
0x3a: {  	s28 =	rddreg [dreg:$0x3];
	[sflag:s30] =	ssyncadd.s32 $0xFFFFD800;
	(pc) =	sbr.rel @p0 .LBB2_18-.Ltmp2, $4  }
0x3b: {  	[tilespmem:s31], [sflag:$0x5] =	stream.strided.gather [hbm4b:s28+s5], $0x2800, s26, s5, $0x38;
	[tilespmem:$0x1A800] =	vst v63  }
0x3c: {  	_ =	swait.ge [sflag:s30], $0x2800  }
0x3d: {  	[sflag:s30] =	ssyncset.done $0x0  }
0x3e: {  	[sflag:s30] =	ssyncadd.s32 $0xFFFFD800  }
0x3f: {  	s0 =	rddreg [dreg:$0x7]  }
0x40: {  	[tilespmem:s2], [sflag:$0x5] =	stream.strided.gather [hbm4b:s0+s5], $0x2800, s12, s5, $0x38;
	[tilespmem:$0x1A800] =	vst v63  }
0x41: {  	_ =	swait.ge [sflag:s30], $0x2800  }
0x42: {  	[sflag:s30] =	ssyncset.done $0x0  }
0x43: {  	s26 =	rddreg [dreg:$0x8];
	[sflag:s30] =	ssyncadd.s32 $0xFFFFD800  }
0x44: {  	[tilespmem:s3], [sflag:$0x5] =	stream.strided.gather [hbm4b:s26+s5], $0x2800, s12, s5, $0x38;
	[tilespmem:$0x1A800] =	vst v63  }
0x45: {  	_ =	swait.ge [sflag:s30], $0x2800  }
0x46: {  	[sflag:s30] =	ssyncset.done $0x0  }
0x47: {  	s8 =	rddreg [dreg:$0x9];
	[sflag:s30] =	ssyncadd.s32 $0xFFFFD800  }
0x48: {  	[tilespmem:s24], [sflag:$0x5] =	stream.strided.gather [hbm4b:s8+s5], $0x2800, s12, s5, $0x38;
	[tilespmem:$0x1A800] =	vst v63  }
0x49: {  	_ =	swait.ge [sflag:s30], $0x2800  }
0x4a: {  	[sflag:s30] =	ssyncset.done $0x0  }
0x4b: {  	s12 =	rddreg [dreg:$0x6];
	[sflag:s30] =	ssyncadd.s32 $0xFFFFD800  }
0x4c: {  	[tilespmem:s1], [sflag:$0x1] =	stream.linear.gather [hbm4b:s12+s2], $0x1000, $0x38;
	[tilespmem:$0x1A800] =	vst v63  }
0x4d: {  	s14 =	simm.s32 $0x17800;
	s13 =	rddreg [dreg:$0xa]  }
0x4e: {  	[tilespmem:s14], [sflag:$0x2] =	stream.linear.gather [hbm4b:s13+s2], $0x1000, $0x38;
	[tilespmem:$0x1A800] =	vst v63  }
0x4f: {  	s25 =	simm.s32 $0x18800;
	s21 =	rddreg [dreg:$0xb]  }
0x50: {  	[tilespmem:s25], [sflag:$0x3] =	stream.linear.gather [hbm4b:s21+s2], $0x1000, $0x38;
	[tilespmem:$0x1A800] =	vst v63  }
0x51: {  	s8 =	simm.s32 $0x7840;
	s26 =	rddreg [dreg:$0xc]  }
0x52: {  	[tilespmem:s6], [sflag:$0x4] =	stream.linear.gather [hbm4b:s26+s2], $0x1000, $0x38;
	[tilespmem:$0x1A800] =	vst v63  }
0x53: {  	[tilespmem:s8+$0xFFFFFFD0] =	vst v0  }
0x54: {  	[tilespmem:s8+$0x0] =	vst v0  }
0x55: {  	[tilespmem:s8+$0xFFFFFFC0] =	vst v0  }
0x56: {  	[tilespmem:s8+$0x30] =	vst v0  }
0x57: {  	[tilespmem:s8+$0xFFFFFFF0] =	vst v0  }
0x58: {  	[tilespmem:s8+$0xFFFFFFE0] =	vst v0  }
0x59: {  	[tilespmem:s8+$0x10] =	vst v0  }
0x5a: {  	s13 =	simm.s32 $0xA040;
	[tilespmem:s8+$0x20] =	vst v0  }
0x5b: {  	[tilespmem:s13+$0xFFFFFFC0] =	vst v0  }
0x5c: {  	[tilespmem:s13+$0x30] =	vst v0  }
0x5d: {  	[tilespmem:s13+$0x0] =	vst v0  }
0x5e: {  	[tilespmem:s13+$0x20] =	vst v0  }
0x5f: {  	[tilespmem:s13+$0x10] =	vst v0  }
0x60: {  	[tilespmem:s13+$0xFFFFFFD0] =	vst v0  }
0x61: {  	[tilespmem:s13+$0xFFFFFFE0] =	vst v0  }
0x62: {  	s12 =	simm.s32 $0xC840;
	[tilespmem:s13+$0xFFFFFFF0] =	vst v0  }
0x63: {  	[tilespmem:s12+$0xFFFFFFC0] =	vst v0  }
0x64: {  	[tilespmem:s12+$0x30] =	vst v0  }
0x65: {  	[tilespmem:s12+$0x20] =	vst v0  }
0x66: {  	[tilespmem:s12+$0x10] =	vst v0  }
0x67: {  	s28 =	simm.s32 $0x0;
	s14 =	simm.s32 $0xC8C0;
	[tilespmem:s12+$0xFFFFFFD0] =	vst v0  }
.LBB2_3:
0x68: {  	s28 =	sadd.s32 $0x80, s28;
	[tilespmem:s12+$0xFFFFFFE0] =	vst v0;
	s8 =	sadd.s32 $0x80, s8;
	s13 =	sadd.s32 $0x80, s13  }
0x69: {  	p2 =	slt.u32 s28, $0x2780;
	[tilespmem:s12+$0x0] =	vst v0  }
0x6a: {  	[tilespmem:s12+$0xFFFFFFF0] =	vst v0;
	s12 =	smov.u32 s14  }
0x6b: {  	[tilespmem:s8+$0xFFFFFFD0] =	vst v0  }
0x6c: {  	[tilespmem:s8+$0x0] =	vst v0  }
0x6d: {  	[tilespmem:s8+$0xFFFFFFC0] =	vst v0  }
0x6e: {  	[tilespmem:s13+$0xFFFFFFC0] =	vst v0  }
0x6f: {  	[tilespmem:s14+$0xFFFFFFC0] =	vst v0  }
0x70: {  	[tilespmem:s8+$0x30] =	vst v0  }
0x71: {  	[tilespmem:s13+$0x30] =	vst v0  }
0x72: {  	[tilespmem:s14+$0x30] =	vst v0  }
0x73: {  	[tilespmem:s13+$0x0] =	vst v0  }
0x74: {  	[tilespmem:s8+$0xFFFFFFF0] =	vst v0  }
0x75: {  	[tilespmem:s8+$0xFFFFFFE0] =	vst v0  }
0x76: {  	[tilespmem:s8+$0x10] =	vst v0  }
0x77: {  	[tilespmem:s8+$0x20] =	vst v0  }
0x78: {  	[tilespmem:s13+$0x20] =	vst v0  }
0x79: {  	[tilespmem:s14+$0x20] =	vst v0  }
0x7a: {  	[tilespmem:s13+$0x10] =	vst v0  }
.Ltmp3:
0x7b: {  	[tilespmem:s14+$0x10] =	vst v0;
	(pc) =	sbr.rel @p2 .LBB2_3-.Ltmp3, $4  }
0x7c: {  	[tilespmem:s13+$0xFFFFFFD0] =	vst v0  }
0x7d: {  	[tilespmem:s13+$0xFFFFFFE0] =	vst v0  }
0x7e: {  	[tilespmem:s14+$0xFFFFFFD0] =	vst v0  }
0x7f: {  	s5 =	simm.s32 $0x0;
	s14 =	sadd.s32 $0x80, s14;
	[tilespmem:s13+$0xFFFFFFF0] =	vst v0  }
0x80: {  	[tilespmem:s12+$0xFFFFFFE0] =	vst v0  }
0x81: {  	[tilespmem:s12+$0x0] =	vst v0  }
0x82: {  	[tilespmem:s12+$0xFFFFFFF0] =	vst v0;
	s8 =	simm.s32 $0x0  }
.LBB2_5:
0x83: {  	s12 =	simm.s32 $0x0  }
0x84: {  	_ =	swait.ge [sflag:s7], $0x1000;
	s13 =	sand.u32 $0xF00, s5;
	s12 =	sand.u32 $0x60, s12  }
0x85: {  	[sflag:s7] =	ssyncset.done $0x0;
	s12 =	sor.u32 s12, s13  }
0x86: {  	[sflag:s7] =	ssyncadd.s32 $0xFFFFF000;
	s13 =	sadd.s32 $0x16800, s12  }
0x87: {  	v7 =	vld [tilespmem:s13+$0x10]  }
0x88: {  	v8 =	vld [tilespmem:s13+$0x90]  }
0x89: {  	v9 =	vld [tilespmem:s12+$0x16800]  }
0x8a: {  	v1 =	vld [tilespmem:s13+$0x80];
	_ =	sdelay $0x4  }
0x8b: {  	v2 =	vld.idx.msk [tilespmem:v7+s29+$0x0], $0xffff  }
0x8c: {  	v3 =	vld.idx.msk [tilespmem:v8+s31+$0x0], $0xffff  }
0x8d: {  	v4 =	vld.idx.msk [tilespmem:v9+s29+$0x0], $0xffff  }
0x8e: {  	v5 =	vld.idx.msk [tilespmem:v1+s31+$0x0], $0xffff;
	_ =	sdelay $0x1  }
0x8f: {  	s21 =	simm.s32 $0x20;
	s25 =	simm.s32 $0x40  }
0x90: {  	s12 =	sand.u32 $0x60, s21;
	s13 =	sand.u32 $0xF00, s25;
	v2 =	vadd.f32 v3, v2  }
0x91: {  	s12 =	sor.u32 s12, s13  }
0x92: {  	s13 =	sadd.s32 $0x16800, s12;
	v3 =	vadd.f32 v5, v4;
	v4 =	vmul.f32 $2.000000030e-01, v2  }
0x93: {  	v13 =	vld [tilespmem:s13+$0x90]  }
0x94: {  	v5 =	vmul.f32 $2.000000030e-01, v3;
	v2 =	vmax.f32 v2, v4  }
0x95: {  	v12 =	vld [tilespmem:s13+$0x10];
	v2 =	vmul.f32 $1.442695020e+00, v2  }
0x96: {  	v3 =	vmax.f32 v3, v5  }
0x97: {  	v14 =	vld [tilespmem:s12+$0x16800];
	v3 =	vmul.f32 $1.442695020e+00, v3;
	(erf) = vpow2.f32 v2  }
0x98: {  	v2 =	vld [tilespmem:s13+$0x80]  }
0x99: {  	(erf) = vpow2.f32 v3;
	_ =	sdelay $0x1  }
0x9a: {  	v6 =	vld.idx.msk [tilespmem:v13+s31+$0x0], $0xffff  }
0x9b: {  	v4 =	vld.idx.msk [tilespmem:v7+s2+$0x0], $0xffff  }
0x9c: {  	v5 =	vld.idx.msk [tilespmem:v12+s29+$0x0], $0xffff  }
0x9d: {  	v3 =	vld.idx.msk [tilespmem:v9+s2+$0x0], $0xffff  }
0x9e: {  	v10 =	vld.idx.msk [tilespmem:v14+s29+$0x0], $0xffff  }
0x9f: {  	v11 =	vld.idx.msk [tilespmem:v2+s31+$0x0], $0xffff;
	v15 =	vpop (erf)  }
0xa0: {  	v4 =	vmul.f32 v15, v4  }
0xa1: {  	v17 =	vpop (erf)  }
0xa2: {  	s26 =	simm.s32 $0x40;
	s28 =	simm.s32 $0x80;
	v3 =	vmul.f32 v17, v3;
	[tilespmem:v8+s9+$0x0] =	vst.idx.add.f32.msk $0xffff, v4;
	v4 =	vadd.f32 v6, v5  }
0xa3: {  	s12 =	sand.u32 $0x60, s26;
	s13 =	sand.u32 $0xF00, s28;
	v18 =	vld.idx.msk [tilespmem:v7+s3+$0x0], $0xffff  }
0xa4: {  	s12 =	sor.u32 s12, s13;
	v10 =	vadd.f32 v11, v10;
	[tilespmem:v1+s9+$0x0] =	vst.idx.add.f32.msk $0xffff, v3;
	v3 =	vmul.f32 $2.000000030e-01, v4  }
0xa5: {  	s13 =	sadd.s32 $0x16800, s12;
	v6 =	vld [tilespmem:s12+$0x16800]  }
0xa6: {  	v5 =	vld [tilespmem:s13+$0x10];
	v19 =	vmul.f32 $2.000000030e-01, v10;
	v3 =	vmax.f32 v4, v3  }
0xa7: {  	v11 =	vld.idx.msk [tilespmem:v9+s3+$0x0], $0xffff;
	v20 =	vmul.f32 $1.442695020e+00, v3  }
0xa8: {  	v4 =	vld [tilespmem:s13+$0x90];
	v3 =	vmax.f32 v10, v19;
	v10 =	vmul.f32 v15, v18  }
0xa9: {  	v18 =	vmul.f32 $1.442695020e+00, v3;
	v3 =	vld [tilespmem:s13+$0x80];
	(erf) = vpow2.f32 v20  }
0xaa: {  	[tilespmem:v8+s10+$0x0] =	vst.idx.add.f32.msk $0xffff, v10  }
0xab: {  	(erf) = vpow2.f32 v18;
	v7 =	vld.idx.msk [tilespmem:v7+s24+$0x0], $0xffff  }
0xac: {  	v16 =	vld.idx.msk [tilespmem:v14+s2+$0x0], $0xffff  }
0xad: {  	v11 =	vmul.f32 v17, v11;
	v10 =	vld.idx.msk [tilespmem:v12+s2+$0x0], $0xffff  }
0xae: {  	v18 =	vld.idx.msk [tilespmem:v5+s29+$0x0], $0xffff  }
0xaf: {  	[tilespmem:v1+s10+$0x0] =	vst.idx.add.f32.msk $0xffff, v11  }
0xb0: {  	v19 =	vld.idx.msk [tilespmem:v4+s31+$0x0], $0xffff;
	v7 =	vmul.f32 v7, v15  }
0xb1: {  	v11 =	vld.idx.msk [tilespmem:v6+s29+$0x0], $0xffff  }
0xb2: {  	v24 =	vld.idx.msk [tilespmem:v9+s24+$0x0], $0xffff;
	v21 =	vpop (erf)  }
0xb3: {  	v20 =	vld.idx.msk [tilespmem:v3+s31+$0x0], $0xffff;
	v10 =	vmul.f32 v21, v10  }
0xb4: {  	[tilespmem:v8+s11+$0x0] =	vst.idx.add.f32.msk $0xffff, v7;
	v7 =	vpop (erf)  }
0xb5: {  	v9 =	vadd.f32 v19, v18;
	v8 =	vmul.f32 v7, v16;
	[tilespmem:v13+s9+$0x0] =	vst.idx.add.f32.msk $0xffff, v10  }
0xb6: {  	s12 =	simm.s32 $0x60;
	s13 =	simm.s32 $0xC0;
	v10 =	vld.idx.msk [tilespmem:v12+s3+$0x0], $0xffff  }
0xb7: {  	s14 =	sand.u32 $0x60, s12;
	s28 =	sand.u32 $0xF00, s13;
	[tilespmem:v2+s9+$0x0] =	vst.idx.add.f32.msk $0xffff, v8;
	v8 =	vmul.f32 $2.000000030e-01, v9  }
0xb8: {  	s14 =	sor.u32 s14, s28;
	v15 =	vld.idx.msk [tilespmem:v6+s2+$0x0], $0xffff;
	v16 =	vadd.f32 v20, v11  }
0xb9: {  	v11 =	vld [tilespmem:s14+$0x16800];
	v8 =	vmax.f32 v9, v8  }
0xba: {  	s28 =	sadd.s32 $0x16800, s14;
	v19 =	vmul.f32 $2.000000030e-01, v16;
	v18 =	vld.idx.msk [tilespmem:v14+s3+$0x0], $0xffff;
	v20 =	vmul.f32 $1.442695020e+00, v8  }
0xbb: {  	v9 =	vld [tilespmem:s28+$0x10]  }
0xbc: {  	v16 =	vmax.f32 v16, v19;
	v8 =	vld [tilespmem:s28+$0x90];
	v22 =	vmul.f32 v21, v10;
	(erf) = vpow2.f32 v20  }
0xbd: {  	v16 =	vmul.f32 $1.442695020e+00, v16;
	v10 =	vld [tilespmem:s28+$0x80]  }
0xbe: {  	[tilespmem:v13+s10+$0x0] =	vst.idx.add.f32.msk $0xffff, v22  }
0xbf: {  	(erf) = vpow2.f32 v16;
	v12 =	vld.idx.msk [tilespmem:v12+s24+$0x0], $0xffff  }
0xc0: {  	v16 =	vld.idx.msk [tilespmem:v5+s2+$0x0], $0xffff  }
0xc1: {  	v18 =	vmul.f32 v7, v18;
	v22 =	vld.idx.msk [tilespmem:v11+s29+$0x0], $0xffff  }
0xc2: {  	v20 =	vld.idx.msk [tilespmem:v11+s2+$0x0], $0xffff  }
0xc3: {  	[tilespmem:v2+s10+$0x0] =	vst.idx.add.f32.msk $0xffff, v18  }
0xc4: {  	v26 =	vld.idx.msk [tilespmem:v9+s29+$0x0], $0xffff;
	v18 =	vmul.f32 v12, v21  }
0xc5: {  	v27 =	vld.idx.msk [tilespmem:v8+s31+$0x0], $0xffff;
	v12 =	vpop (erf)  }
0xc6: {  	v23 =	vld.idx.msk [tilespmem:v10+s31+$0x0], $0xffff;
	v16 =	vmul.f32 v12, v16  }
0xc7: {  	v19 =	vld.idx.msk [tilespmem:v14+s24+$0x0], $0xffff  }
0xc8: {  	[tilespmem:v13+s11+$0x0] =	vst.idx.add.f32.msk $0xffff, v18;
	v18 =	vpop (erf)  }
0xc9: {  	v13 =	vmul.f32 v24, v17;
	[tilespmem:v4+s9+$0x0] =	vst.idx.add.f32.msk $0xffff, v16;
	v25 =	vmul.f32 v18, v15  }
0xca: {  	v14 =	vmovc v11;
	v17 =	vmovc v9;
	v24 =	vadd.f32 v27, v26;
	v15 =	vmov v6;
	v21 =	vld.idx.msk [tilespmem:v5+s3+$0x0], $0xffff;
	v16 =	vmov v8  }
.LBB2_6:
0xcb: {  	s12 =	sadd.s32 $0x20, s12;
	v22 =	vadd.f32 v23, v22;
	s13 =	sadd.s32 $0x40, s13;
	[tilespmem:v3+s9+$0x0] =	vst.idx.add.f32.msk $0xffff, v25  }
0xcc: {  	v26 =	vmov v20;
	s14 =	sand.u32 $0x60, s12;
	s28 =	sand.u32 $0xF00, s13;
	p2 =	slt.u32 s12, $0x7E0;
	v23 =	vmul.f32 $2.000000030e-01, v24;
	v25 =	vld.idx.msk [tilespmem:v6+s3+$0x0], $0xffff;
	v6 =	vmov v11  }
0xcd: {  	s14 =	sor.u32 s14, s28;
	v20 =	vmul.f32 $2.000000030e-01, v22;
	[tilespmem:v1+s11+$0x0] =	vst.idx.add.f32.msk $0xffff, v13;
	v1 =	vmovc v2;
	v2 =	vmov v3;
	v3 =	vmov v10  }
0xce: {  	v13 =	vmul.f32 v19, v7;
	v7 =	vmov v18;
	s28 =	sadd.s32 $0x16800, s14;
	v11 =	vld [tilespmem:s14+$0x16800];
	v10 =	vmax.f32 v24, v23  }
0xcf: {  	v18 =	vld [tilespmem:s28+$0x10];
	v19 =	vmax.f32 v22, v20;
	v20 =	vmul.f32 $1.442695020e+00, v10  }
0xd0: {  	v21 =	vmul.f32 v12, v21;
	v24 =	vld [tilespmem:s28+$0x90];
	v19 =	vmul.f32 $1.442695020e+00, v19  }
0xd1: {  	v10 =	vld [tilespmem:s28+$0x80];
	(erf) = vpow2.f32 v20  }
0xd2: {  	(erf) = vpow2.f32 v19;
	v19 =	vmul.f32 v7, v25;
	[tilespmem:v4+s10+$0x0] =	vst.idx.add.f32.msk $0xffff, v21  }
0xd3: {  	v20 =	vld.idx.msk [tilespmem:v5+s24+$0x0], $0xffff;
	v5 =	vmov v9  }
0xd4: {  	[tilespmem:v2+s10+$0x0] =	vst.idx.add.f32.msk $0xffff, v19;
	v9 =	vmov v18  }
0xd5: {  	v19 =	vld.idx.msk [tilespmem:v17+s2+$0x0], $0xffff;
	v17 =	vmov v18  }
0xd6: {  	v22 =	vld.idx.msk [tilespmem:v11+s29+$0x0], $0xffff  }
0xd7: {  	v21 =	vld.idx.msk [tilespmem:v18+s29+$0x0], $0xffff  }
0xd8: {  	v27 =	vld.idx.msk [tilespmem:v24+s31+$0x0], $0xffff  }
0xd9: {  	v25 =	vmul.f32 v20, v12;
	v23 =	vld.idx.msk [tilespmem:v10+s31+$0x0], $0xffff  }
.Ltmp4:
0xda: {  	v20 =	vld.idx.msk [tilespmem:v11+s2+$0x0], $0xffff;
	v12 =	vpop (erf);
	(pc) =	sbr.rel @p2 .LBB2_6-.Ltmp4, $4  }
0xdb: {  	v28 =	vmul.f32 v12, v19;
	v18 =	vpop (erf);
	[tilespmem:v4+s11+$0x0] =	vst.idx.add.f32.msk $0xffff, v25;
	v4 =	vmov v8;
	v8 =	vmov v24  }
0xdc: {  	v25 =	vmul.f32 v18, v26;
	v19 =	vld.idx.msk [tilespmem:v15+s24+$0x0], $0xffff;
	v15 =	vmov v14;
	v14 =	vmov v11  }
0xdd: {  	[tilespmem:v16+s9+$0x0] =	vst.idx.add.f32.msk $0xffff, v28;
	v16 =	vmov v24  }
0xde: {  	v24 =	vadd.f32 v27, v21;
	v21 =	vld.idx.msk [tilespmem:v5+s3+$0x0], $0xffff  }
0xdf: {  	_ = 	snop  }
0xe0: {  	v22 =	vadd.f32 v23, v22;
	v23 =	vmul.f32 $2.000000030e-01, v24;
	_ =	sdelay $0x1  }
0xe1: {  	v23 =	vmax.f32 v24, v23;
	v24 =	vmul.f32 $2.000000030e-01, v22  }
0xe2: {  	v23 =	vmul.f32 $1.442695020e+00, v23  }
0xe3: {  	v22 =	vmax.f32 v22, v24  }
0xe4: {  	v22 =	vmul.f32 $1.442695020e+00, v22;
	(erf) = vpow2.f32 v23;
	_ =	sdelay $0x1  }
0xe5: {  	(erf) = vpow2.f32 v22;
	_ =	sdelay $0x2  }
0xe6: {  	v17 =	vld.idx.msk [tilespmem:v17+s2+$0x0], $0xffff;
	_ =	sdelay $0x2  }
0xe7: {  	[tilespmem:v3+s9+$0x0] =	vst.idx.add.f32.msk $0xffff, v25  }
0xe8: {  	v6 =	vld.idx.msk [tilespmem:v6+s3+$0x0], $0xffff;
	v22 =	vpop (erf)  }
0xe9: {  	v17 =	vmul.f32 v22, v17  }
0xea: {  	v23 =	vpop (erf)  }
0xeb: {  	v20 =	vmul.f32 v23, v20;
	[tilespmem:v16+s9+$0x0] =	vst.idx.add.f32.msk $0xffff, v17  }
0xec: {  	v16 =	vld.idx.msk [tilespmem:v9+s3+$0x0], $0xffff  }
0xed: {  	v6 =	vmul.f32 v18, v6;
	[tilespmem:v10+s9+$0x0] =	vst.idx.add.f32.msk $0xffff, v20  }
0xee: {  	v11 =	vld.idx.msk [tilespmem:v11+s3+$0x0], $0xffff  }
0xef: {  	[tilespmem:v3+s10+$0x0] =	vst.idx.add.f32.msk $0xffff, v6;
	v17 =	vmul.f32 v12, v21  }
0xf0: {  	v15 =	vld.idx.msk [tilespmem:v15+s24+$0x0], $0xffff  }
0xf1: {  	[tilespmem:v4+s10+$0x0] =	vst.idx.add.f32.msk $0xffff, v17;
	v6 =	vmul.f32 v22, v16  }
0xf2: {  	v5 =	vld.idx.msk [tilespmem:v5+s24+$0x0], $0xffff  }
0xf3: {  	v11 =	vmul.f32 v23, v11;
	[tilespmem:v8+s10+$0x0] =	vst.idx.add.f32.msk $0xffff, v6  }
0xf4: {  	v6 =	vld.idx.msk [tilespmem:v9+s24+$0x0], $0xffff  }
0xf5: {  	[tilespmem:v10+s10+$0x0] =	vst.idx.add.f32.msk $0xffff, v11  }
0xf6: {  	v9 =	vld.idx.msk [tilespmem:v14+s24+$0x0], $0xffff  }
0xf7: {  	[tilespmem:v1+s11+$0x0] =	vst.idx.add.f32.msk $0xffff, v13;
	v1 =	vmul.f32 v19, v7  }
0xf8: {  	v5 =	vmul.f32 v5, v12  }
0xf9: {  	[tilespmem:v2+s11+$0x0] =	vst.idx.add.f32.msk $0xffff, v1;
	v1 =	vmul.f32 v15, v18  }
0xfa: {  	s28 =	sshll.u32 s8, $0xE;
	[tilespmem:v4+s11+$0x0] =	vst.idx.add.f32.msk $0xffff, v5;
	v4 =	vmul.f32 v6, v22  }
0xfb: {  	s12 =	sadd.s32 s28, s15;
	[tilespmem:v3+s11+$0x0] =	vst.idx.add.f32.msk $0xffff, v1;
	v2 =	vmul.f32 v9, v23  }
0xfc: {  	s12 =	sshrl.u32 s12, $0x3;
	[tilespmem:v8+s11+$0x0] =	vst.idx.add.f32.msk $0xffff, v4  }
0xfd: {  	s13 =	simm.s32 $0x0;
	s21 =	simm.s32 $0x0;
	s12 =	sadd.s32 s4, s12;
	[tilespmem:v10+s11+$0x0] =	vst.idx.add.f32.msk $0xffff, v2  }
0xfe: {  	[tilespmem:s1], [sflag:$0x1] =	stream.linear.gather [hbm4b:s12+s13], $0x1000, $0x38;
	[tilespmem:$0x1A800] =	vst v63  }
0xff: {  	s12 =	sand.u32 $0x60, s21;
	s13 =	sand.u32 $0xF00, s13;
	_ =	swait.ge [sflag:s17], $0x1000  }
0x100: {  	s14 =	sadd.s32 $0x17800, s13;
	s25 =	sor.u32 $0x10, s12;
	[sflag:s17] =	ssyncset.done $0x0  }
0x101: {  	s13 =	sadd.s32 $0x17880, s13;
	s0 =	sor.u32 s25, s14;
	[sflag:s17] =	ssyncadd.s32 $0xFFFFF000  }
0x102: {  	s25 =	sor.u32 s25, s13;
	v5 =	vld [tilespmem:s0+$0x0]  }
0x103: {  	v8 =	vld [tilespmem:s25+$0x0]  }
0x104: {  	s26 =	sor.u32 s12, s14  }
0x105: {  	s12 =	sor.u32 s12, s13;
	v9 =	vld [tilespmem:s26+$0x0]  }
0x106: {  	v1 =	vld [tilespmem:s12+$0x0];
	_ =	sdelay $0x3  }
0x107: {  	v2 =	vld.idx.msk [tilespmem:v5+s29+$0x0], $0xffff  }
0x108: {  	v3 =	vld.idx.msk [tilespmem:v8+s31+$0x0], $0xffff;
	_ =	sdelay $0x1  }
0x109: {  	v4 =	vld.idx.msk [tilespmem:v9+s29+$0x0], $0xffff  }
0x10a: {  	v6 =	vld.idx.msk [tilespmem:v1+s31+$0x0], $0xffff;
	_ =	sdelay $0x1  }
0x10b: {  	v2 =	vadd.f32 v3, v2  }
0x10c: {  	s13 =	simm.s32 $0x20;
	s14 =	simm.s32 $0x40  }
0x10d: {  	s0 =	sand.u32 $0x60, s13;
	s12 =	sand.u32 $0xF00, s14;
	v3 =	vmul.f32 $2.000000030e-01, v2  }
0x10e: {  	s13 =	sadd.s32 $0x17800, s12;
	s21 =	sor.u32 $0x10, s0;
	s12 =	sadd.s32 $0x17880, s12;
	v4 =	vadd.f32 v6, v4  }
0x10f: {  	s14 =	sor.u32 s21, s12;
	v2 =	vmax.f32 v2, v3  }
0x110: {  	s26 =	sor.u32 s21, s13;
	v15 =	vld [tilespmem:s14+$0x0];
	v3 =	vmul.f32 $2.000000030e-01, v4;
	v2 =	vmul.f32 $1.442695020e+00, v2  }
0x111: {  	v13 =	vld [tilespmem:s26+$0x0]  }
0x112: {  	s13 =	sor.u32 s0, s13;
	(erf) = vpow2.f32 v2;
	v2 =	vmax.f32 v4, v3  }
0x113: {  	s0 =	sor.u32 s0, s12;
	v3 =	vld [tilespmem:s13+$0x0];
	v4 =	vmul.f32 $1.442695020e+00, v2  }
0x114: {  	v2 =	vld [tilespmem:s0+$0x0]  }
0x115: {  	(erf) = vpow2.f32 v4;
	_ =	sdelay $0x1  }
0x116: {  	v4 =	vld.idx.msk [tilespmem:v5+s2+$0x0], $0xffff  }
0x117: {  	v7 =	vld.idx.msk [tilespmem:v15+s31+$0x0], $0xffff  }
0x118: {  	v6 =	vld.idx.msk [tilespmem:v13+s29+$0x0], $0xffff  }
0x119: {  	v10 =	vld.idx.msk [tilespmem:v9+s2+$0x0], $0xffff  }
0x11a: {  	v11 =	vld.idx.msk [tilespmem:v3+s29+$0x0], $0xffff;
	v12 =	vpop (erf)  }
0x11b: {  	v14 =	vld.idx.msk [tilespmem:v2+s31+$0x0], $0xffff;
	v4 =	vmul.f32 v12, v4;
	_ =	sdelay $0x1  }
0x11c: {  	s14 =	simm.s32 $0x80;
	s13 =	simm.s32 $0x40;
	[tilespmem:v8+s9+$0x0] =	vst.idx.add.f32.msk $0xffff, v4;
	v4 =	vadd.f32 v7, v6;
	v16 =	vpop (erf)  }
0x11d: {  	s12 =	sand.u32 $0xF00, s14;
	s0 =	sand.u32 $0x60, s13;
	v7 =	vld.idx.msk [tilespmem:v5+s3+$0x0], $0xffff;
	v6 =	vmul.f32 v16, v10  }
0x11e: {  	s13 =	sadd.s32 $0x17800, s12;
	s21 =	sor.u32 $0x10, s0;
	v10 =	vld.idx.msk [tilespmem:v3+s2+$0x0], $0xffff;
	v17 =	vmul.f32 $2.000000030e-01, v4  }
0x11f: {  	s26 =	sor.u32 s21, s13;
	v11 =	vadd.f32 v14, v11;
	[tilespmem:v1+s9+$0x0] =	vst.idx.add.f32.msk $0xffff, v6  }
0x120: {  	s12 =	sadd.s32 $0x17880, s12;
	v6 =	vld [tilespmem:s26+$0x0];
	v4 =	vmax.f32 v4, v17  }
0x121: {  	s14 =	sor.u32 s21, s12;
	v14 =	vld.idx.msk [tilespmem:v9+s3+$0x0], $0xffff;
	v18 =	vmul.f32 $2.000000030e-01, v11;
	v17 =	vmul.f32 $1.442695020e+00, v4  }
0x122: {  	s13 =	sor.u32 s0, s13;
	v4 =	vld [tilespmem:s14+$0x0];
	v19 =	vmul.f32 v12, v7  }
0x123: {  	v7 =	vld [tilespmem:s13+$0x0];
	v11 =	vmax.f32 v11, v18;
	(erf) = vpow2.f32 v17  }
0x124: {  	v11 =	vmul.f32 $1.442695020e+00, v11;
	[tilespmem:v8+s10+$0x0] =	vst.idx.add.f32.msk $0xffff, v19  }
0x125: {  	s0 =	sor.u32 s0, s12;
	v17 =	vld.idx.msk [tilespmem:v5+s24+$0x0], $0xffff  }
0x126: {  	v5 =	vld [tilespmem:s0+$0x0];
	v14 =	vmul.f32 v16, v14;
	(erf) = vpow2.f32 v11  }
0x127: {  	v18 =	vld.idx.msk [tilespmem:v13+s2+$0x0], $0xffff  }
0x128: {  	[tilespmem:v1+s10+$0x0] =	vst.idx.add.f32.msk $0xffff, v14  }
0x129: {  	v14 =	vld.idx.msk [tilespmem:v6+s29+$0x0], $0xffff  }
0x12a: {  	v19 =	vld.idx.msk [tilespmem:v4+s31+$0x0], $0xffff  }
0x12b: {  	v20 =	vld.idx.msk [tilespmem:v7+s29+$0x0], $0xffff;
	v12 =	vmul.f32 v17, v12  }
0x12c: {  	v11 =	vld.idx.msk [tilespmem:v7+s2+$0x0], $0xffff;
	v17 =	vpop (erf)  }
0x12d: {  	[tilespmem:v8+s11+$0x0] =	vst.idx.add.f32.msk $0xffff, v12;
	v18 =	vmul.f32 v17, v18  }
0x12e: {  	v12 =	vld.idx.msk [tilespmem:v5+s31+$0x0], $0xffff  }
0x12f: {  	s12 =	simm.s32 $0x60;
	s13 =	simm.s32 $0xC0;
	v14 =	vadd.f32 v19, v14;
	v8 =	vpop (erf);
	[tilespmem:v15+s9+$0x0] =	vst.idx.add.f32.msk $0xffff, v18  }
0x130: {  	s21 =	sand.u32 $0xF00, s13;
	s0 =	sand.u32 $0x60, s12;
	v10 =	vmul.f32 v8, v10;
	v18 =	vld.idx.msk [tilespmem:v13+s3+$0x0], $0xffff  }
0x131: {  	s25 =	sadd.s32 $0x17800, s21;
	s26 =	sor.u32 $0x10, s0;
	v19 =	vld.idx.msk [tilespmem:v9+s24+$0x0], $0xffff;
	v9 =	vmul.f32 $2.000000030e-01, v14  }
0x132: {  	s14 =	sadd.s32 $0x17880, s21;
	s21 =	sor.u32 s26, s25;
	[tilespmem:v2+s9+$0x0] =	vst.idx.add.f32.msk $0xffff, v10  }
0x133: {  	v10 =	vld [tilespmem:s21+$0x0];
	v20 =	vadd.f32 v12, v20;
	v9 =	vmax.f32 v14, v9  }
0x134: {  	s26 =	sor.u32 s26, s14;
	v21 =	vld.idx.msk [tilespmem:v3+s3+$0x0], $0xffff;
	v14 =	vmul.f32 $1.442695020e+00, v9  }
0x135: {  	s25 =	sor.u32 s0, s25;
	v9 =	vld [tilespmem:s26+$0x0];
	v22 =	vmul.f32 $2.000000030e-01, v20;
	v18 =	vmul.f32 v17, v18  }
0x136: {  	v12 =	vld [tilespmem:s25+$0x0];
	(erf) = vpow2.f32 v14  }
0x137: {  	v14 =	vmax.f32 v20, v22;
	[tilespmem:v15+s10+$0x0] =	vst.idx.add.f32.msk $0xffff, v18  }
0x138: {  	s0 =	sor.u32 s0, s14;
	v18 =	vmul.f32 $1.442695020e+00, v14;
	v13 =	vld.idx.msk [tilespmem:v13+s24+$0x0], $0xffff  }
0x139: {  	v14 =	vld [tilespmem:s0+$0x0];
	v20 =	vmul.f32 v8, v21  }
0x13a: {  	v21 =	vld.idx.msk [tilespmem:v6+s2+$0x0], $0xffff;
	(erf) = vpow2.f32 v18  }
0x13b: {  	[tilespmem:v2+s10+$0x0] =	vst.idx.add.f32.msk $0xffff, v20  }
0x13c: {  	v20 =	vld.idx.msk [tilespmem:v10+s29+$0x0], $0xffff  }
0x13d: {  	v25 =	vld.idx.msk [tilespmem:v9+s31+$0x0], $0xffff;
	v17 =	vmul.f32 v13, v17  }
0x13e: {  	v23 =	vld.idx.msk [tilespmem:v12+s29+$0x0], $0xffff  }
0x13f: {  	v22 =	vld.idx.msk [tilespmem:v12+s2+$0x0], $0xffff;
	v13 =	vpop (erf)  }
0x140: {  	v18 =	vmul.f32 v13, v21;
	[tilespmem:v15+s11+$0x0] =	vst.idx.add.f32.msk $0xffff, v17  }
0x141: {  	v24 =	vld.idx.msk [tilespmem:v14+s31+$0x0], $0xffff;
	v17 =	vmov v5  }
0x142: {  	v15 =	vmov v7;
	v25 =	vadd.f32 v25, v20;
	[tilespmem:v4+s9+$0x0] =	vst.idx.add.f32.msk $0xffff, v18  }
0x143: {  	v18 =	vmul.f32 v19, v16;
	v19 =	vmov v10;
	v16 =	vmov v9;
	v21 =	vld.idx.msk [tilespmem:v6+s3+$0x0], $0xffff;
	v20 =	vpop (erf)  }
.LBB2_8:
0x144: {  	s12 =	sadd.s32 $0x20, s12;
	s13 =	sadd.s32 $0x40, s13;
	v26 =	vmul.f32 v20, v11;
	v27 =	vld.idx.msk [tilespmem:v3+s24+$0x0], $0xffff;
	v3 =	vmov v7;
	v7 =	vmov v12  }
0x145: {  	v11 =	vmovc v22;
	s0 =	sand.u32 $0x60, s12;
	s14 =	sand.u32 $0xF00, s13;
	p2 =	slt.u32 s12, $0x7E0;
	v28 =	vmul.f32 $2.000000030e-01, v25;
	[tilespmem:v1+s11+$0x0] =	vst.idx.add.f32.msk $0xffff, v18;
	v1 =	vmovc v2;
	v2 =	vmov v5;
	v5 =	vmov v14  }
0x146: {  	s21 =	sadd.s32 $0x17800, s14;
	s25 =	sor.u32 $0x10, s0;
	[tilespmem:v17+s9+$0x0] =	vst.idx.add.f32.msk $0xffff, v26;
	v17 =	vmov v14  }
0x147: {  	s14 =	sadd.s32 $0x17880, s14;
	v14 =	vadd.f32 v24, v23;
	s26 =	sor.u32 s0, s21;
	s21 =	sor.u32 s25, s21;
	v18 =	vmax.f32 v25, v28;
	v22 =	vld.idx.msk [tilespmem:v15+s3+$0x0], $0xffff;
	v15 =	vmov v12  }
0x148: {  	s0 =	sor.u32 s0, s14;
	s14 =	sor.u32 s25, s14;
	v23 =	vld [tilespmem:s21+$0x0];
	v18 =	vmul.f32 $1.442695020e+00, v18  }
0x149: {  	v24 =	vmul.f32 $2.000000030e-01, v14;
	v21 =	vmul.f32 v13, v21;
	v25 =	vld [tilespmem:s14+$0x0]  }
0x14a: {  	v12 =	vld [tilespmem:s26+$0x0];
	(erf) = vpow2.f32 v18;
	v18 =	vmul.f32 v27, v8;
	v8 =	vmov v20  }
0x14b: {  	v14 =	vmax.f32 v14, v24;
	[tilespmem:v4+s10+$0x0] =	vst.idx.add.f32.msk $0xffff, v21  }
0x14c: {  	v20 =	vmul.f32 $1.442695020e+00, v14;
	v21 =	vld.idx.msk [tilespmem:v6+s24+$0x0], $0xffff;
	v6 =	vmov v10  }
0x14d: {  	v22 =	vmul.f32 v8, v22;
	v14 =	vld [tilespmem:s0+$0x0];
	v10 =	vmov v23  }
0x14e: {  	v24 =	vld.idx.msk [tilespmem:v19+s2+$0x0], $0xffff;
	(erf) = vpow2.f32 v20;
	v19 =	vmov v23  }
0x14f: {  	[tilespmem:v2+s10+$0x0] =	vst.idx.add.f32.msk $0xffff, v22  }
0x150: {  	v20 =	vld.idx.msk [tilespmem:v23+s29+$0x0], $0xffff  }
0x151: {  	v26 =	vld.idx.msk [tilespmem:v25+s31+$0x0], $0xffff  }
0x152: {  	v21 =	vmul.f32 v21, v13;
	v23 =	vld.idx.msk [tilespmem:v12+s29+$0x0], $0xffff  }
.Ltmp5:
0x153: {  	v22 =	vld.idx.msk [tilespmem:v12+s2+$0x0], $0xffff;
	v13 =	vpop (erf);
	(pc) =	sbr.rel @p2 .LBB2_8-.Ltmp5, $4  }
0x154: {  	v27 =	vmul.f32 v13, v24;
	[tilespmem:v4+s11+$0x0] =	vst.idx.add.f32.msk $0xffff, v21;
	v4 =	vmov v9;
	v9 =	vmov v25  }
0x155: {  	v24 =	vld.idx.msk [tilespmem:v14+s31+$0x0], $0xffff  }
0x156: {  	[tilespmem:v16+s9+$0x0] =	vst.idx.add.f32.msk $0xffff, v27;
	v16 =	vmov v25  }
0x157: {  	v25 =	vadd.f32 v26, v20;
	v21 =	vld.idx.msk [tilespmem:v6+s3+$0x0], $0xffff;
	v20 =	vpop (erf)  }
0x158: {  	_ =	sdelay $0x1  }
0x159: {  	v26 =	vmul.f32 $2.000000030e-01, v25;
	v23 =	vadd.f32 v24, v23;
	_ =	sdelay $0x1  }
0x15a: {  	v24 =	vmax.f32 v25, v26;
	v25 =	vmul.f32 $2.000000030e-01, v23  }
0x15b: {  	v24 =	vmul.f32 $1.442695020e+00, v24  }
0x15c: {  	v23 =	vmax.f32 v23, v25  }
0x15d: {  	(erf) = vpow2.f32 v24;
	v23 =	vmul.f32 $1.442695020e+00, v23;
	_ =	sdelay $0x1  }
0x15e: {  	(erf) = vpow2.f32 v23;
	_ =	sdelay $0x2  }
0x15f: {  	v19 =	vld.idx.msk [tilespmem:v19+s2+$0x0], $0xffff  }
0x160: {  	v11 =	vmul.f32 v20, v11;
	_ =	sdelay $0x1  }
0x161: {  	[tilespmem:v17+s9+$0x0] =	vst.idx.add.f32.msk $0xffff, v11  }
0x162: {  	v15 =	vld.idx.msk [tilespmem:v15+s3+$0x0], $0xffff;
	v23 =	vpop (erf)  }
0x163: {  	v3 =	vld.idx.msk [tilespmem:v3+s24+$0x0], $0xffff;
	v11 =	vmul.f32 v23, v19  }
0x164: {  	[tilespmem:v1+s11+$0x0] =	vst.idx.add.f32.msk $0xffff, v18;
	v17 =	vpop (erf)  }
0x165: {  	[tilespmem:v16+s9+$0x0] =	vst.idx.add.f32.msk $0xffff, v11;
	v11 =	vmul.f32 v17, v22  }
0x166: {  	v16 =	vld.idx.msk [tilespmem:v10+s3+$0x0], $0xffff  }
0x167: {  	v15 =	vmul.f32 v20, v15;
	[tilespmem:v14+s9+$0x0] =	vst.idx.add.f32.msk $0xffff, v11  }
0x168: {  	v11 =	vld.idx.msk [tilespmem:v12+s3+$0x0], $0xffff  }
0x169: {  	[tilespmem:v5+s10+$0x0] =	vst.idx.add.f32.msk $0xffff, v15;
	v19 =	vmul.f32 v13, v21  }
0x16a: {  	v7 =	vld.idx.msk [tilespmem:v7+s24+$0x0], $0xffff  }
0x16b: {  	[tilespmem:v4+s10+$0x0] =	vst.idx.add.f32.msk $0xffff, v19;
	v15 =	vmul.f32 v23, v16  }
0x16c: {  	v6 =	vld.idx.msk [tilespmem:v6+s24+$0x0], $0xffff  }
0x16d: {  	[tilespmem:v9+s10+$0x0] =	vst.idx.add.f32.msk $0xffff, v15;
	v11 =	vmul.f32 v17, v11  }
0x16e: {  	v10 =	vld.idx.msk [tilespmem:v10+s24+$0x0], $0xffff  }
0x16f: {  	[tilespmem:v14+s10+$0x0] =	vst.idx.add.f32.msk $0xffff, v11  }
0x170: {  	v1 =	vmul.f32 v3, v8;
	v11 =	vld.idx.msk [tilespmem:v12+s24+$0x0], $0xffff;
	_ =	sdelay $0x1  }
0x171: {  	[tilespmem:v2+s11+$0x0] =	vst.idx.add.f32.msk $0xffff, v1;
	v1 =	vmul.f32 v7, v20  }
0x172: {  	v6 =	vmul.f32 v6, v13  }
0x173: {  	p2 =	seq.s32 s8, $0x13;
	[tilespmem:v5+s11+$0x0] =	vst.idx.add.f32.msk $0xffff, v1;
	v3 =	vmul.f32 v10, v23  }
0x174: {  	s0 =	sadd.s32 @!p2 s28, s16;
	[tilespmem:v4+s11+$0x0] =	vst.idx.add.f32.msk $0xffff, v6;
	v2 =	vmul.f32 v11, v17  }
0x175: {  	s21 =	simm.s32 $0x0;
	s25 =	simm.s32 $0x0;
	s0 =	sshrl.u32 @!p2 s0, $0x3;
	[tilespmem:v9+s11+$0x0] =	vst.idx.add.f32.msk $0xffff, v3  }
0x176: {  	s12 =	simm.s32 @!p2 $0x0;
	s13 =	simm.s32 @!p2 $0x17800;
	s0 =	sadd.s32 @!p2 s4, s0;
	[tilespmem:v14+s11+$0x0] =	vst.idx.add.f32.msk $0xffff, v2  }
0x177: {  	[tilespmem:s13], [sflag:$0x2] =	stream.linear.gather @!p2 [hbm4b:s0+s12], $0x1000, $0x38;
	[tilespmem:$0x1A800] =	vst v63  }
0x178: {  	s12 =	sand.u32 $0x60, s25;
	s0 =	sand.u32 $0xF00, s21;
	_ =	swait.ge [sflag:s18], $0x1000  }
0x179: {  	s26 =	sadd.s32 $0x18800, s0;
	s14 =	sor.u32 $0x10, s12;
	[sflag:s18] =	ssyncset.done $0x0  }
0x17a: {  	s0 =	sadd.s32 $0x18880, s0;
	s21 =	sor.u32 s14, s26;
	[sflag:s18] =	ssyncadd.s32 $0xFFFFF000  }
0x17b: {  	s14 =	sor.u32 s14, s0;
	v5 =	vld [tilespmem:s21+$0x0]  }
0x17c: {  	v8 =	vld [tilespmem:s14+$0x0]  }
0x17d: {  	s13 =	sor.u32 s12, s26  }
0x17e: {  	s0 =	sor.u32 s12, s0;
	v9 =	vld [tilespmem:s13+$0x0]  }
0x17f: {  	v1 =	vld [tilespmem:s0+$0x0];
	_ =	sdelay $0x3  }
0x180: {  	v2 =	vld.idx.msk [tilespmem:v5+s29+$0x0], $0xffff  }
0x181: {  	v3 =	vld.idx.msk [tilespmem:v8+s31+$0x0], $0xffff;
	_ =	sdelay $0x1  }
0x182: {  	v4 =	vld.idx.msk [tilespmem:v9+s29+$0x0], $0xffff  }
0x183: {  	v6 =	vld.idx.msk [tilespmem:v1+s31+$0x0], $0xffff;
	_ =	sdelay $0x1  }
0x184: {  	v2 =	vadd.f32 v3, v2  }
0x185: {  	s14 =	simm.s32 $0x20;
	s21 =	simm.s32 $0x40  }
0x186: {  	s0 =	sand.u32 $0x60, s14;
	s12 =	sand.u32 $0xF00, s21;
	v3 =	vmul.f32 $2.000000030e-01, v2  }
0x187: {  	s13 =	sadd.s32 $0x18800, s12;
	s25 =	sor.u32 $0x10, s0;
	s12 =	sadd.s32 $0x18880, s12;
	v4 =	vadd.f32 v6, v4  }
0x188: {  	s14 =	sor.u32 s25, s12;
	v2 =	vmax.f32 v2, v3  }
0x189: {  	s26 =	sor.u32 s25, s13;
	v15 =	vld [tilespmem:s14+$0x0];
	v3 =	vmul.f32 $2.000000030e-01, v4;
	v2 =	vmul.f32 $1.442695020e+00, v2  }
0x18a: {  	v13 =	vld [tilespmem:s26+$0x0]  }
0x18b: {  	s13 =	sor.u32 s0, s13;
	(erf) = vpow2.f32 v2;
	v2 =	vmax.f32 v4, v3  }
0x18c: {  	s0 =	sor.u32 s0, s12;
	v3 =	vld [tilespmem:s13+$0x0];
	v4 =	vmul.f32 $1.442695020e+00, v2  }
0x18d: {  	v2 =	vld [tilespmem:s0+$0x0]  }
0x18e: {  	(erf) = vpow2.f32 v4;
	_ =	sdelay $0x1  }
0x18f: {  	v4 =	vld.idx.msk [tilespmem:v5+s2+$0x0], $0xffff  }
0x190: {  	v7 =	vld.idx.msk [tilespmem:v15+s31+$0x0], $0xffff  }
0x191: {  	v6 =	vld.idx.msk [tilespmem:v13+s29+$0x0], $0xffff  }
0x192: {  	v10 =	vld.idx.msk [tilespmem:v9+s2+$0x0], $0xffff  }
0x193: {  	v11 =	vld.idx.msk [tilespmem:v3+s29+$0x0], $0xffff;
	v12 =	vpop (erf)  }
0x194: {  	v14 =	vld.idx.msk [tilespmem:v2+s31+$0x0], $0xffff;
	v4 =	vmul.f32 v12, v4;
	_ =	sdelay $0x1  }
0x195: {  	s21 =	simm.s32 $0x40;
	s25 =	simm.s32 $0x80;
	[tilespmem:v8+s9+$0x0] =	vst.idx.add.f32.msk $0xffff, v4;
	v4 =	vadd.f32 v7, v6;
	v16 =	vpop (erf)  }
0x196: {  	s12 =	sand.u32 $0xF00, s25;
	s0 =	sand.u32 $0x60, s21;
	v7 =	vld.idx.msk [tilespmem:v5+s3+$0x0], $0xffff;
	v6 =	vmul.f32 v16, v10  }
0x197: {  	s13 =	sadd.s32 $0x18800, s12;
	s26 =	sor.u32 $0x10, s0;
	v10 =	vld.idx.msk [tilespmem:v3+s2+$0x0], $0xffff;
	v17 =	vmul.f32 $2.000000030e-01, v4  }
0x198: {  	s25 =	sor.u32 s26, s13;
	v11 =	vadd.f32 v14, v11;
	[tilespmem:v1+s9+$0x0] =	vst.idx.add.f32.msk $0xffff, v6  }
0x199: {  	s12 =	sadd.s32 $0x18880, s12;
	v6 =	vld [tilespmem:s25+$0x0];
	v4 =	vmax.f32 v4, v17  }
0x19a: {  	s14 =	sor.u32 s26, s12;
	v14 =	vld.idx.msk [tilespmem:v9+s3+$0x0], $0xffff;
	v18 =	vmul.f32 $2.000000030e-01, v11;
	v17 =	vmul.f32 $1.442695020e+00, v4  }
0x19b: {  	s13 =	sor.u32 s0, s13;
	v4 =	vld [tilespmem:s14+$0x0];
	v19 =	vmul.f32 v12, v7  }
0x19c: {  	v7 =	vld [tilespmem:s13+$0x0];
	v11 =	vmax.f32 v11, v18;
	(erf) = vpow2.f32 v17  }
0x19d: {  	v11 =	vmul.f32 $1.442695020e+00, v11;
	[tilespmem:v8+s10+$0x0] =	vst.idx.add.f32.msk $0xffff, v19  }
0x19e: {  	s0 =	sor.u32 s0, s12;
	v17 =	vld.idx.msk [tilespmem:v5+s24+$0x0], $0xffff  }
0x19f: {  	v5 =	vld [tilespmem:s0+$0x0];
	v14 =	vmul.f32 v16, v14;
	(erf) = vpow2.f32 v11  }
0x1a0: {  	v18 =	vld.idx.msk [tilespmem:v13+s2+$0x0], $0xffff  }
0x1a1: {  	[tilespmem:v1+s10+$0x0] =	vst.idx.add.f32.msk $0xffff, v14  }
0x1a2: {  	v14 =	vld.idx.msk [tilespmem:v6+s29+$0x0], $0xffff  }
0x1a3: {  	v19 =	vld.idx.msk [tilespmem:v4+s31+$0x0], $0xffff  }
0x1a4: {  	v20 =	vld.idx.msk [tilespmem:v7+s29+$0x0], $0xffff;
	v12 =	vmul.f32 v17, v12  }
0x1a5: {  	v11 =	vld.idx.msk [tilespmem:v7+s2+$0x0], $0xffff;
	v17 =	vpop (erf)  }
0x1a6: {  	[tilespmem:v8+s11+$0x0] =	vst.idx.add.f32.msk $0xffff, v12;
	v18 =	vmul.f32 v17, v18  }
0x1a7: {  	v12 =	vld.idx.msk [tilespmem:v5+s31+$0x0], $0xffff  }
0x1a8: {  	s12 =	simm.s32 $0x60;
	s13 =	simm.s32 $0xC0;
	v14 =	vadd.f32 v19, v14;
	v8 =	vpop (erf);
	[tilespmem:v15+s9+$0x0] =	vst.idx.add.f32.msk $0xffff, v18  }
0x1a9: {  	s26 =	sand.u32 $0xF00, s13;
	s0 =	sand.u32 $0x60, s12;
	v10 =	vmul.f32 v8, v10;
	v18 =	vld.idx.msk [tilespmem:v13+s3+$0x0], $0xffff  }
0x1aa: {  	s21 =	sadd.s32 $0x18800, s26;
	s25 =	sor.u32 $0x10, s0;
	v19 =	vld.idx.msk [tilespmem:v9+s24+$0x0], $0xffff;
	v9 =	vmul.f32 $2.000000030e-01, v14  }
0x1ab: {  	s14 =	sadd.s32 $0x18880, s26;
	s26 =	sor.u32 s25, s21;
	[tilespmem:v2+s9+$0x0] =	vst.idx.add.f32.msk $0xffff, v10  }
0x1ac: {  	v10 =	vld [tilespmem:s26+$0x0];
	v20 =	vadd.f32 v12, v20;
	v9 =	vmax.f32 v14, v9  }
0x1ad: {  	s25 =	sor.u32 s25, s14;
	v21 =	vld.idx.msk [tilespmem:v3+s3+$0x0], $0xffff;
	v14 =	vmul.f32 $1.442695020e+00, v9  }
0x1ae: {  	s21 =	sor.u32 s0, s21;
	v9 =	vld [tilespmem:s25+$0x0];
	v22 =	vmul.f32 $2.000000030e-01, v20;
	v18 =	vmul.f32 v17, v18  }
0x1af: {  	v12 =	vld [tilespmem:s21+$0x0];
	(erf) = vpow2.f32 v14  }
0x1b0: {  	v14 =	vmax.f32 v20, v22;
	[tilespmem:v15+s10+$0x0] =	vst.idx.add.f32.msk $0xffff, v18  }
0x1b1: {  	s0 =	sor.u32 s0, s14;
	v18 =	vmul.f32 $1.442695020e+00, v14;
	v13 =	vld.idx.msk [tilespmem:v13+s24+$0x0], $0xffff  }
0x1b2: {  	v14 =	vld [tilespmem:s0+$0x0];
	v20 =	vmul.f32 v8, v21  }
0x1b3: {  	v21 =	vld.idx.msk [tilespmem:v6+s2+$0x0], $0xffff;
	(erf) = vpow2.f32 v18  }
0x1b4: {  	[tilespmem:v2+s10+$0x0] =	vst.idx.add.f32.msk $0xffff, v20  }
0x1b5: {  	v20 =	vld.idx.msk [tilespmem:v10+s29+$0x0], $0xffff  }
0x1b6: {  	v25 =	vld.idx.msk [tilespmem:v9+s31+$0x0], $0xffff;
	v17 =	vmul.f32 v13, v17  }
0x1b7: {  	v23 =	vld.idx.msk [tilespmem:v12+s29+$0x0], $0xffff  }
0x1b8: {  	v22 =	vld.idx.msk [tilespmem:v12+s2+$0x0], $0xffff;
	v13 =	vpop (erf)  }
0x1b9: {  	v18 =	vmul.f32 v13, v21;
	[tilespmem:v15+s11+$0x0] =	vst.idx.add.f32.msk $0xffff, v17  }
0x1ba: {  	v24 =	vld.idx.msk [tilespmem:v14+s31+$0x0], $0xffff;
	v17 =	vmov v5  }
0x1bb: {  	v15 =	vmov v7;
	v25 =	vadd.f32 v25, v20;
	[tilespmem:v4+s9+$0x0] =	vst.idx.add.f32.msk $0xffff, v18  }
0x1bc: {  	v18 =	vmul.f32 v19, v16;
	v19 =	vmov v10;
	v16 =	vmov v9;
	v21 =	vld.idx.msk [tilespmem:v6+s3+$0x0], $0xffff;
	v20 =	vpop (erf)  }
.LBB2_10:
0x1bd: {  	s12 =	sadd.s32 $0x20, s12;
	s13 =	sadd.s32 $0x40, s13;
	v26 =	vmul.f32 v20, v11;
	v27 =	vld.idx.msk [tilespmem:v3+s24+$0x0], $0xffff;
	v3 =	vmov v7;
	v7 =	vmov v12  }
0x1be: {  	v11 =	vmovc v22;
	s0 =	sand.u32 $0x60, s12;
	s14 =	sand.u32 $0xF00, s13;
	p3 =	slt.u32 s12, $0x7E0;
	v28 =	vmul.f32 $2.000000030e-01, v25;
	[tilespmem:v1+s11+$0x0] =	vst.idx.add.f32.msk $0xffff, v18;
	v1 =	vmovc v2;
	v2 =	vmov v5;
	v5 =	vmov v14  }
0x1bf: {  	s21 =	sadd.s32 $0x18800, s14;
	s25 =	sor.u32 $0x10, s0;
	[tilespmem:v17+s9+$0x0] =	vst.idx.add.f32.msk $0xffff, v26;
	v17 =	vmov v14  }
0x1c0: {  	s14 =	sadd.s32 $0x18880, s14;
	v14 =	vadd.f32 v24, v23;
	s26 =	sor.u32 s0, s21;
	s21 =	sor.u32 s25, s21;
	v18 =	vmax.f32 v25, v28;
	v22 =	vld.idx.msk [tilespmem:v15+s3+$0x0], $0xffff;
	v15 =	vmov v12  }
0x1c1: {  	s0 =	sor.u32 s0, s14;
	s14 =	sor.u32 s25, s14;
	v23 =	vld [tilespmem:s21+$0x0];
	v18 =	vmul.f32 $1.442695020e+00, v18  }
0x1c2: {  	v24 =	vmul.f32 $2.000000030e-01, v14;
	v21 =	vmul.f32 v13, v21;
	v25 =	vld [tilespmem:s14+$0x0]  }
0x1c3: {  	v12 =	vld [tilespmem:s26+$0x0];
	(erf) = vpow2.f32 v18;
	v18 =	vmul.f32 v27, v8;
	v8 =	vmov v20  }
0x1c4: {  	v14 =	vmax.f32 v14, v24;
	[tilespmem:v4+s10+$0x0] =	vst.idx.add.f32.msk $0xffff, v21  }
0x1c5: {  	v20 =	vmul.f32 $1.442695020e+00, v14;
	v21 =	vld.idx.msk [tilespmem:v6+s24+$0x0], $0xffff;
	v6 =	vmov v10  }
0x1c6: {  	v22 =	vmul.f32 v8, v22;
	v14 =	vld [tilespmem:s0+$0x0];
	v10 =	vmov v23  }
0x1c7: {  	v24 =	vld.idx.msk [tilespmem:v19+s2+$0x0], $0xffff;
	(erf) = vpow2.f32 v20;
	v19 =	vmov v23  }
0x1c8: {  	[tilespmem:v2+s10+$0x0] =	vst.idx.add.f32.msk $0xffff, v22  }
0x1c9: {  	v20 =	vld.idx.msk [tilespmem:v23+s29+$0x0], $0xffff  }
0x1ca: {  	v26 =	vld.idx.msk [tilespmem:v25+s31+$0x0], $0xffff  }
0x1cb: {  	v21 =	vmul.f32 v21, v13;
	v23 =	vld.idx.msk [tilespmem:v12+s29+$0x0], $0xffff  }
.Ltmp6:
0x1cc: {  	v22 =	vld.idx.msk [tilespmem:v12+s2+$0x0], $0xffff;
	v13 =	vpop (erf);
	(pc) =	sbr.rel @p3 .LBB2_10-.Ltmp6, $4  }
0x1cd: {  	v27 =	vmul.f32 v13, v24;
	[tilespmem:v4+s11+$0x0] =	vst.idx.add.f32.msk $0xffff, v21;
	v4 =	vmov v9;
	v9 =	vmov v25  }
0x1ce: {  	v24 =	vld.idx.msk [tilespmem:v14+s31+$0x0], $0xffff  }
0x1cf: {  	[tilespmem:v16+s9+$0x0] =	vst.idx.add.f32.msk $0xffff, v27;
	v16 =	vmov v25  }
0x1d0: {  	v25 =	vadd.f32 v26, v20;
	v21 =	vld.idx.msk [tilespmem:v6+s3+$0x0], $0xffff;
	v20 =	vpop (erf)  }
0x1d1: {  	_ =	sdelay $0x1  }
0x1d2: {  	v26 =	vmul.f32 $2.000000030e-01, v25;
	v23 =	vadd.f32 v24, v23;
	_ =	sdelay $0x1  }
0x1d3: {  	v24 =	vmax.f32 v25, v26;
	v25 =	vmul.f32 $2.000000030e-01, v23  }
0x1d4: {  	v24 =	vmul.f32 $1.442695020e+00, v24  }
0x1d5: {  	v23 =	vmax.f32 v23, v25  }
0x1d6: {  	(erf) = vpow2.f32 v24;
	v23 =	vmul.f32 $1.442695020e+00, v23;
	_ =	sdelay $0x1  }
0x1d7: {  	(erf) = vpow2.f32 v23;
	_ =	sdelay $0x2  }
0x1d8: {  	v19 =	vld.idx.msk [tilespmem:v19+s2+$0x0], $0xffff  }
0x1d9: {  	v11 =	vmul.f32 v20, v11;
	_ =	sdelay $0x1  }
0x1da: {  	[tilespmem:v17+s9+$0x0] =	vst.idx.add.f32.msk $0xffff, v11  }
0x1db: {  	v15 =	vld.idx.msk [tilespmem:v15+s3+$0x0], $0xffff;
	v23 =	vpop (erf)  }
0x1dc: {  	v3 =	vld.idx.msk [tilespmem:v3+s24+$0x0], $0xffff;
	v11 =	vmul.f32 v23, v19  }
0x1dd: {  	[tilespmem:v1+s11+$0x0] =	vst.idx.add.f32.msk $0xffff, v18;
	v17 =	vpop (erf)  }
0x1de: {  	[tilespmem:v16+s9+$0x0] =	vst.idx.add.f32.msk $0xffff, v11;
	v11 =	vmul.f32 v17, v22  }
0x1df: {  	v16 =	vld.idx.msk [tilespmem:v10+s3+$0x0], $0xffff  }
0x1e0: {  	v15 =	vmul.f32 v20, v15;
	[tilespmem:v14+s9+$0x0] =	vst.idx.add.f32.msk $0xffff, v11  }
0x1e1: {  	v11 =	vld.idx.msk [tilespmem:v12+s3+$0x0], $0xffff  }
0x1e2: {  	[tilespmem:v5+s10+$0x0] =	vst.idx.add.f32.msk $0xffff, v15;
	v19 =	vmul.f32 v13, v21  }
0x1e3: {  	v7 =	vld.idx.msk [tilespmem:v7+s24+$0x0], $0xffff  }
0x1e4: {  	[tilespmem:v4+s10+$0x0] =	vst.idx.add.f32.msk $0xffff, v19;
	v15 =	vmul.f32 v23, v16  }
0x1e5: {  	v6 =	vld.idx.msk [tilespmem:v6+s24+$0x0], $0xffff  }
0x1e6: {  	[tilespmem:v9+s10+$0x0] =	vst.idx.add.f32.msk $0xffff, v15;
	v11 =	vmul.f32 v17, v11  }
0x1e7: {  	v10 =	vld.idx.msk [tilespmem:v10+s24+$0x0], $0xffff  }
0x1e8: {  	[tilespmem:v14+s10+$0x0] =	vst.idx.add.f32.msk $0xffff, v11  }
0x1e9: {  	v1 =	vmul.f32 v3, v8;
	v11 =	vld.idx.msk [tilespmem:v12+s24+$0x0], $0xffff;
	_ =	sdelay $0x1  }
0x1ea: {  	[tilespmem:v2+s11+$0x0] =	vst.idx.add.f32.msk $0xffff, v1;
	v1 =	vmul.f32 v7, v20  }
0x1eb: {  	v6 =	vmul.f32 v6, v13  }
0x1ec: {  	[tilespmem:v5+s11+$0x0] =	vst.idx.add.f32.msk $0xffff, v1;
	v3 =	vmul.f32 v10, v23  }
0x1ed: {  	s0 =	sadd.s32 @!p2 s28, s22;
	[tilespmem:v4+s11+$0x0] =	vst.idx.add.f32.msk $0xffff, v6;
	v2 =	vmul.f32 v11, v17  }
0x1ee: {  	s12 =	simm.s32 @!p2 $0x0;
	s13 =	simm.s32 @!p2 $0x18800;
	s0 =	sshrl.u32 @!p2 s0, $0x3;
	[tilespmem:v9+s11+$0x0] =	vst.idx.add.f32.msk $0xffff, v3  }
0x1ef: {  	s21 =	simm.s32 $0x0;
	s25 =	simm.s32 $0x0;
	s0 =	sadd.s32 @!p2 s4, s0;
	[tilespmem:v14+s11+$0x0] =	vst.idx.add.f32.msk $0xffff, v2  }
0x1f0: {  	[tilespmem:s13], [sflag:$0x3] =	stream.linear.gather @!p2 [hbm4b:s0+s12], $0x1000, $0x38;
	[tilespmem:$0x1A800] =	vst v63  }
0x1f1: {  	s12 =	sand.u32 $0x60, s25;
	s0 =	sand.u32 $0xF00, s21;
	_ =	swait.ge [sflag:s19], $0x1000  }
0x1f2: {  	s26 =	sadd.s32 $0x19800, s0;
	s14 =	sor.u32 $0x10, s12;
	[sflag:s19] =	ssyncset.done $0x0  }
0x1f3: {  	s0 =	sadd.s32 $0x19880, s0;
	s21 =	sor.u32 s14, s26;
	[sflag:s19] =	ssyncadd.s32 $0xFFFFF000  }
0x1f4: {  	s14 =	sor.u32 s14, s0;
	v5 =	vld [tilespmem:s21+$0x0]  }
0x1f5: {  	v8 =	vld [tilespmem:s14+$0x0]  }
0x1f6: {  	s13 =	sor.u32 s12, s26  }
0x1f7: {  	s0 =	sor.u32 s12, s0;
	v9 =	vld [tilespmem:s13+$0x0]  }
0x1f8: {  	v1 =	vld [tilespmem:s0+$0x0];
	_ =	sdelay $0x3  }
0x1f9: {  	v2 =	vld.idx.msk [tilespmem:v5+s29+$0x0], $0xffff  }
0x1fa: {  	v3 =	vld.idx.msk [tilespmem:v8+s31+$0x0], $0xffff;
	_ =	sdelay $0x1  }
0x1fb: {  	v4 =	vld.idx.msk [tilespmem:v9+s29+$0x0], $0xffff  }
0x1fc: {  	v6 =	vld.idx.msk [tilespmem:v1+s31+$0x0], $0xffff;
	_ =	sdelay $0x1  }
0x1fd: {  	v2 =	vadd.f32 v3, v2  }
0x1fe: {  	s14 =	simm.s32 $0x20;
	s21 =	simm.s32 $0x40  }
0x1ff: {  	s0 =	sand.u32 $0x60, s14;
	s12 =	sand.u32 $0xF00, s21;
	v3 =	vmul.f32 $2.000000030e-01, v2  }
0x200: {  	s13 =	sadd.s32 $0x19800, s12;
	s25 =	sor.u32 $0x10, s0;
	s12 =	sadd.s32 $0x19880, s12;
	v4 =	vadd.f32 v6, v4  }
0x201: {  	s14 =	sor.u32 s25, s12;
	v2 =	vmax.f32 v2, v3  }
0x202: {  	s26 =	sor.u32 s25, s13;
	v15 =	vld [tilespmem:s14+$0x0];
	v3 =	vmul.f32 $2.000000030e-01, v4;
	v2 =	vmul.f32 $1.442695020e+00, v2  }
0x203: {  	v13 =	vld [tilespmem:s26+$0x0]  }
0x204: {  	s13 =	sor.u32 s0, s13;
	(erf) = vpow2.f32 v2;
	v2 =	vmax.f32 v4, v3  }
0x205: {  	s0 =	sor.u32 s0, s12;
	v3 =	vld [tilespmem:s13+$0x0];
	v4 =	vmul.f32 $1.442695020e+00, v2  }
0x206: {  	v2 =	vld [tilespmem:s0+$0x0]  }
0x207: {  	(erf) = vpow2.f32 v4;
	_ =	sdelay $0x1  }
0x208: {  	v4 =	vld.idx.msk [tilespmem:v5+s2+$0x0], $0xffff  }
0x209: {  	v7 =	vld.idx.msk [tilespmem:v15+s31+$0x0], $0xffff  }
0x20a: {  	v6 =	vld.idx.msk [tilespmem:v13+s29+$0x0], $0xffff  }
0x20b: {  	v10 =	vld.idx.msk [tilespmem:v9+s2+$0x0], $0xffff  }
0x20c: {  	v11 =	vld.idx.msk [tilespmem:v3+s29+$0x0], $0xffff;
	v12 =	vpop (erf)  }
0x20d: {  	v14 =	vld.idx.msk [tilespmem:v2+s31+$0x0], $0xffff;
	v4 =	vmul.f32 v12, v4;
	_ =	sdelay $0x1  }
0x20e: {  	s21 =	simm.s32 $0x40;
	s25 =	simm.s32 $0x80;
	[tilespmem:v8+s9+$0x0] =	vst.idx.add.f32.msk $0xffff, v4;
	v4 =	vadd.f32 v7, v6;
	v16 =	vpop (erf)  }
0x20f: {  	s12 =	sand.u32 $0xF00, s25;
	s0 =	sand.u32 $0x60, s21;
	v7 =	vld.idx.msk [tilespmem:v5+s3+$0x0], $0xffff;
	v6 =	vmul.f32 v16, v10  }
0x210: {  	s13 =	sadd.s32 $0x19800, s12;
	s26 =	sor.u32 $0x10, s0;
	v10 =	vld.idx.msk [tilespmem:v3+s2+$0x0], $0xffff;
	v17 =	vmul.f32 $2.000000030e-01, v4  }
0x211: {  	s25 =	sor.u32 s26, s13;
	v11 =	vadd.f32 v14, v11;
	[tilespmem:v1+s9+$0x0] =	vst.idx.add.f32.msk $0xffff, v6  }
0x212: {  	s12 =	sadd.s32 $0x19880, s12;
	v6 =	vld [tilespmem:s25+$0x0];
	v4 =	vmax.f32 v4, v17  }
0x213: {  	s14 =	sor.u32 s26, s12;
	v14 =	vld.idx.msk [tilespmem:v9+s3+$0x0], $0xffff;
	v18 =	vmul.f32 $2.000000030e-01, v11;
	v17 =	vmul.f32 $1.442695020e+00, v4  }
0x214: {  	s13 =	sor.u32 s0, s13;
	v4 =	vld [tilespmem:s14+$0x0];
	v19 =	vmul.f32 v12, v7  }
0x215: {  	v7 =	vld [tilespmem:s13+$0x0];
	v11 =	vmax.f32 v11, v18;
	(erf) = vpow2.f32 v17  }
0x216: {  	v11 =	vmul.f32 $1.442695020e+00, v11;
	[tilespmem:v8+s10+$0x0] =	vst.idx.add.f32.msk $0xffff, v19  }
0x217: {  	s0 =	sor.u32 s0, s12;
	v17 =	vld.idx.msk [tilespmem:v5+s24+$0x0], $0xffff  }
0x218: {  	v5 =	vld [tilespmem:s0+$0x0];
	v14 =	vmul.f32 v16, v14;
	(erf) = vpow2.f32 v11  }
0x219: {  	v18 =	vld.idx.msk [tilespmem:v13+s2+$0x0], $0xffff  }
0x21a: {  	[tilespmem:v1+s10+$0x0] =	vst.idx.add.f32.msk $0xffff, v14  }
0x21b: {  	v14 =	vld.idx.msk [tilespmem:v6+s29+$0x0], $0xffff  }
0x21c: {  	v19 =	vld.idx.msk [tilespmem:v4+s31+$0x0], $0xffff  }
0x21d: {  	v20 =	vld.idx.msk [tilespmem:v7+s29+$0x0], $0xffff;
	v12 =	vmul.f32 v17, v12  }
0x21e: {  	v11 =	vld.idx.msk [tilespmem:v7+s2+$0x0], $0xffff;
	v17 =	vpop (erf)  }
0x21f: {  	[tilespmem:v8+s11+$0x0] =	vst.idx.add.f32.msk $0xffff, v12;
	v18 =	vmul.f32 v17, v18  }
0x220: {  	v12 =	vld.idx.msk [tilespmem:v5+s31+$0x0], $0xffff  }
0x221: {  	s12 =	simm.s32 $0x60;
	s13 =	simm.s32 $0xC0;
	v14 =	vadd.f32 v19, v14;
	v8 =	vpop (erf);
	[tilespmem:v15+s9+$0x0] =	vst.idx.add.f32.msk $0xffff, v18  }
0x222: {  	s26 =	sand.u32 $0xF00, s13;
	s0 =	sand.u32 $0x60, s12;
	v10 =	vmul.f32 v8, v10;
	v18 =	vld.idx.msk [tilespmem:v13+s3+$0x0], $0xffff  }
0x223: {  	s21 =	sadd.s32 $0x19800, s26;
	s25 =	sor.u32 $0x10, s0;
	v19 =	vld.idx.msk [tilespmem:v9+s24+$0x0], $0xffff;
	v9 =	vmul.f32 $2.000000030e-01, v14  }
0x224: {  	s14 =	sadd.s32 $0x19880, s26;
	s26 =	sor.u32 s25, s21;
	[tilespmem:v2+s9+$0x0] =	vst.idx.add.f32.msk $0xffff, v10  }
0x225: {  	v10 =	vld [tilespmem:s26+$0x0];
	v20 =	vadd.f32 v12, v20;
	v9 =	vmax.f32 v14, v9  }
0x226: {  	s25 =	sor.u32 s25, s14;
	v21 =	vld.idx.msk [tilespmem:v3+s3+$0x0], $0xffff;
	v14 =	vmul.f32 $1.442695020e+00, v9  }
0x227: {  	s21 =	sor.u32 s0, s21;
	v9 =	vld [tilespmem:s25+$0x0];
	v22 =	vmul.f32 $2.000000030e-01, v20;
	v18 =	vmul.f32 v17, v18  }
0x228: {  	v12 =	vld [tilespmem:s21+$0x0];
	(erf) = vpow2.f32 v14  }
0x229: {  	v14 =	vmax.f32 v20, v22;
	[tilespmem:v15+s10+$0x0] =	vst.idx.add.f32.msk $0xffff, v18  }
0x22a: {  	s0 =	sor.u32 s0, s14;
	v18 =	vmul.f32 $1.442695020e+00, v14;
	v13 =	vld.idx.msk [tilespmem:v13+s24+$0x0], $0xffff  }
0x22b: {  	v14 =	vld [tilespmem:s0+$0x0];
	v20 =	vmul.f32 v8, v21  }
0x22c: {  	v21 =	vld.idx.msk [tilespmem:v6+s2+$0x0], $0xffff;
	(erf) = vpow2.f32 v18  }
0x22d: {  	[tilespmem:v2+s10+$0x0] =	vst.idx.add.f32.msk $0xffff, v20  }
0x22e: {  	v20 =	vld.idx.msk [tilespmem:v10+s29+$0x0], $0xffff  }
0x22f: {  	v25 =	vld.idx.msk [tilespmem:v9+s31+$0x0], $0xffff;
	v17 =	vmul.f32 v13, v17  }
0x230: {  	v23 =	vld.idx.msk [tilespmem:v12+s29+$0x0], $0xffff  }
0x231: {  	v22 =	vld.idx.msk [tilespmem:v12+s2+$0x0], $0xffff;
	v13 =	vpop (erf)  }
0x232: {  	v18 =	vmul.f32 v13, v21;
	[tilespmem:v15+s11+$0x0] =	vst.idx.add.f32.msk $0xffff, v17  }
0x233: {  	v24 =	vld.idx.msk [tilespmem:v14+s31+$0x0], $0xffff;
	v17 =	vmov v5  }
0x234: {  	v15 =	vmov v7;
	v25 =	vadd.f32 v25, v20;
	[tilespmem:v4+s9+$0x0] =	vst.idx.add.f32.msk $0xffff, v18  }
0x235: {  	v18 =	vmul.f32 v19, v16;
	v19 =	vmov v10;
	v16 =	vmov v9;
	v21 =	vld.idx.msk [tilespmem:v6+s3+$0x0], $0xffff;
	v20 =	vpop (erf)  }
.LBB2_12:
0x236: {  	s12 =	sadd.s32 $0x20, s12;
	s13 =	sadd.s32 $0x40, s13;
	v26 =	vmul.f32 v20, v11;
	v27 =	vld.idx.msk [tilespmem:v3+s24+$0x0], $0xffff;
	v3 =	vmov v7;
	v7 =	vmov v12  }
0x237: {  	v11 =	vmovc v22;
	s0 =	sand.u32 $0x60, s12;
	s14 =	sand.u32 $0xF00, s13;
	p3 =	slt.u32 s12, $0x7E0;
	v28 =	vmul.f32 $2.000000030e-01, v25;
	[tilespmem:v1+s11+$0x0] =	vst.idx.add.f32.msk $0xffff, v18;
	v1 =	vmovc v2;
	v2 =	vmov v5;
	v5 =	vmov v14  }
0x238: {  	s21 =	sadd.s32 $0x19800, s14;
	s25 =	sor.u32 $0x10, s0;
	[tilespmem:v17+s9+$0x0] =	vst.idx.add.f32.msk $0xffff, v26;
	v17 =	vmov v14  }
0x239: {  	s14 =	sadd.s32 $0x19880, s14;
	v14 =	vadd.f32 v24, v23;
	s26 =	sor.u32 s0, s21;
	s21 =	sor.u32 s25, s21;
	v18 =	vmax.f32 v25, v28;
	v22 =	vld.idx.msk [tilespmem:v15+s3+$0x0], $0xffff;
	v15 =	vmov v12  }
0x23a: {  	s0 =	sor.u32 s0, s14;
	s14 =	sor.u32 s25, s14;
	v23 =	vld [tilespmem:s21+$0x0];
	v18 =	vmul.f32 $1.442695020e+00, v18  }
0x23b: {  	v24 =	vmul.f32 $2.000000030e-01, v14;
	v21 =	vmul.f32 v13, v21;
	v25 =	vld [tilespmem:s14+$0x0]  }
0x23c: {  	v12 =	vld [tilespmem:s26+$0x0];
	(erf) = vpow2.f32 v18;
	v18 =	vmul.f32 v27, v8;
	v8 =	vmov v20  }
0x23d: {  	v14 =	vmax.f32 v14, v24;
	[tilespmem:v4+s10+$0x0] =	vst.idx.add.f32.msk $0xffff, v21  }
0x23e: {  	v20 =	vmul.f32 $1.442695020e+00, v14;
	v21 =	vld.idx.msk [tilespmem:v6+s24+$0x0], $0xffff;
	v6 =	vmov v10  }
0x23f: {  	v22 =	vmul.f32 v8, v22;
	v14 =	vld [tilespmem:s0+$0x0];
	v10 =	vmov v23  }
0x240: {  	v24 =	vld.idx.msk [tilespmem:v19+s2+$0x0], $0xffff;
	(erf) = vpow2.f32 v20;
	v19 =	vmov v23  }
0x241: {  	[tilespmem:v2+s10+$0x0] =	vst.idx.add.f32.msk $0xffff, v22  }
0x242: {  	v20 =	vld.idx.msk [tilespmem:v23+s29+$0x0], $0xffff  }
0x243: {  	v26 =	vld.idx.msk [tilespmem:v25+s31+$0x0], $0xffff  }
0x244: {  	v21 =	vmul.f32 v21, v13;
	v23 =	vld.idx.msk [tilespmem:v12+s29+$0x0], $0xffff  }
.Ltmp7:
0x245: {  	v22 =	vld.idx.msk [tilespmem:v12+s2+$0x0], $0xffff;
	v13 =	vpop (erf);
	(pc) =	sbr.rel @p3 .LBB2_12-.Ltmp7, $4  }
0x246: {  	v27 =	vmul.f32 v13, v24;
	[tilespmem:v4+s11+$0x0] =	vst.idx.add.f32.msk $0xffff, v21;
	v4 =	vmov v9;
	v9 =	vmov v25  }
0x247: {  	v24 =	vld.idx.msk [tilespmem:v14+s31+$0x0], $0xffff  }
0x248: {  	[tilespmem:v16+s9+$0x0] =	vst.idx.add.f32.msk $0xffff, v27;
	v16 =	vmov v25  }
0x249: {  	v25 =	vadd.f32 v26, v20;
	v21 =	vld.idx.msk [tilespmem:v6+s3+$0x0], $0xffff;
	v20 =	vpop (erf)  }
0x24a: {  	_ =	sdelay $0x1  }
0x24b: {  	v26 =	vmul.f32 $2.000000030e-01, v25;
	v23 =	vadd.f32 v24, v23;
	_ =	sdelay $0x1  }
0x24c: {  	v55 =	vmax.f32 v25, v26;
	v56 =	vmul.f32 $2.000000030e-01, v23  }
0x24d: {  	v24 =	vmul.f32 $1.442695020e+00, v55  }
0x24e: {  	v23 =	vmax.f32 v23, v56  }
0x24f: {  	(erf) = vpow2.f32 v24;
	v23 =	vmul.f32 $1.442695020e+00, v23;
	_ =	sdelay $0x1  }
0x250: {  	(erf) = vpow2.f32 v23;
	_ =	sdelay $0x2  }
0x251: {  	v19 =	vld.idx.msk [tilespmem:v19+s2+$0x0], $0xffff;
	_ =	sdelay $0x2  }
0x252: {  	v11 =	vmul.f32 v20, v11  }
0x253: {  	v3 =	vld.idx.msk [tilespmem:v3+s24+$0x0], $0xffff;
	v57 =	vpop (erf)  }
0x254: {  	[tilespmem:v17+s9+$0x0] =	vst.idx.add.f32.msk $0xffff, v11;
	v58 =	vmul.f32 v57, v19  }
0x255: {  	v15 =	vld.idx.msk [tilespmem:v15+s3+$0x0], $0xffff;
	v59 =	vpop (erf)  }
0x256: {  	[tilespmem:v16+s9+$0x0] =	vst.idx.add.f32.msk $0xffff, v58;
	v60 =	vmul.f32 v59, v22  }
0x257: {  	v16 =	vld.idx.msk [tilespmem:v10+s3+$0x0], $0xffff  }
0x258: {  	v61 =	vmul.f32 v13, v21;
	[tilespmem:v14+s9+$0x0] =	vst.idx.add.f32.msk $0xffff, v60  }
0x259: {  	v11 =	vld.idx.msk [tilespmem:v12+s3+$0x0], $0xffff  }
0x25a: {  	[tilespmem:v4+s10+$0x0] =	vst.idx.add.f32.msk $0xffff, v61;
	v15 =	vmul.f32 v20, v15  }
0x25b: {  	v6 =	vld.idx.msk [tilespmem:v6+s24+$0x0], $0xffff  }
0x25c: {  	[tilespmem:v5+s10+$0x0] =	vst.idx.add.f32.msk $0xffff, v15;
	v62 =	vmul.f32 v57, v16  }
0x25d: {  	v7 =	vld.idx.msk [tilespmem:v7+s24+$0x0], $0xffff  }
0x25e: {  	[tilespmem:v9+s10+$0x0] =	vst.idx.add.f32.msk $0xffff, v62;
	v11 =	vmul.f32 v59, v11  }
0x25f: {  	v63 =	vld.idx.msk [tilespmem:v10+s24+$0x0], $0xffff  }
0x260: {  	[tilespmem:v14+s10+$0x0] =	vst.idx.add.f32.msk $0xffff, v11  }
0x261: {  	v11 =	vld.idx.msk [tilespmem:v12+s24+$0x0], $0xffff  }
0x262: {  	[tilespmem:v1+s11+$0x0] =	vst.idx.add.f32.msk $0xffff, v18;
	v1 =	vmul.f32 v3, v8  }
0x263: {  	v6 =	vmul.f32 v6, v13  }
.Ltmp8:
0x264: {  	[tilespmem:v2+s11+$0x0] =	vst.idx.add.f32.msk $0xffff, v1;
	v1 =	vmul.f32 v7, v20;
	(pc) =	sbr.rel @p2 .LBB2_15-.Ltmp8, $4  }
0x265: {  	[tilespmem:v4+s11+$0x0] =	vst.idx.add.f32.msk $0xffff, v6;
	v3 =	vmul.f32 v63, v57  }
0x266: {  	[tilespmem:v5+s11+$0x0] =	vst.idx.add.f32.msk $0xffff, v1;
	v2 =	vmul.f32 v11, v59  }
0x267: {  	[tilespmem:v9+s11+$0x0] =	vst.idx.add.f32.msk $0xffff, v3  }
0x268: {  	[tilespmem:v14+s11+$0x0] =	vst.idx.add.f32.msk $0xffff, v2  }
.Ltmp9:
0x269: {  	(pc) =	sbr.rel .LBB2_5-.Ltmp9, $4  }
0x26a: {  	s0 =	sadd.s32 s28, s23  }
0x26b: {  	s0 =	sshrl.u32 s0, $0x3  }
0x26c: {  	s8 =	sadd.s32 $0x1, s8;
	s0 =	sadd.s32 s4, s0  }
0x26d: {  	[tilespmem:s6], [sflag:$0x4] =	stream.linear.gather [hbm4b:s0+s2], $0x1000, $0x38;
	[tilespmem:$0x1A800] =	vst v63  }
.LBB2_18:
0x26e: {  	s0 =	rddreg [dreg:$0x4]  }
0x26f: {  	[tilespmem:s2], [sflag:$0x5] =	stream.strided.gather [hbm4b:s0+s5], $0x2800, s12, s5, $0x38;
	[tilespmem:$0x1A800] =	vst v63  }
0x270: {  	_ =	swait.ge [sflag:s30], $0x2800  }
0x271: {  	[sflag:s30] =	ssyncset.done $0x0  }
0x272: {  	s8 =	rddreg [dreg:$0x5];
	[sflag:s30] =	ssyncadd.s32 $0xFFFFD800  }
0x273: {  	[tilespmem:s3], [sflag:$0x5] =	stream.strided.gather [hbm4b:s8+s5], $0x2800, s12, s5, $0x38;
	[tilespmem:$0x1A800] =	vst v63  }
0x274: {  	_ =	swait.ge [sflag:s30], $0x2800  }
0x275: {  	[sflag:s30] =	ssyncset.done $0x0  }
0x276: {  	s12 =	rddreg [dreg:$0x6];
	[sflag:s30] =	ssyncadd.s32 $0xFFFFD800  }
0x277: {  	[tilespmem:s1], [sflag:$0x1] =	stream.linear.gather [hbm4b:s12+s2], $0x1000, $0x38;
	[tilespmem:$0x1A800] =	vst v63  }
0x278: {  	s14 =	simm.s32 $0x17800;
	s13 =	rddreg [dreg:$0xa]  }
0x279: {  	[tilespmem:s14], [sflag:$0x2] =	stream.linear.gather [hbm4b:s13+s2], $0x1000, $0x38;
	[tilespmem:$0x1A800] =	vst v63  }
0x27a: {  	s25 =	simm.s32 $0x18800;
	s21 =	rddreg [dreg:$0xb]  }
0x27b: {  	[tilespmem:s25], [sflag:$0x3] =	stream.linear.gather [hbm4b:s21+s2], $0x1000, $0x38;
	[tilespmem:$0x1A800] =	vst v63  }
0x27c: {  	s8 =	simm.s32 $0x7840;
	s26 =	rddreg [dreg:$0xc]  }
0x27d: {  	[tilespmem:s6], [sflag:$0x4] =	stream.linear.gather [hbm4b:s26+s2], $0x1000, $0x38;
	[tilespmem:$0x1A800] =	vst v63  }
0x27e: {  	[tilespmem:s8+$0xFFFFFFD0] =	vst v0  }
0x27f: {  	[tilespmem:s8+$0x0] =	vst v0  }
0x280: {  	[tilespmem:s8+$0xFFFFFFC0] =	vst v0  }
0x281: {  	[tilespmem:s8+$0x30] =	vst v0  }
0x282: {  	[tilespmem:s8+$0xFFFFFFF0] =	vst v0  }
0x283: {  	[tilespmem:s8+$0xFFFFFFE0] =	vst v0  }
0x284: {  	[tilespmem:s8+$0x10] =	vst v0  }
0x285: {  	s13 =	simm.s32 $0xA040;
	[tilespmem:s8+$0x20] =	vst v0  }
0x286: {  	[tilespmem:s13+$0xFFFFFFC0] =	vst v0  }
0x287: {  	[tilespmem:s13+$0x30] =	vst v0  }
0x288: {  	[tilespmem:s13+$0x0] =	vst v0  }
0x289: {  	[tilespmem:s13+$0x20] =	vst v0  }
0x28a: {  	[tilespmem:s13+$0x10] =	vst v0  }
0x28b: {  	[tilespmem:s13+$0xFFFFFFD0] =	vst v0  }
0x28c: {  	[tilespmem:s13+$0xFFFFFFE0] =	vst v0  }
0x28d: {  	s12 =	simm.s32 $0x14040;
	[tilespmem:s13+$0xFFFFFFF0] =	vst v0  }
0x28e: {  	[tilespmem:s12+$0xFFFFFFC0] =	vst v0  }
0x28f: {  	[tilespmem:s12+$0x30] =	vst v0  }
0x290: {  	[tilespmem:s12+$0x20] =	vst v0  }
0x291: {  	[tilespmem:s12+$0x10] =	vst v0  }
0x292: {  	s28 =	simm.s32 $0x0;
	s14 =	simm.s32 $0x140C0;
	[tilespmem:s12+$0xFFFFFFD0] =	vst v0  }
.LBB2_19:
0x293: {  	s28 =	sadd.s32 $0x80, s28;
	[tilespmem:s12+$0xFFFFFFE0] =	vst v0;
	s8 =	sadd.s32 $0x80, s8;
	s13 =	sadd.s32 $0x80, s13  }
0x294: {  	p2 =	slt.u32 s28, $0x2780;
	[tilespmem:s12+$0x0] =	vst v0  }
0x295: {  	[tilespmem:s12+$0xFFFFFFF0] =	vst v0;
	s12 =	smov.u32 s14  }
0x296: {  	[tilespmem:s8+$0xFFFFFFD0] =	vst v0  }
0x297: {  	[tilespmem:s8+$0x0] =	vst v0  }
0x298: {  	[tilespmem:s8+$0xFFFFFFC0] =	vst v0  }
0x299: {  	[tilespmem:s13+$0xFFFFFFC0] =	vst v0  }
0x29a: {  	[tilespmem:s14+$0xFFFFFFC0] =	vst v0  }
0x29b: {  	[tilespmem:s8+$0x30] =	vst v0  }
0x29c: {  	[tilespmem:s13+$0x30] =	vst v0  }
0x29d: {  	[tilespmem:s14+$0x30] =	vst v0  }
0x29e: {  	[tilespmem:s13+$0x0] =	vst v0  }
0x29f: {  	[tilespmem:s8+$0xFFFFFFF0] =	vst v0  }
0x2a0: {  	[tilespmem:s8+$0xFFFFFFE0] =	vst v0  }
0x2a1: {  	[tilespmem:s8+$0x10] =	vst v0  }
0x2a2: {  	[tilespmem:s8+$0x20] =	vst v0  }
0x2a3: {  	[tilespmem:s13+$0x20] =	vst v0  }
0x2a4: {  	[tilespmem:s14+$0x20] =	vst v0  }
0x2a5: {  	[tilespmem:s13+$0x10] =	vst v0  }
.Ltmp10:
0x2a6: {  	[tilespmem:s14+$0x10] =	vst v0;
	(pc) =	sbr.rel @p2 .LBB2_19-.Ltmp10, $4  }
0x2a7: {  	[tilespmem:s13+$0xFFFFFFD0] =	vst v0  }
0x2a8: {  	[tilespmem:s13+$0xFFFFFFE0] =	vst v0  }
0x2a9: {  	[tilespmem:s14+$0xFFFFFFD0] =	vst v0  }
0x2aa: {  	s5 =	simm.s32 $0x0;
	s14 =	sadd.s32 $0x80, s14;
	[tilespmem:s13+$0xFFFFFFF0] =	vst v0  }
0x2ab: {  	[tilespmem:s12+$0xFFFFFFE0] =	vst v0  }
0x2ac: {  	[tilespmem:s12+$0x0] =	vst v0  }
0x2ad: {  	[tilespmem:s12+$0xFFFFFFF0] =	vst v0;
	s8 =	simm.s32 $0x0  }
.LBB2_21:
0x2ae: {  	s0 =	simm.s32 $0x0  }
0x2af: {  	_ =	swait.ge [sflag:s7], $0x1000;
	s12 =	sand.u32 $0xF00, s5;
	s0 =	sand.u32 $0x60, s0  }
0x2b0: {  	[sflag:s7] =	ssyncset.done $0x0;
	s0 =	sor.u32 s0, s12  }
0x2b1: {  	[sflag:s7] =	ssyncadd.s32 $0xFFFFF000;
	s12 =	sadd.s32 $0x16800, s0  }
0x2b2: {  	v6 =	vld [tilespmem:s12+$0x10]  }
0x2b3: {  	v15 =	vld [tilespmem:s12+$0x90];
	_ =	sdelay $0x3  }
0x2b4: {  	v12 =	vld [tilespmem:s0+$0x16800]  }
0x2b5: {  	v1 =	vld [tilespmem:s12+$0x80];
	_ =	sdelay $0x1  }
0x2b6: {  	v2 =	vld.idx.msk [tilespmem:v6+s29+$0x0], $0xffff  }
0x2b7: {  	v3 =	vld.idx.msk [tilespmem:v15+s31+$0x0], $0xffff;
	_ =	sdelay $0x3  }
0x2b8: {  	v5 =	vld.idx.msk [tilespmem:v12+s29+$0x0], $0xffff  }
0x2b9: {  	v7 =	vld.idx.msk [tilespmem:v1+s31+$0x0], $0xffff;
	v2 =	vadd.f32 v3, v2;
	_ =	sdelay $0x1  }
0x2ba: {  	s25 =	simm.s32 $0x20;
	s26 =	simm.s32 $0x40;
	v3 =	vmul.f32 $2.000000030e-01, v2  }
0x2bb: {  	s0 =	sand.u32 $0x60, s25;
	s12 =	sand.u32 $0xF00, s26  }
0x2bc: {  	s0 =	sor.u32 s0, s12;
	v2 =	vmax.f32 v2, v3  }
0x2bd: {  	v4 =	vld [tilespmem:s0+$0x16800];
	s0 =	sadd.s32 $0x16800, s0;
	v7 =	vadd.f32 v7, v5;
	v8 =	vmul.f32 $1.442695020e+00, v2  }
0x2be: {  	v5 =	vld [tilespmem:s0+$0x10]  }
0x2bf: {  	v9 =	vmul.f32 $2.000000030e-01, v7;
	v3 =	vld [tilespmem:s0+$0x90];
	(erf) = vpow2.f32 v8  }
0x2c0: {  	v2 =	vld [tilespmem:s0+$0x80]  }
0x2c1: {  	v7 =	vmax.f32 v7, v9  }
0x2c2: {  	v7 =	vmul.f32 $1.442695020e+00, v7;
	_ =	sdelay $0x1  }
0x2c3: {  	v9 =	vld.idx.msk [tilespmem:v6+s2+$0x0], $0xffff;
	(erf) = vpow2.f32 v7  }
0x2c4: {  	v13 =	vld.idx.msk [tilespmem:v4+s29+$0x0], $0xffff  }
0x2c5: {  	v14 =	vld.idx.msk [tilespmem:v5+s29+$0x0], $0xffff  }
0x2c6: {  	s13 =	simm.s32 $0x80;
	s12 =	simm.s32 $0x40;
	v16 =	vld.idx.msk [tilespmem:v3+s31+$0x0], $0xffff  }
0x2c7: {  	s14 =	sand.u32 $0xF00, s13;
	s28 =	sand.u32 $0x60, s12;
	v17 =	vld.idx.msk [tilespmem:v2+s31+$0x0], $0xffff;
	v18 =	vpop (erf)  }
0x2c8: {  	s0 =	sor.u32 s28, s14;
	v8 =	vld.idx.msk [tilespmem:v12+s2+$0x0], $0xffff;
	v11 =	vmul.f32 v18, v9  }
0x2c9: {  	v7 =	vld [tilespmem:s0+$0x16800]  }
0x2ca: {  	v10 =	vld.idx.msk [tilespmem:v4+s2+$0x0], $0xffff;
	s14 =	sadd.s32 $0x16800, s0  }
0x2cb: {  	v9 =	vld [tilespmem:s14+$0x10];
	v14 =	vadd.f32 v16, v14  }
0x2cc: {  	v16 =	vadd.f32 v17, v13;
	[tilespmem:v15+s9+$0x0] =	vst.idx.add.f32.msk $0xffff, v11;
	v11 =	vpop (erf)  }
0x2cd: {  	v63 =	vmul.f32 $2.000000030e-01, v14;
	v19 =	vld.idx.msk [tilespmem:v6+s3+$0x0], $0xffff;
	v20 =	vmul.f32 v11, v8  }
0x2ce: {  	v6 =	vld [tilespmem:s14+$0x90];
	v21 =	vmul.f32 $2.000000030e-01, v16  }
0x2cf: {  	[tilespmem:v1+s9+$0x0] =	vst.idx.add.f32.msk $0xffff, v20;
	v20 =	vmax.f32 v14, v63  }
0x2d0: {  	v8 =	vld [tilespmem:s14+$0x80];
	v16 =	vmax.f32 v16, v21;
	v20 =	vmul.f32 $1.442695020e+00, v20  }
0x2d1: {  	v13 =	vld.idx.msk [tilespmem:v7+s29+$0x0], $0xffff;
	v16 =	vmul.f32 $1.442695020e+00, v16  }
0x2d2: {  	v17 =	vld.idx.msk [tilespmem:v12+s3+$0x0], $0xffff;
	(erf) = vpow2.f32 v20  }
0x2d3: {  	v12 =	vld.idx.msk [tilespmem:v5+s2+$0x0], $0xffff;
	v19 =	vmul.f32 v18, v19;
	(erf) = vpow2.f32 v16  }
0x2d4: {  	v14 =	vld.idx.msk [tilespmem:v9+s29+$0x0], $0xffff  }
0x2d5: {  	[tilespmem:v15+s10+$0x0] =	vst.idx.add.f32.msk $0xffff, v19  }
0x2d6: {  	[tilespmem:v15+s20+$0x0] =	vst.idx.add.f32.msk $0xffff, v18  }
0x2d7: {  	v15 =	vld.idx.msk [tilespmem:v6+s31+$0x0], $0xffff  }
0x2d8: {  	v17 =	vmul.f32 v11, v17;
	v16 =	vld.idx.msk [tilespmem:v8+s31+$0x0], $0xffff  }
.LBB2_22:
0x2d9: {  	s12 =	sadd.s32 $0x20, s12;
	v18 =	vld.idx.msk [tilespmem:v7+s2+$0x0], $0xffff;
	s13 =	sadd.s32 $0x40, s13  }
0x2da: {  	s0 =	sand.u32 $0x60, s12;
	s14 =	sand.u32 $0xF00, s13;
	[tilespmem:v1+s10+$0x0] =	vst.idx.add.f32.msk $0xffff, v17  }
0x2db: {  	s0 =	sor.u32 s0, s14;
	v17 =	vpop (erf);
	[tilespmem:v1+s20+$0x0] =	vst.idx.add.f32.msk $0xffff, v11;
	v1 =	vmov v2;
	v2 =	vmov v8  }
0x2dc: {  	s14 =	sadd.s32 $0x16800, s0;
	v19 =	vld [tilespmem:s0+$0x16800];
	v8 =	vmul.f32 v17, v12;
	v11 =	vpop (erf)  }
0x2dd: {  	v12 =	vadd.f32 v15, v14;
	v20 =	vld [tilespmem:s14+$0x10];
	v14 =	vmul.f32 v11, v10  }
0x2de: {  	p2 =	slt.u32 s12, $0x7E0;
	v13 =	vadd.f32 v16, v13;
	[tilespmem:v3+s9+$0x0] =	vst.idx.add.f32.msk $0xffff, v8  }
0x2df: {  	v15 =	vmul.f32 $2.000000030e-01, v12;
	v10 =	vmov v18;
	v16 =	vld.idx.msk [tilespmem:v5+s3+$0x0], $0xffff;
	v5 =	vmov v9  }
0x2e0: {  	v21 =	vmul.f32 $2.000000030e-01, v13;
	v8 =	vld [tilespmem:s14+$0x80]  }
0x2e1: {  	v12 =	vmax.f32 v12, v15;
	v18 =	vld [tilespmem:s14+$0x90]  }
0x2e2: {  	v13 =	vmax.f32 v13, v21;
	v12 =	vmul.f32 $1.442695020e+00, v12;
	[tilespmem:v1+s9+$0x0] =	vst.idx.add.f32.msk $0xffff, v14;
	v9 =	vmov v20  }
0x2e3: {  	v14 =	vmul.f32 $1.442695020e+00, v13;
	v21 =	vld.idx.msk [tilespmem:v4+s3+$0x0], $0xffff;
	v4 =	vmov v7;
	v7 =	vmov v19  }
0x2e4: {  	v13 =	vld.idx.msk [tilespmem:v19+s29+$0x0], $0xffff;
	(erf) = vpow2.f32 v12  }
0x2e5: {  	v15 =	vmul.f32 v17, v16;
	v12 =	vld.idx.msk [tilespmem:v5+s2+$0x0], $0xffff;
	(erf) = vpow2.f32 v14  }
.Ltmp11:
0x2e6: {  	v14 =	vld.idx.msk [tilespmem:v20+s29+$0x0], $0xffff;
	(pc) =	sbr.rel @p2 .LBB2_22-.Ltmp11, $4  }
0x2e7: {  	[tilespmem:v3+s10+$0x0] =	vst.idx.add.f32.msk $0xffff, v15  }
0x2e8: {  	[tilespmem:v3+s20+$0x0] =	vst.idx.add.f32.msk $0xffff, v17;
	v3 =	vmov v6;
	v6 =	vmov v18  }
0x2e9: {  	v17 =	vmul.f32 v11, v21;
	v15 =	vld.idx.msk [tilespmem:v18+s31+$0x0], $0xffff  }
0x2ea: {  	v16 =	vld.idx.msk [tilespmem:v8+s31+$0x0], $0xffff  }
0x2eb: {  	_ =	sdelay $0x2  }
0x2ec: {  	v14 =	vadd.f32 v15, v14;
	_ =	sdelay $0x1  }
0x2ed: {  	v13 =	vadd.f32 v16, v13;
	v15 =	vmul.f32 $2.000000030e-01, v14;
	_ =	sdelay $0x1  }
0x2ee: {  	v16 =	vmul.f32 $2.000000030e-01, v13;
	v14 =	vmax.f32 v14, v15  }
0x2ef: {  	v14 =	vmul.f32 $1.442695020e+00, v14  }
0x2f0: {  	v13 =	vmax.f32 v13, v16  }
0x2f1: {  	v13 =	vmul.f32 $1.442695020e+00, v13;
	(erf) = vpow2.f32 v14;
	_ =	sdelay $0x1  }
0x2f2: {  	(erf) = vpow2.f32 v13;
	_ =	sdelay $0x1  }
0x2f3: {  	[tilespmem:v1+s10+$0x0] =	vst.idx.add.f32.msk $0xffff, v17  }
0x2f4: {  	v15 =	vld.idx.msk [tilespmem:v9+s2+$0x0], $0xffff;
	v14 =	vpop (erf)  }
0x2f5: {  	[tilespmem:v1+s20+$0x0] =	vst.idx.add.f32.msk $0xffff, v11;
	v12 =	vmul.f32 v14, v12  }
0x2f6: {  	v13 =	vld.idx.msk [tilespmem:v7+s2+$0x0], $0xffff;
	v16 =	vpop (erf)  }
0x2f7: {  	v1 =	vmul.f32 v16, v10;
	[tilespmem:v3+s9+$0x0] =	vst.idx.add.f32.msk $0xffff, v12  }
0x2f8: {  	v5 =	vld.idx.msk [tilespmem:v5+s3+$0x0], $0xffff;
	v10 =	vpop (erf)  }
0x2f9: {  	[tilespmem:v2+s9+$0x0] =	vst.idx.add.f32.msk $0xffff, v1;
	v1 =	vmul.f32 v10, v15  }
0x2fa: {  	v4 =	vld.idx.msk [tilespmem:v4+s3+$0x0], $0xffff;
	v11 =	vpop (erf)  }
0x2fb: {  	v12 =	vmul.f32 v11, v13;
	[tilespmem:v6+s9+$0x0] =	vst.idx.add.f32.msk $0xffff, v1  }
0x2fc: {  	v1 =	vld.idx.msk [tilespmem:v9+s3+$0x0], $0xffff  }
0x2fd: {  	v5 =	vmul.f32 v14, v5;
	[tilespmem:v8+s9+$0x0] =	vst.idx.add.f32.msk $0xffff, v12  }
0x2fe: {  	v7 =	vld.idx.msk [tilespmem:v7+s3+$0x0], $0xffff  }
0x2ff: {  	v4 =	vmul.f32 v16, v4;
	[tilespmem:v3+s10+$0x0] =	vst.idx.add.f32.msk $0xffff, v5  }
0x300: {  	[tilespmem:v3+s20+$0x0] =	vst.idx.add.f32.msk $0xffff, v14  }
0x301: {  	[tilespmem:v2+s10+$0x0] =	vst.idx.add.f32.msk $0xffff, v4;
	v1 =	vmul.f32 v10, v1  }
0x302: {  	[tilespmem:v2+s20+$0x0] =	vst.idx.add.f32.msk $0xffff, v16  }
0x303: {  	s28 =	sshll.u32 s8, $0xE;
	[tilespmem:v6+s10+$0x0] =	vst.idx.add.f32.msk $0xffff, v1;
	v1 =	vmul.f32 v11, v7  }
0x304: {  	s0 =	sadd.s32 s28, s15;
	[tilespmem:v6+s20+$0x0] =	vst.idx.add.f32.msk $0xffff, v10  }
0x305: {  	s0 =	sshrl.u32 s0, $0x3;
	[tilespmem:v8+s10+$0x0] =	vst.idx.add.f32.msk $0xffff, v1  }
0x306: {  	s12 =	simm.s32 $0x0;
	s14 =	simm.s32 $0x0;
	s0 =	sadd.s32 s4, s0;
	[tilespmem:v8+s20+$0x0] =	vst.idx.add.f32.msk $0xffff, v11  }
0x307: {  	[tilespmem:s1], [sflag:$0x1] =	stream.linear.gather [hbm4b:s0+s12], $0x1000, $0x38;
	[tilespmem:$0x1A800] =	vst v63  }
0x308: {  	s0 =	sand.u32 $0x60, s14;
	s12 =	sand.u32 $0xF00, s12;
	_ =	swait.ge [sflag:s17], $0x1000  }
0x309: {  	s13 =	sadd.s32 $0x17800, s12;
	s14 =	sor.u32 $0x10, s0;
	[sflag:s17] =	ssyncset.done $0x0  }
0x30a: {  	s12 =	sadd.s32 $0x17880, s12;
	s21 =	sor.u32 s14, s13;
	[sflag:s17] =	ssyncadd.s32 $0xFFFFF000  }
0x30b: {  	s14 =	sor.u32 s14, s12;
	v6 =	vld [tilespmem:s21+$0x0]  }
0x30c: {  	v14 =	vld [tilespmem:s14+$0x0];
	_ =	sdelay $0x3  }
0x30d: {  	s13 =	sor.u32 s0, s13  }
0x30e: {  	s0 =	sor.u32 s0, s12;
	v12 =	vld [tilespmem:s13+$0x0]  }
0x30f: {  	v1 =	vld [tilespmem:s0+$0x0]  }
0x310: {  	v2 =	vld.idx.msk [tilespmem:v6+s29+$0x0], $0xffff  }
0x311: {  	v3 =	vld.idx.msk [tilespmem:v14+s31+$0x0], $0xffff;
	_ =	sdelay $0x4  }
0x312: {  	v5 =	vld.idx.msk [tilespmem:v12+s29+$0x0], $0xffff;
	v2 =	vadd.f32 v3, v2  }
0x313: {  	v7 =	vld.idx.msk [tilespmem:v1+s31+$0x0], $0xffff  }
0x314: {  	s25 =	simm.s32 $0x40;
	s21 =	simm.s32 $0x20;
	v3 =	vmul.f32 $2.000000030e-01, v2  }
0x315: {  	s12 =	sand.u32 $0xF00, s25;
	s0 =	sand.u32 $0x60, s21  }
0x316: {  	s13 =	sadd.s32 $0x17800, s12;
	s26 =	sor.u32 $0x10, s0;
	v2 =	vmax.f32 v2, v3  }
0x317: {  	s12 =	sadd.s32 $0x17880, s12;
	s25 =	sor.u32 s26, s13;
	v3 =	vmul.f32 $1.442695020e+00, v2  }
0x318: {  	s14 =	sor.u32 s26, s12;
	v4 =	vld [tilespmem:s25+$0x0];
	v7 =	vadd.f32 v7, v5  }
0x319: {  	s13 =	sor.u32 s0, s13;
	v2 =	vld [tilespmem:s14+$0x0];
	(erf) = vpow2.f32 v3  }
0x31a: {  	s0 =	sor.u32 s0, s12;
	v5 =	vld [tilespmem:s13+$0x0];
	v8 =	vmul.f32 $2.000000030e-01, v7  }
0x31b: {  	v3 =	vld [tilespmem:s0+$0x0]  }
0x31c: {  	v7 =	vmax.f32 v7, v8  }
0x31d: {  	v7 =	vmul.f32 $1.442695020e+00, v7  }
0x31e: {  	v8 =	vld.idx.msk [tilespmem:v6+s2+$0x0], $0xffff  }
0x31f: {  	(erf) = vpow2.f32 v7  }
0x320: {  	v13 =	vld.idx.msk [tilespmem:v4+s29+$0x0], $0xffff  }
0x321: {  	v15 =	vld.idx.msk [tilespmem:v2+s31+$0x0], $0xffff  }
0x322: {  	v16 =	vld.idx.msk [tilespmem:v5+s29+$0x0], $0xffff;
	v18 =	vpop (erf)  }
0x323: {  	v17 =	vld.idx.msk [tilespmem:v3+s31+$0x0], $0xffff;
	v7 =	vmul.f32 v18, v8  }
0x324: {  	s12 =	simm.s32 $0x40;
	v10 =	vld.idx.msk [tilespmem:v12+s2+$0x0], $0xffff;
	s13 =	simm.s32 $0x80  }
0x325: {  	s14 =	sand.u32 $0xF00, s13;
	s0 =	sand.u32 $0x60, s12;
	[tilespmem:v14+s9+$0x0] =	vst.idx.add.f32.msk $0xffff, v7  }
0x326: {  	s21 =	sadd.s32 $0x17800, s14;
	s25 =	sor.u32 $0x10, s0;
	v13 =	vadd.f32 v15, v13;
	v19 =	vld.idx.msk [tilespmem:v6+s3+$0x0], $0xffff  }
0x327: {  	s14 =	sadd.s32 $0x17880, s14;
	v9 =	vld.idx.msk [tilespmem:v5+s2+$0x0], $0xffff;
	s26 =	sor.u32 s25, s21  }
0x328: {  	s21 =	sor.u32 s0, s21;
	s0 =	sor.u32 s0, s14;
	v8 =	vld [tilespmem:s26+$0x0];
	v11 =	vpop (erf);
	v15 =	vadd.f32 v17, v16;
	v16 =	vmul.f32 $2.000000030e-01, v13  }
0x329: {  	s26 =	sor.u32 s25, s14;
	v20 =	vmul.f32 v11, v10;
	v10 =	vld [tilespmem:s0+$0x0]  }
0x32a: {  	v6 =	vld [tilespmem:s26+$0x0];
	v63 =	vmul.f32 $2.000000030e-01, v15;
	v16 =	vmax.f32 v13, v16  }
0x32b: {  	v7 =	vld [tilespmem:s21+$0x0];
	v16 =	vmul.f32 $1.442695020e+00, v16;
	v19 =	vmul.f32 v18, v19  }
0x32c: {  	[tilespmem:v1+s9+$0x0] =	vst.idx.add.f32.msk $0xffff, v20;
	v15 =	vmax.f32 v15, v63  }
0x32d: {  	(erf) = vpow2.f32 v16;
	[tilespmem:v14+s10+$0x0] =	vst.idx.add.f32.msk $0xffff, v19;
	v19 =	vmul.f32 $1.442695020e+00, v15  }
0x32e: {  	v17 =	vld.idx.msk [tilespmem:v12+s3+$0x0], $0xffff  }
0x32f: {  	v12 =	vld.idx.msk [tilespmem:v4+s2+$0x0], $0xffff;
	(erf) = vpow2.f32 v19  }
0x330: {  	v13 =	vld.idx.msk [tilespmem:v8+s29+$0x0], $0xffff  }
0x331: {  	[tilespmem:v14+s20+$0x0] =	vst.idx.add.f32.msk $0xffff, v18  }
0x332: {  	v15 =	vld.idx.msk [tilespmem:v6+s31+$0x0], $0xffff  }
0x333: {  	v16 =	vmul.f32 v11, v17;
	v14 =	vld.idx.msk [tilespmem:v7+s29+$0x0], $0xffff  }
.LBB2_24:
0x334: {  	s12 =	sadd.s32 $0x20, s12;
	v17 =	vld.idx.msk [tilespmem:v10+s31+$0x0], $0xffff;
	s13 =	sadd.s32 $0x40, s13  }
0x335: {  	s0 =	sand.u32 $0x60, s12;
	s14 =	sand.u32 $0xF00, s13;
	v18 =	vld.idx.msk [tilespmem:v7+s2+$0x0], $0xffff  }
0x336: {  	s21 =	sadd.s32 $0x17800, s14;
	s25 =	sor.u32 $0x10, s0;
	v19 =	vpop (erf);
	[tilespmem:v1+s10+$0x0] =	vst.idx.add.f32.msk $0xffff, v16  }
0x337: {  	s26 =	sor.u32 s0, s21;
	s21 =	sor.u32 s25, s21;
	v12 =	vmul.f32 v19, v12;
	[tilespmem:v1+s20+$0x0] =	vst.idx.add.f32.msk $0xffff, v11;
	v1 =	vmov v3;
	v3 =	vmov v10  }
0x338: {  	v10 =	vadd.f32 v15, v13;
	v16 =	vld [tilespmem:s21+$0x0];
	v11 =	vpop (erf)  }
0x339: {  	p2 =	slt.u32 s12, $0x7E0;
	v13 =	vmul.f32 v11, v9;
	[tilespmem:v2+s9+$0x0] =	vst.idx.add.f32.msk $0xffff, v12  }
0x33a: {  	s14 =	sadd.s32 $0x17880, s14;
	v12 =	vadd.f32 v17, v14;
	v14 =	vmul.f32 $2.000000030e-01, v10;
	v15 =	vld.idx.msk [tilespmem:v4+s3+$0x0], $0xffff;
	v4 =	vmov v8  }
0x33b: {  	s0 =	sor.u32 s0, s14;
	s14 =	sor.u32 s25, s14;
	v9 =	vmov v18;
	v17 =	vld [tilespmem:s26+$0x0]  }
0x33c: {  	v20 =	vmul.f32 $2.000000030e-01, v12;
	v21 =	vmax.f32 v10, v14;
	v18 =	vld [tilespmem:s14+$0x0]  }
0x33d: {  	v14 =	vmul.f32 $1.442695020e+00, v21;
	v10 =	vld [tilespmem:s0+$0x0];
	v8 =	vmov v16  }
0x33e: {  	v12 =	vmax.f32 v12, v20;
	[tilespmem:v1+s9+$0x0] =	vst.idx.add.f32.msk $0xffff, v13  }
0x33f: {  	v20 =	vmul.f32 $1.442695020e+00, v12;
	(erf) = vpow2.f32 v14;
	v21 =	vld.idx.msk [tilespmem:v5+s3+$0x0], $0xffff;
	v5 =	vmov v7  }
0x340: {  	v14 =	vmul.f32 v19, v15;
	v12 =	vld.idx.msk [tilespmem:v4+s2+$0x0], $0xffff;
	v7 =	vmov v17  }
.Ltmp12:
0x341: {  	v13 =	vld.idx.msk [tilespmem:v16+s29+$0x0], $0xffff;
	(erf) = vpow2.f32 v20;
	(pc) =	sbr.rel @p2 .LBB2_24-.Ltmp12, $4  }
0x342: {  	[tilespmem:v2+s10+$0x0] =	vst.idx.add.f32.msk $0xffff, v14  }
0x343: {  	[tilespmem:v2+s20+$0x0] =	vst.idx.add.f32.msk $0xffff, v19;
	v2 =	vmov v6;
	v6 =	vmov v18  }
0x344: {  	v15 =	vld.idx.msk [tilespmem:v18+s31+$0x0], $0xffff  }
0x345: {  	v16 =	vmul.f32 v11, v21;
	v14 =	vld.idx.msk [tilespmem:v17+s29+$0x0], $0xffff  }
0x346: {  	_ =	sdelay $0x3  }
0x347: {  	v17 =	vld.idx.msk [tilespmem:v10+s31+$0x0], $0xffff;
	_ =	sdelay $0x2  }
0x348: {  	v13 =	vadd.f32 v15, v13;
	_ =	sdelay $0x1  }
0x349: {  	v14 =	vadd.f32 v17, v14;
	v15 =	vmul.f32 $2.000000030e-01, v13;
	_ =	sdelay $0x1  }
0x34a: {  	v17 =	vmul.f32 $2.000000030e-01, v14;
	v13 =	vmax.f32 v13, v15  }
0x34b: {  	v13 =	vmul.f32 $1.442695020e+00, v13  }
0x34c: {  	v14 =	vmax.f32 v14, v17  }
0x34d: {  	v14 =	vmul.f32 $1.442695020e+00, v14;
	(erf) = vpow2.f32 v13;
	_ =	sdelay $0x1  }
0x34e: {  	(erf) = vpow2.f32 v14;
	_ =	sdelay $0x1  }
0x34f: {  	[tilespmem:v1+s10+$0x0] =	vst.idx.add.f32.msk $0xffff, v16  }
0x350: {  	v15 =	vld.idx.msk [tilespmem:v8+s2+$0x0], $0xffff;
	v14 =	vpop (erf)  }
0x351: {  	[tilespmem:v1+s20+$0x0] =	vst.idx.add.f32.msk $0xffff, v11;
	v12 =	vmul.f32 v14, v12  }
0x352: {  	v13 =	vld.idx.msk [tilespmem:v7+s2+$0x0], $0xffff;
	v16 =	vpop (erf)  }
0x353: {  	v1 =	vmul.f32 v16, v9;
	[tilespmem:v2+s9+$0x0] =	vst.idx.add.f32.msk $0xffff, v12  }
0x354: {  	v4 =	vld.idx.msk [tilespmem:v4+s3+$0x0], $0xffff;
	v9 =	vpop (erf)  }
0x355: {  	[tilespmem:v3+s9+$0x0] =	vst.idx.add.f32.msk $0xffff, v1;
	v1 =	vmul.f32 v9, v15  }
0x356: {  	v5 =	vld.idx.msk [tilespmem:v5+s3+$0x0], $0xffff;
	v11 =	vpop (erf)  }
0x357: {  	v12 =	vmul.f32 v11, v13;
	[tilespmem:v6+s9+$0x0] =	vst.idx.add.f32.msk $0xffff, v1  }
0x358: {  	v1 =	vld.idx.msk [tilespmem:v8+s3+$0x0], $0xffff  }
0x359: {  	v4 =	vmul.f32 v14, v4;
	[tilespmem:v10+s9+$0x0] =	vst.idx.add.f32.msk $0xffff, v12  }
0x35a: {  	v7 =	vld.idx.msk [tilespmem:v7+s3+$0x0], $0xffff  }
0x35b: {  	[tilespmem:v2+s10+$0x0] =	vst.idx.add.f32.msk $0xffff, v4;
	v4 =	vmul.f32 v16, v5  }
0x35c: {  	[tilespmem:v2+s20+$0x0] =	vst.idx.add.f32.msk $0xffff, v14  }
0x35d: {  	[tilespmem:v3+s10+$0x0] =	vst.idx.add.f32.msk $0xffff, v4;
	v1 =	vmul.f32 v9, v1  }
0x35e: {  	[tilespmem:v3+s20+$0x0] =	vst.idx.add.f32.msk $0xffff, v16  }
0x35f: {  	p2 =	seq.s32 s8, $0x13;
	[tilespmem:v6+s10+$0x0] =	vst.idx.add.f32.msk $0xffff, v1;
	v1 =	vmul.f32 v11, v7  }
0x360: {  	s0 =	sadd.s32 @!p2 s28, s16;
	[tilespmem:v6+s20+$0x0] =	vst.idx.add.f32.msk $0xffff, v9  }
0x361: {  	s21 =	simm.s32 $0x0;
	s25 =	simm.s32 $0x0;
	s0 =	sshrl.u32 @!p2 s0, $0x3;
	[tilespmem:v10+s10+$0x0] =	vst.idx.add.f32.msk $0xffff, v1  }
0x362: {  	s12 =	simm.s32 @!p2 $0x0;
	s13 =	simm.s32 @!p2 $0x17800;
	s0 =	sadd.s32 @!p2 s4, s0;
	[tilespmem:v10+s20+$0x0] =	vst.idx.add.f32.msk $0xffff, v11  }
0x363: {  	[tilespmem:s13], [sflag:$0x2] =	stream.linear.gather @!p2 [hbm4b:s0+s12], $0x1000, $0x38;
	[tilespmem:$0x1A800] =	vst v63  }
0x364: {  	s12 =	sand.u32 $0x60, s25;
	s0 =	sand.u32 $0xF00, s21;
	_ =	swait.ge [sflag:s18], $0x1000  }
0x365: {  	s26 =	sadd.s32 $0x18800, s0;
	s14 =	sor.u32 $0x10, s12;
	[sflag:s18] =	ssyncset.done $0x0  }
0x366: {  	s0 =	sadd.s32 $0x18880, s0;
	s21 =	sor.u32 s14, s26;
	[sflag:s18] =	ssyncadd.s32 $0xFFFFF000  }
0x367: {  	s14 =	sor.u32 s14, s0;
	v6 =	vld [tilespmem:s21+$0x0]  }
0x368: {  	v14 =	vld [tilespmem:s14+$0x0];
	_ =	sdelay $0x3  }
0x369: {  	s13 =	sor.u32 s12, s26  }
0x36a: {  	s0 =	sor.u32 s12, s0;
	v12 =	vld [tilespmem:s13+$0x0]  }
0x36b: {  	v1 =	vld [tilespmem:s0+$0x0]  }
0x36c: {  	v2 =	vld.idx.msk [tilespmem:v6+s29+$0x0], $0xffff  }
0x36d: {  	v3 =	vld.idx.msk [tilespmem:v14+s31+$0x0], $0xffff;
	_ =	sdelay $0x4  }
0x36e: {  	v5 =	vld.idx.msk [tilespmem:v12+s29+$0x0], $0xffff;
	v2 =	vadd.f32 v3, v2  }
0x36f: {  	v7 =	vld.idx.msk [tilespmem:v1+s31+$0x0], $0xffff  }
0x370: {  	s25 =	simm.s32 $0x40;
	s21 =	simm.s32 $0x20;
	v3 =	vmul.f32 $2.000000030e-01, v2  }
0x371: {  	s12 =	sand.u32 $0xF00, s25;
	s0 =	sand.u32 $0x60, s21  }
0x372: {  	s13 =	sadd.s32 $0x18800, s12;
	s26 =	sor.u32 $0x10, s0;
	v2 =	vmax.f32 v2, v3  }
0x373: {  	s12 =	sadd.s32 $0x18880, s12;
	s25 =	sor.u32 s26, s13;
	v3 =	vmul.f32 $1.442695020e+00, v2  }
0x374: {  	s14 =	sor.u32 s26, s12;
	v4 =	vld [tilespmem:s25+$0x0];
	v7 =	vadd.f32 v7, v5  }
0x375: {  	s13 =	sor.u32 s0, s13;
	v2 =	vld [tilespmem:s14+$0x0];
	(erf) = vpow2.f32 v3  }
0x376: {  	s0 =	sor.u32 s0, s12;
	v5 =	vld [tilespmem:s13+$0x0];
	v8 =	vmul.f32 $2.000000030e-01, v7  }
0x377: {  	v3 =	vld [tilespmem:s0+$0x0]  }
0x378: {  	v7 =	vmax.f32 v7, v8  }
0x379: {  	v7 =	vmul.f32 $1.442695020e+00, v7  }
0x37a: {  	v8 =	vld.idx.msk [tilespmem:v6+s2+$0x0], $0xffff  }
0x37b: {  	(erf) = vpow2.f32 v7  }
0x37c: {  	v13 =	vld.idx.msk [tilespmem:v4+s29+$0x0], $0xffff  }
0x37d: {  	v15 =	vld.idx.msk [tilespmem:v2+s31+$0x0], $0xffff  }
0x37e: {  	v16 =	vld.idx.msk [tilespmem:v5+s29+$0x0], $0xffff;
	v18 =	vpop (erf)  }
0x37f: {  	v17 =	vld.idx.msk [tilespmem:v3+s31+$0x0], $0xffff;
	v7 =	vmul.f32 v18, v8  }
0x380: {  	s12 =	simm.s32 $0x40;
	v10 =	vld.idx.msk [tilespmem:v12+s2+$0x0], $0xffff;
	s13 =	simm.s32 $0x80  }
0x381: {  	s14 =	sand.u32 $0xF00, s13;
	s0 =	sand.u32 $0x60, s12;
	[tilespmem:v14+s9+$0x0] =	vst.idx.add.f32.msk $0xffff, v7  }
0x382: {  	s21 =	sadd.s32 $0x18800, s14;
	s25 =	sor.u32 $0x10, s0;
	v13 =	vadd.f32 v15, v13;
	v19 =	vld.idx.msk [tilespmem:v6+s3+$0x0], $0xffff  }
0x383: {  	s14 =	sadd.s32 $0x18880, s14;
	v9 =	vld.idx.msk [tilespmem:v5+s2+$0x0], $0xffff;
	s26 =	sor.u32 s25, s21  }
0x384: {  	s21 =	sor.u32 s0, s21;
	s0 =	sor.u32 s0, s14;
	v8 =	vld [tilespmem:s26+$0x0];
	v11 =	vpop (erf);
	v15 =	vadd.f32 v17, v16;
	v16 =	vmul.f32 $2.000000030e-01, v13  }
0x385: {  	s26 =	sor.u32 s25, s14;
	v20 =	vmul.f32 v11, v10;
	v10 =	vld [tilespmem:s0+$0x0]  }
0x386: {  	v6 =	vld [tilespmem:s26+$0x0];
	v63 =	vmul.f32 $2.000000030e-01, v15;
	v16 =	vmax.f32 v13, v16  }
0x387: {  	v7 =	vld [tilespmem:s21+$0x0];
	v16 =	vmul.f32 $1.442695020e+00, v16;
	v19 =	vmul.f32 v18, v19  }
0x388: {  	[tilespmem:v1+s9+$0x0] =	vst.idx.add.f32.msk $0xffff, v20;
	v15 =	vmax.f32 v15, v63  }
0x389: {  	(erf) = vpow2.f32 v16;
	[tilespmem:v14+s10+$0x0] =	vst.idx.add.f32.msk $0xffff, v19;
	v19 =	vmul.f32 $1.442695020e+00, v15  }
0x38a: {  	v17 =	vld.idx.msk [tilespmem:v12+s3+$0x0], $0xffff  }
0x38b: {  	v12 =	vld.idx.msk [tilespmem:v4+s2+$0x0], $0xffff;
	(erf) = vpow2.f32 v19  }
0x38c: {  	v13 =	vld.idx.msk [tilespmem:v8+s29+$0x0], $0xffff  }
0x38d: {  	[tilespmem:v14+s20+$0x0] =	vst.idx.add.f32.msk $0xffff, v18  }
0x38e: {  	v15 =	vld.idx.msk [tilespmem:v6+s31+$0x0], $0xffff  }
0x38f: {  	v16 =	vmul.f32 v11, v17;
	v14 =	vld.idx.msk [tilespmem:v7+s29+$0x0], $0xffff  }
.LBB2_26:
0x390: {  	s12 =	sadd.s32 $0x20, s12;
	v17 =	vld.idx.msk [tilespmem:v10+s31+$0x0], $0xffff;
	s13 =	sadd.s32 $0x40, s13  }
0x391: {  	s0 =	sand.u32 $0x60, s12;
	s14 =	sand.u32 $0xF00, s13;
	v18 =	vld.idx.msk [tilespmem:v7+s2+$0x0], $0xffff  }
0x392: {  	s21 =	sadd.s32 $0x18800, s14;
	s25 =	sor.u32 $0x10, s0;
	v19 =	vpop (erf);
	[tilespmem:v1+s10+$0x0] =	vst.idx.add.f32.msk $0xffff, v16  }
0x393: {  	s26 =	sor.u32 s0, s21;
	s21 =	sor.u32 s25, s21;
	v12 =	vmul.f32 v19, v12;
	[tilespmem:v1+s20+$0x0] =	vst.idx.add.f32.msk $0xffff, v11;
	v1 =	vmov v3;
	v3 =	vmov v10  }
0x394: {  	v10 =	vadd.f32 v15, v13;
	v16 =	vld [tilespmem:s21+$0x0];
	v11 =	vpop (erf)  }
0x395: {  	p3 =	slt.u32 s12, $0x7E0;
	v13 =	vmul.f32 v11, v9;
	[tilespmem:v2+s9+$0x0] =	vst.idx.add.f32.msk $0xffff, v12  }
0x396: {  	s14 =	sadd.s32 $0x18880, s14;
	v12 =	vadd.f32 v17, v14;
	v14 =	vmul.f32 $2.000000030e-01, v10;
	v15 =	vld.idx.msk [tilespmem:v4+s3+$0x0], $0xffff;
	v4 =	vmov v8  }
0x397: {  	s0 =	sor.u32 s0, s14;
	s14 =	sor.u32 s25, s14;
	v9 =	vmov v18;
	v17 =	vld [tilespmem:s26+$0x0]  }
0x398: {  	v20 =	vmul.f32 $2.000000030e-01, v12;
	v21 =	vmax.f32 v10, v14;
	v18 =	vld [tilespmem:s14+$0x0]  }
0x399: {  	v14 =	vmul.f32 $1.442695020e+00, v21;
	v10 =	vld [tilespmem:s0+$0x0];
	v8 =	vmov v16  }
0x39a: {  	v12 =	vmax.f32 v12, v20;
	[tilespmem:v1+s9+$0x0] =	vst.idx.add.f32.msk $0xffff, v13  }
0x39b: {  	v20 =	vmul.f32 $1.442695020e+00, v12;
	(erf) = vpow2.f32 v14;
	v21 =	vld.idx.msk [tilespmem:v5+s3+$0x0], $0xffff;
	v5 =	vmov v7  }
0x39c: {  	v14 =	vmul.f32 v19, v15;
	v12 =	vld.idx.msk [tilespmem:v4+s2+$0x0], $0xffff;
	v7 =	vmov v17  }
.Ltmp13:
0x39d: {  	v13 =	vld.idx.msk [tilespmem:v16+s29+$0x0], $0xffff;
	(erf) = vpow2.f32 v20;
	(pc) =	sbr.rel @p3 .LBB2_26-.Ltmp13, $4  }
0x39e: {  	[tilespmem:v2+s10+$0x0] =	vst.idx.add.f32.msk $0xffff, v14  }
0x39f: {  	[tilespmem:v2+s20+$0x0] =	vst.idx.add.f32.msk $0xffff, v19;
	v2 =	vmov v6;
	v6 =	vmov v18  }
0x3a0: {  	v15 =	vld.idx.msk [tilespmem:v18+s31+$0x0], $0xffff  }
0x3a1: {  	v16 =	vmul.f32 v11, v21;
	v14 =	vld.idx.msk [tilespmem:v17+s29+$0x0], $0xffff  }
0x3a2: {  	_ =	sdelay $0x3  }
0x3a3: {  	v17 =	vld.idx.msk [tilespmem:v10+s31+$0x0], $0xffff;
	_ =	sdelay $0x2  }
0x3a4: {  	v13 =	vadd.f32 v15, v13;
	_ =	sdelay $0x1  }
0x3a5: {  	v14 =	vadd.f32 v17, v14;
	v15 =	vmul.f32 $2.000000030e-01, v13;
	_ =	sdelay $0x1  }
0x3a6: {  	v17 =	vmul.f32 $2.000000030e-01, v14;
	v13 =	vmax.f32 v13, v15  }
0x3a7: {  	v13 =	vmul.f32 $1.442695020e+00, v13  }
0x3a8: {  	v14 =	vmax.f32 v14, v17  }
0x3a9: {  	v14 =	vmul.f32 $1.442695020e+00, v14;
	(erf) = vpow2.f32 v13;
	_ =	sdelay $0x1  }
0x3aa: {  	(erf) = vpow2.f32 v14;
	_ =	sdelay $0x1  }
0x3ab: {  	[tilespmem:v1+s10+$0x0] =	vst.idx.add.f32.msk $0xffff, v16  }
0x3ac: {  	v15 =	vld.idx.msk [tilespmem:v8+s2+$0x0], $0xffff;
	v14 =	vpop (erf)  }
0x3ad: {  	[tilespmem:v1+s20+$0x0] =	vst.idx.add.f32.msk $0xffff, v11;
	v12 =	vmul.f32 v14, v12  }
0x3ae: {  	v13 =	vld.idx.msk [tilespmem:v7+s2+$0x0], $0xffff;
	v16 =	vpop (erf)  }
0x3af: {  	v1 =	vmul.f32 v16, v9;
	[tilespmem:v2+s9+$0x0] =	vst.idx.add.f32.msk $0xffff, v12  }
0x3b0: {  	v4 =	vld.idx.msk [tilespmem:v4+s3+$0x0], $0xffff;
	v9 =	vpop (erf)  }
0x3b1: {  	[tilespmem:v3+s9+$0x0] =	vst.idx.add.f32.msk $0xffff, v1;
	v1 =	vmul.f32 v9, v15  }
0x3b2: {  	v5 =	vld.idx.msk [tilespmem:v5+s3+$0x0], $0xffff;
	v11 =	vpop (erf)  }
0x3b3: {  	v12 =	vmul.f32 v11, v13;
	[tilespmem:v6+s9+$0x0] =	vst.idx.add.f32.msk $0xffff, v1  }
0x3b4: {  	v1 =	vld.idx.msk [tilespmem:v8+s3+$0x0], $0xffff  }
0x3b5: {  	v4 =	vmul.f32 v14, v4;
	[tilespmem:v10+s9+$0x0] =	vst.idx.add.f32.msk $0xffff, v12  }
0x3b6: {  	v7 =	vld.idx.msk [tilespmem:v7+s3+$0x0], $0xffff  }
0x3b7: {  	[tilespmem:v2+s10+$0x0] =	vst.idx.add.f32.msk $0xffff, v4;
	v4 =	vmul.f32 v16, v5  }
0x3b8: {  	[tilespmem:v2+s20+$0x0] =	vst.idx.add.f32.msk $0xffff, v14  }
0x3b9: {  	[tilespmem:v3+s10+$0x0] =	vst.idx.add.f32.msk $0xffff, v4;
	v1 =	vmul.f32 v9, v1  }
0x3ba: {  	[tilespmem:v3+s20+$0x0] =	vst.idx.add.f32.msk $0xffff, v16  }
0x3bb: {  	[tilespmem:v6+s10+$0x0] =	vst.idx.add.f32.msk $0xffff, v1;
	v1 =	vmul.f32 v11, v7  }
0x3bc: {  	s0 =	sadd.s32 @!p2 s28, s22;
	[tilespmem:v6+s20+$0x0] =	vst.idx.add.f32.msk $0xffff, v9  }
0x3bd: {  	s12 =	simm.s32 @!p2 $0x0;
	s13 =	simm.s32 @!p2 $0x18800;
	s0 =	sshrl.u32 @!p2 s0, $0x3;
	[tilespmem:v10+s10+$0x0] =	vst.idx.add.f32.msk $0xffff, v1  }
0x3be: {  	s21 =	simm.s32 $0x0;
	s25 =	simm.s32 $0x0;
	s0 =	sadd.s32 @!p2 s4, s0;
	[tilespmem:v10+s20+$0x0] =	vst.idx.add.f32.msk $0xffff, v11  }
0x3bf: {  	[tilespmem:s13], [sflag:$0x3] =	stream.linear.gather @!p2 [hbm4b:s0+s12], $0x1000, $0x38;
	[tilespmem:$0x1A800] =	vst v63  }
0x3c0: {  	s12 =	sand.u32 $0x60, s25;
	s0 =	sand.u32 $0xF00, s21;
	_ =	swait.ge [sflag:s19], $0x1000  }
0x3c1: {  	s26 =	sadd.s32 $0x19800, s0;
	s14 =	sor.u32 $0x10, s12;
	[sflag:s19] =	ssyncset.done $0x0  }
0x3c2: {  	s0 =	sadd.s32 $0x19880, s0;
	s21 =	sor.u32 s14, s26;
	[sflag:s19] =	ssyncadd.s32 $0xFFFFF000  }
0x3c3: {  	s14 =	sor.u32 s14, s0;
	v6 =	vld [tilespmem:s21+$0x0]  }
0x3c4: {  	v14 =	vld [tilespmem:s14+$0x0];
	_ =	sdelay $0x3  }
0x3c5: {  	s13 =	sor.u32 s12, s26  }
0x3c6: {  	s0 =	sor.u32 s12, s0;
	v12 =	vld [tilespmem:s13+$0x0]  }
0x3c7: {  	v1 =	vld [tilespmem:s0+$0x0]  }
0x3c8: {  	v2 =	vld.idx.msk [tilespmem:v6+s29+$0x0], $0xffff  }
0x3c9: {  	v3 =	vld.idx.msk [tilespmem:v14+s31+$0x0], $0xffff;
	_ =	sdelay $0x4  }
0x3ca: {  	v5 =	vld.idx.msk [tilespmem:v12+s29+$0x0], $0xffff;
	v2 =	vadd.f32 v3, v2  }
0x3cb: {  	v7 =	vld.idx.msk [tilespmem:v1+s31+$0x0], $0xffff  }
0x3cc: {  	s25 =	simm.s32 $0x40;
	s21 =	simm.s32 $0x20;
	v3 =	vmul.f32 $2.000000030e-01, v2  }
0x3cd: {  	s12 =	sand.u32 $0xF00, s25;
	s0 =	sand.u32 $0x60, s21  }
0x3ce: {  	s13 =	sadd.s32 $0x19800, s12;
	s26 =	sor.u32 $0x10, s0;
	v2 =	vmax.f32 v2, v3  }
0x3cf: {  	s12 =	sadd.s32 $0x19880, s12;
	s25 =	sor.u32 s26, s13;
	v3 =	vmul.f32 $1.442695020e+00, v2  }
0x3d0: {  	s14 =	sor.u32 s26, s12;
	v4 =	vld [tilespmem:s25+$0x0];
	v7 =	vadd.f32 v7, v5  }
0x3d1: {  	s13 =	sor.u32 s0, s13;
	v2 =	vld [tilespmem:s14+$0x0];
	(erf) = vpow2.f32 v3  }
0x3d2: {  	s0 =	sor.u32 s0, s12;
	v5 =	vld [tilespmem:s13+$0x0];
	v8 =	vmul.f32 $2.000000030e-01, v7  }
0x3d3: {  	v3 =	vld [tilespmem:s0+$0x0]  }
0x3d4: {  	v7 =	vmax.f32 v7, v8  }
0x3d5: {  	v7 =	vmul.f32 $1.442695020e+00, v7  }
0x3d6: {  	v8 =	vld.idx.msk [tilespmem:v6+s2+$0x0], $0xffff  }
0x3d7: {  	(erf) = vpow2.f32 v7  }
0x3d8: {  	v13 =	vld.idx.msk [tilespmem:v4+s29+$0x0], $0xffff  }
0x3d9: {  	v15 =	vld.idx.msk [tilespmem:v2+s31+$0x0], $0xffff  }
0x3da: {  	v16 =	vld.idx.msk [tilespmem:v5+s29+$0x0], $0xffff;
	v18 =	vpop (erf)  }
0x3db: {  	v17 =	vld.idx.msk [tilespmem:v3+s31+$0x0], $0xffff;
	v7 =	vmul.f32 v18, v8  }
0x3dc: {  	s12 =	simm.s32 $0x40;
	v11 =	vld.idx.msk [tilespmem:v12+s2+$0x0], $0xffff;
	s13 =	simm.s32 $0x80  }
0x3dd: {  	s14 =	sand.u32 $0xF00, s13;
	s0 =	sand.u32 $0x60, s12;
	[tilespmem:v14+s9+$0x0] =	vst.idx.add.f32.msk $0xffff, v7  }
0x3de: {  	s21 =	sadd.s32 $0x19800, s14;
	s25 =	sor.u32 $0x10, s0;
	v13 =	vadd.f32 v15, v13;
	v19 =	vld.idx.msk [tilespmem:v6+s3+$0x0], $0xffff  }
0x3df: {  	s14 =	sadd.s32 $0x19880, s14;
	v9 =	vld.idx.msk [tilespmem:v5+s2+$0x0], $0xffff;
	s26 =	sor.u32 s25, s21  }
0x3e0: {  	s21 =	sor.u32 s0, s21;
	s0 =	sor.u32 s0, s14;
	v8 =	vld [tilespmem:s26+$0x0];
	v10 =	vpop (erf);
	v15 =	vadd.f32 v17, v16;
	v16 =	vmul.f32 $2.000000030e-01, v13  }
0x3e1: {  	s26 =	sor.u32 s25, s14;
	v20 =	vmul.f32 v10, v11;
	v11 =	vld [tilespmem:s0+$0x0]  }
0x3e2: {  	v6 =	vld [tilespmem:s26+$0x0];
	v63 =	vmul.f32 $2.000000030e-01, v15;
	v16 =	vmax.f32 v13, v16  }
0x3e3: {  	v7 =	vld [tilespmem:s21+$0x0];
	v16 =	vmul.f32 $1.442695020e+00, v16;
	v19 =	vmul.f32 v18, v19  }
0x3e4: {  	[tilespmem:v1+s9+$0x0] =	vst.idx.add.f32.msk $0xffff, v20;
	v15 =	vmax.f32 v15, v63  }
0x3e5: {  	(erf) = vpow2.f32 v16;
	[tilespmem:v14+s10+$0x0] =	vst.idx.add.f32.msk $0xffff, v19;
	v19 =	vmul.f32 $1.442695020e+00, v15  }
0x3e6: {  	v17 =	vld.idx.msk [tilespmem:v12+s3+$0x0], $0xffff  }
0x3e7: {  	v12 =	vld.idx.msk [tilespmem:v4+s2+$0x0], $0xffff;
	(erf) = vpow2.f32 v19  }
0x3e8: {  	v13 =	vld.idx.msk [tilespmem:v8+s29+$0x0], $0xffff  }
0x3e9: {  	[tilespmem:v14+s20+$0x0] =	vst.idx.add.f32.msk $0xffff, v18  }
0x3ea: {  	v15 =	vld.idx.msk [tilespmem:v6+s31+$0x0], $0xffff  }
0x3eb: {  	v16 =	vmul.f32 v10, v17;
	v14 =	vld.idx.msk [tilespmem:v7+s29+$0x0], $0xffff  }
.LBB2_28:
0x3ec: {  	s12 =	sadd.s32 $0x20, s12;
	v17 =	vld.idx.msk [tilespmem:v11+s31+$0x0], $0xffff;
	s13 =	sadd.s32 $0x40, s13  }
0x3ed: {  	s0 =	sand.u32 $0x60, s12;
	s14 =	sand.u32 $0xF00, s13;
	v18 =	vld.idx.msk [tilespmem:v7+s2+$0x0], $0xffff  }
0x3ee: {  	s21 =	sadd.s32 $0x19800, s14;
	s25 =	sor.u32 $0x10, s0;
	v19 =	vpop (erf);
	[tilespmem:v1+s10+$0x0] =	vst.idx.add.f32.msk $0xffff, v16  }
0x3ef: {  	s26 =	sor.u32 s0, s21;
	s21 =	sor.u32 s25, s21;
	v12 =	vmul.f32 v19, v12;
	[tilespmem:v1+s20+$0x0] =	vst.idx.add.f32.msk $0xffff, v10;
	v1 =	vmov v3;
	v3 =	vmov v11  }
0x3f0: {  	v11 =	vadd.f32 v15, v13;
	v16 =	vld [tilespmem:s21+$0x0];
	v10 =	vpop (erf)  }
0x3f1: {  	p3 =	slt.u32 s12, $0x7E0;
	v13 =	vmul.f32 v10, v9;
	[tilespmem:v2+s9+$0x0] =	vst.idx.add.f32.msk $0xffff, v12  }
0x3f2: {  	s14 =	sadd.s32 $0x19880, s14;
	v12 =	vadd.f32 v17, v14;
	v14 =	vmul.f32 $2.000000030e-01, v11;
	v15 =	vld.idx.msk [tilespmem:v4+s3+$0x0], $0xffff;
	v4 =	vmov v8  }
0x3f3: {  	s0 =	sor.u32 s0, s14;
	s14 =	sor.u32 s25, s14;
	v9 =	vmov v18;
	v17 =	vld [tilespmem:s26+$0x0]  }
0x3f4: {  	v20 =	vmul.f32 $2.000000030e-01, v12;
	v21 =	vmax.f32 v11, v14;
	v18 =	vld [tilespmem:s14+$0x0]  }
0x3f5: {  	v14 =	vmul.f32 $1.442695020e+00, v21;
	v11 =	vld [tilespmem:s0+$0x0];
	v8 =	vmov v16  }
0x3f6: {  	v12 =	vmax.f32 v12, v20;
	[tilespmem:v1+s9+$0x0] =	vst.idx.add.f32.msk $0xffff, v13  }
0x3f7: {  	v20 =	vmul.f32 $1.442695020e+00, v12;
	(erf) = vpow2.f32 v14;
	v21 =	vld.idx.msk [tilespmem:v5+s3+$0x0], $0xffff;
	v5 =	vmov v7  }
0x3f8: {  	v14 =	vmul.f32 v19, v15;
	v12 =	vld.idx.msk [tilespmem:v4+s2+$0x0], $0xffff;
	v7 =	vmov v17  }
.Ltmp14:
0x3f9: {  	v13 =	vld.idx.msk [tilespmem:v16+s29+$0x0], $0xffff;
	(erf) = vpow2.f32 v20;
	(pc) =	sbr.rel @p3 .LBB2_28-.Ltmp14, $4  }
0x3fa: {  	[tilespmem:v2+s10+$0x0] =	vst.idx.add.f32.msk $0xffff, v14  }
0x3fb: {  	[tilespmem:v2+s20+$0x0] =	vst.idx.add.f32.msk $0xffff, v19;
	v2 =	vmov v6;
	v6 =	vmov v18  }
0x3fc: {  	v15 =	vld.idx.msk [tilespmem:v18+s31+$0x0], $0xffff  }
0x3fd: {  	v16 =	vmul.f32 v10, v21;
	v14 =	vld.idx.msk [tilespmem:v17+s29+$0x0], $0xffff  }
0x3fe: {  	_ =	sdelay $0x3  }
0x3ff: {  	v17 =	vld.idx.msk [tilespmem:v11+s31+$0x0], $0xffff;
	_ =	sdelay $0x2  }
0x400: {  	v13 =	vadd.f32 v15, v13;
	_ =	sdelay $0x1  }
0x401: {  	v14 =	vadd.f32 v17, v14;
	v15 =	vmul.f32 $2.000000030e-01, v13;
	_ =	sdelay $0x1  }
0x402: {  	v17 =	vmul.f32 $2.000000030e-01, v14;
	v13 =	vmax.f32 v13, v15  }
0x403: {  	v13 =	vmul.f32 $1.442695020e+00, v13  }
0x404: {  	v14 =	vmax.f32 v14, v17  }
0x405: {  	v14 =	vmul.f32 $1.442695020e+00, v14;
	(erf) = vpow2.f32 v13;
	_ =	sdelay $0x1  }
0x406: {  	(erf) = vpow2.f32 v14;
	_ =	sdelay $0x1  }
0x407: {  	v55 =	vld.idx.msk [tilespmem:v7+s2+$0x0], $0xffff  }
0x408: {  	v57 =	vld.idx.msk [tilespmem:v8+s2+$0x0], $0xffff;
	v56 =	vpop (erf)  }
0x409: {  	[tilespmem:v1+s10+$0x0] =	vst.idx.add.f32.msk $0xffff, v16;
	v12 =	vmul.f32 v56, v12  }
0x40a: {  	[tilespmem:v1+s20+$0x0] =	vst.idx.add.f32.msk $0xffff, v10;
	v58 =	vpop (erf)  }
0x40b: {  	v1 =	vmul.f32 v58, v9;
	[tilespmem:v2+s9+$0x0] =	vst.idx.add.f32.msk $0xffff, v12  }
0x40c: {  	v4 =	vld.idx.msk [tilespmem:v4+s3+$0x0], $0xffff;
	v59 =	vpop (erf)  }
0x40d: {  	[tilespmem:v3+s9+$0x0] =	vst.idx.add.f32.msk $0xffff, v1;
	v1 =	vmul.f32 v59, v57  }
0x40e: {  	v5 =	vld.idx.msk [tilespmem:v5+s3+$0x0], $0xffff;
	v60 =	vpop (erf)  }
0x40f: {  	v61 =	vmul.f32 v60, v55;
	[tilespmem:v6+s9+$0x0] =	vst.idx.add.f32.msk $0xffff, v1  }
0x410: {  	v1 =	vld.idx.msk [tilespmem:v8+s3+$0x0], $0xffff  }
0x411: {  	v4 =	vmul.f32 v56, v4;
	[tilespmem:v11+s9+$0x0] =	vst.idx.add.f32.msk $0xffff, v61  }
0x412: {  	v62 =	vld.idx.msk [tilespmem:v7+s3+$0x0], $0xffff  }
0x413: {  	[tilespmem:v2+s10+$0x0] =	vst.idx.add.f32.msk $0xffff, v4;
	v63 =	vmul.f32 v58, v5  }
0x414: {  	[tilespmem:v2+s20+$0x0] =	vst.idx.add.f32.msk $0xffff, v56  }
0x415: {  	[tilespmem:v3+s10+$0x0] =	vst.idx.add.f32.msk $0xffff, v63;
	v1 =	vmul.f32 v59, v1  }
.Ltmp15:
0x416: {  	[tilespmem:v3+s20+$0x0] =	vst.idx.add.f32.msk $0xffff, v58;
	(pc) =	sbr.rel @p2 .LBB2_31-.Ltmp15, $4  }
0x417: {  	[tilespmem:v6+s10+$0x0] =	vst.idx.add.f32.msk $0xffff, v1;
	v1 =	vmul.f32 v60, v62  }
0x418: {  	[tilespmem:v6+s20+$0x0] =	vst.idx.add.f32.msk $0xffff, v59  }
0x419: {  	[tilespmem:v11+s10+$0x0] =	vst.idx.add.f32.msk $0xffff, v1  }
0x41a: {  	[tilespmem:v11+s20+$0x0] =	vst.idx.add.f32.msk $0xffff, v60  }
.Ltmp16:
0x41b: {  	(pc) =	sbr.rel .LBB2_21-.Ltmp16, $4  }
0x41c: {  	s0 =	sadd.s32 s28, s23  }
0x41d: {  	s0 =	sshrl.u32 s0, $0x3  }
0x41e: {  	s8 =	sadd.s32 $0x1, s8;
	s0 =	sadd.s32 s4, s0  }
0x41f: {  	[tilespmem:s6], [sflag:$0x4] =	stream.linear.gather [hbm4b:s0+s2], $0x1000, $0x38;
	[tilespmem:$0x1A800] =	vst v63  }
.LBB2_15:
0x420: {  	s0 =	simm.s32 $0x0;
	s5 =	simm.s32 $0x0  }
0x421: {  	_ =	swait.ge [sflag:s7], $0x1000;
	s5 =	sand.u32 $0x60, s5;
	s0 =	sand.u32 $0xF00, s0  }
0x422: {  	[sflag:s7] =	ssyncset.done $0x0;
	s0 =	sor.u32 s5, s0  }
0x423: {  	[sflag:s7] =	ssyncadd.s32 $0xFFFFF000;
	s5 =	sadd.s32 $0x16800, s0  }
0x424: {  	v7 =	vld [tilespmem:s5+$0x10]  }
0x425: {  	v8 =	vld [tilespmem:s5+$0x90]  }
0x426: {  	v9 =	vld [tilespmem:s0+$0x16800]  }
0x427: {  	v1 =	vld [tilespmem:s5+$0x80];
	_ =	sdelay $0x4  }
0x428: {  	v2 =	vld.idx.msk [tilespmem:v7+s29+$0x0], $0xffff  }
0x429: {  	v3 =	vld.idx.msk [tilespmem:v8+s31+$0x0], $0xffff  }
0x42a: {  	v4 =	vld.idx.msk [tilespmem:v9+s29+$0x0], $0xffff  }
0x42b: {  	v5 =	vld.idx.msk [tilespmem:v1+s31+$0x0], $0xffff;
	_ =	sdelay $0x1  }
0x42c: {  	s14 =	simm.s32 $0x20;
	s21 =	simm.s32 $0x40  }
0x42d: {  	s0 =	sand.u32 $0x60, s14;
	s5 =	sand.u32 $0xF00, s21;
	v2 =	vadd.f32 v3, v2  }
0x42e: {  	s0 =	sor.u32 s0, s5  }
0x42f: {  	s5 =	sadd.s32 $0x16800, s0;
	v3 =	vadd.f32 v5, v4;
	v4 =	vmul.f32 $2.000000030e-01, v2  }
0x430: {  	v13 =	vld [tilespmem:s5+$0x90]  }
0x431: {  	v5 =	vmul.f32 $2.000000030e-01, v3;
	v2 =	vmax.f32 v2, v4  }
0x432: {  	v12 =	vld [tilespmem:s5+$0x10];
	v2 =	vmul.f32 $1.442695020e+00, v2  }
0x433: {  	v3 =	vmax.f32 v3, v5  }
0x434: {  	v14 =	vld [tilespmem:s0+$0x16800];
	v3 =	vmul.f32 $1.442695020e+00, v3;
	(erf) = vpow2.f32 v2  }
0x435: {  	v2 =	vld [tilespmem:s5+$0x80]  }
0x436: {  	(erf) = vpow2.f32 v3;
	_ =	sdelay $0x1  }
0x437: {  	v6 =	vld.idx.msk [tilespmem:v13+s31+$0x0], $0xffff  }
0x438: {  	v4 =	vld.idx.msk [tilespmem:v7+s2+$0x0], $0xffff  }
0x439: {  	v5 =	vld.idx.msk [tilespmem:v12+s29+$0x0], $0xffff  }
0x43a: {  	v3 =	vld.idx.msk [tilespmem:v9+s2+$0x0], $0xffff  }
0x43b: {  	v10 =	vld.idx.msk [tilespmem:v14+s29+$0x0], $0xffff  }
0x43c: {  	v11 =	vld.idx.msk [tilespmem:v2+s31+$0x0], $0xffff;
	v15 =	vpop (erf)  }
0x43d: {  	v4 =	vmul.f32 v15, v4  }
0x43e: {  	v17 =	vpop (erf)  }
0x43f: {  	s25 =	simm.s32 $0x40;
	s26 =	simm.s32 $0x80;
	v3 =	vmul.f32 v17, v3;
	[tilespmem:v8+s9+$0x0] =	vst.idx.add.f32.msk $0xffff, v4;
	v4 =	vadd.f32 v6, v5  }
0x440: {  	s0 =	sand.u32 $0x60, s25;
	s5 =	sand.u32 $0xF00, s26;
	v18 =	vld.idx.msk [tilespmem:v7+s3+$0x0], $0xffff  }
0x441: {  	s0 =	sor.u32 s0, s5;
	v10 =	vadd.f32 v11, v10;
	[tilespmem:v1+s9+$0x0] =	vst.idx.add.f32.msk $0xffff, v3;
	v3 =	vmul.f32 $2.000000030e-01, v4  }
0x442: {  	s5 =	sadd.s32 $0x16800, s0;
	v6 =	vld [tilespmem:s0+$0x16800]  }
0x443: {  	v5 =	vld [tilespmem:s5+$0x10];
	v19 =	vmul.f32 $2.000000030e-01, v10;
	v3 =	vmax.f32 v4, v3  }
0x444: {  	v11 =	vld.idx.msk [tilespmem:v9+s3+$0x0], $0xffff;
	v20 =	vmul.f32 $1.442695020e+00, v3  }
0x445: {  	v4 =	vld [tilespmem:s5+$0x90];
	v3 =	vmax.f32 v10, v19;
	v10 =	vmul.f32 v15, v18  }
0x446: {  	v18 =	vmul.f32 $1.442695020e+00, v3;
	v3 =	vld [tilespmem:s5+$0x80];
	(erf) = vpow2.f32 v20  }
0x447: {  	[tilespmem:v8+s10+$0x0] =	vst.idx.add.f32.msk $0xffff, v10  }
0x448: {  	(erf) = vpow2.f32 v18;
	v7 =	vld.idx.msk [tilespmem:v7+s24+$0x0], $0xffff  }
0x449: {  	v16 =	vld.idx.msk [tilespmem:v14+s2+$0x0], $0xffff  }
0x44a: {  	v11 =	vmul.f32 v17, v11;
	v10 =	vld.idx.msk [tilespmem:v12+s2+$0x0], $0xffff  }
0x44b: {  	v18 =	vld.idx.msk [tilespmem:v5+s29+$0x0], $0xffff  }
0x44c: {  	[tilespmem:v1+s10+$0x0] =	vst.idx.add.f32.msk $0xffff, v11  }
0x44d: {  	v19 =	vld.idx.msk [tilespmem:v4+s31+$0x0], $0xffff;
	v7 =	vmul.f32 v7, v15  }
0x44e: {  	v11 =	vld.idx.msk [tilespmem:v6+s29+$0x0], $0xffff  }
0x44f: {  	v24 =	vld.idx.msk [tilespmem:v9+s24+$0x0], $0xffff;
	v21 =	vpop (erf)  }
0x450: {  	v20 =	vld.idx.msk [tilespmem:v3+s31+$0x0], $0xffff;
	v10 =	vmul.f32 v21, v10  }
0x451: {  	[tilespmem:v8+s11+$0x0] =	vst.idx.add.f32.msk $0xffff, v7;
	v7 =	vpop (erf)  }
0x452: {  	v9 =	vadd.f32 v19, v18;
	v8 =	vmul.f32 v7, v16;
	[tilespmem:v13+s9+$0x0] =	vst.idx.add.f32.msk $0xffff, v10  }
0x453: {  	s8 =	simm.s32 $0xC0;
	s5 =	simm.s32 $0x60;
	v10 =	vld.idx.msk [tilespmem:v12+s3+$0x0], $0xffff  }
0x454: {  	s12 =	sand.u32 $0xF00, s8;
	s28 =	sand.u32 $0x60, s5;
	[tilespmem:v2+s9+$0x0] =	vst.idx.add.f32.msk $0xffff, v8;
	v8 =	vmul.f32 $2.000000030e-01, v9  }
0x455: {  	s0 =	sor.u32 s28, s12;
	v15 =	vld.idx.msk [tilespmem:v6+s2+$0x0], $0xffff;
	v16 =	vadd.f32 v20, v11  }
0x456: {  	v11 =	vld [tilespmem:s0+$0x16800];
	v8 =	vmax.f32 v9, v8  }
0x457: {  	s12 =	sadd.s32 $0x16800, s0;
	v19 =	vmul.f32 $2.000000030e-01, v16;
	v18 =	vld.idx.msk [tilespmem:v14+s3+$0x0], $0xffff;
	v20 =	vmul.f32 $1.442695020e+00, v8  }
0x458: {  	v9 =	vld [tilespmem:s12+$0x10]  }
0x459: {  	v16 =	vmax.f32 v16, v19;
	v8 =	vld [tilespmem:s12+$0x90];
	v22 =	vmul.f32 v21, v10;
	(erf) = vpow2.f32 v20  }
0x45a: {  	v16 =	vmul.f32 $1.442695020e+00, v16;
	v10 =	vld [tilespmem:s12+$0x80]  }
0x45b: {  	[tilespmem:v13+s10+$0x0] =	vst.idx.add.f32.msk $0xffff, v22  }
0x45c: {  	(erf) = vpow2.f32 v16;
	v12 =	vld.idx.msk [tilespmem:v12+s24+$0x0], $0xffff  }
0x45d: {  	v16 =	vld.idx.msk [tilespmem:v5+s2+$0x0], $0xffff  }
0x45e: {  	v18 =	vmul.f32 v7, v18;
	v22 =	vld.idx.msk [tilespmem:v11+s29+$0x0], $0xffff  }
0x45f: {  	v20 =	vld.idx.msk [tilespmem:v11+s2+$0x0], $0xffff  }
0x460: {  	[tilespmem:v2+s10+$0x0] =	vst.idx.add.f32.msk $0xffff, v18  }
0x461: {  	v26 =	vld.idx.msk [tilespmem:v9+s29+$0x0], $0xffff;
	v18 =	vmul.f32 v12, v21  }
0x462: {  	v27 =	vld.idx.msk [tilespmem:v8+s31+$0x0], $0xffff;
	v12 =	vpop (erf)  }
0x463: {  	v23 =	vld.idx.msk [tilespmem:v10+s31+$0x0], $0xffff;
	v16 =	vmul.f32 v12, v16  }
0x464: {  	v19 =	vld.idx.msk [tilespmem:v14+s24+$0x0], $0xffff  }
0x465: {  	[tilespmem:v13+s11+$0x0] =	vst.idx.add.f32.msk $0xffff, v18;
	v18 =	vpop (erf)  }
0x466: {  	v13 =	vmul.f32 v24, v17;
	[tilespmem:v4+s9+$0x0] =	vst.idx.add.f32.msk $0xffff, v16;
	v25 =	vmul.f32 v18, v15  }
0x467: {  	v14 =	vmovc v11;
	v17 =	vmovc v9;
	v24 =	vadd.f32 v27, v26;
	v15 =	vmov v6;
	v21 =	vld.idx.msk [tilespmem:v5+s3+$0x0], $0xffff;
	v16 =	vmov v8  }
.LBB2_16:
0x468: {  	s5 =	sadd.s32 $0x20, s5;
	v22 =	vadd.f32 v23, v22;
	s8 =	sadd.s32 $0x40, s8;
	[tilespmem:v3+s9+$0x0] =	vst.idx.add.f32.msk $0xffff, v25  }
0x469: {  	v26 =	vmov v20;
	s0 =	sand.u32 $0x60, s5;
	s12 =	sand.u32 $0xF00, s8;
	p2 =	slt.u32 s5, $0x7E0;
	v23 =	vmul.f32 $2.000000030e-01, v24;
	v25 =	vld.idx.msk [tilespmem:v6+s3+$0x0], $0xffff;
	v6 =	vmov v11  }
0x46a: {  	s0 =	sor.u32 s0, s12;
	v20 =	vmul.f32 $2.000000030e-01, v22;
	[tilespmem:v1+s11+$0x0] =	vst.idx.add.f32.msk $0xffff, v13;
	v1 =	vmovc v2;
	v2 =	vmov v3;
	v3 =	vmov v10  }
0x46b: {  	v13 =	vmul.f32 v19, v7;
	v7 =	vmov v18;
	s12 =	sadd.s32 $0x16800, s0;
	v11 =	vld [tilespmem:s0+$0x16800];
	v10 =	vmax.f32 v24, v23  }
0x46c: {  	v18 =	vld [tilespmem:s12+$0x10];
	v19 =	vmax.f32 v22, v20;
	v20 =	vmul.f32 $1.442695020e+00, v10  }
0x46d: {  	v21 =	vmul.f32 v12, v21;
	v24 =	vld [tilespmem:s12+$0x90];
	v19 =	vmul.f32 $1.442695020e+00, v19  }
0x46e: {  	v10 =	vld [tilespmem:s12+$0x80];
	(erf) = vpow2.f32 v20  }
0x46f: {  	(erf) = vpow2.f32 v19;
	v19 =	vmul.f32 v7, v25;
	[tilespmem:v4+s10+$0x0] =	vst.idx.add.f32.msk $0xffff, v21  }
0x470: {  	v20 =	vld.idx.msk [tilespmem:v5+s24+$0x0], $0xffff;
	v5 =	vmov v9  }
0x471: {  	[tilespmem:v2+s10+$0x0] =	vst.idx.add.f32.msk $0xffff, v19;
	v9 =	vmov v18  }
0x472: {  	v19 =	vld.idx.msk [tilespmem:v17+s2+$0x0], $0xffff;
	v17 =	vmov v18  }
0x473: {  	v22 =	vld.idx.msk [tilespmem:v11+s29+$0x0], $0xffff  }
0x474: {  	v21 =	vld.idx.msk [tilespmem:v18+s29+$0x0], $0xffff  }
0x475: {  	v27 =	vld.idx.msk [tilespmem:v24+s31+$0x0], $0xffff  }
0x476: {  	v25 =	vmul.f32 v20, v12;
	v23 =	vld.idx.msk [tilespmem:v10+s31+$0x0], $0xffff  }
.Ltmp17:
0x477: {  	v20 =	vld.idx.msk [tilespmem:v11+s2+$0x0], $0xffff;
	v12 =	vpop (erf);
	(pc) =	sbr.rel @p2 .LBB2_16-.Ltmp17, $4  }
0x478: {  	v28 =	vmul.f32 v12, v19;
	v18 =	vpop (erf);
	[tilespmem:v4+s11+$0x0] =	vst.idx.add.f32.msk $0xffff, v25;
	v4 =	vmov v8;
	v8 =	vmov v24  }
0x479: {  	v25 =	vmul.f32 v18, v26;
	v19 =	vld.idx.msk [tilespmem:v15+s24+$0x0], $0xffff;
	v15 =	vmov v14;
	v14 =	vmov v11  }
0x47a: {  	[tilespmem:v16+s9+$0x0] =	vst.idx.add.f32.msk $0xffff, v28;
	v16 =	vmov v24  }
0x47b: {  	v24 =	vadd.f32 v27, v21;
	v21 =	vld.idx.msk [tilespmem:v5+s3+$0x0], $0xffff  }
0x47c: {  	_ = 	snop  }
0x47d: {  	v22 =	vadd.f32 v23, v22;
	v56 =	vmul.f32 $2.000000030e-01, v24;
	_ =	sdelay $0x1  }
0x47e: {  	v57 =	vmul.f32 $2.000000030e-01, v22;
	v23 =	vmax.f32 v24, v56  }
0x47f: {  	v23 =	vmul.f32 $1.442695020e+00, v23  }
0x480: {  	v22 =	vmax.f32 v22, v57  }
0x481: {  	v22 =	vmul.f32 $1.442695020e+00, v22;
	(erf) = vpow2.f32 v23;
	_ =	sdelay $0x1  }
0x482: {  	(erf) = vpow2.f32 v22;
	_ =	sdelay $0x2  }
0x483: {  	v17 =	vld.idx.msk [tilespmem:v17+s2+$0x0], $0xffff;
	_ =	sdelay $0x3  }
0x484: {  	v58 =	vpop (erf)  }
0x485: {  	[tilespmem:v3+s9+$0x0] =	vst.idx.add.f32.msk $0xffff, v25;
	v17 =	vmul.f32 v58, v17  }
0x486: {  	v6 =	vld.idx.msk [tilespmem:v6+s3+$0x0], $0xffff;
	v59 =	vpop (erf)  }
0x487: {  	v20 =	vmul.f32 v59, v20;
	[tilespmem:v16+s9+$0x0] =	vst.idx.add.f32.msk $0xffff, v17  }
0x488: {  	v16 =	vld.idx.msk [tilespmem:v9+s3+$0x0], $0xffff  }
0x489: {  	v60 =	vmul.f32 v12, v21;
	[tilespmem:v10+s9+$0x0] =	vst.idx.add.f32.msk $0xffff, v20  }
0x48a: {  	v11 =	vld.idx.msk [tilespmem:v11+s3+$0x0], $0xffff  }
0x48b: {  	v6 =	vmul.f32 v18, v6;
	[tilespmem:v4+s10+$0x0] =	vst.idx.add.f32.msk $0xffff, v60  }
0x48c: {  	v5 =	vld.idx.msk [tilespmem:v5+s24+$0x0], $0xffff  }
0x48d: {  	[tilespmem:v3+s10+$0x0] =	vst.idx.add.f32.msk $0xffff, v6;
	v61 =	vmul.f32 v58, v16  }
0x48e: {  	v15 =	vld.idx.msk [tilespmem:v15+s24+$0x0], $0xffff  }
0x48f: {  	v11 =	vmul.f32 v59, v11;
	[tilespmem:v8+s10+$0x0] =	vst.idx.add.f32.msk $0xffff, v61  }
0x490: {  	v6 =	vld.idx.msk [tilespmem:v9+s24+$0x0], $0xffff  }
0x491: {  	[tilespmem:v10+s10+$0x0] =	vst.idx.add.f32.msk $0xffff, v11  }
0x492: {  	v62 =	vld.idx.msk [tilespmem:v14+s24+$0x0], $0xffff  }
0x493: {  	[tilespmem:v1+s11+$0x0] =	vst.idx.add.f32.msk $0xffff, v13;
	v1 =	vmul.f32 v19, v7  }
0x494: {  	v5 =	vmul.f32 v5, v12  }
0x495: {  	[tilespmem:v2+s11+$0x0] =	vst.idx.add.f32.msk $0xffff, v1;
	v1 =	vmul.f32 v15, v18  }
0x496: {  	[tilespmem:v4+s11+$0x0] =	vst.idx.add.f32.msk $0xffff, v5;
	v63 =	vmul.f32 v6, v58  }
0x497: {  	[tilespmem:v3+s11+$0x0] =	vst.idx.add.f32.msk $0xffff, v1;
	v2 =	vmul.f32 v62, v59  }
0x498: {  	[tilespmem:v8+s11+$0x0] =	vst.idx.add.f32.msk $0xffff, v63  }
0x499: {  	[tilespmem:v10+s11+$0x0] =	vst.idx.add.f32.msk $0xffff, v2  }
0x49a: {  	s5 =	simm.s32 $0x80;
	s12 =	simm.s32 $0x400;
	s0 =	rddreg [dreg:$0xf]  }
0x49b: {  	[hbm4b:s0+s5] =	stream.strided.scatter [tilespmem:s9], [sflag:$0x5], $0x2800, s12, s5, $0x38;
	[tilespmem:$0x1A800] =	vst v63  }
0x49c: {  	_ =	swait.ge [sflag:s30], $0x2800  }
0x49d: {  	[sflag:s30] =	ssyncset.done $0x0  }
0x49e: {  	s26 =	rddreg [dreg:$0x10];
	[sflag:s30] =	ssyncadd.s32 $0xFFFFD800  }
0x49f: {  	[hbm4b:s26+s5] =	stream.strided.scatter [tilespmem:s10], [sflag:$0x5], $0x2800, s12, s5, $0x38;
	[tilespmem:$0x1A800] =	vst v63  }
.Ltmp18:
0x4a0: {  	_ = 	snop;
	(pc) =	sbr.rel .LBB2_35-.Ltmp18, $4  }
0x4a1: {  	_ =	swait.ge [sflag:s30], $0x2800  }
0x4a2: {  	[sflag:s30] =	ssyncset.done $0x0;
	s28 =	rddreg [dreg:$0x11]  }
0x4a3: {  	s8 =	rddreg [dreg:$0x14];
	[sflag:s30] =	ssyncadd.s32 $0xFFFFD800  }
0x4a4: {  	[hbm4b:s28+s5] =	stream.strided.scatter [tilespmem:s11], [sflag:$0x5], $0x2800, s12, s5, $0x38;
	[tilespmem:$0x1A800] =	vst v63  }
.LBB2_31:
0x4a5: {  	s0 =	simm.s32 $0x0;
	s5 =	simm.s32 $0x0  }
0x4a6: {  	_ =	swait.ge [sflag:s7], $0x1000;
	s5 =	sand.u32 $0x60, s5;
	s0 =	sand.u32 $0xF00, s0  }
0x4a7: {  	[sflag:s7] =	ssyncset.done $0x0;
	s0 =	sor.u32 s5, s0  }
0x4a8: {  	[sflag:s7] =	ssyncadd.s32 $0xFFFFF000;
	s5 =	sadd.s32 $0x16800, s0  }
0x4a9: {  	v6 =	vld [tilespmem:s5+$0x10]  }
0x4aa: {  	v15 =	vld [tilespmem:s5+$0x90];
	_ =	sdelay $0x3  }
0x4ab: {  	v12 =	vld [tilespmem:s0+$0x16800]  }
0x4ac: {  	v1 =	vld [tilespmem:s5+$0x80];
	_ =	sdelay $0x1  }
0x4ad: {  	v2 =	vld.idx.msk [tilespmem:v6+s29+$0x0], $0xffff  }
0x4ae: {  	v3 =	vld.idx.msk [tilespmem:v15+s31+$0x0], $0xffff;
	_ =	sdelay $0x3  }
0x4af: {  	v5 =	vld.idx.msk [tilespmem:v12+s29+$0x0], $0xffff  }
0x4b0: {  	v7 =	vld.idx.msk [tilespmem:v1+s31+$0x0], $0xffff;
	v2 =	vadd.f32 v3, v2;
	_ =	sdelay $0x1  }
0x4b1: {  	s25 =	simm.s32 $0x20;
	s26 =	simm.s32 $0x40;
	v3 =	vmul.f32 $2.000000030e-01, v2  }
0x4b2: {  	s0 =	sand.u32 $0x60, s25;
	s5 =	sand.u32 $0xF00, s26  }
0x4b3: {  	s0 =	sor.u32 s0, s5;
	v2 =	vmax.f32 v2, v3  }
0x4b4: {  	v4 =	vld [tilespmem:s0+$0x16800];
	s0 =	sadd.s32 $0x16800, s0;
	v7 =	vadd.f32 v7, v5;
	v8 =	vmul.f32 $1.442695020e+00, v2  }
0x4b5: {  	v5 =	vld [tilespmem:s0+$0x10]  }
0x4b6: {  	v9 =	vmul.f32 $2.000000030e-01, v7;
	v3 =	vld [tilespmem:s0+$0x90];
	(erf) = vpow2.f32 v8  }
0x4b7: {  	v2 =	vld [tilespmem:s0+$0x80]  }
0x4b8: {  	v7 =	vmax.f32 v7, v9  }
0x4b9: {  	v7 =	vmul.f32 $1.442695020e+00, v7;
	_ =	sdelay $0x1  }
0x4ba: {  	v8 =	vld.idx.msk [tilespmem:v6+s2+$0x0], $0xffff;
	(erf) = vpow2.f32 v7  }
0x4bb: {  	v13 =	vld.idx.msk [tilespmem:v4+s29+$0x0], $0xffff  }
0x4bc: {  	v14 =	vld.idx.msk [tilespmem:v5+s29+$0x0], $0xffff  }
0x4bd: {  	s8 =	simm.s32 $0x80;
	s5 =	simm.s32 $0x40;
	v16 =	vld.idx.msk [tilespmem:v3+s31+$0x0], $0xffff  }
0x4be: {  	s12 =	sand.u32 $0xF00, s8;
	s28 =	sand.u32 $0x60, s5;
	v17 =	vld.idx.msk [tilespmem:v2+s31+$0x0], $0xffff;
	v18 =	vpop (erf)  }
0x4bf: {  	v9 =	vld.idx.msk [tilespmem:v12+s2+$0x0], $0xffff;
	s0 =	sor.u32 s28, s12;
	v11 =	vmul.f32 v18, v8  }
0x4c0: {  	v7 =	vld [tilespmem:s0+$0x16800]  }
0x4c1: {  	v10 =	vld.idx.msk [tilespmem:v4+s2+$0x0], $0xffff;
	s12 =	sadd.s32 $0x16800, s0  }
0x4c2: {  	v8 =	vld [tilespmem:s12+$0x10];
	v14 =	vadd.f32 v16, v14  }
0x4c3: {  	v16 =	vadd.f32 v17, v13;
	[tilespmem:v15+s9+$0x0] =	vst.idx.add.f32.msk $0xffff, v11;
	v11 =	vpop (erf)  }
0x4c4: {  	v63 =	vmul.f32 $2.000000030e-01, v14;
	v19 =	vld.idx.msk [tilespmem:v6+s3+$0x0], $0xffff;
	v20 =	vmul.f32 v11, v9  }
0x4c5: {  	v6 =	vld [tilespmem:s12+$0x90];
	v21 =	vmul.f32 $2.000000030e-01, v16  }
0x4c6: {  	[tilespmem:v1+s9+$0x0] =	vst.idx.add.f32.msk $0xffff, v20;
	v20 =	vmax.f32 v14, v63  }
0x4c7: {  	v9 =	vld [tilespmem:s12+$0x80];
	v16 =	vmax.f32 v16, v21;
	v20 =	vmul.f32 $1.442695020e+00, v20  }
0x4c8: {  	v13 =	vld.idx.msk [tilespmem:v7+s29+$0x0], $0xffff;
	v16 =	vmul.f32 $1.442695020e+00, v16  }
0x4c9: {  	v17 =	vld.idx.msk [tilespmem:v12+s3+$0x0], $0xffff;
	(erf) = vpow2.f32 v20  }
0x4ca: {  	v12 =	vld.idx.msk [tilespmem:v5+s2+$0x0], $0xffff;
	v19 =	vmul.f32 v18, v19;
	(erf) = vpow2.f32 v16  }
0x4cb: {  	v14 =	vld.idx.msk [tilespmem:v8+s29+$0x0], $0xffff  }
0x4cc: {  	[tilespmem:v15+s10+$0x0] =	vst.idx.add.f32.msk $0xffff, v19  }
0x4cd: {  	[tilespmem:v15+s20+$0x0] =	vst.idx.add.f32.msk $0xffff, v18  }
0x4ce: {  	v15 =	vld.idx.msk [tilespmem:v6+s31+$0x0], $0xffff  }
0x4cf: {  	v17 =	vmul.f32 v11, v17;
	v16 =	vld.idx.msk [tilespmem:v9+s31+$0x0], $0xffff  }
.LBB2_32:
0x4d0: {  	s5 =	sadd.s32 $0x20, s5;
	v18 =	vld.idx.msk [tilespmem:v7+s2+$0x0], $0xffff;
	s8 =	sadd.s32 $0x40, s8  }
0x4d1: {  	s0 =	sand.u32 $0x60, s5;
	s12 =	sand.u32 $0xF00, s8;
	[tilespmem:v1+s10+$0x0] =	vst.idx.add.f32.msk $0xffff, v17  }
0x4d2: {  	s0 =	sor.u32 s0, s12;
	v17 =	vpop (erf);
	[tilespmem:v1+s20+$0x0] =	vst.idx.add.f32.msk $0xffff, v11;
	v1 =	vmov v2;
	v2 =	vmov v9  }
0x4d3: {  	s12 =	sadd.s32 $0x16800, s0;
	v19 =	vld [tilespmem:s0+$0x16800];
	v9 =	vmul.f32 v17, v12;
	v11 =	vpop (erf)  }
0x4d4: {  	v12 =	vadd.f32 v15, v14;
	v20 =	vld [tilespmem:s12+$0x10];
	v14 =	vmul.f32 v11, v10  }
0x4d5: {  	p2 =	slt.u32 s5, $0x7E0;
	v13 =	vadd.f32 v16, v13;
	[tilespmem:v3+s9+$0x0] =	vst.idx.add.f32.msk $0xffff, v9  }
0x4d6: {  	v15 =	vmul.f32 $2.000000030e-01, v12;
	v10 =	vmov v18;
	v16 =	vld.idx.msk [tilespmem:v5+s3+$0x0], $0xffff;
	v5 =	vmov v8  }
0x4d7: {  	v21 =	vmul.f32 $2.000000030e-01, v13;
	v9 =	vld [tilespmem:s12+$0x80]  }
0x4d8: {  	v12 =	vmax.f32 v12, v15;
	v18 =	vld [tilespmem:s12+$0x90]  }
0x4d9: {  	v13 =	vmax.f32 v13, v21;
	v12 =	vmul.f32 $1.442695020e+00, v12;
	[tilespmem:v1+s9+$0x0] =	vst.idx.add.f32.msk $0xffff, v14;
	v8 =	vmov v20  }
0x4da: {  	v14 =	vmul.f32 $1.442695020e+00, v13;
	v21 =	vld.idx.msk [tilespmem:v4+s3+$0x0], $0xffff;
	v4 =	vmov v7;
	v7 =	vmov v19  }
0x4db: {  	v13 =	vld.idx.msk [tilespmem:v19+s29+$0x0], $0xffff;
	(erf) = vpow2.f32 v12  }
0x4dc: {  	v15 =	vmul.f32 v17, v16;
	v12 =	vld.idx.msk [tilespmem:v5+s2+$0x0], $0xffff;
	(erf) = vpow2.f32 v14  }
.Ltmp19:
0x4dd: {  	v14 =	vld.idx.msk [tilespmem:v20+s29+$0x0], $0xffff;
	(pc) =	sbr.rel @p2 .LBB2_32-.Ltmp19, $4  }
0x4de: {  	[tilespmem:v3+s10+$0x0] =	vst.idx.add.f32.msk $0xffff, v15  }
0x4df: {  	[tilespmem:v3+s20+$0x0] =	vst.idx.add.f32.msk $0xffff, v17;
	v3 =	vmov v6;
	v6 =	vmov v18  }
0x4e0: {  	v17 =	vmul.f32 v11, v21;
	v15 =	vld.idx.msk [tilespmem:v18+s31+$0x0], $0xffff  }
0x4e1: {  	v16 =	vld.idx.msk [tilespmem:v9+s31+$0x0], $0xffff  }
0x4e2: {  	_ =	sdelay $0x2  }
0x4e3: {  	v14 =	vadd.f32 v15, v14;
	_ =	sdelay $0x1  }
0x4e4: {  	v13 =	vadd.f32 v16, v13;
	v15 =	vmul.f32 $2.000000030e-01, v14;
	_ =	sdelay $0x1  }
0x4e5: {  	v16 =	vmul.f32 $2.000000030e-01, v13;
	v14 =	vmax.f32 v14, v15  }
0x4e6: {  	v14 =	vmul.f32 $1.442695020e+00, v14  }
0x4e7: {  	v13 =	vmax.f32 v13, v16  }
0x4e8: {  	v13 =	vmul.f32 $1.442695020e+00, v13;
	(erf) = vpow2.f32 v14;
	_ =	sdelay $0x1  }
0x4e9: {  	(erf) = vpow2.f32 v13;
	_ =	sdelay $0x1  }
0x4ea: {  	v56 =	vld.idx.msk [tilespmem:v7+s2+$0x0], $0xffff  }
0x4eb: {  	v58 =	vld.idx.msk [tilespmem:v8+s2+$0x0], $0xffff;
	v57 =	vpop (erf)  }
0x4ec: {  	[tilespmem:v1+s10+$0x0] =	vst.idx.add.f32.msk $0xffff, v17;
	v12 =	vmul.f32 v57, v12  }
0x4ed: {  	[tilespmem:v1+s20+$0x0] =	vst.idx.add.f32.msk $0xffff, v11;
	v59 =	vpop (erf)  }
0x4ee: {  	v1 =	vmul.f32 v59, v10;
	[tilespmem:v3+s9+$0x0] =	vst.idx.add.f32.msk $0xffff, v12  }
0x4ef: {  	v5 =	vld.idx.msk [tilespmem:v5+s3+$0x0], $0xffff;
	v60 =	vpop (erf)  }
0x4f0: {  	[tilespmem:v2+s9+$0x0] =	vst.idx.add.f32.msk $0xffff, v1;
	v1 =	vmul.f32 v60, v58  }
0x4f1: {  	v4 =	vld.idx.msk [tilespmem:v4+s3+$0x0], $0xffff;
	v61 =	vpop (erf)  }
0x4f2: {  	v62 =	vmul.f32 v61, v56;
	[tilespmem:v6+s9+$0x0] =	vst.idx.add.f32.msk $0xffff, v1  }
0x4f3: {  	v1 =	vld.idx.msk [tilespmem:v8+s3+$0x0], $0xffff  }
0x4f4: {  	v5 =	vmul.f32 v57, v5;
	[tilespmem:v9+s9+$0x0] =	vst.idx.add.f32.msk $0xffff, v62  }
0x4f5: {  	v63 =	vld.idx.msk [tilespmem:v7+s3+$0x0], $0xffff  }
0x4f6: {  	v4 =	vmul.f32 v59, v4;
	[tilespmem:v3+s10+$0x0] =	vst.idx.add.f32.msk $0xffff, v5  }
0x4f7: {  	[tilespmem:v3+s20+$0x0] =	vst.idx.add.f32.msk $0xffff, v57  }
0x4f8: {  	[tilespmem:v2+s10+$0x0] =	vst.idx.add.f32.msk $0xffff, v4;
	v1 =	vmul.f32 v60, v1  }
0x4f9: {  	[tilespmem:v2+s20+$0x0] =	vst.idx.add.f32.msk $0xffff, v59  }
0x4fa: {  	[tilespmem:v6+s10+$0x0] =	vst.idx.add.f32.msk $0xffff, v1;
	v1 =	vmul.f32 v61, v63  }
0x4fb: {  	[tilespmem:v6+s20+$0x0] =	vst.idx.add.f32.msk $0xffff, v60  }
0x4fc: {  	[tilespmem:v9+s10+$0x0] =	vst.idx.add.f32.msk $0xffff, v1  }
0x4fd: {  	[tilespmem:v9+s20+$0x0] =	vst.idx.add.f32.msk $0xffff, v61  }
0x4fe: {  	s5 =	simm.s32 $0x80;
	s12 =	simm.s32 $0x400;
	s0 =	rddreg [dreg:$0xd]  }
0x4ff: {  	[hbm4b:s0+s5] =	stream.strided.scatter [tilespmem:s9], [sflag:$0x5], $0x2800, s12, s5, $0x38;
	[tilespmem:$0x1A800] =	vst v63  }
0x500: {  	_ =	swait.ge [sflag:s30], $0x2800  }
0x501: {  	[sflag:s30] =	ssyncset.done $0x0  }
.Ltmp20:
0x502: {  	s28 =	rddreg [dreg:$0xe];
	[sflag:s30] =	ssyncadd.s32 $0xFFFFD800;
	(pc) =	sbr.rel @p1 .LBB2_36-.Ltmp20, $4  }
0x503: {  	[hbm4b:s28+s5] =	stream.strided.scatter [tilespmem:s10], [sflag:$0x5], $0x2800, s12, s5, $0x38;
	[tilespmem:$0x1A800] =	vst v63  }
0x504: {  	_ =	swait.ge [sflag:s30], $0x2800  }
0x505: {  	[sflag:s30] =	ssyncset.done $0x0  }
0x506: {  	s8 =	rddreg [dreg:$0x14];
	[sflag:s30] =	ssyncadd.s32 $0xFFFFD800  }
.Ltmp21:
0x507: {  	(pc) =	sbr.rel .LBB2_35-.Ltmp21, $3  }
0x508: {  	_ =	sdelay $0x1  }
0x509: {  	s0 =	rddreg [dreg:$0x12]  }
0x50a: {  	[hbm4b:s0+s2] =	stream.linear.scatter [tilespmem:s20], [sflag:$0x5], $0x2800, $0x38;
	[tilespmem:$0x1A800] =	vst v63  }
.LBB2_37:
0x50b: {  	_ =	sfence.sel $0x180000  }
0x50c: {  	[bflag:$0x0] =	sbarrier.arrive $0xFFFF  }
0x50d: {  	_ =	strace $0x9000004A  }
0x50e: {  	s0 =	stileid.u32;
	[bflag:$0x2] =	sbarrier.arrive $0xFFFF  }
0x50f: {  	p0 =	sne.s32 s0, $0x0;
	s0 =	rddreg [dreg:$0x2]  }
0x510: {  	s0 =	sadd.s32 @!p0 $0x100000, s0  }
0x511: {  	[sflag:s0] =	ssyncadd.tile.s32 @!p0 $0x1;
	_ =	shalt  }
.Lfunc_end2:
_tile_overlayer_lowered:
.L_overlay_start_2:
0x512: {  	(tag) =	ssettag $0x2  }
0x513: {  	s0 =	rddreg [dreg:$0x0];
	s2 =	stileid.u32  }
0x514: {  	s1 =	rddreg [dreg:$0x1];
	p0 =	sne.s32 s2, $0x0  }
0x515: {  	s3 =	rddreg [dreg:$0x2];
	[bflag:$0x3] =	sbarrier.arrive $0xFFFF;
	s2 =	simm.s32 @!p0 $0x1C05  }
0x516: {  	[timem:s3], [sflag:s2] =	dma.local @!p0 [hbm:s0], s1  }
0x517: {  	s0 =	simm.s32 @!p0 $0x5  }
0x518: {  	_ =	swait.ge @!p0 [sflag:s0], s1  }
0x519: {  	s1 =	ssub.s32 @!p0 $0x0, s1;
	[sflag:s0] =	ssyncset.done @!p0 $0x0  }
0x51a: {  	[sflag:s0] =	ssyncadd.s32 @!p0 s1  }
0x51b: {  	[bflag:$0x3] =	sbarrier.arrive $0xFFFF  }
0x51c: {  	_ =	shalt  }

// kernel: kernel.7.cloned.1.call-start
scs
__scs_entry_jumppad:
0x0: {  	(pc) =	sbr.rel $0x88, $3  }
0x1: {  	(tag) =	ssettag $0x0;
	lr =	simm.s32 $0x1  }
0x2: {  	[smem:$0x3F97] =	sst lr;
	_ =	strace $0xD0000000  }
0x3: {  	_ = 	snop  }
0x4: {  	_ = 	snop  }
0x5: {  	_ = 	snop  }
0x6: {  	_ = 	snop  }
0x7: {  	_ = 	snop  }
__scs_overlays_trampoline_lowered:
0x8: {  	[smem:$0x3FA6] =	sst s0  }
0x9: {  	[smem:$0x3FA7] =	sst s1  }
0xa: {  	[smem:$0x3FA8] =	sst s2  }
0xb: {  	[smem:$0x3FA9] =	sst s3  }
0xc: {  	[smem:$0x3FAA] =	sst s4  }
0xd: {  	[smem:$0x3FAB] =	sst s5  }
0xe: {  	[smem:$0x3FAC] =	sst s6  }
0xf: {  	[smem:$0x3FAD] =	sst s7  }
0x10: {  	[smem:$0x3FAE] =	sst s8  }
0x11: {  	[smem:$0x3FAF] =	sst s9;
	s0 =	simm.s32 @!p0 $0x0  }
0x12: {  	s1 =	sld [smem:$0x3F95];
	s0 =	simm.s32 @p0 $0x1  }
0x13: {  	[smem:$0x3FB0] =	sst s0;
	s0 =	simm.s32 @!p1 $0x0  }
0x14: {  	s2 =	sld [smem:$0x3F94];
	s0 =	simm.s32 @p1 $0x1  }
0x15: {  	[smem:$0x3FB1] =	sst s0;
	s0 =	simm.s32 @!p2 $0x0  }
0x16: {  	s3 =	sld [smem:$0x3FDB];
	s0 =	simm.s32 @p2 $0x1  }
0x17: {  	s4 =	simm.s32 $0x1BF5;
	[smem:$0x3FB3] =	sst s0  }
0x18: {  	s0 =	sld [smem:$0x3F96];
	_ =	swait.ge [sflag:s4], $0x0  }
0x19: {  	s7 =	sld [smem:$0x3F97]  }
0x1a: {  	s8 =	sadd.s32 $0xFFFFE003, lr  }
0x1b: {  	s9 =	sadd.s32 $0xFFFFFEF7, lr;
	s5 =	simm.s32 $0xFFFFFFFF;
	p2 =	slt.u32 s8, $0xFFFFF086  }
0x1c: {  	p1 =	slt.u32 s9, $0xF7A;
	s5 =	simm.s32 @!p2 $0x0  }
0x1d: {  	s5 =	simm.s32 @p1 $0x1;
	p0 =	seq.s32 s7, s2  }
0x1e: {  	s7 =	smul.u32 @!p0 $0xF7A, s2;
	p2 =	seq.s32 @!p0 s5, $0x0  }
0x1f: {  	s9 =	smul.u32 $0xF7A, s1;
	s8 =	simm.s32 @!p0 $0x1BF5;
	p2 =	por !p2, p0  }
0x20: {  	[sflag:s8] =	ssyncset.s32 @!p0 $0xFFFFF086;
	s6 =	sadd.s32 @!p0 s3, s7;
	s7 =	simm.s32 @!p0 $0x108  }
0x21: {  	s3 =	sadd.s32 s3, s9;
	s6 =	sadd.s32 @!p0 $0x88, s6;
	s7 =	simm.s32 @p2 $0x1082  }
0x22: {  	[simem:s7], [sflag:s8] =	dma.local @!p0 [hbm:s6], $0xF7A  }
0x23: {  	s9 =	sor.u32 $0xD0000000, s2;
	s6 =	simm.s32 $0x108;
	_ =	swait.ge @!p0 [sflag:s8], $0x0  }
0x24: {  	s3 =	sadd.s32 $0x88, s3;
	s6 =	simm.s32 @!p1 $0x1082;
	[sflag:s4] =	ssyncset.s32 $0xFFFFF086  }
0x25: {  	[simem:s6], [sflag:s4] =	dma.local [hbm:s3], $0xF7A  }
0x26: {  	[smem:$0x3F97] =	sst s1;
	(tag) =	ssettag s2;
	_ =	strace s9  }
0x27: {  	s1 =	sld [smem:$0x3FA7]  }
0x28: {  	s2 =	sld [smem:$0x3FA8]  }
0x29: {  	s4 =	sld [smem:$0x3FAA]  }
0x2a: {  	p0 =	seq.s32 s5, $0x0;
	s5 =	sld [smem:$0x3FAB]  }
0x2b: {  	s6 =	sld [smem:$0x3FAC]  }
0x2c: {  	s7 =	sld [smem:$0x3FAD]  }
0x2d: {  	s3 =	simm.s32 $0x108;
	s8 =	sld [smem:$0x3FAE]  }
0x2e: {  	s3 =	simm.s32 @!p0 $0x1082;
	s9 =	sld [smem:$0x3FAF]  }
0x2f: {  	lr =	sadd.s32 s0, s3;
	s0 =	sld [smem:$0x3FA6]  }
0x30: {  	s3 =	sld [smem:$0x3FA9]  }
0x31: {  	[smem:$0x3FB2] =	sst s10  }
0x32: {  	s10 =	sld [smem:$0x3FB0];
	_ =	sdelay $0x3  }
0x33: {  	p0 =	seq.s32 s10, $0x1;
	s10 =	sld [smem:$0x3FB2];
	_ =	sdelay $0x3  }
0x34: {  	[smem:$0x3FB2] =	sst s10  }
0x35: {  	s10 =	sld [smem:$0x3FB1];
	_ =	sdelay $0x3  }
0x36: {  	p1 =	seq.s32 s10, $0x1;
	s10 =	sld [smem:$0x3FB2];
	_ =	sdelay $0x3  }
0x37: {  	[smem:$0x3FB2] =	sst s10  }
0x38: {  	s10 =	sld [smem:$0x3FB3]  }
0x39: {  	_ = 	snop;
	(pc) =	sbr.ind lr, $3  }
0x3a: {  	_ = 	snop  }
0x3b: {  	_ = 	snop  }
0x3c: {  	p2 =	seq.s32 s10, $0x1;
	s10 =	sld [smem:$0x3FB2]  }
0x3d: {  	_ =	shalt  }
0x3e: {  	_ =	shalt  }
0x3f: {  	_ =	shalt  }
0x40: {  	_ =	shalt  }
0x41: {  	_ =	shalt  }
0x42: {  	_ =	shalt  }
0x43: {  	_ =	shalt  }
0x44: {  	_ =	shalt  }
0x45: {  	_ =	shalt  }
0x46: {  	_ =	shalt  }
0x47: {  	_ =	shalt  }
0x48: {  	_ =	shalt  }
0x49: {  	_ =	shalt  }
0x4a: {  	_ =	shalt  }
0x4b: {  	_ =	shalt  }
0x4c: {  	_ =	shalt  }
0x4d: {  	_ =	shalt  }
0x4e: {  	_ =	shalt  }
0x4f: {  	_ =	shalt  }
0x50: {  	_ =	shalt  }
0x51: {  	_ =	shalt  }
0x52: {  	_ =	shalt  }
0x53: {  	_ =	shalt  }
0x54: {  	_ =	shalt  }
0x55: {  	_ =	shalt  }
0x56: {  	_ =	shalt  }
0x57: {  	_ =	shalt  }
0x58: {  	_ =	shalt  }
0x59: {  	_ =	shalt  }
0x5a: {  	_ =	shalt  }
0x5b: {  	_ =	shalt  }
0x5c: {  	_ =	shalt  }
0x5d: {  	_ =	shalt  }
0x5e: {  	_ =	shalt  }
0x5f: {  	_ =	shalt  }
0x60: {  	_ =	shalt  }
0x61: {  	_ =	shalt  }
0x62: {  	_ =	shalt  }
0x63: {  	_ =	shalt  }
0x64: {  	_ =	shalt  }
0x65: {  	_ =	shalt  }
0x66: {  	_ =	shalt  }
0x67: {  	_ =	shalt  }
0x68: {  	_ =	shalt  }
0x69: {  	_ =	shalt  }
0x6a: {  	_ =	shalt  }
0x6b: {  	_ =	shalt  }
0x6c: {  	_ =	shalt  }
0x6d: {  	_ =	shalt  }
0x6e: {  	_ =	shalt  }
0x6f: {  	_ =	shalt  }
0x70: {  	_ =	shalt  }
0x71: {  	_ =	shalt  }
0x72: {  	_ =	shalt  }
0x73: {  	_ =	shalt  }
0x74: {  	_ =	shalt  }
0x75: {  	_ =	shalt  }
0x76: {  	_ =	shalt  }
0x77: {  	_ =	shalt  }
0x78: {  	_ =	shalt  }
0x79: {  	_ =	shalt  }
0x7a: {  	_ =	shalt  }
0x7b: {  	_ =	shalt  }
0x7c: {  	_ =	shalt  }
0x7d: {  	_ =	shalt  }
0x7e: {  	_ =	shalt  }
0x7f: {  	_ =	shalt  }
0x80: {  	_ =	shalt  }
0x81: {  	_ =	shalt  }
0x82: {  	_ =	shalt  }
0x83: {  	_ =	shalt  }
0x84: {  	_ =	shalt  }
0x85: {  	_ =	shalt  }
0x86: {  	_ =	shalt  }
0x87: {  	_ =	shalt  }
.Lfunc_end0:
.L_simem_size_0:
called_computation_lowered:
.L_overlay_start_0:
0x88: {  	s2 =	sld [smem:$0x3FD9]  }
0x89: {  	s3 =	sld [smem:$0x3FFE];
	_ =	sdelay $0x1  }
0x8a: {  	s1 =	srdreg.scid  }
0x8b: {  	s0 =	sand.u32 $0x1, s1  }
0x8c: {  	s17 =	sshll.u32 s0, $0xA;
	s2 =	sadd.s32 s3, s2  }
0x8d: {  	s2 =	sadd.s32 s2, s17  }
0x8e: {  	[smem:$0x3FBE] =	sst s2  }
0x8f: {  	_ = 	snop  }
0x90: {  	s2 =	sld [smem:$0x3FD0];
	(tm) =	ssettm $0x1  }
0x91: {  	s18 =	sld [smem:$0x3FFB];
	_ =	sdelay $0x3  }
0x92: {  	_ =	strace s18  }
0x93: {  	s3 =	sld [smem:$0x3FFC];
	_ =	sdelay $0x3  }
0x94: {  	_ =	strace s3  }
0x95: {  	s3 =	sld [smem:$0x3FFD];
	_ =	sdelay $0x3  }
0x96: {  	_ =	strace s3  }
0x97: {  	_ =	strace $0x8FFFFFFF  }
0x98: {  	s19 =	sld [smem:$0x3FDB];
	_ =	sdelay $0x1  }
0x99: {  	s4 =	simm.s32 $_scs_section_size  }
0x9a: {  	s5 =	simm.s32 $_size__tile_overlayer_lowered;
	s6 =	simm.s32 $_tile_overlayer_lowered  }
0x9b: {  	s22 =	simm.s32 $0x1BFF;
	s21 =	sshll.u32 s6, $0x1;
	s3 =	sadd.s32 s4, s19  }
0x9c: {  	s7 =	simm.s32 $0x0;
	s20 =	sshll.u32 s5, $0x1;
	s5 =	sadd.s32 s21, s3  }
0x9d: {  	[timem:s7], [sflag:s22] =	dma.local [hbm:s5], s20  }
0x9e: {  	_ =	swait.ge [sflag:s22], s20  }
0x9f: {  	s4 =	ssub.s32 $0x0, s20;
	[sflag:s22] =	ssyncset.done $0x0  }
0xa0: {  	[sflag:s22] =	ssyncadd.s32 s4;
	_ =	sdelay $0x1  }
0xa1: {  	s23 =	simm.s32 $0x1B8B  }
0xa2: {  	_ =	swait.ge [sflag:s23], $0x1  }
0xa3: {  	[sflag:s23] =	ssyncset.done $0x0  }
0xa4: {  	s25 =	simm.s32 $0x1B8E;
	s24 =	sld [smem:$0x3FFE];
	[sflag:s23] =	ssyncadd.s32 $0xFFFFFFFF  }
0xa5: {  	s26 =	simm.s32 $execute0_lowered;
	[smem:$0x3FD2] =	sst s25  }
0xa6: {  	s5 =	sshll.u32 s26, $0x1;
	_ =	strace $0x80000046;
	[dreg:$0x1] =	wrdreg $0xFFFFFFFF  }
0xa7: {  	s28 =	simm.s32 $_size_execute0_lowered;
	s3 =	sadd.s32 s3, s5;
	[dreg:$0x0] =	wrdreg $0x0  }
0xa8: {  	s5 =	sshll.u32 s28, $0x1;
	[dreg:$0x2] =	wrdreg s3  }
0xa9: {  	[dreg:$0x3] =	wrdreg s5  }
0xaa: {  	[dreg:$0x4] =	wrdreg $0xC0  }
0xab: {  	_ =	task [dreg:s7], $0x5FFFF  }
0xac: {  	[dreg:$0x1] =	wrdreg $0xFFFFFFFF  }
0xad: {  	[dreg:$0x0] =	wrdreg $0x60  }
0xae: {  	[dreg:$0x2] =	wrdreg s24  }
0xaf: {  	[dreg:$0x3] =	wrdreg s2  }
0xb0: {  	[dreg:$0x4] =	wrdreg $0x9  }
0xb1: {  	_ =	task.clear_ibuf [dreg:s7], $0x5FFFF;
	_ =	strace $0x90000046  }
0xb2: {  	s29 =	simm.s32 $0x9;
	_ =	strace $0x80000048  }
0xb3: {  	_ =	swait.ge [sflag:s29], $0x1  }
0xb4: {  	[sflag:s29] =	ssyncadd.s32 $0xFFFFFFFF  }
0xb5: {  	_ =	strace $0x90000048  }
0xb6: {  	_ =	sfence  }
0xb7: {  	s30 =	sld [smem:$0x0];
	_ =	sdelay $0x2  }
0xb8: {  	s31 =	sshll.u32 s1, $0xD;
	s1 =	sshrl.u32 s1, $0x2  }
0xb9: {  	s3 =	sand.u32 $0x4000, s31;
	s1 =	sadd.s32 s1, s30  }
0xba: {  	s0 =	sor.u32 s3, s0;
	s1 =	sshll.u32 s1, $0x11  }
0xbb: {  	s0 =	sor.u32 s1, s0  }
0xbc: {  	s0 =	sadd.s32 $0x8F2B, s0  }
0xbd: {  	[sflag:s0] =	ssyncadd.remote.s32 $0x1  }
0xbe: {  	_ =	sfence.sel $0xFFFF  }
0xbf: {  	[dreg:$0x0] =	wrdreg $0xFFFFFFFF;
	(pc) =	sbr.abs _section_cstart, $3  }
0xc0: {  	[dreg:$0x1] =	wrdreg $0xFFFFFFFF  }
0xc1: {  	_ =	task.clear_ibuf [dreg:s7], $0x2FFFF;
	_ =	strace $0x9FFFFFFF  }
0xc2: {  	(tm) =	ssettm $0x7FFFFFFF  }
0xc3: {  	_ =	shalt  }
tec
execute0_lowered:
.L_overlay_start_1:
0x0: {  	(tag) =	ssettag $0x1  }
0x1: {  	s1 =	rddreg [dreg:$0x0]  }
0x2: {  	s0 =	rddreg [dreg:$0x1]  }
0x3: {  	s2 =	simm.s32 $0x0;
	s17 =	stileid.u32;
	s6 =	srdreg.scid  }
0x4: {  	s28 =	simm.s32 $0x2800;
	s29 =	simm.s32 $0x5000;
	s30 =	simm.s32 $0x7800  }
0x5: {  	s31 =	simm.s32 $0x14000;
	[smem:$0x7FF] =	sst s2;
	s3 =	sadd.s32 $0x3800, s1  }
0x6: {  	s4 =	sadd.s32 $0x17C00, s1;
	s5 =	sshll.u32 s17, $0x3;
	s6 =	sand.u32 $0x1, s6  }
0x7: {  	s7 =	sshrl.u32 s17, $0x1;
	s9 =	sshll.u32 s17, $0x9;
	s11 =	sand.u32 $0x1, s17  }
0x8: {  	_ =	strace $0x80000047;
	s5 =	sand.u32 $0x70, s5;
	s7 =	smul.u32 $0x14000, s7  }
0x9: {  	s8 =	ssub.s32 $0x2, s6;
	s9 =	sand.u32 $0x200, s9;
	s21 =	smul.u32 $0xA200, s6  }
0xa: {  	s24 =	smul.u32 $0xA0000, s6;
	p0 =	sne.s32 s11, $0x0;
	s11 =	simm.s32 $0x2  }
0xb: {  	s5 =	sadd.s32 s5, s1;
	s10 =	sshrl.u32 s8, $0x1;
	s1 =	sadd.s32 $0x30C00, s1  }
0xc: {  	s12 =	sor.u32 $0x80, s9;
	s13 =	sor.u32 $0x100, s9;
	s8 =	ssub.s32 s8, s10  }
0xd: {  	s15 =	sor.u32 s9, s7;
	s16 =	sor.u32 s7, s12;
	s22 =	sadd.s32 $0x2BC00, s5  }
0xe: {  	s14 =	sor.u32 s7, s13;
	s5 =	sadd.s32 $0x2E400, s5;
	[dreg:$0x7] =	wrdreg s22  }
0xf: {  	s25 =	sadd.s32 s3, s21;
	s10 =	sshrl.u32 s15, $0x3;
	[dreg:$0x8] =	wrdreg s5  }
0x10: {  	s15 =	sor.u32 $0x180, s9;
	s18 =	sshrl.u32 s14, $0x3;
	[dreg:$0x9] =	wrdreg s25  }
0x11: {  	s10 =	sadd.s32 s4, s10;
	s19 =	sor.u32 s7, s15;
	s7 =	sadd.s32 s24, s7  }
0x12: {  	[dreg:$0x3] =	wrdreg s10;
	s10 =	sshrl.u32 s16, $0x3;
	s16 =	smul.u32 $0x51000, s6  }
0x13: {  	s20 =	sshrl.u32 s19, $0x3;
	s19 =	sor.u32 s9, s7;
	s6 =	smul.u32 $0x14000, s6  }
0x14: {  	s21 =	sor.u32 s13, s7;
	s9 =	simm.s32 $0x11800;
	s10 =	sadd.s32 s4, s10  }
0x15: {  	s13 =	simm.s32 $0x4;
	[dreg:$0x4] =	wrdreg s10;
	s10 =	sadd.s32 s4, s18  }
0x16: {  	s4 =	sadd.s32 s4, s20;
	s23 =	sshrl.u32 s16, $0x3;
	s20 =	sor.u32 s12, s7  }
0x17: {  	s7 =	sor.u32 s15, s7;
	s15 =	sadd.s32 $0x5000, s16;
	[dreg:$0x5] =	wrdreg s10  }
0x18: {  	s12 =	simm.s32 $0x3;
	[dreg:$0x6] =	wrdreg s4;
	s4 =	sshll.u32 s17, $0x6  }
0x19: {  	s26 =	sadd.s32 s3, s23;
	s22 =	sshrl.u32 s20, $0x3;
	s23 =	sshrl.u32 s21, $0x3  }
0x1a: {  	s24 =	sshrl.u32 s7, $0x3;
	s20 =	sadd.s32 $0x6000, s16;
	s21 =	sadd.s32 $0x7000, s16  }
0x1b: {  	s7 =	simm.s32 $0xC800;
	s10 =	simm.s32 $0x19000;
	s14 =	sadd.s32 $0x200, s26  }
0x1c: {  	s18 =	sadd.s32 $0x400, s26;
	s5 =	sadd.s32 $0x600, s26;
	[dreg:$0xa] =	wrdreg s14  }
0x1d: {  	s4 =	sor.u32 s4, s6;
	s26 =	smax.u32 s8, $0x1;
	[dreg:$0xb] =	wrdreg s18  }
0x1e: {  	s6 =	simm.s32 $0xA000;
	s8 =	simm.s32 $0xF000;
	[dreg:$0xc] =	wrdreg s5  }
0x1f: {  	s14 =	sadd.s32 $0x4000, s16;
	s5 =	sshrl.u32 s19, $0x3;
	s25 =	sshrl.u32 s4, $0x3  }
0x20: {  	[dreg:$0x12] =	wrdreg s26;
	s18 =	simm.s32 $0x80;
	s5 =	sadd.s32 s1, s5  }
0x21: {  	s19 =	simm.s32 $0x400;
	s0 =	sadd.s32 s0, s25;
	[dreg:$0xd] =	wrdreg s5  }
0x22: {  	s26 =	simm.s32 $0x1B800;
	s5 =	sadd.s32 s1, s22;
	[dreg:$0x11] =	wrdreg s0  }
0x23: {  	s16 =	simm.s32 $0x0;
	[dreg:$0xe] =	wrdreg s5;
	s5 =	sadd.s32 s1, s23  }
0x24: {  	s22 =	simm.s32 $0x5;
	s1 =	sadd.s32 s1, s24;
	[dreg:$0xf] =	wrdreg s5  }
0x25: {  	v0 =	vimm.f32 $0.0e+00;
	s0 =	simm.s32 $0x16800;
	[dreg:$0x10] =	wrdreg s1;
	s5 =	simm.s32 $0x1  }
.LBB2_1:
0x26: {  	[dreg:$0x13] =	wrdreg s16  }
0x27: {  	s1 =	rddreg [dreg:$0x3]  }
0x28: {  	[tilespmem:s2], [sflag:$0x5] =	stream.strided.gather [hbm4b:s1+s18], $0x2800, s19, s18, $0x38;
	[tilespmem:$0x1F800] =	vst v63  }
0x29: {  	_ =	swait.ge [sflag:s22], $0x2800  }
0x2a: {  	[sflag:s22] =	ssyncset.done $0x0  }
0x2b: {  	s24 =	rddreg [dreg:$0x4];
	[sflag:s22] =	ssyncadd.s32 $0xFFFFD800  }
0x2c: {  	[tilespmem:s28], [sflag:$0x5] =	stream.strided.gather [hbm4b:s24+s18], $0x2800, s19, s18, $0x38;
	[tilespmem:$0x1F800] =	vst v63  }
0x2d: {  	_ =	swait.ge [sflag:s22], $0x2800  }
0x2e: {  	[sflag:s22] =	ssyncset.done $0x0  }
0x2f: {  	s25 =	rddreg [dreg:$0x5];
	[sflag:s22] =	ssyncadd.s32 $0xFFFFD800  }
0x30: {  	[tilespmem:s29], [sflag:$0x5] =	stream.strided.gather [hbm4b:s25+s18], $0x2800, s19, s18, $0x38;
	[tilespmem:$0x1F800] =	vst v63  }
0x31: {  	_ =	swait.ge [sflag:s22], $0x2800  }
0x32: {  	[sflag:s22] =	ssyncset.done $0x0  }
0x33: {  	s4 =	rddreg [dreg:$0x6];
	[sflag:s22] =	ssyncadd.s32 $0xFFFFD800  }
0x34: {  	[tilespmem:s30], [sflag:$0x5] =	stream.strided.gather [hbm4b:s4+s18], $0x2800, s19, s18, $0x38;
	[tilespmem:$0x1F800] =	vst v63  }
0x35: {  	_ =	swait.ge [sflag:s22], $0x2800  }
0x36: {  	[sflag:s22] =	ssyncset.done $0x0  }
0x37: {  	s16 =	rddreg [dreg:$0x7];
	[sflag:s22] =	ssyncadd.s32 $0xFFFFD800  }
0x38: {  	[tilespmem:s31], [sflag:$0x5] =	stream.strided.gather [hbm4b:s16+s18], $0x2800, s19, s18, $0x38;
	[tilespmem:$0x1F800] =	vst v63  }
0x39: {  	_ =	swait.ge [sflag:s22], $0x2800  }
0x3a: {  	[sflag:s22] =	ssyncset.done $0x0  }
0x3b: {  	s17 =	rddreg [dreg:$0x8];
	[sflag:s22] =	ssyncadd.s32 $0xFFFFD800  }
0x3c: {  	[tilespmem:s0], [sflag:$0x5] =	stream.strided.gather [hbm4b:s17+s18], $0x2800, s19, s18, $0x38;
	[tilespmem:$0x1F800] =	vst v63  }
0x3d: {  	_ =	swait.ge [sflag:s22], $0x2800  }
0x3e: {  	[sflag:s22] =	ssyncset.done $0x0  }
0x3f: {  	s19 =	rddreg [dreg:$0x9];
	[sflag:s22] =	ssyncadd.s32 $0xFFFFD800  }
0x40: {  	[tilespmem:s26], [sflag:$0x1] =	stream.linear.gather [hbm4b:s19+s2], $0x1000, $0x38;
	[tilespmem:$0x1F800] =	vst v63  }
0x41: {  	s4 =	simm.s32 $0x1C800;
	s22 =	rddreg [dreg:$0xa]  }
0x42: {  	[tilespmem:s4], [sflag:$0x2] =	stream.linear.gather [hbm4b:s22+s2], $0x1000, $0x38;
	[tilespmem:$0x1F800] =	vst v63  }
0x43: {  	s24 =	simm.s32 $0x1D800;
	s23 =	rddreg [dreg:$0xb]  }
0x44: {  	[tilespmem:s24], [sflag:$0x3] =	stream.linear.gather [hbm4b:s23+s2], $0x1000, $0x38;
	[tilespmem:$0x1F800] =	vst v63  }
0x45: {  	s25 =	rddreg [dreg:$0xc];
	s26 =	simm.s32 $0x1E800;
	s23 =	simm.s32 $0xA040  }
0x46: {  	[tilespmem:s26], [sflag:$0x4] =	stream.linear.gather [hbm4b:s25+s2], $0x1000, $0x38;
	[tilespmem:$0x1F800] =	vst v63  }
0x47: {  	[tilespmem:s23+$0x10] =	vst v0  }
0x48: {  	[tilespmem:s23+$0xFFFFFFF0] =	vst v0  }
0x49: {  	[tilespmem:s23+$0x0] =	vst v0  }
0x4a: {  	[tilespmem:s23+$0x20] =	vst v0  }
0x4b: {  	[tilespmem:s23+$0x30] =	vst v0  }
0x4c: {  	[tilespmem:s23+$0xFFFFFFC0] =	vst v0  }
0x4d: {  	[tilespmem:s23+$0xFFFFFFE0] =	vst v0  }
0x4e: {  	s24 =	simm.s32 $0xC840;
	[tilespmem:s23+$0xFFFFFFD0] =	vst v0  }
0x4f: {  	[tilespmem:s24+$0x30] =	vst v0  }
0x50: {  	[tilespmem:s24+$0xFFFFFFC0] =	vst v0  }
0x51: {  	[tilespmem:s24+$0xFFFFFFD0] =	vst v0  }
0x52: {  	[tilespmem:s24+$0x20] =	vst v0  }
0x53: {  	[tilespmem:s24+$0x0] =	vst v0  }
0x54: {  	s22 =	simm.s32 $0xF040;
	[tilespmem:s24+$0xFFFFFFF0] =	vst v0  }
0x55: {  	[tilespmem:s22+$0x30] =	vst v0  }
0x56: {  	[tilespmem:s22+$0xFFFFFFC0] =	vst v0  }
0x57: {  	[tilespmem:s22+$0xFFFFFFD0] =	vst v0  }
0x58: {  	[tilespmem:s22+$0x20] =	vst v0  }
0x59: {  	s19 =	simm.s32 $0x11840;
	[tilespmem:s22+$0x0] =	vst v0  }
0x5a: {  	[tilespmem:s19+$0x30] =	vst v0  }
0x5b: {  	[tilespmem:s19+$0xFFFFFFC0] =	vst v0  }
0x5c: {  	[tilespmem:s19+$0xFFFFFFD0] =	vst v0  }
0x5d: {  	[tilespmem:s19+$0x20] =	vst v0  }
0x5e: {  	s18 =	simm.s32 $0x19040;
	[tilespmem:s19+$0x0] =	vst v0  }
0x5f: {  	s1 =	simm.s32 $0x190C0;
	s16 =	simm.s32 $0xC840;
	[tilespmem:s18+$0x30] =	vst v0  }
0x60: {  	s4 =	simm.s32 $0x118C0;
	s25 =	simm.s32 $0x0;
	s26 =	simm.s32 $0xF0C0;
	[tilespmem:s18+$0xFFFFFFC0] =	vst v0  }
.LBB2_2:
0x61: {  	s25 =	sadd.s32 $0x80, s25;
	[tilespmem:s18+$0x20] =	vst v0;
	s23 =	sadd.s32 $0x80, s23;
	s24 =	sadd.s32 $0x80, s24  }
0x62: {  	p1 =	slt.u32 s25, $0x2780;
	[tilespmem:s16+$0xFFFFFFE0] =	vst v0  }
0x63: {  	[tilespmem:s18+$0x0] =	vst v0  }
0x64: {  	[tilespmem:s18+$0xFFFFFFD0] =	vst v0  }
0x65: {  	[tilespmem:s16+$0x10] =	vst v0;
	s16 =	smov.u32 s24  }
0x66: {  	[tilespmem:s22+$0xFFFFFFE0] =	vst v0  }
0x67: {  	[tilespmem:s22+$0xFFFFFFF0] =	vst v0  }
0x68: {  	[tilespmem:s22+$0x10] =	vst v0;
	s22 =	smov.u32 s26  }
0x69: {  	[tilespmem:s19+$0xFFFFFFE0] =	vst v0  }
0x6a: {  	[tilespmem:s18+$0xFFFFFFE0] =	vst v0  }
0x6b: {  	[tilespmem:s19+$0xFFFFFFF0] =	vst v0  }
0x6c: {  	[tilespmem:s19+$0x10] =	vst v0;
	s19 =	smov.u32 s4  }
0x6d: {  	[tilespmem:s18+$0x10] =	vst v0  }
0x6e: {  	[tilespmem:s18+$0xFFFFFFF0] =	vst v0;
	s18 =	smov.u32 s1  }
0x6f: {  	[tilespmem:s23+$0x10] =	vst v0  }
0x70: {  	[tilespmem:s23+$0xFFFFFFF0] =	vst v0  }
0x71: {  	[tilespmem:s23+$0x0] =	vst v0  }
0x72: {  	[tilespmem:s23+$0x20] =	vst v0  }
0x73: {  	[tilespmem:s23+$0x30] =	vst v0  }
0x74: {  	[tilespmem:s24+$0x30] =	vst v0  }
0x75: {  	[tilespmem:s26+$0x30] =	vst v0  }
0x76: {  	[tilespmem:s4+$0x30] =	vst v0  }
0x77: {  	[tilespmem:s1+$0x30] =	vst v0  }
0x78: {  	[tilespmem:s23+$0xFFFFFFC0] =	vst v0  }
0x79: {  	[tilespmem:s24+$0xFFFFFFC0] =	vst v0  }
0x7a: {  	[tilespmem:s26+$0xFFFFFFC0] =	vst v0  }
0x7b: {  	[tilespmem:s4+$0xFFFFFFC0] =	vst v0  }
0x7c: {  	[tilespmem:s1+$0xFFFFFFC0] =	vst v0  }
0x7d: {  	[tilespmem:s23+$0xFFFFFFE0] =	vst v0  }
0x7e: {  	[tilespmem:s23+$0xFFFFFFD0] =	vst v0  }
0x7f: {  	[tilespmem:s24+$0xFFFFFFD0] =	vst v0  }
0x80: {  	[tilespmem:s26+$0xFFFFFFD0] =	vst v0  }
0x81: {  	[tilespmem:s4+$0xFFFFFFD0] =	vst v0  }
0x82: {  	[tilespmem:s24+$0x20] =	vst v0  }
0x83: {  	[tilespmem:s26+$0x20] =	vst v0  }
.Ltmp0:
0x84: {  	[tilespmem:s24+$0x0] =	vst v0;
	(pc) =	sbr.rel @p1 .LBB2_2-.Ltmp0, $4  }
0x85: {  	[tilespmem:s4+$0x20] =	vst v0  }
0x86: {  	[tilespmem:s26+$0x0] =	vst v0  }
0x87: {  	s17 =	simm.s32 $0x0;
	[tilespmem:s24+$0xFFFFFFF0] =	vst v0  }
0x88: {  	s1 =	sadd.s32 $0x80, s1;
	s4 =	sadd.s32 $0x80, s4;
	s26 =	sadd.s32 $0x80, s26;
	[tilespmem:s19+$0x0] =	vst v0  }
0x89: {  	[tilespmem:s18+$0x20] =	vst v0  }
0x8a: {  	[tilespmem:s16+$0xFFFFFFE0] =	vst v0  }
0x8b: {  	[tilespmem:s18+$0x0] =	vst v0  }
0x8c: {  	[tilespmem:s18+$0xFFFFFFD0] =	vst v0  }
0x8d: {  	[tilespmem:s16+$0x10] =	vst v0  }
0x8e: {  	[tilespmem:s22+$0xFFFFFFF0] =	vst v0  }
0x8f: {  	[tilespmem:s22+$0xFFFFFFE0] =	vst v0  }
0x90: {  	[tilespmem:s22+$0x10] =	vst v0  }
0x91: {  	[tilespmem:s19+$0xFFFFFFF0] =	vst v0  }
0x92: {  	[tilespmem:s19+$0xFFFFFFE0] =	vst v0  }
0x93: {  	[tilespmem:s19+$0x10] =	vst v0  }
0x94: {  	[tilespmem:s18+$0xFFFFFFF0] =	vst v0  }
0x95: {  	[tilespmem:s18+$0xFFFFFFE0] =	vst v0  }
0x96: {  	s26 =	simm.s32 $0x1B800;
	[tilespmem:s18+$0x10] =	vst v0;
	s18 =	simm.s32 $0x0  }
.LBB2_4:
0x97: {  	s1 =	simm.s32 $0x0  }
0x98: {  	_ =	swait.ge [sflag:s5], $0x1000;
	s4 =	sand.u32 $0xF00, s17;
	s1 =	sand.u32 $0x60, s1  }
0x99: {  	[sflag:s5] =	ssyncset.done $0x0;
	s1 =	sor.u32 s1, s4  }
0x9a: {  	[sflag:s5] =	ssyncadd.s32 $0xFFFFF000;
	s4 =	sadd.s32 $0x1B800, s1  }
0x9b: {  	v4 =	vld [tilespmem:s4+$0x10]  }
0x9c: {  	v8 =	vld [tilespmem:s4+$0x90];
	_ =	sdelay $0x6  }
0x9d: {  	v1 =	vld.idx.msk [tilespmem:v4+s31+$0x0], $0xffff  }
0x9e: {  	v3 =	vld.idx.msk [tilespmem:v8+s0+$0x0], $0xffff  }
0x9f: {  	v13 =	vld [tilespmem:s1+$0x1B800]  }
0xa0: {  	v2 =	vld [tilespmem:s4+$0x80];
	_ =	sdelay $0x2  }
0xa1: {  	v1 =	vadd.f32 v3, v1;
	_ =	sdelay $0x1  }
0xa2: {  	s24 =	simm.s32 $0x20;
	s25 =	simm.s32 $0x40;
	v3 =	vmul.f32 $2.000000030e-01, v1  }
0xa3: {  	s1 =	sand.u32 $0x60, s24;
	s4 =	sand.u32 $0xF00, s25  }
0xa4: {  	s1 =	sor.u32 s1, s4;
	v5 =	vld.idx.msk [tilespmem:v13+s31+$0x0], $0xffff;
	v1 =	vmax.f32 v1, v3  }
0xa5: {  	s4 =	sadd.s32 $0x1B800, s1;
	v3 =	vld.idx.msk [tilespmem:v2+s0+$0x0], $0xffff;
	v1 =	vmul.f32 $1.442695020e+00, v1  }
0xa6: {  	v10 =	vld [tilespmem:s4+$0x10]  }
0xa7: {  	(erf) = vpow2.f32 v1;
	_ =	sdelay $0x1  }
0xa8: {  	v14 =	vld [tilespmem:s4+$0x90]  }
0xa9: {  	v1 =	vadd.f32 v3, v5;
	_ =	sdelay $0x1  }
0xaa: {  	v5 =	vld.idx.msk [tilespmem:v4+s2+$0x0], $0xffff;
	v3 =	vmul.f32 $2.000000030e-01, v1;
	_ =	sdelay $0x1  }
0xab: {  	v7 =	vld.idx.msk [tilespmem:v10+s31+$0x0], $0xffff;
	v1 =	vmax.f32 v1, v3  }
0xac: {  	v3 =	vld [tilespmem:s1+$0x1B800];
	v6 =	vmul.f32 $1.442695020e+00, v1  }
0xad: {  	v1 =	vld [tilespmem:s4+$0x80];
	v9 =	vpop (erf)  }
0xae: {  	(erf) = vpow2.f32 v6;
	v6 =	vld.idx.msk [tilespmem:v14+s0+$0x0], $0xffff;
	v5 =	vmul.f32 v9, v5;
	_ =	sdelay $0x1  }
0xaf: {  	[tilespmem:v8+s6+$0x0] =	vst.idx.add.f32.msk $0xffff, v5  }
0xb0: {  	v5 =	vld.idx.msk [tilespmem:v4+s28+$0x0], $0xffff;
	_ =	sdelay $0x1  }
0xb1: {  	s16 =	simm.s32 $0x40;
	s19 =	simm.s32 $0x80;
	v11 =	vld.idx.msk [tilespmem:v13+s2+$0x0], $0xffff;
	v7 =	vadd.f32 v6, v7  }
0xb2: {  	s1 =	sand.u32 $0x60, s16;
	s4 =	sand.u32 $0xF00, s19;
	v12 =	vld.idx.msk [tilespmem:v3+s31+$0x0], $0xffff  }
0xb3: {  	s1 =	sor.u32 s1, s4;
	v15 =	vld.idx.msk [tilespmem:v1+s0+$0x0], $0xffff;
	v16 =	vmul.f32 $2.000000030e-01, v7  }
0xb4: {  	s4 =	sadd.s32 $0x1B800, s1;
	v5 =	vmul.f32 v9, v5  }
0xb5: {  	v6 =	vpop (erf);
	v7 =	vmax.f32 v7, v16;
	v16 =	vld [tilespmem:s4+$0x10]  }
0xb6: {  	v11 =	vmul.f32 v6, v11;
	[tilespmem:v8+s7+$0x0] =	vst.idx.add.f32.msk $0xffff, v5  }
0xb7: {  	v5 =	vmul.f32 $1.442695020e+00, v7;
	v7 =	vld.idx.msk [tilespmem:v4+s29+$0x0], $0xffff  }
0xb8: {  	[tilespmem:v2+s6+$0x0] =	vst.idx.add.f32.msk $0xffff, v11;
	v11 =	vadd.f32 v15, v12  }
0xb9: {  	v19 =	vld [tilespmem:s4+$0x90];
	(erf) = vpow2.f32 v5  }
0xba: {  	v12 =	vld.idx.msk [tilespmem:v13+s28+$0x0], $0xffff;
	v5 =	vmul.f32 $2.000000030e-01, v11  }
0xbb: {  	v17 =	vld.idx.msk [tilespmem:v3+s2+$0x0], $0xffff  }
0xbc: {  	v11 =	vmax.f32 v11, v5;
	v5 =	vld [tilespmem:s1+$0x1B800];
	v7 =	vmul.f32 v7, v9  }
0xbd: {  	v15 =	vld.idx.msk [tilespmem:v10+s2+$0x0], $0xffff  }
0xbe: {  	v11 =	vmul.f32 $1.442695020e+00, v11;
	[tilespmem:v8+s8+$0x0] =	vst.idx.add.f32.msk $0xffff, v7  }
0xbf: {  	v7 =	vmul.f32 v6, v12;
	v12 =	vld.idx.msk [tilespmem:v16+s31+$0x0], $0xffff  }
0xc0: {  	(erf) = vpow2.f32 v11;
	v11 =	vld.idx.msk [tilespmem:v4+s30+$0x0], $0xffff  }
0xc1: {  	v4 =	vld [tilespmem:s4+$0x80]  }
0xc2: {  	[tilespmem:v2+s7+$0x0] =	vst.idx.add.f32.msk $0xffff, v7;
	v18 =	vpop (erf)  }
0xc3: {  	v7 =	vmul.f32 v18, v15;
	v15 =	vld.idx.msk [tilespmem:v19+s0+$0x0], $0xffff  }
0xc4: {  	v20 =	vld.idx.msk [tilespmem:v5+s31+$0x0], $0xffff  }
0xc5: {  	[tilespmem:v14+s6+$0x0] =	vst.idx.add.f32.msk $0xffff, v7;
	v7 =	vmul.f32 v11, v9  }
0xc6: {  	v11 =	vld.idx.msk [tilespmem:v10+s28+$0x0], $0xffff  }
0xc7: {  	[tilespmem:v8+s9+$0x0] =	vst.idx.add.f32.msk $0xffff, v7  }
0xc8: {  	[tilespmem:v8+s10+$0x0] =	vst.idx.add.f32.msk $0xffff, v9  }
0xc9: {  	v8 =	vadd.f32 v15, v12;
	v12 =	vld.idx.msk [tilespmem:v4+s0+$0x0], $0xffff  }
0xca: {  	v7 =	vpop (erf)  }
0xcb: {  	v22 =	vld.idx.msk [tilespmem:v16+s2+$0x0], $0xffff;
	v9 =	vmul.f32 v7, v17;
	v17 =	vmul.f32 $2.000000030e-01, v8  }
0xcc: {  	v15 =	vld.idx.msk [tilespmem:v5+s2+$0x0], $0xffff;
	v11 =	vmul.f32 v18, v11  }
0xcd: {  	s22 =	simm.s32 $0x60;
	s23 =	simm.s32 $0xC0;
	[tilespmem:v1+s6+$0x0] =	vst.idx.add.f32.msk $0xffff, v9;
	v8 =	vmax.f32 v8, v17  }
0xce: {  	s1 =	sand.u32 $0x60, s22;
	s4 =	sand.u32 $0xF00, s23;
	[tilespmem:v14+s7+$0x0] =	vst.idx.add.f32.msk $0xffff, v11;
	v8 =	vmul.f32 $1.442695020e+00, v8;
	v11 =	vadd.f32 v12, v20  }
0xcf: {  	s1 =	sor.u32 s1, s4;
	v17 =	vld.idx.msk [tilespmem:v10+s29+$0x0], $0xffff  }
0xd0: {  	v9 =	vld [tilespmem:s1+$0x1B800];
	(erf) = vpow2.f32 v8;
	v8 =	vmul.f32 $2.000000030e-01, v11  }
0xd1: {  	s4 =	sadd.s32 $0x1B800, s1;
	v20 =	vld.idx.msk [tilespmem:v13+s29+$0x0], $0xffff  }
0xd2: {  	v12 =	vld [tilespmem:s4+$0x10];
	v8 =	vmax.f32 v11, v8  }
0xd3: {  	v21 =	vld.idx.msk [tilespmem:v3+s28+$0x0], $0xffff;
	v8 =	vmul.f32 $1.442695020e+00, v8  }
0xd4: {  	v11 =	vld [tilespmem:s4+$0x90];
	v17 =	vmul.f32 v17, v18  }
0xd5: {  	(erf) = vpow2.f32 v8;
	v8 =	vld [tilespmem:s4+$0x80]  }
0xd6: {  	[tilespmem:v14+s8+$0x0] =	vst.idx.add.f32.msk $0xffff, v17  }
0xd7: {  	v20 =	vmul.f32 v20, v6;
	v10 =	vld.idx.msk [tilespmem:v10+s30+$0x0], $0xffff  }
0xd8: {  	v25 =	vld.idx.msk [tilespmem:v9+s2+$0x0], $0xffff  }
0xd9: {  	[tilespmem:v2+s8+$0x0] =	vst.idx.add.f32.msk $0xffff, v20;
	v17 =	vmul.f32 v7, v21  }
0xda: {  	v23 =	vld.idx.msk [tilespmem:v12+s31+$0x0], $0xffff;
	v21 =	vpop (erf)  }
0xdb: {  	[tilespmem:v1+s7+$0x0] =	vst.idx.add.f32.msk $0xffff, v17;
	v22 =	vmul.f32 v21, v22  }
0xdc: {  	v24 =	vld.idx.msk [tilespmem:v11+s0+$0x0], $0xffff;
	v10 =	vmul.f32 v10, v18  }
0xdd: {  	[tilespmem:v19+s6+$0x0] =	vst.idx.add.f32.msk $0xffff, v22  }
0xde: {  	v22 =	vld.idx.msk [tilespmem:v16+s28+$0x0], $0xffff  }
0xdf: {  	v17 =	vld.idx.msk [tilespmem:v9+s31+$0x0], $0xffff  }
0xe0: {  	[tilespmem:v14+s9+$0x0] =	vst.idx.add.f32.msk $0xffff, v10;
	v10 =	vpop (erf)  }
0xe1: {  	[tilespmem:v14+s10+$0x0] =	vst.idx.add.f32.msk $0xffff, v18;
	v18 =	vadd.f32 v24, v23;
	v14 =	vmul.f32 v10, v15  }
0xe2: {  	v15 =	vld.idx.msk [tilespmem:v8+s0+$0x0], $0xffff  }
0xe3: {  	[tilespmem:v4+s6+$0x0] =	vst.idx.add.f32.msk $0xffff, v14;
	v14 =	vmul.f32 v21, v22;
	v22 =	vmul.f32 $2.000000030e-01, v18  }
0xe4: {  	v24 =	vld.idx.msk [tilespmem:v3+s29+$0x0], $0xffff  }
0xe5: {  	[tilespmem:v19+s7+$0x0] =	vst.idx.add.f32.msk $0xffff, v14;
	v14 =	vmax.f32 v18, v22  }
0xe6: {  	s19 =	simm.s32 $0x80;
	s22 =	simm.s32 $0x100;
	v20 =	vld.idx.msk [tilespmem:v13+s30+$0x0], $0xffff;
	v14 =	vmul.f32 $1.442695020e+00, v14  }
0xe7: {  	s24 =	sand.u32 $0x60, s19;
	s25 =	sand.u32 $0xF00, s22;
	v18 =	vld.idx.msk [tilespmem:v16+s29+$0x0], $0xffff  }
0xe8: {  	s1 =	sor.u32 s24, s25;
	v23 =	vld.idx.msk [tilespmem:v5+s28+$0x0], $0xffff;
	v17 =	vadd.f32 v15, v17;
	(erf) = vpow2.f32 v14  }
0xe9: {  	v15 =	vld [tilespmem:s1+$0x1B800]  }
0xea: {  	s4 =	sadd.s32 $0x1B800, s1;
	v24 =	vmul.f32 v24, v7;
	v22 =	vld.idx.msk [tilespmem:v12+s2+$0x0], $0xffff;
	v13 =	vmul.f32 $2.000000030e-01, v17  }
0xeb: {  	v14 =	vld [tilespmem:s4+$0x10]  }
0xec: {  	[tilespmem:v1+s8+$0x0] =	vst.idx.add.f32.msk $0xffff, v24;
	v17 =	vmax.f32 v17, v13;
	v18 =	vmul.f32 v18, v21  }
0xed: {  	v13 =	vld [tilespmem:s4+$0x90];
	v17 =	vmul.f32 $1.442695020e+00, v17  }
0xee: {  	[tilespmem:v19+s8+$0x0] =	vst.idx.add.f32.msk $0xffff, v18  }
0xef: {  	v18 =	vmul.f32 v10, v23;
	(erf) = vpow2.f32 v17;
	v23 =	vld.idx.msk [tilespmem:v16+s30+$0x0], $0xffff  }
0xf0: {  	v16 =	vld [tilespmem:s4+$0x80]  }
0xf1: {  	v26 =	vld.idx.msk [tilespmem:v15+s31+$0x0], $0xffff;
	v17 =	vpop (erf)  }
0xf2: {  	[tilespmem:v4+s7+$0x0] =	vst.idx.add.f32.msk $0xffff, v18;
	v18 =	vmul.f32 v17, v22  }
0xf3: {  	v27 =	vld.idx.msk [tilespmem:v14+s31+$0x0], $0xffff  }
0xf4: {  	[tilespmem:v11+s6+$0x0] =	vst.idx.add.f32.msk $0xffff, v18;
	v18 =	vmul.f32 v23, v21  }
0xf5: {  	v22 =	vld.idx.msk [tilespmem:v13+s0+$0x0], $0xffff  }
0xf6: {  	v23 =	vld.idx.msk [tilespmem:v12+s28+$0x0], $0xffff  }
0xf7: {  	[tilespmem:v19+s9+$0x0] =	vst.idx.add.f32.msk $0xffff, v18  }
0xf8: {  	[tilespmem:v19+s10+$0x0] =	vst.idx.add.f32.msk $0xffff, v21;
	v18 =	vpop (erf)  }
0xf9: {  	v21 =	vmul.f32 v18, v25;
	v25 =	vld.idx.msk [tilespmem:v16+s0+$0x0], $0xffff  }
0xfa: {  	v19 =	vld.idx.msk [tilespmem:v15+s2+$0x0], $0xffff  }
0xfb: {  	v27 =	vadd.f32 v22, v27;
	[tilespmem:v8+s6+$0x0] =	vst.idx.add.f32.msk $0xffff, v21  }
0xfc: {  	v23 =	vmul.f32 v17, v23;
	v22 =	vld.idx.msk [tilespmem:v9+s28+$0x0], $0xffff  }
0xfd: {  	v28 =	vmul.f32 $2.000000030e-01, v27;
	v21 =	vld.idx.msk [tilespmem:v5+s29+$0x0], $0xffff  }
0xfe: {  	[tilespmem:v11+s7+$0x0] =	vst.idx.add.f32.msk $0xffff, v23;
	v24 =	vadd.f32 v25, v26  }
0xff: {  	v20 =	vmul.f32 v20, v6;
	v23 =	vld.idx.msk [tilespmem:v12+s29+$0x0], $0xffff;
	v25 =	vmax.f32 v27, v28  }
.LBB2_5:
0x100: {  	s19 =	sadd.s32 $0x20, s19;
	v26 =	vmul.f32 $2.000000030e-01, v24;
	v25 =	vmul.f32 $1.442695020e+00, v25;
	s22 =	sadd.s32 $0x40, s22;
	v27 =	vld.idx.msk [tilespmem:v3+s30+$0x0], $0xffff;
	v3 =	vmovc v5;
	v5 =	vmovc v9;
	v9 =	vmov v15  }
0x101: {  	v22 =	vmul.f32 v18, v22;
	s1 =	sand.u32 $0x60, s19;
	s4 =	sand.u32 $0xF00, s22;
	[tilespmem:v2+s9+$0x0] =	vst.idx.add.f32.msk $0xffff, v20  }
0x102: {  	s1 =	sor.u32 s1, s4;
	v20 =	vmax.f32 v24, v26;
	(erf) = vpow2.f32 v25;
	v24 =	vmul.f32 v21, v10;
	[tilespmem:v2+s10+$0x0] =	vst.idx.add.f32.msk $0xffff, v6  }
0x103: {  	v2 =	vmovc v1;
	v1 =	vmovc v4;
	v4 =	vmov v8;
	v8 =	vmov v16;
	s4 =	sadd.s32 $0x1B800, s1;
	v15 =	vld [tilespmem:s1+$0x1B800];
	v20 =	vmul.f32 $1.442695020e+00, v20  }
0x104: {  	v6 =	vmov v7;
	v7 =	vmov v10;
	v10 =	vmov v18;
	v21 =	vld [tilespmem:s4+$0x10]  }
0x105: {  	p1 =	slt.u32 s19, $0x7E0;
	v16 =	vmul.f32 v23, v17;
	v25 =	vld [tilespmem:s4+$0x90];
	(erf) = vpow2.f32 v20  }
0x106: {  	v20 =	vmul.f32 v27, v6;
	v18 =	vld.idx.msk [tilespmem:v14+s2+$0x0], $0xffff  }
0x107: {  	[tilespmem:v11+s8+$0x0] =	vst.idx.add.f32.msk $0xffff, v16  }
0x108: {  	v23 =	vld.idx.msk [tilespmem:v12+s30+$0x0], $0xffff;
	v12 =	vmov v14  }
0x109: {  	v16 =	vld [tilespmem:s4+$0x80];
	v14 =	vmov v21  }
0x10a: {  	[tilespmem:v4+s7+$0x0] =	vst.idx.add.f32.msk $0xffff, v22  }
0x10b: {  	v26 =	vld.idx.msk [tilespmem:v15+s31+$0x0], $0xffff;
	v22 =	vpop (erf)  }
0x10c: {  	v21 =	vld.idx.msk [tilespmem:v21+s31+$0x0], $0xffff;
	v28 =	vmul.f32 v22, v18  }
0x10d: {  	v27 =	vld.idx.msk [tilespmem:v25+s0+$0x0], $0xffff  }
0x10e: {  	v23 =	vmul.f32 v23, v17;
	[tilespmem:v13+s6+$0x0] =	vst.idx.add.f32.msk $0xffff, v28;
	v18 =	vpop (erf)  }
0x10f: {  	v28 =	vmul.f32 v18, v19;
	v29 =	vld.idx.msk [tilespmem:v12+s28+$0x0], $0xffff  }
0x110: {  	[tilespmem:v11+s9+$0x0] =	vst.idx.add.f32.msk $0xffff, v23  }
0x111: {  	[tilespmem:v11+s10+$0x0] =	vst.idx.add.f32.msk $0xffff, v17;
	v11 =	vmov v13;
	v13 =	vmov v25;
	v17 =	vmov v22  }
0x112: {  	v23 =	vld.idx.msk [tilespmem:v16+s0+$0x0], $0xffff  }
0x113: {  	v19 =	vld.idx.msk [tilespmem:v15+s2+$0x0], $0xffff  }
0x114: {  	[tilespmem:v8+s6+$0x0] =	vst.idx.add.f32.msk $0xffff, v28  }
.Ltmp1:
0x115: {  	v25 =	vadd.f32 v27, v21;
	v22 =	vld.idx.msk [tilespmem:v9+s28+$0x0], $0xffff;
	(pc) =	sbr.rel @p1 .LBB2_5-.Ltmp1, $4  }
0x116: {  	v27 =	vmul.f32 v17, v29;
	v21 =	vld.idx.msk [tilespmem:v5+s29+$0x0], $0xffff  }
0x117: {  	v28 =	vmul.f32 $2.000000030e-01, v25;
	[tilespmem:v1+s8+$0x0] =	vst.idx.add.f32.msk $0xffff, v24  }
0x118: {  	v24 =	vadd.f32 v23, v26;
	[tilespmem:v11+s7+$0x0] =	vst.idx.add.f32.msk $0xffff, v27  }
0x119: {  	v25 =	vmax.f32 v25, v28;
	v23 =	vld.idx.msk [tilespmem:v12+s29+$0x0], $0xffff  }
0x11a: {  	v25 =	vmul.f32 $1.442695020e+00, v25;
	_ =	sdelay $0x1  }
0x11b: {  	(erf) = vpow2.f32 v25;
	v25 =	vmul.f32 $2.000000030e-01, v24;
	_ =	sdelay $0x1  }
0x11c: {  	v24 =	vmax.f32 v24, v25  }
0x11d: {  	v24 =	vmul.f32 $1.442695020e+00, v24;
	_ =	sdelay $0x1  }
0x11e: {  	(erf) = vpow2.f32 v24;
	_ =	sdelay $0x1  }
0x11f: {  	v3 =	vld.idx.msk [tilespmem:v3+s30+$0x0], $0xffff;
	v23 =	vmul.f32 v23, v17  }
0x120: {  	v25 =	vld.idx.msk [tilespmem:v14+s2+$0x0], $0xffff  }
0x121: {  	[tilespmem:v11+s8+$0x0] =	vst.idx.add.f32.msk $0xffff, v23  }
0x122: {  	v12 =	vld.idx.msk [tilespmem:v12+s30+$0x0], $0xffff  }
0x123: {  	v22 =	vmul.f32 v18, v22;
	[tilespmem:v2+s9+$0x0] =	vst.idx.add.f32.msk $0xffff, v20  }
0x124: {  	[tilespmem:v2+s10+$0x0] =	vst.idx.add.f32.msk $0xffff, v6;
	v3 =	vmul.f32 v3, v7;
	v23 =	vpop (erf)  }
0x125: {  	[tilespmem:v8+s7+$0x0] =	vst.idx.add.f32.msk $0xffff, v22;
	v24 =	vmul.f32 v23, v25  }
0x126: {  	[tilespmem:v1+s9+$0x0] =	vst.idx.add.f32.msk $0xffff, v3;
	v2 =	vpop (erf)  }
0x127: {  	v6 =	vmul.f32 v12, v17;
	[tilespmem:v13+s6+$0x0] =	vst.idx.add.f32.msk $0xffff, v24;
	v12 =	vmul.f32 v2, v19  }
0x128: {  	v24 =	vld.idx.msk [tilespmem:v14+s28+$0x0], $0xffff  }
0x129: {  	[tilespmem:v16+s6+$0x0] =	vst.idx.add.f32.msk $0xffff, v12  }
0x12a: {  	v12 =	vld.idx.msk [tilespmem:v15+s28+$0x0], $0xffff  }
0x12b: {  	[tilespmem:v1+s10+$0x0] =	vst.idx.add.f32.msk $0xffff, v7  }
0x12c: {  	[tilespmem:v11+s9+$0x0] =	vst.idx.add.f32.msk $0xffff, v6  }
0x12d: {  	[tilespmem:v11+s10+$0x0] =	vst.idx.add.f32.msk $0xffff, v17;
	v6 =	vmul.f32 v23, v24  }
0x12e: {  	v11 =	vld.idx.msk [tilespmem:v9+s29+$0x0], $0xffff  }
0x12f: {  	[tilespmem:v13+s7+$0x0] =	vst.idx.add.f32.msk $0xffff, v6;
	v12 =	vmul.f32 v2, v12  }
0x130: {  	v6 =	vld.idx.msk [tilespmem:v14+s29+$0x0], $0xffff  }
0x131: {  	v19 =	vmul.f32 v21, v10;
	[tilespmem:v16+s7+$0x0] =	vst.idx.add.f32.msk $0xffff, v12  }
0x132: {  	v12 =	vld.idx.msk [tilespmem:v15+s29+$0x0], $0xffff  }
0x133: {  	[tilespmem:v4+s8+$0x0] =	vst.idx.add.f32.msk $0xffff, v19;
	v3 =	vmul.f32 v11, v18  }
0x134: {  	v5 =	vld.idx.msk [tilespmem:v5+s30+$0x0], $0xffff  }
0x135: {  	[tilespmem:v8+s8+$0x0] =	vst.idx.add.f32.msk $0xffff, v3;
	v6 =	vmul.f32 v6, v23  }
0x136: {  	v3 =	vld.idx.msk [tilespmem:v9+s30+$0x0], $0xffff  }
0x137: {  	[tilespmem:v13+s8+$0x0] =	vst.idx.add.f32.msk $0xffff, v6;
	v1 =	vmul.f32 v12, v2  }
0x138: {  	v6 =	vld.idx.msk [tilespmem:v14+s30+$0x0], $0xffff  }
0x139: {  	v5 =	vmul.f32 v5, v10;
	[tilespmem:v16+s8+$0x0] =	vst.idx.add.f32.msk $0xffff, v1  }
0x13a: {  	v1 =	vld.idx.msk [tilespmem:v15+s30+$0x0], $0xffff  }
0x13b: {  	[tilespmem:v4+s9+$0x0] =	vst.idx.add.f32.msk $0xffff, v5;
	v3 =	vmul.f32 v3, v18  }
0x13c: {  	[tilespmem:v4+s10+$0x0] =	vst.idx.add.f32.msk $0xffff, v10  }
0x13d: {  	[tilespmem:v8+s9+$0x0] =	vst.idx.add.f32.msk $0xffff, v3;
	v6 =	vmul.f32 v6, v23  }
0x13e: {  	[tilespmem:v8+s10+$0x0] =	vst.idx.add.f32.msk $0xffff, v18  }
0x13f: {  	s19 =	sshll.u32 s18, $0xE;
	[tilespmem:v13+s9+$0x0] =	vst.idx.add.f32.msk $0xffff, v6;
	v1 =	vmul.f32 v1, v2  }
0x140: {  	s1 =	sadd.s32 s19, s14;
	[tilespmem:v13+s10+$0x0] =	vst.idx.add.f32.msk $0xffff, v23  }
0x141: {  	s1 =	sshrl.u32 s1, $0x3;
	[tilespmem:v16+s9+$0x0] =	vst.idx.add.f32.msk $0xffff, v1  }
0x142: {  	s4 =	simm.s32 $0x0;
	s16 =	simm.s32 $0x0;
	s1 =	sadd.s32 s3, s1;
	[tilespmem:v16+s10+$0x0] =	vst.idx.add.f32.msk $0xffff, v2  }
0x143: {  	[tilespmem:s26], [sflag:$0x1] =	stream.linear.gather [hbm4b:s1+s4], $0x1000, $0x38;
	[tilespmem:$0x1F800] =	vst v63  }
0x144: {  	s1 =	sand.u32 $0x60, s16;
	s4 =	sand.u32 $0xF00, s4;
	_ =	swait.ge [sflag:s11], $0x1000  }
0x145: {  	s16 =	sadd.s32 $0x1C800, s4;
	s22 =	sor.u32 $0x10, s1;
	[sflag:s11] =	ssyncset.done $0x0  }
0x146: {  	s4 =	sadd.s32 $0x1C880, s4;
	s23 =	sor.u32 s22, s16;
	[sflag:s11] =	ssyncadd.s32 $0xFFFFF000  }
0x147: {  	s22 =	sor.u32 s22, s4;
	v4 =	vld [tilespmem:s23+$0x0]  }
0x148: {  	v7 =	vld [tilespmem:s22+$0x0];
	_ =	sdelay $0x4  }
0x149: {  	s16 =	sor.u32 s1, s16;
	s1 =	sor.u32 s1, s4  }
0x14a: {  	v1 =	vld [tilespmem:s1+$0x0]  }
0x14b: {  	v2 =	vld.idx.msk [tilespmem:v4+s31+$0x0], $0xffff  }
0x14c: {  	v3 =	vld.idx.msk [tilespmem:v7+s0+$0x0], $0xffff  }
0x14d: {  	v13 =	vld [tilespmem:s16+$0x0];
	_ =	sdelay $0x3  }
0x14e: {  	v2 =	vadd.f32 v3, v2  }
0x14f: {  	s22 =	simm.s32 $0x20;
	s23 =	simm.s32 $0x40  }
0x150: {  	s1 =	sand.u32 $0x60, s22;
	s4 =	sand.u32 $0xF00, s23;
	v3 =	vmul.f32 $2.000000030e-01, v2  }
0x151: {  	s16 =	sadd.s32 $0x1C800, s4;
	s24 =	sor.u32 $0x10, s1;
	v5 =	vld.idx.msk [tilespmem:v1+s0+$0x0], $0xffff  }
0x152: {  	s4 =	sadd.s32 $0x1C880, s4;
	s25 =	sor.u32 s24, s16;
	v2 =	vmax.f32 v2, v3;
	v3 =	vld.idx.msk [tilespmem:v13+s31+$0x0], $0xffff  }
0x153: {  	s22 =	sor.u32 s24, s4;
	v8 =	vld [tilespmem:s25+$0x0];
	v2 =	vmul.f32 $1.442695020e+00, v2  }
0x154: {  	v10 =	vld [tilespmem:s22+$0x0]  }
0x155: {  	(erf) = vpow2.f32 v2;
	_ =	sdelay $0x1  }
0x156: {  	v2 =	vadd.f32 v5, v3;
	_ =	sdelay $0x1  }
0x157: {  	v3 =	vmul.f32 $2.000000030e-01, v2  }
0x158: {  	v5 =	vld.idx.msk [tilespmem:v4+s2+$0x0], $0xffff  }
0x159: {  	v6 =	vld.idx.msk [tilespmem:v8+s31+$0x0], $0xffff;
	v2 =	vmax.f32 v2, v3  }
0x15a: {  	s16 =	sor.u32 s1, s16;
	v11 =	vld.idx.msk [tilespmem:v10+s0+$0x0], $0xffff;
	v2 =	vmul.f32 $1.442695020e+00, v2  }
0x15b: {  	s1 =	sor.u32 s1, s4;
	v3 =	vld [tilespmem:s16+$0x0]  }
0x15c: {  	v9 =	vpop (erf);
	(erf) = vpow2.f32 v2;
	v2 =	vld [tilespmem:s1+$0x0]  }
0x15d: {  	v5 =	vmul.f32 v9, v5  }
0x15e: {  	s23 =	simm.s32 $0x80;
	s22 =	simm.s32 $0x40  }
0x15f: {  	s4 =	sand.u32 $0xF00, s23;
	s1 =	sand.u32 $0x60, s22;
	[tilespmem:v7+s6+$0x0] =	vst.idx.add.f32.msk $0xffff, v5  }
0x160: {  	v6 =	vadd.f32 v11, v6;
	s16 =	sadd.s32 $0x1C800, s4;
	s4 =	sadd.s32 $0x1C880, s4;
	s24 =	sor.u32 $0x10, s1;
	v5 =	vld.idx.msk [tilespmem:v4+s28+$0x0], $0xffff  }
0x161: {  	v11 =	vld.idx.msk [tilespmem:v13+s2+$0x0], $0xffff;
	s22 =	sor.u32 s24, s4  }
0x162: {  	v12 =	vmul.f32 $2.000000030e-01, v6;
	v17 =	vld [tilespmem:s22+$0x0]  }
0x163: {  	v14 =	vld.idx.msk [tilespmem:v3+s31+$0x0], $0xffff  }
0x164: {  	v6 =	vmax.f32 v6, v12;
	v16 =	vld.idx.msk [tilespmem:v2+s0+$0x0], $0xffff  }
0x165: {  	v6 =	vmul.f32 $1.442695020e+00, v6;
	v15 =	vmul.f32 v9, v5;
	_ =	sdelay $0x1  }
0x166: {  	v5 =	vpop (erf);
	(erf) = vpow2.f32 v6;
	[tilespmem:v7+s7+$0x0] =	vst.idx.add.f32.msk $0xffff, v15  }
0x167: {  	s25 =	sor.u32 s24, s16;
	v12 =	vld.idx.msk [tilespmem:v4+s29+$0x0], $0xffff  }
0x168: {  	v18 =	vld [tilespmem:s25+$0x0];
	v11 =	vmul.f32 v5, v11;
	v6 =	vadd.f32 v16, v14  }
0x169: {  	v20 =	vld.idx.msk [tilespmem:v17+s0+$0x0], $0xffff  }
0x16a: {  	[tilespmem:v1+s6+$0x0] =	vst.idx.add.f32.msk $0xffff, v11;
	v14 =	vmul.f32 $2.000000030e-01, v6  }
0x16b: {  	v16 =	vld.idx.msk [tilespmem:v8+s2+$0x0], $0xffff  }
0x16c: {  	s16 =	sor.u32 s1, s16;
	v11 =	vld.idx.msk [tilespmem:v13+s28+$0x0], $0xffff;
	v12 =	vmul.f32 v12, v9;
	v6 =	vmax.f32 v6, v14  }
0x16d: {  	v14 =	vmul.f32 $1.442695020e+00, v6;
	v6 =	vld [tilespmem:s16+$0x0]  }
0x16e: {  	[tilespmem:v7+s8+$0x0] =	vst.idx.add.f32.msk $0xffff, v12  }
0x16f: {  	s1 =	sor.u32 s1, s4;
	v19 =	vpop (erf);
	v12 =	vld.idx.msk [tilespmem:v4+s30+$0x0], $0xffff  }
0x170: {  	v16 =	vmul.f32 v19, v16;
	v4 =	vld [tilespmem:s1+$0x0]  }
0x171: {  	(erf) = vpow2.f32 v14;
	v14 =	vld.idx.msk [tilespmem:v18+s31+$0x0], $0xffff  }
0x172: {  	[tilespmem:v10+s6+$0x0] =	vst.idx.add.f32.msk $0xffff, v16  }
0x173: {  	v11 =	vmul.f32 v5, v11;
	v16 =	vld.idx.msk [tilespmem:v8+s28+$0x0], $0xffff  }
0x174: {  	v15 =	vld.idx.msk [tilespmem:v3+s2+$0x0], $0xffff  }
0x175: {  	[tilespmem:v1+s7+$0x0] =	vst.idx.add.f32.msk $0xffff, v11;
	v12 =	vmul.f32 v12, v9  }
0x176: {  	v11 =	vld.idx.msk [tilespmem:v6+s31+$0x0], $0xffff  }
0x177: {  	[tilespmem:v7+s9+$0x0] =	vst.idx.add.f32.msk $0xffff, v12  }
0x178: {  	[tilespmem:v7+s10+$0x0] =	vst.idx.add.f32.msk $0xffff, v9;
	v9 =	vadd.f32 v20, v14;
	v14 =	vmul.f32 v19, v16  }
0x179: {  	v12 =	vld.idx.msk [tilespmem:v4+s0+$0x0], $0xffff  }
0x17a: {  	v16 =	vmul.f32 $2.000000030e-01, v9;
	[tilespmem:v10+s7+$0x0] =	vst.idx.add.f32.msk $0xffff, v14  }
0x17b: {  	v7 =	vpop (erf);
	v14 =	vld.idx.msk [tilespmem:v8+s29+$0x0], $0xffff  }
0x17c: {  	s23 =	simm.s32 $0x60;
	s24 =	simm.s32 $0xC0;
	v21 =	vld.idx.msk [tilespmem:v13+s29+$0x0], $0xffff;
	v15 =	vmul.f32 v7, v15;
	v9 =	vmax.f32 v9, v16  }
0x17d: {  	s4 =	sand.u32 $0xF00, s24;
	s1 =	sand.u32 $0x60, s23;
	v20 =	vld.idx.msk [tilespmem:v6+s2+$0x0], $0xffff;
	v9 =	vmul.f32 $1.442695020e+00, v9  }
0x17e: {  	s16 =	sadd.s32 $0x1C800, s4;
	s25 =	sor.u32 $0x10, s1;
	[tilespmem:v2+s6+$0x0] =	vst.idx.add.f32.msk $0xffff, v15;
	v16 =	vadd.f32 v12, v11  }
0x17f: {  	s4 =	sadd.s32 $0x1C880, s4;
	s24 =	sor.u32 s25, s16;
	v15 =	vld.idx.msk [tilespmem:v3+s28+$0x0], $0xffff;
	(erf) = vpow2.f32 v9  }
0x180: {  	s22 =	sor.u32 s25, s4;
	v12 =	vld [tilespmem:s24+$0x0];
	v9 =	vmul.f32 $2.000000030e-01, v16;
	v14 =	vmul.f32 v14, v19  }
0x181: {  	v11 =	vld [tilespmem:s22+$0x0]  }
0x182: {  	v9 =	vmax.f32 v16, v9;
	[tilespmem:v10+s8+$0x0] =	vst.idx.add.f32.msk $0xffff, v14  }
0x183: {  	v9 =	vmul.f32 $1.442695020e+00, v9;
	v14 =	vld.idx.msk [tilespmem:v8+s30+$0x0], $0xffff  }
0x184: {  	s16 =	sor.u32 s1, s16;
	s1 =	sor.u32 s1, s4;
	v16 =	vld.idx.msk [tilespmem:v18+s2+$0x0], $0xffff  }
0x185: {  	v15 =	vmul.f32 v7, v15;
	v8 =	vld [tilespmem:s1+$0x0];
	(erf) = vpow2.f32 v9  }
0x186: {  	v9 =	vld [tilespmem:s16+$0x0]  }
0x187: {  	[tilespmem:v2+s7+$0x0] =	vst.idx.add.f32.msk $0xffff, v15  }
0x188: {  	v15 =	vld.idx.msk [tilespmem:v12+s31+$0x0], $0xffff;
	v22 =	vpop (erf);
	v14 =	vmul.f32 v14, v19  }
0x189: {  	v23 =	vld.idx.msk [tilespmem:v11+s0+$0x0], $0xffff;
	v16 =	vmul.f32 v22, v16  }
0x18a: {  	[tilespmem:v10+s9+$0x0] =	vst.idx.add.f32.msk $0xffff, v14  }
0x18b: {  	[tilespmem:v17+s6+$0x0] =	vst.idx.add.f32.msk $0xffff, v16  }
0x18c: {  	v16 =	vld.idx.msk [tilespmem:v18+s28+$0x0], $0xffff  }
0x18d: {  	[tilespmem:v10+s10+$0x0] =	vst.idx.add.f32.msk $0xffff, v19  }
0x18e: {  	v14 =	vld.idx.msk [tilespmem:v9+s31+$0x0], $0xffff;
	v10 =	vpop (erf)  }
0x18f: {  	v15 =	vadd.f32 v23, v15;
	v23 =	vld.idx.msk [tilespmem:v9+s2+$0x0], $0xffff;
	v19 =	vmul.f32 v10, v20  }
0x190: {  	v20 =	vld.idx.msk [tilespmem:v8+s0+$0x0], $0xffff  }
0x191: {  	s23 =	simm.s32 $0x100;
	s22 =	simm.s32 $0x80;
	[tilespmem:v4+s6+$0x0] =	vst.idx.add.f32.msk $0xffff, v19;
	v19 =	vmul.f32 $2.000000030e-01, v15;
	v16 =	vmul.f32 v22, v16  }
0x192: {  	s25 =	sand.u32 $0xF00, s23;
	s1 =	sand.u32 $0x60, s22;
	v24 =	vld.idx.msk [tilespmem:v6+s28+$0x0], $0xffff  }
0x193: {  	s16 =	sadd.s32 $0x1C800, s25;
	s24 =	sor.u32 $0x10, s1;
	v15 =	vmax.f32 v15, v19;
	[tilespmem:v17+s7+$0x0] =	vst.idx.add.f32.msk $0xffff, v16  }
0x194: {  	s4 =	sadd.s32 $0x1C880, s25;
	s25 =	sor.u32 s24, s16;
	v16 =	vmul.f32 v21, v5;
	v15 =	vmul.f32 $1.442695020e+00, v15;
	v21 =	vld.idx.msk [tilespmem:v3+s29+$0x0], $0xffff  }
0x195: {  	v20 =	vadd.f32 v20, v14;
	v14 =	vld [tilespmem:s25+$0x0]  }
0x196: {  	v19 =	vld.idx.msk [tilespmem:v18+s29+$0x0], $0xffff;
	(erf) = vpow2.f32 v15  }
0x197: {  	[tilespmem:v1+s8+$0x0] =	vst.idx.add.f32.msk $0xffff, v16;
	v15 =	vmul.f32 $2.000000030e-01, v20  }
0x198: {  	s24 =	sor.u32 s24, s4;
	v25 =	vld.idx.msk [tilespmem:v13+s30+$0x0], $0xffff;
	v24 =	vmul.f32 v10, v24  }
0x199: {  	v13 =	vld [tilespmem:s24+$0x0];
	v15 =	vmax.f32 v20, v15  }
0x19a: {  	v15 =	vmul.f32 $1.442695020e+00, v15;
	[tilespmem:v4+s7+$0x0] =	vst.idx.add.f32.msk $0xffff, v24  }
0x19b: {  	s16 =	sor.u32 s1, s16;
	s1 =	sor.u32 s1, s4;
	v16 =	vmul.f32 v19, v22;
	v19 =	vld.idx.msk [tilespmem:v12+s2+$0x0], $0xffff  }
0x19c: {  	(erf) = vpow2.f32 v15;
	v15 =	vld [tilespmem:s1+$0x0]  }
0x19d: {  	[tilespmem:v17+s8+$0x0] =	vst.idx.add.f32.msk $0xffff, v16  }
0x19e: {  	v20 =	vld.idx.msk [tilespmem:v18+s30+$0x0], $0xffff  }
0x19f: {  	v18 =	vld [tilespmem:s16+$0x0];
	v16 =	vpop (erf)  }
0x1a0: {  	v24 =	vld.idx.msk [tilespmem:v14+s31+$0x0], $0xffff;
	v19 =	vmul.f32 v16, v19  }
0x1a1: {  	v26 =	vld.idx.msk [tilespmem:v13+s0+$0x0], $0xffff  }
0x1a2: {  	[tilespmem:v11+s6+$0x0] =	vst.idx.add.f32.msk $0xffff, v19  }
0x1a3: {  	v19 =	vmul.f32 v20, v22;
	v20 =	vld.idx.msk [tilespmem:v12+s28+$0x0], $0xffff  }
0x1a4: {  	v28 =	vld.idx.msk [tilespmem:v15+s0+$0x0], $0xffff  }
0x1a5: {  	[tilespmem:v17+s9+$0x0] =	vst.idx.add.f32.msk $0xffff, v19  }
0x1a6: {  	[tilespmem:v17+s10+$0x0] =	vst.idx.add.f32.msk $0xffff, v22;
	v17 =	vpop (erf)  }
0x1a7: {  	v27 =	vld.idx.msk [tilespmem:v18+s31+$0x0], $0xffff;
	v22 =	vmul.f32 v17, v23  }
0x1a8: {  	v19 =	vld.idx.msk [tilespmem:v18+s2+$0x0], $0xffff  }
0x1a9: {  	v24 =	vadd.f32 v26, v24;
	[tilespmem:v8+s6+$0x0] =	vst.idx.add.f32.msk $0xffff, v22  }
0x1aa: {  	v26 =	vmul.f32 v16, v20;
	v22 =	vld.idx.msk [tilespmem:v6+s29+$0x0], $0xffff  }
0x1ab: {  	v29 =	vmul.f32 $2.000000030e-01, v24;
	v23 =	vld.idx.msk [tilespmem:v9+s28+$0x0], $0xffff  }
0x1ac: {  	v20 =	vmul.f32 v21, v7;
	[tilespmem:v11+s7+$0x0] =	vst.idx.add.f32.msk $0xffff, v26  }
0x1ad: {  	v21 =	vmul.f32 v25, v5;
	v25 =	vadd.f32 v28, v27;
	v26 =	vmax.f32 v24, v29;
	v24 =	vld.idx.msk [tilespmem:v12+s29+$0x0], $0xffff  }
.LBB2_7:
0x1ae: {  	s22 =	sadd.s32 $0x20, s22;
	v26 =	vmul.f32 $1.442695020e+00, v26;
	s23 =	sadd.s32 $0x40, s23;
	[tilespmem:v2+s8+$0x0] =	vst.idx.add.f32.msk $0xffff, v20  }
0x1af: {  	s1 =	sand.u32 $0x60, s22;
	s4 =	sand.u32 $0xF00, s23;
	v20 =	vmul.f32 $2.000000030e-01, v25;
	v27 =	vld.idx.msk [tilespmem:v3+s30+$0x0], $0xffff;
	v3 =	vmovc v6;
	v6 =	vmov v9;
	v9 =	vmov v18  }
0x1b0: {  	v23 =	vmul.f32 v17, v23;
	s16 =	sadd.s32 $0x1C800, s4;
	s24 =	sor.u32 $0x10, s1;
	(erf) = vpow2.f32 v26;
	[tilespmem:v1+s9+$0x0] =	vst.idx.add.f32.msk $0xffff, v21  }
0x1b1: {  	s4 =	sadd.s32 $0x1C880, s4;
	s25 =	sor.u32 s1, s16;
	s16 =	sor.u32 s24, s16;
	v18 =	vmax.f32 v25, v20;
	v20 =	vmul.f32 v22, v10;
	[tilespmem:v1+s10+$0x0] =	vst.idx.add.f32.msk $0xffff, v5;
	v1 =	vmov v2  }
0x1b2: {  	s1 =	sor.u32 s1, s4;
	s4 =	sor.u32 s24, s4;
	v2 =	vmovc v4;
	v4 =	vmovc v8;
	v8 =	vmov v15;
	v5 =	vmov v7;
	v22 =	vld [tilespmem:s16+$0x0];
	v18 =	vmul.f32 $1.442695020e+00, v18  }
0x1b3: {  	p1 =	slt.u32 s22, $0x7E0;
	v7 =	vmov v10;
	v10 =	vmov v17;
	v15 =	vmul.f32 v24, v16;
	v25 =	vld [tilespmem:s4+$0x0]  }
0x1b4: {  	v17 =	vld.idx.msk [tilespmem:v14+s2+$0x0], $0xffff;
	(erf) = vpow2.f32 v18  }
0x1b5: {  	v21 =	vmul.f32 v27, v5;
	[tilespmem:v11+s8+$0x0] =	vst.idx.add.f32.msk $0xffff, v15  }
0x1b6: {  	v24 =	vld.idx.msk [tilespmem:v12+s30+$0x0], $0xffff;
	v12 =	vmov v14  }
0x1b7: {  	v18 =	vld [tilespmem:s25+$0x0];
	v14 =	vmov v22  }
0x1b8: {  	v15 =	vld [tilespmem:s1+$0x0]  }
0x1b9: {  	v26 =	vpop (erf);
	[tilespmem:v4+s7+$0x0] =	vst.idx.add.f32.msk $0xffff, v23  }
0x1ba: {  	v22 =	vld.idx.msk [tilespmem:v22+s31+$0x0], $0xffff;
	v28 =	vmul.f32 v26, v17  }
0x1bb: {  	v23 =	vld.idx.msk [tilespmem:v25+s0+$0x0], $0xffff  }
0x1bc: {  	v24 =	vmul.f32 v24, v16;
	[tilespmem:v13+s6+$0x0] =	vst.idx.add.f32.msk $0xffff, v28  }
0x1bd: {  	v27 =	vld.idx.msk [tilespmem:v12+s28+$0x0], $0xffff;
	v17 =	vpop (erf)  }
0x1be: {  	v28 =	vmul.f32 v17, v19;
	[tilespmem:v11+s9+$0x0] =	vst.idx.add.f32.msk $0xffff, v24  }
0x1bf: {  	[tilespmem:v11+s10+$0x0] =	vst.idx.add.f32.msk $0xffff, v16;
	v11 =	vmov v13;
	v13 =	vmov v25;
	v16 =	vmov v26  }
0x1c0: {  	v24 =	vld.idx.msk [tilespmem:v18+s31+$0x0], $0xffff  }
0x1c1: {  	v25 =	vld.idx.msk [tilespmem:v15+s0+$0x0], $0xffff  }
0x1c2: {  	v19 =	vld.idx.msk [tilespmem:v18+s2+$0x0], $0xffff  }
.Ltmp2:
0x1c3: {  	v26 =	vadd.f32 v23, v22;
	[tilespmem:v8+s6+$0x0] =	vst.idx.add.f32.msk $0xffff, v28;
	(pc) =	sbr.rel @p1 .LBB2_7-.Ltmp2, $4  }
0x1c4: {  	v27 =	vmul.f32 v16, v27;
	v23 =	vld.idx.msk [tilespmem:v9+s28+$0x0], $0xffff  }
0x1c5: {  	v28 =	vmul.f32 $2.000000030e-01, v26;
	v22 =	vld.idx.msk [tilespmem:v6+s29+$0x0], $0xffff  }
0x1c6: {  	[tilespmem:v11+s7+$0x0] =	vst.idx.add.f32.msk $0xffff, v27  }
0x1c7: {  	v26 =	vmax.f32 v26, v28;
	v25 =	vadd.f32 v25, v24;
	v24 =	vld.idx.msk [tilespmem:v12+s29+$0x0], $0xffff  }
0x1c8: {  	v26 =	vmul.f32 $1.442695020e+00, v26;
	_ =	sdelay $0x1  }
0x1c9: {  	(erf) = vpow2.f32 v26;
	v26 =	vmul.f32 $2.000000030e-01, v25;
	_ =	sdelay $0x1  }
0x1ca: {  	v25 =	vmax.f32 v25, v26  }
0x1cb: {  	v25 =	vmul.f32 $1.442695020e+00, v25;
	_ =	sdelay $0x1  }
0x1cc: {  	(erf) = vpow2.f32 v25  }
0x1cd: {  	v26 =	vld.idx.msk [tilespmem:v14+s2+$0x0], $0xffff  }
0x1ce: {  	[tilespmem:v2+s8+$0x0] =	vst.idx.add.f32.msk $0xffff, v20;
	v24 =	vmul.f32 v24, v16  }
0x1cf: {  	v3 =	vld.idx.msk [tilespmem:v3+s30+$0x0], $0xffff  }
0x1d0: {  	[tilespmem:v11+s8+$0x0] =	vst.idx.add.f32.msk $0xffff, v24  }
0x1d1: {  	v12 =	vld.idx.msk [tilespmem:v12+s30+$0x0], $0xffff;
	v20 =	vpop (erf)  }
0x1d2: {  	[tilespmem:v1+s9+$0x0] =	vst.idx.add.f32.msk $0xffff, v21;
	v24 =	vmul.f32 v20, v26  }
0x1d3: {  	[tilespmem:v1+s10+$0x0] =	vst.idx.add.f32.msk $0xffff, v5  }
0x1d4: {  	v23 =	vmul.f32 v17, v23;
	[tilespmem:v13+s6+$0x0] =	vst.idx.add.f32.msk $0xffff, v24  }
0x1d5: {  	v3 =	vmul.f32 v3, v7;
	v24 =	vld.idx.msk [tilespmem:v14+s28+$0x0], $0xffff;
	v5 =	vpop (erf)  }
0x1d6: {  	[tilespmem:v8+s7+$0x0] =	vst.idx.add.f32.msk $0xffff, v23;
	v1 =	vmul.f32 v12, v16;
	v12 =	vmul.f32 v5, v19  }
0x1d7: {  	[tilespmem:v2+s9+$0x0] =	vst.idx.add.f32.msk $0xffff, v3  }
0x1d8: {  	[tilespmem:v15+s6+$0x0] =	vst.idx.add.f32.msk $0xffff, v12  }
0x1d9: {  	v12 =	vld.idx.msk [tilespmem:v18+s28+$0x0], $0xffff  }
0x1da: {  	[tilespmem:v11+s9+$0x0] =	vst.idx.add.f32.msk $0xffff, v1;
	v1 =	vmul.f32 v20, v24  }
0x1db: {  	[tilespmem:v2+s10+$0x0] =	vst.idx.add.f32.msk $0xffff, v7  }
0x1dc: {  	[tilespmem:v13+s7+$0x0] =	vst.idx.add.f32.msk $0xffff, v1  }
0x1dd: {  	v1 =	vld.idx.msk [tilespmem:v14+s29+$0x0], $0xffff  }
0x1de: {  	[tilespmem:v11+s10+$0x0] =	vst.idx.add.f32.msk $0xffff, v16;
	v12 =	vmul.f32 v5, v12  }
0x1df: {  	v11 =	vld.idx.msk [tilespmem:v9+s29+$0x0], $0xffff  }
0x1e0: {  	v19 =	vmul.f32 v22, v10;
	[tilespmem:v15+s7+$0x0] =	vst.idx.add.f32.msk $0xffff, v12  }
0x1e1: {  	v12 =	vld.idx.msk [tilespmem:v18+s29+$0x0], $0xffff  }
0x1e2: {  	[tilespmem:v4+s8+$0x0] =	vst.idx.add.f32.msk $0xffff, v19;
	v1 =	vmul.f32 v1, v20  }
0x1e3: {  	v6 =	vld.idx.msk [tilespmem:v6+s30+$0x0], $0xffff  }
0x1e4: {  	v3 =	vmul.f32 v11, v17;
	[tilespmem:v13+s8+$0x0] =	vst.idx.add.f32.msk $0xffff, v1  }
0x1e5: {  	v1 =	vld.idx.msk [tilespmem:v14+s30+$0x0], $0xffff  }
0x1e6: {  	[tilespmem:v8+s8+$0x0] =	vst.idx.add.f32.msk $0xffff, v3;
	v2 =	vmul.f32 v12, v5  }
0x1e7: {  	v3 =	vld.idx.msk [tilespmem:v9+s30+$0x0], $0xffff  }
0x1e8: {  	v6 =	vmul.f32 v6, v10;
	[tilespmem:v15+s8+$0x0] =	vst.idx.add.f32.msk $0xffff, v2  }
0x1e9: {  	v2 =	vld.idx.msk [tilespmem:v18+s30+$0x0], $0xffff  }
0x1ea: {  	[tilespmem:v4+s9+$0x0] =	vst.idx.add.f32.msk $0xffff, v6;
	v1 =	vmul.f32 v1, v20  }
0x1eb: {  	[tilespmem:v4+s10+$0x0] =	vst.idx.add.f32.msk $0xffff, v10  }
0x1ec: {  	[tilespmem:v13+s9+$0x0] =	vst.idx.add.f32.msk $0xffff, v1;
	v1 =	vmul.f32 v3, v17  }
0x1ed: {  	[tilespmem:v13+s10+$0x0] =	vst.idx.add.f32.msk $0xffff, v20  }
0x1ee: {  	p1 =	seq.s32 s18, $0x13;
	[tilespmem:v8+s9+$0x0] =	vst.idx.add.f32.msk $0xffff, v1;
	v1 =	vmul.f32 v2, v5  }
0x1ef: {  	s1 =	sadd.s32 @!p1 s19, s15;
	[tilespmem:v8+s10+$0x0] =	vst.idx.add.f32.msk $0xffff, v17  }
0x1f0: {  	s23 =	simm.s32 $0x0;
	s24 =	simm.s32 $0x0;
	s1 =	sshrl.u32 @!p1 s1, $0x3;
	[tilespmem:v15+s9+$0x0] =	vst.idx.add.f32.msk $0xffff, v1  }
0x1f1: {  	s4 =	simm.s32 @!p1 $0x0;
	s16 =	simm.s32 @!p1 $0x1C800;
	s1 =	sadd.s32 @!p1 s3, s1;
	[tilespmem:v15+s10+$0x0] =	vst.idx.add.f32.msk $0xffff, v5  }
0x1f2: {  	[tilespmem:s16], [sflag:$0x2] =	stream.linear.gather @!p1 [hbm4b:s1+s4], $0x1000, $0x38;
	[tilespmem:$0x1F800] =	vst v63  }
0x1f3: {  	s4 =	sand.u32 $0x60, s24;
	s1 =	sand.u32 $0xF00, s23;
	_ =	swait.ge [sflag:s12], $0x1000  }
0x1f4: {  	s25 =	sadd.s32 $0x1D800, s1;
	s22 =	sor.u32 $0x10, s4;
	[sflag:s12] =	ssyncset.done $0x0  }
0x1f5: {  	s1 =	sadd.s32 $0x1D880, s1;
	s23 =	sor.u32 s22, s25;
	[sflag:s12] =	ssyncadd.s32 $0xFFFFF000  }
0x1f6: {  	s22 =	sor.u32 s22, s1;
	v4 =	vld [tilespmem:s23+$0x0]  }
0x1f7: {  	v7 =	vld [tilespmem:s22+$0x0];
	_ =	sdelay $0x4  }
0x1f8: {  	s1 =	sor.u32 s4, s1  }
0x1f9: {  	v1 =	vld [tilespmem:s1+$0x0]  }
0x1fa: {  	v2 =	vld.idx.msk [tilespmem:v4+s31+$0x0], $0xffff  }
0x1fb: {  	s16 =	sor.u32 s4, s25;
	v3 =	vld.idx.msk [tilespmem:v7+s0+$0x0], $0xffff  }
0x1fc: {  	v13 =	vld [tilespmem:s16+$0x0];
	_ =	sdelay $0x3  }
0x1fd: {  	v2 =	vadd.f32 v3, v2  }
0x1fe: {  	s22 =	simm.s32 $0x20;
	s23 =	simm.s32 $0x40  }
0x1ff: {  	s1 =	sand.u32 $0x60, s22;
	s4 =	sand.u32 $0xF00, s23;
	v3 =	vmul.f32 $2.000000030e-01, v2  }
0x200: {  	s16 =	sadd.s32 $0x1D800, s4;
	s24 =	sor.u32 $0x10, s1;
	v5 =	vld.idx.msk [tilespmem:v1+s0+$0x0], $0xffff  }
0x201: {  	s4 =	sadd.s32 $0x1D880, s4;
	s25 =	sor.u32 s24, s16;
	v2 =	vmax.f32 v2, v3;
	v3 =	vld.idx.msk [tilespmem:v13+s31+$0x0], $0xffff  }
0x202: {  	s22 =	sor.u32 s24, s4;
	v8 =	vld [tilespmem:s25+$0x0];
	v2 =	vmul.f32 $1.442695020e+00, v2  }
0x203: {  	v10 =	vld [tilespmem:s22+$0x0]  }
0x204: {  	(erf) = vpow2.f32 v2;
	_ =	sdelay $0x1  }
0x205: {  	v2 =	vadd.f32 v5, v3;
	_ =	sdelay $0x1  }
0x206: {  	v3 =	vmul.f32 $2.000000030e-01, v2  }
0x207: {  	v5 =	vld.idx.msk [tilespmem:v4+s2+$0x0], $0xffff  }
0x208: {  	v6 =	vld.idx.msk [tilespmem:v8+s31+$0x0], $0xffff;
	v2 =	vmax.f32 v2, v3  }
0x209: {  	s16 =	sor.u32 s1, s16;
	v11 =	vld.idx.msk [tilespmem:v10+s0+$0x0], $0xffff;
	v2 =	vmul.f32 $1.442695020e+00, v2  }
0x20a: {  	s1 =	sor.u32 s1, s4;
	v3 =	vld [tilespmem:s16+$0x0]  }
0x20b: {  	v9 =	vpop (erf);
	(erf) = vpow2.f32 v2;
	v2 =	vld [tilespmem:s1+$0x0]  }
0x20c: {  	v5 =	vmul.f32 v9, v5  }
0x20d: {  	s23 =	simm.s32 $0x80;
	s22 =	simm.s32 $0x40  }
0x20e: {  	s4 =	sand.u32 $0xF00, s23;
	s1 =	sand.u32 $0x60, s22;
	[tilespmem:v7+s6+$0x0] =	vst.idx.add.f32.msk $0xffff, v5  }
0x20f: {  	v6 =	vadd.f32 v11, v6;
	s16 =	sadd.s32 $0x1D800, s4;
	s4 =	sadd.s32 $0x1D880, s4;
	s24 =	sor.u32 $0x10, s1;
	v5 =	vld.idx.msk [tilespmem:v4+s28+$0x0], $0xffff  }
0x210: {  	v11 =	vld.idx.msk [tilespmem:v13+s2+$0x0], $0xffff;
	s22 =	sor.u32 s24, s4  }
0x211: {  	v12 =	vmul.f32 $2.000000030e-01, v6;
	v17 =	vld [tilespmem:s22+$0x0]  }
0x212: {  	v14 =	vld.idx.msk [tilespmem:v3+s31+$0x0], $0xffff  }
0x213: {  	v6 =	vmax.f32 v6, v12;
	v16 =	vld.idx.msk [tilespmem:v2+s0+$0x0], $0xffff  }
0x214: {  	v6 =	vmul.f32 $1.442695020e+00, v6;
	v15 =	vmul.f32 v9, v5;
	_ =	sdelay $0x1  }
0x215: {  	v5 =	vpop (erf);
	(erf) = vpow2.f32 v6;
	[tilespmem:v7+s7+$0x0] =	vst.idx.add.f32.msk $0xffff, v15  }
0x216: {  	s25 =	sor.u32 s24, s16;
	v12 =	vld.idx.msk [tilespmem:v4+s29+$0x0], $0xffff  }
0x217: {  	v18 =	vld [tilespmem:s25+$0x0];
	v11 =	vmul.f32 v5, v11;
	v6 =	vadd.f32 v16, v14  }
0x218: {  	v20 =	vld.idx.msk [tilespmem:v17+s0+$0x0], $0xffff  }
0x219: {  	[tilespmem:v1+s6+$0x0] =	vst.idx.add.f32.msk $0xffff, v11;
	v14 =	vmul.f32 $2.000000030e-01, v6  }
0x21a: {  	v16 =	vld.idx.msk [tilespmem:v8+s2+$0x0], $0xffff  }
0x21b: {  	s16 =	sor.u32 s1, s16;
	v11 =	vld.idx.msk [tilespmem:v13+s28+$0x0], $0xffff;
	v12 =	vmul.f32 v12, v9;
	v6 =	vmax.f32 v6, v14  }
0x21c: {  	v14 =	vmul.f32 $1.442695020e+00, v6;
	v6 =	vld [tilespmem:s16+$0x0]  }
0x21d: {  	[tilespmem:v7+s8+$0x0] =	vst.idx.add.f32.msk $0xffff, v12  }
0x21e: {  	s1 =	sor.u32 s1, s4;
	v19 =	vpop (erf);
	v12 =	vld.idx.msk [tilespmem:v4+s30+$0x0], $0xffff  }
0x21f: {  	v16 =	vmul.f32 v19, v16;
	v4 =	vld [tilespmem:s1+$0x0]  }
0x220: {  	(erf) = vpow2.f32 v14;
	v14 =	vld.idx.msk [tilespmem:v18+s31+$0x0], $0xffff  }
0x221: {  	[tilespmem:v10+s6+$0x0] =	vst.idx.add.f32.msk $0xffff, v16  }
0x222: {  	v11 =	vmul.f32 v5, v11;
	v16 =	vld.idx.msk [tilespmem:v8+s28+$0x0], $0xffff  }
0x223: {  	v15 =	vld.idx.msk [tilespmem:v3+s2+$0x0], $0xffff  }
0x224: {  	[tilespmem:v1+s7+$0x0] =	vst.idx.add.f32.msk $0xffff, v11;
	v12 =	vmul.f32 v12, v9  }
0x225: {  	v11 =	vld.idx.msk [tilespmem:v6+s31+$0x0], $0xffff  }
0x226: {  	[tilespmem:v7+s9+$0x0] =	vst.idx.add.f32.msk $0xffff, v12  }
0x227: {  	[tilespmem:v7+s10+$0x0] =	vst.idx.add.f32.msk $0xffff, v9;
	v9 =	vadd.f32 v20, v14;
	v14 =	vmul.f32 v19, v16  }
0x228: {  	v12 =	vld.idx.msk [tilespmem:v4+s0+$0x0], $0xffff  }
0x229: {  	v16 =	vmul.f32 $2.000000030e-01, v9;
	[tilespmem:v10+s7+$0x0] =	vst.idx.add.f32.msk $0xffff, v14  }
0x22a: {  	v7 =	vpop (erf);
	v14 =	vld.idx.msk [tilespmem:v8+s29+$0x0], $0xffff  }
0x22b: {  	s23 =	simm.s32 $0x60;
	s24 =	simm.s32 $0xC0;
	v21 =	vld.idx.msk [tilespmem:v13+s29+$0x0], $0xffff;
	v15 =	vmul.f32 v7, v15;
	v9 =	vmax.f32 v9, v16  }
0x22c: {  	s4 =	sand.u32 $0xF00, s24;
	s1 =	sand.u32 $0x60, s23;
	v20 =	vld.idx.msk [tilespmem:v6+s2+$0x0], $0xffff;
	v9 =	vmul.f32 $1.442695020e+00, v9  }
0x22d: {  	s16 =	sadd.s32 $0x1D800, s4;
	s25 =	sor.u32 $0x10, s1;
	[tilespmem:v2+s6+$0x0] =	vst.idx.add.f32.msk $0xffff, v15;
	v16 =	vadd.f32 v12, v11  }
0x22e: {  	s4 =	sadd.s32 $0x1D880, s4;
	s24 =	sor.u32 s25, s16;
	v15 =	vld.idx.msk [tilespmem:v3+s28+$0x0], $0xffff;
	(erf) = vpow2.f32 v9  }
0x22f: {  	s22 =	sor.u32 s25, s4;
	v12 =	vld [tilespmem:s24+$0x0];
	v9 =	vmul.f32 $2.000000030e-01, v16;
	v14 =	vmul.f32 v14, v19  }
0x230: {  	v11 =	vld [tilespmem:s22+$0x0]  }
0x231: {  	v9 =	vmax.f32 v16, v9;
	[tilespmem:v10+s8+$0x0] =	vst.idx.add.f32.msk $0xffff, v14  }
0x232: {  	v9 =	vmul.f32 $1.442695020e+00, v9;
	v14 =	vld.idx.msk [tilespmem:v8+s30+$0x0], $0xffff  }
0x233: {  	s16 =	sor.u32 s1, s16;
	s1 =	sor.u32 s1, s4;
	v16 =	vld.idx.msk [tilespmem:v18+s2+$0x0], $0xffff  }
0x234: {  	v15 =	vmul.f32 v7, v15;
	v8 =	vld [tilespmem:s1+$0x0];
	(erf) = vpow2.f32 v9  }
0x235: {  	v9 =	vld [tilespmem:s16+$0x0]  }
0x236: {  	[tilespmem:v2+s7+$0x0] =	vst.idx.add.f32.msk $0xffff, v15  }
0x237: {  	v15 =	vld.idx.msk [tilespmem:v12+s31+$0x0], $0xffff;
	v22 =	vpop (erf);
	v14 =	vmul.f32 v14, v19  }
0x238: {  	v23 =	vld.idx.msk [tilespmem:v11+s0+$0x0], $0xffff;
	v16 =	vmul.f32 v22, v16  }
0x239: {  	[tilespmem:v10+s9+$0x0] =	vst.idx.add.f32.msk $0xffff, v14  }
0x23a: {  	[tilespmem:v17+s6+$0x0] =	vst.idx.add.f32.msk $0xffff, v16  }
0x23b: {  	v16 =	vld.idx.msk [tilespmem:v18+s28+$0x0], $0xffff  }
0x23c: {  	[tilespmem:v10+s10+$0x0] =	vst.idx.add.f32.msk $0xffff, v19  }
0x23d: {  	v14 =	vld.idx.msk [tilespmem:v9+s31+$0x0], $0xffff;
	v10 =	vpop (erf)  }
0x23e: {  	v15 =	vadd.f32 v23, v15;
	v23 =	vld.idx.msk [tilespmem:v9+s2+$0x0], $0xffff;
	v19 =	vmul.f32 v10, v20  }
0x23f: {  	v20 =	vld.idx.msk [tilespmem:v8+s0+$0x0], $0xffff  }
0x240: {  	s23 =	simm.s32 $0x100;
	s22 =	simm.s32 $0x80;
	[tilespmem:v4+s6+$0x0] =	vst.idx.add.f32.msk $0xffff, v19;
	v19 =	vmul.f32 $2.000000030e-01, v15;
	v16 =	vmul.f32 v22, v16  }
0x241: {  	s25 =	sand.u32 $0xF00, s23;
	s1 =	sand.u32 $0x60, s22;
	v24 =	vld.idx.msk [tilespmem:v6+s28+$0x0], $0xffff  }
0x242: {  	s16 =	sadd.s32 $0x1D800, s25;
	s24 =	sor.u32 $0x10, s1;
	v15 =	vmax.f32 v15, v19;
	[tilespmem:v17+s7+$0x0] =	vst.idx.add.f32.msk $0xffff, v16  }
0x243: {  	s4 =	sadd.s32 $0x1D880, s25;
	s25 =	sor.u32 s24, s16;
	v16 =	vmul.f32 v21, v5;
	v15 =	vmul.f32 $1.442695020e+00, v15;
	v21 =	vld.idx.msk [tilespmem:v3+s29+$0x0], $0xffff  }
0x244: {  	v20 =	vadd.f32 v20, v14;
	v14 =	vld [tilespmem:s25+$0x0]  }
0x245: {  	v19 =	vld.idx.msk [tilespmem:v18+s29+$0x0], $0xffff;
	(erf) = vpow2.f32 v15  }
0x246: {  	[tilespmem:v1+s8+$0x0] =	vst.idx.add.f32.msk $0xffff, v16;
	v15 =	vmul.f32 $2.000000030e-01, v20  }
0x247: {  	s24 =	sor.u32 s24, s4;
	v25 =	vld.idx.msk [tilespmem:v13+s30+$0x0], $0xffff;
	v24 =	vmul.f32 v10, v24  }
0x248: {  	v13 =	vld [tilespmem:s24+$0x0];
	v15 =	vmax.f32 v20, v15  }
0x249: {  	v15 =	vmul.f32 $1.442695020e+00, v15;
	[tilespmem:v4+s7+$0x0] =	vst.idx.add.f32.msk $0xffff, v24  }
0x24a: {  	s16 =	sor.u32 s1, s16;
	s1 =	sor.u32 s1, s4;
	v16 =	vmul.f32 v19, v22;
	v19 =	vld.idx.msk [tilespmem:v12+s2+$0x0], $0xffff  }
0x24b: {  	(erf) = vpow2.f32 v15;
	v15 =	vld [tilespmem:s1+$0x0]  }
0x24c: {  	[tilespmem:v17+s8+$0x0] =	vst.idx.add.f32.msk $0xffff, v16  }
0x24d: {  	v20 =	vld.idx.msk [tilespmem:v18+s30+$0x0], $0xffff  }
0x24e: {  	v18 =	vld [tilespmem:s16+$0x0];
	v16 =	vpop (erf)  }
0x24f: {  	v24 =	vld.idx.msk [tilespmem:v14+s31+$0x0], $0xffff;
	v19 =	vmul.f32 v16, v19  }
0x250: {  	v26 =	vld.idx.msk [tilespmem:v13+s0+$0x0], $0xffff  }
0x251: {  	[tilespmem:v11+s6+$0x0] =	vst.idx.add.f32.msk $0xffff, v19  }
0x252: {  	v19 =	vmul.f32 v20, v22;
	v20 =	vld.idx.msk [tilespmem:v12+s28+$0x0], $0xffff  }
0x253: {  	v28 =	vld.idx.msk [tilespmem:v15+s0+$0x0], $0xffff  }
0x254: {  	[tilespmem:v17+s9+$0x0] =	vst.idx.add.f32.msk $0xffff, v19  }
0x255: {  	[tilespmem:v17+s10+$0x0] =	vst.idx.add.f32.msk $0xffff, v22;
	v17 =	vpop (erf)  }
0x256: {  	v27 =	vld.idx.msk [tilespmem:v18+s31+$0x0], $0xffff;
	v22 =	vmul.f32 v17, v23  }
0x257: {  	v19 =	vld.idx.msk [tilespmem:v18+s2+$0x0], $0xffff  }
0x258: {  	v24 =	vadd.f32 v26, v24;
	[tilespmem:v8+s6+$0x0] =	vst.idx.add.f32.msk $0xffff, v22  }
0x259: {  	v26 =	vmul.f32 v16, v20;
	v22 =	vld.idx.msk [tilespmem:v6+s29+$0x0], $0xffff  }
0x25a: {  	v29 =	vmul.f32 $2.000000030e-01, v24;
	v23 =	vld.idx.msk [tilespmem:v9+s28+$0x0], $0xffff  }
0x25b: {  	v20 =	vmul.f32 v21, v7;
	[tilespmem:v11+s7+$0x0] =	vst.idx.add.f32.msk $0xffff, v26  }
0x25c: {  	v21 =	vmul.f32 v25, v5;
	v25 =	vadd.f32 v28, v27;
	v26 =	vmax.f32 v24, v29;
	v24 =	vld.idx.msk [tilespmem:v12+s29+$0x0], $0xffff  }
.LBB2_9:
0x25d: {  	s22 =	sadd.s32 $0x20, s22;
	v26 =	vmul.f32 $1.442695020e+00, v26;
	s23 =	sadd.s32 $0x40, s23;
	[tilespmem:v2+s8+$0x0] =	vst.idx.add.f32.msk $0xffff, v20  }
0x25e: {  	s1 =	sand.u32 $0x60, s22;
	s4 =	sand.u32 $0xF00, s23;
	v20 =	vmul.f32 $2.000000030e-01, v25;
	v27 =	vld.idx.msk [tilespmem:v3+s30+$0x0], $0xffff;
	v3 =	vmovc v6;
	v6 =	vmov v9;
	v9 =	vmov v18  }
0x25f: {  	v23 =	vmul.f32 v17, v23;
	s16 =	sadd.s32 $0x1D800, s4;
	s24 =	sor.u32 $0x10, s1;
	(erf) = vpow2.f32 v26;
	[tilespmem:v1+s9+$0x0] =	vst.idx.add.f32.msk $0xffff, v21  }
0x260: {  	s4 =	sadd.s32 $0x1D880, s4;
	s25 =	sor.u32 s1, s16;
	s16 =	sor.u32 s24, s16;
	v18 =	vmax.f32 v25, v20;
	v20 =	vmul.f32 v22, v10;
	[tilespmem:v1+s10+$0x0] =	vst.idx.add.f32.msk $0xffff, v5;
	v1 =	vmov v2  }
0x261: {  	s1 =	sor.u32 s1, s4;
	s4 =	sor.u32 s24, s4;
	v2 =	vmovc v4;
	v4 =	vmovc v8;
	v8 =	vmov v15;
	v5 =	vmov v7;
	v22 =	vld [tilespmem:s16+$0x0];
	v18 =	vmul.f32 $1.442695020e+00, v18  }
0x262: {  	p2 =	slt.u32 s22, $0x7E0;
	v7 =	vmov v10;
	v10 =	vmov v17;
	v15 =	vmul.f32 v24, v16;
	v25 =	vld [tilespmem:s4+$0x0]  }
0x263: {  	v17 =	vld.idx.msk [tilespmem:v14+s2+$0x0], $0xffff;
	(erf) = vpow2.f32 v18  }
0x264: {  	v21 =	vmul.f32 v27, v5;
	[tilespmem:v11+s8+$0x0] =	vst.idx.add.f32.msk $0xffff, v15  }
0x265: {  	v24 =	vld.idx.msk [tilespmem:v12+s30+$0x0], $0xffff;
	v12 =	vmov v14  }
0x266: {  	v18 =	vld [tilespmem:s25+$0x0];
	v14 =	vmov v22  }
0x267: {  	v15 =	vld [tilespmem:s1+$0x0]  }
0x268: {  	v26 =	vpop (erf);
	[tilespmem:v4+s7+$0x0] =	vst.idx.add.f32.msk $0xffff, v23  }
0x269: {  	v22 =	vld.idx.msk [tilespmem:v22+s31+$0x0], $0xffff;
	v28 =	vmul.f32 v26, v17  }
0x26a: {  	v23 =	vld.idx.msk [tilespmem:v25+s0+$0x0], $0xffff  }
0x26b: {  	v24 =	vmul.f32 v24, v16;
	[tilespmem:v13+s6+$0x0] =	vst.idx.add.f32.msk $0xffff, v28  }
0x26c: {  	v27 =	vld.idx.msk [tilespmem:v12+s28+$0x0], $0xffff;
	v17 =	vpop (erf)  }
0x26d: {  	v28 =	vmul.f32 v17, v19;
	[tilespmem:v11+s9+$0x0] =	vst.idx.add.f32.msk $0xffff, v24  }
0x26e: {  	[tilespmem:v11+s10+$0x0] =	vst.idx.add.f32.msk $0xffff, v16;
	v11 =	vmov v13;
	v13 =	vmov v25;
	v16 =	vmov v26  }
0x26f: {  	v24 =	vld.idx.msk [tilespmem:v18+s31+$0x0], $0xffff  }
0x270: {  	v25 =	vld.idx.msk [tilespmem:v15+s0+$0x0], $0xffff  }
0x271: {  	v19 =	vld.idx.msk [tilespmem:v18+s2+$0x0], $0xffff  }
.Ltmp3:
0x272: {  	v26 =	vadd.f32 v23, v22;
	[tilespmem:v8+s6+$0x0] =	vst.idx.add.f32.msk $0xffff, v28;
	(pc) =	sbr.rel @p2 .LBB2_9-.Ltmp3, $4  }
0x273: {  	v27 =	vmul.f32 v16, v27;
	v23 =	vld.idx.msk [tilespmem:v9+s28+$0x0], $0xffff  }
0x274: {  	v28 =	vmul.f32 $2.000000030e-01, v26;
	v22 =	vld.idx.msk [tilespmem:v6+s29+$0x0], $0xffff  }
0x275: {  	[tilespmem:v11+s7+$0x0] =	vst.idx.add.f32.msk $0xffff, v27  }
0x276: {  	v26 =	vmax.f32 v26, v28;
	v25 =	vadd.f32 v25, v24;
	v24 =	vld.idx.msk [tilespmem:v12+s29+$0x0], $0xffff  }
0x277: {  	v26 =	vmul.f32 $1.442695020e+00, v26;
	_ =	sdelay $0x1  }
0x278: {  	(erf) = vpow2.f32 v26;
	v26 =	vmul.f32 $2.000000030e-01, v25;
	_ =	sdelay $0x1  }
0x279: {  	v25 =	vmax.f32 v25, v26  }
0x27a: {  	v25 =	vmul.f32 $1.442695020e+00, v25;
	_ =	sdelay $0x1  }
0x27b: {  	(erf) = vpow2.f32 v25  }
0x27c: {  	v26 =	vld.idx.msk [tilespmem:v14+s2+$0x0], $0xffff  }
0x27d: {  	[tilespmem:v2+s8+$0x0] =	vst.idx.add.f32.msk $0xffff, v20;
	v24 =	vmul.f32 v24, v16  }
0x27e: {  	v3 =	vld.idx.msk [tilespmem:v3+s30+$0x0], $0xffff  }
0x27f: {  	[tilespmem:v11+s8+$0x0] =	vst.idx.add.f32.msk $0xffff, v24  }
0x280: {  	v12 =	vld.idx.msk [tilespmem:v12+s30+$0x0], $0xffff;
	v20 =	vpop (erf)  }
0x281: {  	[tilespmem:v1+s9+$0x0] =	vst.idx.add.f32.msk $0xffff, v21;
	v24 =	vmul.f32 v20, v26  }
0x282: {  	[tilespmem:v1+s10+$0x0] =	vst.idx.add.f32.msk $0xffff, v5  }
0x283: {  	v23 =	vmul.f32 v17, v23;
	[tilespmem:v13+s6+$0x0] =	vst.idx.add.f32.msk $0xffff, v24  }
0x284: {  	v3 =	vmul.f32 v3, v7;
	v24 =	vld.idx.msk [tilespmem:v14+s28+$0x0], $0xffff;
	v5 =	vpop (erf)  }
0x285: {  	[tilespmem:v8+s7+$0x0] =	vst.idx.add.f32.msk $0xffff, v23;
	v1 =	vmul.f32 v12, v16;
	v12 =	vmul.f32 v5, v19  }
0x286: {  	[tilespmem:v2+s9+$0x0] =	vst.idx.add.f32.msk $0xffff, v3  }
0x287: {  	[tilespmem:v15+s6+$0x0] =	vst.idx.add.f32.msk $0xffff, v12  }
0x288: {  	v12 =	vld.idx.msk [tilespmem:v18+s28+$0x0], $0xffff  }
0x289: {  	[tilespmem:v11+s9+$0x0] =	vst.idx.add.f32.msk $0xffff, v1;
	v1 =	vmul.f32 v20, v24  }
0x28a: {  	[tilespmem:v2+s10+$0x0] =	vst.idx.add.f32.msk $0xffff, v7  }
0x28b: {  	[tilespmem:v13+s7+$0x0] =	vst.idx.add.f32.msk $0xffff, v1  }
0x28c: {  	v1 =	vld.idx.msk [tilespmem:v14+s29+$0x0], $0xffff  }
0x28d: {  	[tilespmem:v11+s10+$0x0] =	vst.idx.add.f32.msk $0xffff, v16;
	v12 =	vmul.f32 v5, v12  }
0x28e: {  	v11 =	vld.idx.msk [tilespmem:v9+s29+$0x0], $0xffff  }
0x28f: {  	v19 =	vmul.f32 v22, v10;
	[tilespmem:v15+s7+$0x0] =	vst.idx.add.f32.msk $0xffff, v12  }
0x290: {  	v12 =	vld.idx.msk [tilespmem:v18+s29+$0x0], $0xffff  }
0x291: {  	[tilespmem:v4+s8+$0x0] =	vst.idx.add.f32.msk $0xffff, v19;
	v1 =	vmul.f32 v1, v20  }
0x292: {  	v6 =	vld.idx.msk [tilespmem:v6+s30+$0x0], $0xffff  }
0x293: {  	v3 =	vmul.f32 v11, v17;
	[tilespmem:v13+s8+$0x0] =	vst.idx.add.f32.msk $0xffff, v1  }
0x294: {  	v1 =	vld.idx.msk [tilespmem:v14+s30+$0x0], $0xffff  }
0x295: {  	[tilespmem:v8+s8+$0x0] =	vst.idx.add.f32.msk $0xffff, v3;
	v2 =	vmul.f32 v12, v5  }
0x296: {  	v3 =	vld.idx.msk [tilespmem:v9+s30+$0x0], $0xffff  }
0x297: {  	v6 =	vmul.f32 v6, v10;
	[tilespmem:v15+s8+$0x0] =	vst.idx.add.f32.msk $0xffff, v2  }
0x298: {  	v2 =	vld.idx.msk [tilespmem:v18+s30+$0x0], $0xffff  }
0x299: {  	[tilespmem:v4+s9+$0x0] =	vst.idx.add.f32.msk $0xffff, v6;
	v1 =	vmul.f32 v1, v20  }
0x29a: {  	[tilespmem:v4+s10+$0x0] =	vst.idx.add.f32.msk $0xffff, v10  }
0x29b: {  	[tilespmem:v13+s9+$0x0] =	vst.idx.add.f32.msk $0xffff, v1;
	v1 =	vmul.f32 v3, v17  }
0x29c: {  	[tilespmem:v13+s10+$0x0] =	vst.idx.add.f32.msk $0xffff, v20  }
0x29d: {  	[tilespmem:v8+s9+$0x0] =	vst.idx.add.f32.msk $0xffff, v1;
	v1 =	vmul.f32 v2, v5  }
0x29e: {  	s1 =	sadd.s32 @!p1 s19, s20;
	[tilespmem:v8+s10+$0x0] =	vst.idx.add.f32.msk $0xffff, v17  }
0x29f: {  	s4 =	simm.s32 @!p1 $0x0;
	s16 =	simm.s32 @!p1 $0x1D800;
	s1 =	sshrl.u32 @!p1 s1, $0x3;
	[tilespmem:v15+s9+$0x0] =	vst.idx.add.f32.msk $0xffff, v1  }
0x2a0: {  	s23 =	simm.s32 $0x0;
	s24 =	simm.s32 $0x0;
	s1 =	sadd.s32 @!p1 s3, s1;
	[tilespmem:v15+s10+$0x0] =	vst.idx.add.f32.msk $0xffff, v5  }
0x2a1: {  	[tilespmem:s16], [sflag:$0x3] =	stream.linear.gather @!p1 [hbm4b:s1+s4], $0x1000, $0x38;
	[tilespmem:$0x1F800] =	vst v63  }
0x2a2: {  	s4 =	sand.u32 $0x60, s24;
	s1 =	sand.u32 $0xF00, s23;
	_ =	swait.ge [sflag:s13], $0x1000  }
0x2a3: {  	s25 =	sadd.s32 $0x1E800, s1;
	s22 =	sor.u32 $0x10, s4;
	[sflag:s13] =	ssyncset.done $0x0  }
0x2a4: {  	s1 =	sadd.s32 $0x1E880, s1;
	s23 =	sor.u32 s22, s25;
	[sflag:s13] =	ssyncadd.s32 $0xFFFFF000  }
0x2a5: {  	s22 =	sor.u32 s22, s1;
	v4 =	vld [tilespmem:s23+$0x0]  }
0x2a6: {  	v7 =	vld [tilespmem:s22+$0x0];
	_ =	sdelay $0x4  }
0x2a7: {  	s1 =	sor.u32 s4, s1  }
0x2a8: {  	v1 =	vld [tilespmem:s1+$0x0]  }
0x2a9: {  	v2 =	vld.idx.msk [tilespmem:v4+s31+$0x0], $0xffff  }
0x2aa: {  	s16 =	sor.u32 s4, s25;
	v3 =	vld.idx.msk [tilespmem:v7+s0+$0x0], $0xffff  }
0x2ab: {  	v13 =	vld [tilespmem:s16+$0x0];
	_ =	sdelay $0x3  }
0x2ac: {  	v2 =	vadd.f32 v3, v2  }
0x2ad: {  	s22 =	simm.s32 $0x20;
	s23 =	simm.s32 $0x40  }
0x2ae: {  	s1 =	sand.u32 $0x60, s22;
	s4 =	sand.u32 $0xF00, s23;
	v3 =	vmul.f32 $2.000000030e-01, v2  }
0x2af: {  	s16 =	sadd.s32 $0x1E800, s4;
	s24 =	sor.u32 $0x10, s1;
	v5 =	vld.idx.msk [tilespmem:v1+s0+$0x0], $0xffff  }
0x2b0: {  	s4 =	sadd.s32 $0x1E880, s4;
	s25 =	sor.u32 s24, s16;
	v2 =	vmax.f32 v2, v3;
	v3 =	vld.idx.msk [tilespmem:v13+s31+$0x0], $0xffff  }
0x2b1: {  	s22 =	sor.u32 s24, s4;
	v8 =	vld [tilespmem:s25+$0x0];
	v2 =	vmul.f32 $1.442695020e+00, v2  }
0x2b2: {  	v10 =	vld [tilespmem:s22+$0x0]  }
0x2b3: {  	(erf) = vpow2.f32 v2;
	_ =	sdelay $0x1  }
0x2b4: {  	v2 =	vadd.f32 v5, v3;
	_ =	sdelay $0x1  }
0x2b5: {  	v3 =	vmul.f32 $2.000000030e-01, v2  }
0x2b6: {  	v5 =	vld.idx.msk [tilespmem:v4+s2+$0x0], $0xffff  }
0x2b7: {  	v6 =	vld.idx.msk [tilespmem:v8+s31+$0x0], $0xffff;
	v2 =	vmax.f32 v2, v3  }
0x2b8: {  	s16 =	sor.u32 s1, s16;
	v11 =	vld.idx.msk [tilespmem:v10+s0+$0x0], $0xffff;
	v2 =	vmul.f32 $1.442695020e+00, v2  }
0x2b9: {  	s1 =	sor.u32 s1, s4;
	v3 =	vld [tilespmem:s16+$0x0]  }
0x2ba: {  	v9 =	vpop (erf);
	(erf) = vpow2.f32 v2;
	v2 =	vld [tilespmem:s1+$0x0]  }
0x2bb: {  	v5 =	vmul.f32 v9, v5  }
0x2bc: {  	s23 =	simm.s32 $0x80;
	s22 =	simm.s32 $0x40  }
0x2bd: {  	s4 =	sand.u32 $0xF00, s23;
	s1 =	sand.u32 $0x60, s22;
	[tilespmem:v7+s6+$0x0] =	vst.idx.add.f32.msk $0xffff, v5  }
0x2be: {  	v6 =	vadd.f32 v11, v6;
	s16 =	sadd.s32 $0x1E800, s4;
	s4 =	sadd.s32 $0x1E880, s4;
	s24 =	sor.u32 $0x10, s1;
	v5 =	vld.idx.msk [tilespmem:v4+s28+$0x0], $0xffff  }
0x2bf: {  	v11 =	vld.idx.msk [tilespmem:v13+s2+$0x0], $0xffff;
	s22 =	sor.u32 s24, s4  }
0x2c0: {  	v12 =	vmul.f32 $2.000000030e-01, v6;
	v17 =	vld [tilespmem:s22+$0x0]  }
0x2c1: {  	v14 =	vld.idx.msk [tilespmem:v3+s31+$0x0], $0xffff  }
0x2c2: {  	v6 =	vmax.f32 v6, v12;
	v16 =	vld.idx.msk [tilespmem:v2+s0+$0x0], $0xffff  }
0x2c3: {  	v6 =	vmul.f32 $1.442695020e+00, v6;
	v15 =	vmul.f32 v9, v5;
	_ =	sdelay $0x1  }
0x2c4: {  	v5 =	vpop (erf);
	(erf) = vpow2.f32 v6;
	[tilespmem:v7+s7+$0x0] =	vst.idx.add.f32.msk $0xffff, v15  }
0x2c5: {  	s25 =	sor.u32 s24, s16;
	v12 =	vld.idx.msk [tilespmem:v4+s29+$0x0], $0xffff  }
0x2c6: {  	v18 =	vld [tilespmem:s25+$0x0];
	v11 =	vmul.f32 v5, v11;
	v6 =	vadd.f32 v16, v14  }
0x2c7: {  	v20 =	vld.idx.msk [tilespmem:v17+s0+$0x0], $0xffff  }
0x2c8: {  	[tilespmem:v1+s6+$0x0] =	vst.idx.add.f32.msk $0xffff, v11;
	v14 =	vmul.f32 $2.000000030e-01, v6  }
0x2c9: {  	v16 =	vld.idx.msk [tilespmem:v8+s2+$0x0], $0xffff  }
0x2ca: {  	s16 =	sor.u32 s1, s16;
	v11 =	vld.idx.msk [tilespmem:v13+s28+$0x0], $0xffff;
	v12 =	vmul.f32 v12, v9;
	v6 =	vmax.f32 v6, v14  }
0x2cb: {  	v14 =	vmul.f32 $1.442695020e+00, v6;
	v6 =	vld [tilespmem:s16+$0x0]  }
0x2cc: {  	[tilespmem:v7+s8+$0x0] =	vst.idx.add.f32.msk $0xffff, v12  }
0x2cd: {  	s1 =	sor.u32 s1, s4;
	v19 =	vpop (erf);
	v12 =	vld.idx.msk [tilespmem:v4+s30+$0x0], $0xffff  }
0x2ce: {  	v16 =	vmul.f32 v19, v16;
	v4 =	vld [tilespmem:s1+$0x0]  }
0x2cf: {  	(erf) = vpow2.f32 v14;
	v14 =	vld.idx.msk [tilespmem:v18+s31+$0x0], $0xffff  }
0x2d0: {  	[tilespmem:v10+s6+$0x0] =	vst.idx.add.f32.msk $0xffff, v16  }
0x2d1: {  	v11 =	vmul.f32 v5, v11;
	v16 =	vld.idx.msk [tilespmem:v8+s28+$0x0], $0xffff  }
0x2d2: {  	v15 =	vld.idx.msk [tilespmem:v3+s2+$0x0], $0xffff  }
0x2d3: {  	[tilespmem:v1+s7+$0x0] =	vst.idx.add.f32.msk $0xffff, v11;
	v12 =	vmul.f32 v12, v9  }
0x2d4: {  	v11 =	vld.idx.msk [tilespmem:v6+s31+$0x0], $0xffff  }
0x2d5: {  	[tilespmem:v7+s9+$0x0] =	vst.idx.add.f32.msk $0xffff, v12  }
0x2d6: {  	[tilespmem:v7+s10+$0x0] =	vst.idx.add.f32.msk $0xffff, v9;
	v9 =	vadd.f32 v20, v14;
	v14 =	vmul.f32 v19, v16  }
0x2d7: {  	v12 =	vld.idx.msk [tilespmem:v4+s0+$0x0], $0xffff  }
0x2d8: {  	v16 =	vmul.f32 $2.000000030e-01, v9;
	[tilespmem:v10+s7+$0x0] =	vst.idx.add.f32.msk $0xffff, v14  }
0x2d9: {  	v7 =	vpop (erf);
	v14 =	vld.idx.msk [tilespmem:v8+s29+$0x0], $0xffff  }
0x2da: {  	s23 =	simm.s32 $0x60;
	s24 =	simm.s32 $0xC0;
	v21 =	vld.idx.msk [tilespmem:v13+s29+$0x0], $0xffff;
	v15 =	vmul.f32 v7, v15;
	v9 =	vmax.f32 v9, v16  }
0x2db: {  	s4 =	sand.u32 $0xF00, s24;
	s1 =	sand.u32 $0x60, s23;
	v20 =	vld.idx.msk [tilespmem:v6+s2+$0x0], $0xffff;
	v9 =	vmul.f32 $1.442695020e+00, v9  }
0x2dc: {  	s16 =	sadd.s32 $0x1E800, s4;
	s25 =	sor.u32 $0x10, s1;
	[tilespmem:v2+s6+$0x0] =	vst.idx.add.f32.msk $0xffff, v15;
	v16 =	vadd.f32 v12, v11  }
0x2dd: {  	s4 =	sadd.s32 $0x1E880, s4;
	s24 =	sor.u32 s25, s16;
	v15 =	vld.idx.msk [tilespmem:v3+s28+$0x0], $0xffff;
	(erf) = vpow2.f32 v9  }
0x2de: {  	s22 =	sor.u32 s25, s4;
	v12 =	vld [tilespmem:s24+$0x0];
	v9 =	vmul.f32 $2.000000030e-01, v16;
	v14 =	vmul.f32 v14, v19  }
0x2df: {  	v11 =	vld [tilespmem:s22+$0x0]  }
0x2e0: {  	v9 =	vmax.f32 v16, v9;
	[tilespmem:v10+s8+$0x0] =	vst.idx.add.f32.msk $0xffff, v14  }
0x2e1: {  	v9 =	vmul.f32 $1.442695020e+00, v9;
	v14 =	vld.idx.msk [tilespmem:v8+s30+$0x0], $0xffff  }
0x2e2: {  	s16 =	sor.u32 s1, s16;
	s1 =	sor.u32 s1, s4;
	v16 =	vld.idx.msk [tilespmem:v18+s2+$0x0], $0xffff  }
0x2e3: {  	v15 =	vmul.f32 v7, v15;
	v8 =	vld [tilespmem:s1+$0x0];
	(erf) = vpow2.f32 v9  }
0x2e4: {  	v9 =	vld [tilespmem:s16+$0x0]  }
0x2e5: {  	[tilespmem:v2+s7+$0x0] =	vst.idx.add.f32.msk $0xffff, v15  }
0x2e6: {  	v15 =	vld.idx.msk [tilespmem:v12+s31+$0x0], $0xffff;
	v22 =	vpop (erf);
	v14 =	vmul.f32 v14, v19  }
0x2e7: {  	v23 =	vld.idx.msk [tilespmem:v11+s0+$0x0], $0xffff;
	v16 =	vmul.f32 v22, v16  }
0x2e8: {  	[tilespmem:v10+s9+$0x0] =	vst.idx.add.f32.msk $0xffff, v14  }
0x2e9: {  	[tilespmem:v17+s6+$0x0] =	vst.idx.add.f32.msk $0xffff, v16  }
0x2ea: {  	v16 =	vld.idx.msk [tilespmem:v18+s28+$0x0], $0xffff  }
0x2eb: {  	[tilespmem:v10+s10+$0x0] =	vst.idx.add.f32.msk $0xffff, v19  }
0x2ec: {  	v14 =	vld.idx.msk [tilespmem:v9+s31+$0x0], $0xffff;
	v10 =	vpop (erf)  }
0x2ed: {  	v15 =	vadd.f32 v23, v15;
	v23 =	vld.idx.msk [tilespmem:v9+s2+$0x0], $0xffff;
	v19 =	vmul.f32 v10, v20  }
0x2ee: {  	v20 =	vld.idx.msk [tilespmem:v8+s0+$0x0], $0xffff  }
0x2ef: {  	s23 =	simm.s32 $0x100;
	s22 =	simm.s32 $0x80;
	[tilespmem:v4+s6+$0x0] =	vst.idx.add.f32.msk $0xffff, v19;
	v19 =	vmul.f32 $2.000000030e-01, v15;
	v16 =	vmul.f32 v22, v16  }
0x2f0: {  	s25 =	sand.u32 $0xF00, s23;
	s1 =	sand.u32 $0x60, s22;
	v24 =	vld.idx.msk [tilespmem:v6+s28+$0x0], $0xffff  }
0x2f1: {  	s16 =	sadd.s32 $0x1E800, s25;
	s24 =	sor.u32 $0x10, s1;
	v15 =	vmax.f32 v15, v19;
	[tilespmem:v17+s7+$0x0] =	vst.idx.add.f32.msk $0xffff, v16  }
0x2f2: {  	s4 =	sadd.s32 $0x1E880, s25;
	s25 =	sor.u32 s24, s16;
	v16 =	vmul.f32 v21, v5;
	v15 =	vmul.f32 $1.442695020e+00, v15;
	v21 =	vld.idx.msk [tilespmem:v3+s29+$0x0], $0xffff  }
0x2f3: {  	v20 =	vadd.f32 v20, v14;
	v14 =	vld [tilespmem:s25+$0x0]  }
0x2f4: {  	v19 =	vld.idx.msk [tilespmem:v18+s29+$0x0], $0xffff;
	(erf) = vpow2.f32 v15  }
0x2f5: {  	[tilespmem:v1+s8+$0x0] =	vst.idx.add.f32.msk $0xffff, v16;
	v15 =	vmul.f32 $2.000000030e-01, v20  }
0x2f6: {  	s24 =	sor.u32 s24, s4;
	v25 =	vld.idx.msk [tilespmem:v13+s30+$0x0], $0xffff;
	v24 =	vmul.f32 v10, v24  }
0x2f7: {  	v13 =	vld [tilespmem:s24+$0x0];
	v15 =	vmax.f32 v20, v15  }
0x2f8: {  	v15 =	vmul.f32 $1.442695020e+00, v15;
	[tilespmem:v4+s7+$0x0] =	vst.idx.add.f32.msk $0xffff, v24  }
0x2f9: {  	s16 =	sor.u32 s1, s16;
	s1 =	sor.u32 s1, s4;
	v16 =	vmul.f32 v19, v22;
	v19 =	vld.idx.msk [tilespmem:v12+s2+$0x0], $0xffff  }
0x2fa: {  	(erf) = vpow2.f32 v15;
	v15 =	vld [tilespmem:s1+$0x0]  }
0x2fb: {  	[tilespmem:v17+s8+$0x0] =	vst.idx.add.f32.msk $0xffff, v16  }
0x2fc: {  	v20 =	vld.idx.msk [tilespmem:v18+s30+$0x0], $0xffff  }
0x2fd: {  	v18 =	vld [tilespmem:s16+$0x0];
	v16 =	vpop (erf)  }
0x2fe: {  	v24 =	vld.idx.msk [tilespmem:v14+s31+$0x0], $0xffff;
	v19 =	vmul.f32 v16, v19  }
0x2ff: {  	v26 =	vld.idx.msk [tilespmem:v13+s0+$0x0], $0xffff  }
0x300: {  	[tilespmem:v11+s6+$0x0] =	vst.idx.add.f32.msk $0xffff, v19  }
0x301: {  	v19 =	vmul.f32 v20, v22;
	v20 =	vld.idx.msk [tilespmem:v12+s28+$0x0], $0xffff  }
0x302: {  	v28 =	vld.idx.msk [tilespmem:v15+s0+$0x0], $0xffff  }
0x303: {  	[tilespmem:v17+s9+$0x0] =	vst.idx.add.f32.msk $0xffff, v19  }
0x304: {  	[tilespmem:v17+s10+$0x0] =	vst.idx.add.f32.msk $0xffff, v22;
	v17 =	vpop (erf)  }
0x305: {  	v27 =	vld.idx.msk [tilespmem:v18+s31+$0x0], $0xffff;
	v22 =	vmul.f32 v17, v23  }
0x306: {  	v19 =	vld.idx.msk [tilespmem:v18+s2+$0x0], $0xffff  }
0x307: {  	v24 =	vadd.f32 v26, v24;
	[tilespmem:v8+s6+$0x0] =	vst.idx.add.f32.msk $0xffff, v22  }
0x308: {  	v26 =	vmul.f32 v16, v20;
	v22 =	vld.idx.msk [tilespmem:v6+s29+$0x0], $0xffff  }
0x309: {  	v29 =	vmul.f32 $2.000000030e-01, v24;
	v23 =	vld.idx.msk [tilespmem:v9+s28+$0x0], $0xffff  }
0x30a: {  	v20 =	vmul.f32 v21, v7;
	[tilespmem:v11+s7+$0x0] =	vst.idx.add.f32.msk $0xffff, v26  }
0x30b: {  	v21 =	vmul.f32 v25, v5;
	v25 =	vadd.f32 v28, v27;
	v26 =	vmax.f32 v24, v29;
	v24 =	vld.idx.msk [tilespmem:v12+s29+$0x0], $0xffff  }
.LBB2_11:
0x30c: {  	s22 =	sadd.s32 $0x20, s22;
	v26 =	vmul.f32 $1.442695020e+00, v26;
	s23 =	sadd.s32 $0x40, s23;
	[tilespmem:v2+s8+$0x0] =	vst.idx.add.f32.msk $0xffff, v20  }
0x30d: {  	s1 =	sand.u32 $0x60, s22;
	s4 =	sand.u32 $0xF00, s23;
	v20 =	vmul.f32 $2.000000030e-01, v25;
	v27 =	vld.idx.msk [tilespmem:v3+s30+$0x0], $0xffff;
	v3 =	vmovc v6;
	v6 =	vmov v9;
	v9 =	vmov v18  }
0x30e: {  	v23 =	vmul.f32 v17, v23;
	s16 =	sadd.s32 $0x1E800, s4;
	s24 =	sor.u32 $0x10, s1;
	(erf) = vpow2.f32 v26;
	[tilespmem:v1+s9+$0x0] =	vst.idx.add.f32.msk $0xffff, v21  }
0x30f: {  	s4 =	sadd.s32 $0x1E880, s4;
	s25 =	sor.u32 s1, s16;
	s16 =	sor.u32 s24, s16;
	v18 =	vmax.f32 v25, v20;
	v20 =	vmul.f32 v22, v10;
	[tilespmem:v1+s10+$0x0] =	vst.idx.add.f32.msk $0xffff, v5;
	v1 =	vmov v2  }
0x310: {  	s1 =	sor.u32 s1, s4;
	s4 =	sor.u32 s24, s4;
	v2 =	vmovc v4;
	v4 =	vmovc v8;
	v8 =	vmov v15;
	v5 =	vmov v7;
	v22 =	vld [tilespmem:s16+$0x0];
	v18 =	vmul.f32 $1.442695020e+00, v18  }
0x311: {  	p2 =	slt.u32 s22, $0x7E0;
	v7 =	vmov v10;
	v10 =	vmov v17;
	v15 =	vmul.f32 v24, v16;
	v25 =	vld [tilespmem:s4+$0x0]  }
0x312: {  	v17 =	vld.idx.msk [tilespmem:v14+s2+$0x0], $0xffff;
	(erf) = vpow2.f32 v18  }
0x313: {  	v21 =	vmul.f32 v27, v5;
	[tilespmem:v11+s8+$0x0] =	vst.idx.add.f32.msk $0xffff, v15  }
0x314: {  	v24 =	vld.idx.msk [tilespmem:v12+s30+$0x0], $0xffff;
	v12 =	vmov v14  }
0x315: {  	v18 =	vld [tilespmem:s25+$0x0];
	v14 =	vmov v22  }
0x316: {  	v15 =	vld [tilespmem:s1+$0x0]  }
0x317: {  	v26 =	vpop (erf);
	[tilespmem:v4+s7+$0x0] =	vst.idx.add.f32.msk $0xffff, v23  }
0x318: {  	v22 =	vld.idx.msk [tilespmem:v22+s31+$0x0], $0xffff;
	v28 =	vmul.f32 v26, v17  }
0x319: {  	v23 =	vld.idx.msk [tilespmem:v25+s0+$0x0], $0xffff  }
0x31a: {  	v24 =	vmul.f32 v24, v16;
	[tilespmem:v13+s6+$0x0] =	vst.idx.add.f32.msk $0xffff, v28  }
0x31b: {  	v27 =	vld.idx.msk [tilespmem:v12+s28+$0x0], $0xffff;
	v17 =	vpop (erf)  }
0x31c: {  	v28 =	vmul.f32 v17, v19;
	[tilespmem:v11+s9+$0x0] =	vst.idx.add.f32.msk $0xffff, v24  }
0x31d: {  	[tilespmem:v11+s10+$0x0] =	vst.idx.add.f32.msk $0xffff, v16;
	v11 =	vmov v13;
	v13 =	vmov v25;
	v16 =	vmov v26  }
0x31e: {  	v24 =	vld.idx.msk [tilespmem:v18+s31+$0x0], $0xffff  }
0x31f: {  	v25 =	vld.idx.msk [tilespmem:v15+s0+$0x0], $0xffff  }
0x320: {  	v19 =	vld.idx.msk [tilespmem:v18+s2+$0x0], $0xffff  }
.Ltmp4:
0x321: {  	v26 =	vadd.f32 v23, v22;
	[tilespmem:v8+s6+$0x0] =	vst.idx.add.f32.msk $0xffff, v28;
	(pc) =	sbr.rel @p2 .LBB2_11-.Ltmp4, $4  }
0x322: {  	v27 =	vmul.f32 v16, v27;
	v23 =	vld.idx.msk [tilespmem:v9+s28+$0x0], $0xffff  }
0x323: {  	v28 =	vmul.f32 $2.000000030e-01, v26;
	v22 =	vld.idx.msk [tilespmem:v6+s29+$0x0], $0xffff  }
0x324: {  	[tilespmem:v11+s7+$0x0] =	vst.idx.add.f32.msk $0xffff, v27  }
0x325: {  	v26 =	vmax.f32 v26, v28;
	v25 =	vadd.f32 v25, v24;
	v24 =	vld.idx.msk [tilespmem:v12+s29+$0x0], $0xffff  }
0x326: {  	v26 =	vmul.f32 $1.442695020e+00, v26  }
0x327: {  	v56 =	vmul.f32 $2.000000030e-01, v25  }
0x328: {  	(erf) = vpow2.f32 v26  }
0x329: {  	v25 =	vmax.f32 v25, v56  }
0x32a: {  	v25 =	vmul.f32 $1.442695020e+00, v25;
	_ =	sdelay $0x1  }
0x32b: {  	(erf) = vpow2.f32 v25  }
0x32c: {  	v57 =	vld.idx.msk [tilespmem:v14+s2+$0x0], $0xffff  }
0x32d: {  	[tilespmem:v2+s8+$0x0] =	vst.idx.add.f32.msk $0xffff, v20  }
0x32e: {  	[tilespmem:v1+s9+$0x0] =	vst.idx.add.f32.msk $0xffff, v21  }
0x32f: {  	v3 =	vld.idx.msk [tilespmem:v3+s30+$0x0], $0xffff;
	v24 =	vmul.f32 v24, v16  }
0x330: {  	[tilespmem:v1+s10+$0x0] =	vst.idx.add.f32.msk $0xffff, v5;
	v58 =	vpop (erf)  }
0x331: {  	[tilespmem:v11+s8+$0x0] =	vst.idx.add.f32.msk $0xffff, v24;
	v59 =	vmul.f32 v58, v57  }
0x332: {  	v12 =	vld.idx.msk [tilespmem:v12+s30+$0x0], $0xffff  }
0x333: {  	v23 =	vmul.f32 v17, v23;
	[tilespmem:v13+s6+$0x0] =	vst.idx.add.f32.msk $0xffff, v59  }
0x334: {  	v24 =	vld.idx.msk [tilespmem:v14+s28+$0x0], $0xffff;
	v60 =	vpop (erf)  }
0x335: {  	[tilespmem:v8+s7+$0x0] =	vst.idx.add.f32.msk $0xffff, v23;
	v61 =	vmul.f32 v60, v19  }
0x336: {  	v63 =	vld.idx.msk [tilespmem:v9+s29+$0x0], $0xffff  }
0x337: {  	v1 =	vmul.f32 v12, v16;
	[tilespmem:v15+s6+$0x0] =	vst.idx.add.f32.msk $0xffff, v61  }
0x338: {  	v62 =	vmul.f32 v22, v10;
	v12 =	vld.idx.msk [tilespmem:v18+s28+$0x0], $0xffff  }
0x339: {  	[tilespmem:v11+s9+$0x0] =	vst.idx.add.f32.msk $0xffff, v1;
	v1 =	vmul.f32 v58, v24  }
0x33a: {  	[tilespmem:v4+s8+$0x0] =	vst.idx.add.f32.msk $0xffff, v62  }
0x33b: {  	[tilespmem:v13+s7+$0x0] =	vst.idx.add.f32.msk $0xffff, v1  }
0x33c: {  	v3 =	vmul.f32 v3, v7;
	v1 =	vld.idx.msk [tilespmem:v14+s29+$0x0], $0xffff  }
0x33d: {  	v6 =	vld.idx.msk [tilespmem:v6+s30+$0x0], $0xffff;
	v12 =	vmul.f32 v60, v12  }
0x33e: {  	[tilespmem:v2+s9+$0x0] =	vst.idx.add.f32.msk $0xffff, v3  }
0x33f: {  	[tilespmem:v15+s7+$0x0] =	vst.idx.add.f32.msk $0xffff, v12  }
0x340: {  	v3 =	vmul.f32 v63, v17;
	v12 =	vld.idx.msk [tilespmem:v18+s29+$0x0], $0xffff  }
0x341: {  	[tilespmem:v2+s10+$0x0] =	vst.idx.add.f32.msk $0xffff, v7;
	v1 =	vmul.f32 v1, v58  }
0x342: {  	[tilespmem:v8+s8+$0x0] =	vst.idx.add.f32.msk $0xffff, v3  }
0x343: {  	[tilespmem:v13+s8+$0x0] =	vst.idx.add.f32.msk $0xffff, v1  }
0x344: {  	v6 =	vmul.f32 v6, v10;
	v1 =	vld.idx.msk [tilespmem:v14+s30+$0x0], $0xffff  }
0x345: {  	v3 =	vld.idx.msk [tilespmem:v9+s30+$0x0], $0xffff;
	v2 =	vmul.f32 v12, v60  }
0x346: {  	[tilespmem:v4+s9+$0x0] =	vst.idx.add.f32.msk $0xffff, v6  }
0x347: {  	[tilespmem:v15+s8+$0x0] =	vst.idx.add.f32.msk $0xffff, v2  }
0x348: {  	v2 =	vld.idx.msk [tilespmem:v18+s30+$0x0], $0xffff  }
0x349: {  	[tilespmem:v4+s10+$0x0] =	vst.idx.add.f32.msk $0xffff, v10;
	v1 =	vmul.f32 v1, v58  }
0x34a: {  	[tilespmem:v11+s10+$0x0] =	vst.idx.add.f32.msk $0xffff, v16  }
0x34b: {  	[tilespmem:v13+s9+$0x0] =	vst.idx.add.f32.msk $0xffff, v1;
	v1 =	vmul.f32 v3, v17  }
.Ltmp5:
0x34c: {  	[tilespmem:v13+s10+$0x0] =	vst.idx.add.f32.msk $0xffff, v58;
	(pc) =	sbr.rel @p1 .LBB2_14-.Ltmp5, $4  }
0x34d: {  	[tilespmem:v8+s9+$0x0] =	vst.idx.add.f32.msk $0xffff, v1;
	v1 =	vmul.f32 v2, v60  }
0x34e: {  	[tilespmem:v8+s10+$0x0] =	vst.idx.add.f32.msk $0xffff, v17  }
0x34f: {  	[tilespmem:v15+s9+$0x0] =	vst.idx.add.f32.msk $0xffff, v1  }
0x350: {  	[tilespmem:v15+s10+$0x0] =	vst.idx.add.f32.msk $0xffff, v60  }
.Ltmp6:
0x351: {  	(pc) =	sbr.rel .LBB2_4-.Ltmp6, $4  }
0x352: {  	s1 =	sadd.s32 s19, s21  }
0x353: {  	s1 =	sshrl.u32 s1, $0x3  }
0x354: {  	s4 =	simm.s32 $0x1E800;
	s18 =	sadd.s32 $0x1, s18;
	s1 =	sadd.s32 s3, s1  }
0x355: {  	[tilespmem:s4], [sflag:$0x4] =	stream.linear.gather [hbm4b:s1+s2], $0x1000, $0x38;
	[tilespmem:$0x1F800] =	vst v63  }
.LBB2_14:
0x356: {  	s1 =	simm.s32 $0x0;
	s4 =	simm.s32 $0x0  }
0x357: {  	_ =	swait.ge [sflag:s5], $0x1000;
	s4 =	sand.u32 $0x60, s4;
	s1 =	sand.u32 $0xF00, s1  }
0x358: {  	[sflag:s5] =	ssyncset.done $0x0;
	s1 =	sor.u32 s4, s1  }
0x359: {  	[sflag:s5] =	ssyncadd.s32 $0xFFFFF000;
	s4 =	sadd.s32 $0x1B800, s1  }
0x35a: {  	v4 =	vld [tilespmem:s4+$0x10]  }
0x35b: {  	v8 =	vld [tilespmem:s4+$0x90];
	_ =	sdelay $0x6  }
0x35c: {  	v1 =	vld.idx.msk [tilespmem:v4+s31+$0x0], $0xffff  }
0x35d: {  	v3 =	vld.idx.msk [tilespmem:v8+s0+$0x0], $0xffff  }
0x35e: {  	v13 =	vld [tilespmem:s1+$0x1B800]  }
0x35f: {  	v2 =	vld [tilespmem:s4+$0x80];
	_ =	sdelay $0x2  }
0x360: {  	v1 =	vadd.f32 v3, v1;
	_ =	sdelay $0x1  }
0x361: {  	s16 =	simm.s32 $0x20;
	s17 =	simm.s32 $0x40;
	v3 =	vmul.f32 $2.000000030e-01, v1  }
0x362: {  	s1 =	sand.u32 $0x60, s16;
	s4 =	sand.u32 $0xF00, s17  }
0x363: {  	s1 =	sor.u32 s1, s4;
	v5 =	vld.idx.msk [tilespmem:v13+s31+$0x0], $0xffff;
	v1 =	vmax.f32 v1, v3  }
0x364: {  	s4 =	sadd.s32 $0x1B800, s1;
	v3 =	vld.idx.msk [tilespmem:v2+s0+$0x0], $0xffff;
	v1 =	vmul.f32 $1.442695020e+00, v1  }
0x365: {  	v10 =	vld [tilespmem:s4+$0x10]  }
0x366: {  	(erf) = vpow2.f32 v1;
	_ =	sdelay $0x1  }
0x367: {  	v14 =	vld [tilespmem:s4+$0x90]  }
0x368: {  	v1 =	vadd.f32 v3, v5;
	_ =	sdelay $0x1  }
0x369: {  	v5 =	vld.idx.msk [tilespmem:v4+s2+$0x0], $0xffff;
	v3 =	vmul.f32 $2.000000030e-01, v1;
	_ =	sdelay $0x1  }
0x36a: {  	v7 =	vld.idx.msk [tilespmem:v10+s31+$0x0], $0xffff;
	v1 =	vmax.f32 v1, v3  }
0x36b: {  	v3 =	vld [tilespmem:s1+$0x1B800];
	v6 =	vmul.f32 $1.442695020e+00, v1  }
0x36c: {  	v1 =	vld [tilespmem:s4+$0x80];
	v9 =	vpop (erf)  }
0x36d: {  	(erf) = vpow2.f32 v6;
	v6 =	vld.idx.msk [tilespmem:v14+s0+$0x0], $0xffff;
	v5 =	vmul.f32 v9, v5;
	_ =	sdelay $0x1  }
0x36e: {  	[tilespmem:v8+s6+$0x0] =	vst.idx.add.f32.msk $0xffff, v5  }
0x36f: {  	v5 =	vld.idx.msk [tilespmem:v4+s28+$0x0], $0xffff;
	_ =	sdelay $0x1  }
0x370: {  	s18 =	simm.s32 $0x40;
	s19 =	simm.s32 $0x80;
	v11 =	vld.idx.msk [tilespmem:v13+s2+$0x0], $0xffff;
	v7 =	vadd.f32 v6, v7  }
0x371: {  	s1 =	sand.u32 $0x60, s18;
	s4 =	sand.u32 $0xF00, s19;
	v12 =	vld.idx.msk [tilespmem:v3+s31+$0x0], $0xffff  }
0x372: {  	s1 =	sor.u32 s1, s4;
	v15 =	vld.idx.msk [tilespmem:v1+s0+$0x0], $0xffff;
	v16 =	vmul.f32 $2.000000030e-01, v7  }
0x373: {  	s4 =	sadd.s32 $0x1B800, s1;
	v5 =	vmul.f32 v9, v5  }
0x374: {  	v6 =	vpop (erf);
	v7 =	vmax.f32 v7, v16;
	v16 =	vld [tilespmem:s4+$0x10]  }
0x375: {  	v11 =	vmul.f32 v6, v11;
	[tilespmem:v8+s7+$0x0] =	vst.idx.add.f32.msk $0xffff, v5  }
0x376: {  	v5 =	vmul.f32 $1.442695020e+00, v7;
	v7 =	vld.idx.msk [tilespmem:v4+s29+$0x0], $0xffff  }
0x377: {  	[tilespmem:v2+s6+$0x0] =	vst.idx.add.f32.msk $0xffff, v11;
	v11 =	vadd.f32 v15, v12  }
0x378: {  	v19 =	vld [tilespmem:s4+$0x90];
	(erf) = vpow2.f32 v5  }
0x379: {  	v12 =	vld.idx.msk [tilespmem:v13+s28+$0x0], $0xffff;
	v5 =	vmul.f32 $2.000000030e-01, v11  }
0x37a: {  	v17 =	vld.idx.msk [tilespmem:v3+s2+$0x0], $0xffff  }
0x37b: {  	v11 =	vmax.f32 v11, v5;
	v5 =	vld [tilespmem:s1+$0x1B800];
	v7 =	vmul.f32 v7, v9  }
0x37c: {  	v15 =	vld.idx.msk [tilespmem:v10+s2+$0x0], $0xffff  }
0x37d: {  	v11 =	vmul.f32 $1.442695020e+00, v11;
	[tilespmem:v8+s8+$0x0] =	vst.idx.add.f32.msk $0xffff, v7  }
0x37e: {  	v7 =	vmul.f32 v6, v12;
	v12 =	vld.idx.msk [tilespmem:v16+s31+$0x0], $0xffff  }
0x37f: {  	(erf) = vpow2.f32 v11;
	v11 =	vld.idx.msk [tilespmem:v4+s30+$0x0], $0xffff  }
0x380: {  	v4 =	vld [tilespmem:s4+$0x80]  }
0x381: {  	[tilespmem:v2+s7+$0x0] =	vst.idx.add.f32.msk $0xffff, v7;
	v18 =	vpop (erf)  }
0x382: {  	v7 =	vmul.f32 v18, v15;
	v15 =	vld.idx.msk [tilespmem:v19+s0+$0x0], $0xffff  }
0x383: {  	v20 =	vld.idx.msk [tilespmem:v5+s31+$0x0], $0xffff  }
0x384: {  	[tilespmem:v14+s6+$0x0] =	vst.idx.add.f32.msk $0xffff, v7;
	v7 =	vmul.f32 v11, v9  }
0x385: {  	v11 =	vld.idx.msk [tilespmem:v10+s28+$0x0], $0xffff  }
0x386: {  	[tilespmem:v8+s9+$0x0] =	vst.idx.add.f32.msk $0xffff, v7  }
0x387: {  	[tilespmem:v8+s10+$0x0] =	vst.idx.add.f32.msk $0xffff, v9  }
0x388: {  	v8 =	vadd.f32 v15, v12;
	v12 =	vld.idx.msk [tilespmem:v4+s0+$0x0], $0xffff  }
0x389: {  	v7 =	vpop (erf)  }
0x38a: {  	v22 =	vld.idx.msk [tilespmem:v16+s2+$0x0], $0xffff;
	v9 =	vmul.f32 v7, v17;
	v17 =	vmul.f32 $2.000000030e-01, v8  }
0x38b: {  	v15 =	vld.idx.msk [tilespmem:v5+s2+$0x0], $0xffff;
	v11 =	vmul.f32 v18, v11  }
0x38c: {  	s22 =	simm.s32 $0x60;
	s23 =	simm.s32 $0xC0;
	[tilespmem:v1+s6+$0x0] =	vst.idx.add.f32.msk $0xffff, v9;
	v8 =	vmax.f32 v8, v17  }
0x38d: {  	s1 =	sand.u32 $0x60, s22;
	s4 =	sand.u32 $0xF00, s23;
	[tilespmem:v14+s7+$0x0] =	vst.idx.add.f32.msk $0xffff, v11;
	v8 =	vmul.f32 $1.442695020e+00, v8;
	v11 =	vadd.f32 v12, v20  }
0x38e: {  	s1 =	sor.u32 s1, s4;
	v17 =	vld.idx.msk [tilespmem:v10+s29+$0x0], $0xffff  }
0x38f: {  	v9 =	vld [tilespmem:s1+$0x1B800];
	(erf) = vpow2.f32 v8;
	v8 =	vmul.f32 $2.000000030e-01, v11  }
0x390: {  	s4 =	sadd.s32 $0x1B800, s1;
	v20 =	vld.idx.msk [tilespmem:v13+s29+$0x0], $0xffff  }
0x391: {  	v12 =	vld [tilespmem:s4+$0x10];
	v8 =	vmax.f32 v11, v8  }
0x392: {  	v21 =	vld.idx.msk [tilespmem:v3+s28+$0x0], $0xffff;
	v8 =	vmul.f32 $1.442695020e+00, v8  }
0x393: {  	v11 =	vld [tilespmem:s4+$0x90];
	v17 =	vmul.f32 v17, v18  }
0x394: {  	(erf) = vpow2.f32 v8;
	v8 =	vld [tilespmem:s4+$0x80]  }
0x395: {  	[tilespmem:v14+s8+$0x0] =	vst.idx.add.f32.msk $0xffff, v17  }
0x396: {  	v20 =	vmul.f32 v20, v6;
	v10 =	vld.idx.msk [tilespmem:v10+s30+$0x0], $0xffff  }
0x397: {  	v25 =	vld.idx.msk [tilespmem:v9+s2+$0x0], $0xffff  }
0x398: {  	[tilespmem:v2+s8+$0x0] =	vst.idx.add.f32.msk $0xffff, v20;
	v17 =	vmul.f32 v7, v21  }
0x399: {  	v23 =	vld.idx.msk [tilespmem:v12+s31+$0x0], $0xffff;
	v21 =	vpop (erf)  }
0x39a: {  	[tilespmem:v1+s7+$0x0] =	vst.idx.add.f32.msk $0xffff, v17;
	v22 =	vmul.f32 v21, v22  }
0x39b: {  	v24 =	vld.idx.msk [tilespmem:v11+s0+$0x0], $0xffff;
	v10 =	vmul.f32 v10, v18  }
0x39c: {  	[tilespmem:v19+s6+$0x0] =	vst.idx.add.f32.msk $0xffff, v22  }
0x39d: {  	v22 =	vld.idx.msk [tilespmem:v16+s28+$0x0], $0xffff  }
0x39e: {  	v17 =	vld.idx.msk [tilespmem:v9+s31+$0x0], $0xffff  }
0x39f: {  	[tilespmem:v14+s9+$0x0] =	vst.idx.add.f32.msk $0xffff, v10;
	v10 =	vpop (erf)  }
0x3a0: {  	[tilespmem:v14+s10+$0x0] =	vst.idx.add.f32.msk $0xffff, v18;
	v18 =	vadd.f32 v24, v23;
	v14 =	vmul.f32 v10, v15  }
0x3a1: {  	v15 =	vld.idx.msk [tilespmem:v8+s0+$0x0], $0xffff  }
0x3a2: {  	[tilespmem:v4+s6+$0x0] =	vst.idx.add.f32.msk $0xffff, v14;
	v14 =	vmul.f32 v21, v22;
	v22 =	vmul.f32 $2.000000030e-01, v18  }
0x3a3: {  	v24 =	vld.idx.msk [tilespmem:v3+s29+$0x0], $0xffff  }
0x3a4: {  	[tilespmem:v19+s7+$0x0] =	vst.idx.add.f32.msk $0xffff, v14;
	v14 =	vmax.f32 v18, v22  }
0x3a5: {  	s17 =	simm.s32 $0x80;
	s18 =	simm.s32 $0x100;
	v20 =	vld.idx.msk [tilespmem:v13+s30+$0x0], $0xffff;
	v14 =	vmul.f32 $1.442695020e+00, v14  }
0x3a6: {  	s24 =	sand.u32 $0x60, s17;
	s25 =	sand.u32 $0xF00, s18;
	v18 =	vld.idx.msk [tilespmem:v16+s29+$0x0], $0xffff  }
0x3a7: {  	s1 =	sor.u32 s24, s25;
	v23 =	vld.idx.msk [tilespmem:v5+s28+$0x0], $0xffff;
	v17 =	vadd.f32 v15, v17;
	(erf) = vpow2.f32 v14  }
0x3a8: {  	v15 =	vld [tilespmem:s1+$0x1B800]  }
0x3a9: {  	s4 =	sadd.s32 $0x1B800, s1;
	v24 =	vmul.f32 v24, v7;
	v22 =	vld.idx.msk [tilespmem:v12+s2+$0x0], $0xffff;
	v13 =	vmul.f32 $2.000000030e-01, v17  }
0x3aa: {  	v14 =	vld [tilespmem:s4+$0x10]  }
0x3ab: {  	[tilespmem:v1+s8+$0x0] =	vst.idx.add.f32.msk $0xffff, v24;
	v17 =	vmax.f32 v17, v13;
	v18 =	vmul.f32 v18, v21  }
0x3ac: {  	v13 =	vld [tilespmem:s4+$0x90];
	v17 =	vmul.f32 $1.442695020e+00, v17  }
0x3ad: {  	[tilespmem:v19+s8+$0x0] =	vst.idx.add.f32.msk $0xffff, v18  }
0x3ae: {  	v18 =	vmul.f32 v10, v23;
	(erf) = vpow2.f32 v17;
	v23 =	vld.idx.msk [tilespmem:v16+s30+$0x0], $0xffff  }
0x3af: {  	v16 =	vld [tilespmem:s4+$0x80]  }
0x3b0: {  	v26 =	vld.idx.msk [tilespmem:v15+s31+$0x0], $0xffff;
	v17 =	vpop (erf)  }
0x3b1: {  	[tilespmem:v4+s7+$0x0] =	vst.idx.add.f32.msk $0xffff, v18;
	v18 =	vmul.f32 v17, v22  }
0x3b2: {  	v27 =	vld.idx.msk [tilespmem:v14+s31+$0x0], $0xffff  }
0x3b3: {  	[tilespmem:v11+s6+$0x0] =	vst.idx.add.f32.msk $0xffff, v18;
	v18 =	vmul.f32 v23, v21  }
0x3b4: {  	v22 =	vld.idx.msk [tilespmem:v13+s0+$0x0], $0xffff  }
0x3b5: {  	v23 =	vld.idx.msk [tilespmem:v12+s28+$0x0], $0xffff  }
0x3b6: {  	[tilespmem:v19+s9+$0x0] =	vst.idx.add.f32.msk $0xffff, v18  }
0x3b7: {  	[tilespmem:v19+s10+$0x0] =	vst.idx.add.f32.msk $0xffff, v21;
	v18 =	vpop (erf)  }
0x3b8: {  	v21 =	vmul.f32 v18, v25;
	v25 =	vld.idx.msk [tilespmem:v16+s0+$0x0], $0xffff  }
0x3b9: {  	v19 =	vld.idx.msk [tilespmem:v15+s2+$0x0], $0xffff  }
0x3ba: {  	v27 =	vadd.f32 v22, v27;
	[tilespmem:v8+s6+$0x0] =	vst.idx.add.f32.msk $0xffff, v21  }
0x3bb: {  	v23 =	vmul.f32 v17, v23;
	v22 =	vld.idx.msk [tilespmem:v9+s28+$0x0], $0xffff  }
0x3bc: {  	v28 =	vmul.f32 $2.000000030e-01, v27;
	v21 =	vld.idx.msk [tilespmem:v5+s29+$0x0], $0xffff  }
0x3bd: {  	[tilespmem:v11+s7+$0x0] =	vst.idx.add.f32.msk $0xffff, v23;
	v24 =	vadd.f32 v25, v26  }
0x3be: {  	s22 =	simm.s32 $0x5;
	v20 =	vmul.f32 v20, v6;
	v23 =	vld.idx.msk [tilespmem:v12+s29+$0x0], $0xffff;
	v25 =	vmax.f32 v27, v28  }
.LBB2_15:
0x3bf: {  	s17 =	sadd.s32 $0x20, s17;
	v26 =	vmul.f32 $2.000000030e-01, v24;
	v25 =	vmul.f32 $1.442695020e+00, v25;
	s18 =	sadd.s32 $0x40, s18;
	v27 =	vld.idx.msk [tilespmem:v3+s30+$0x0], $0xffff;
	v3 =	vmovc v5;
	v5 =	vmovc v9;
	v9 =	vmov v15  }
0x3c0: {  	v22 =	vmul.f32 v18, v22;
	s1 =	sand.u32 $0x60, s17;
	s4 =	sand.u32 $0xF00, s18;
	[tilespmem:v2+s9+$0x0] =	vst.idx.add.f32.msk $0xffff, v20  }
0x3c1: {  	s1 =	sor.u32 s1, s4;
	v20 =	vmax.f32 v24, v26;
	(erf) = vpow2.f32 v25;
	v24 =	vmul.f32 v21, v10;
	[tilespmem:v2+s10+$0x0] =	vst.idx.add.f32.msk $0xffff, v6  }
0x3c2: {  	v2 =	vmovc v1;
	v1 =	vmovc v4;
	v4 =	vmov v8;
	v8 =	vmov v16;
	s4 =	sadd.s32 $0x1B800, s1;
	v15 =	vld [tilespmem:s1+$0x1B800];
	v20 =	vmul.f32 $1.442695020e+00, v20  }
0x3c3: {  	v6 =	vmov v7;
	v7 =	vmov v10;
	v10 =	vmov v18;
	v21 =	vld [tilespmem:s4+$0x10]  }
0x3c4: {  	p1 =	slt.u32 s17, $0x7E0;
	v16 =	vmul.f32 v23, v17;
	v25 =	vld [tilespmem:s4+$0x90];
	(erf) = vpow2.f32 v20  }
0x3c5: {  	v20 =	vmul.f32 v27, v6;
	v18 =	vld.idx.msk [tilespmem:v14+s2+$0x0], $0xffff  }
0x3c6: {  	[tilespmem:v11+s8+$0x0] =	vst.idx.add.f32.msk $0xffff, v16  }
0x3c7: {  	v23 =	vld.idx.msk [tilespmem:v12+s30+$0x0], $0xffff;
	v12 =	vmov v14  }
0x3c8: {  	v16 =	vld [tilespmem:s4+$0x80];
	v14 =	vmov v21  }
0x3c9: {  	[tilespmem:v4+s7+$0x0] =	vst.idx.add.f32.msk $0xffff, v22  }
0x3ca: {  	v26 =	vld.idx.msk [tilespmem:v15+s31+$0x0], $0xffff;
	v22 =	vpop (erf)  }
0x3cb: {  	v21 =	vld.idx.msk [tilespmem:v21+s31+$0x0], $0xffff;
	v28 =	vmul.f32 v22, v18  }
0x3cc: {  	v27 =	vld.idx.msk [tilespmem:v25+s0+$0x0], $0xffff  }
0x3cd: {  	v23 =	vmul.f32 v23, v17;
	[tilespmem:v13+s6+$0x0] =	vst.idx.add.f32.msk $0xffff, v28;
	v18 =	vpop (erf)  }
0x3ce: {  	v28 =	vmul.f32 v18, v19;
	v29 =	vld.idx.msk [tilespmem:v12+s28+$0x0], $0xffff  }
0x3cf: {  	[tilespmem:v11+s9+$0x0] =	vst.idx.add.f32.msk $0xffff, v23  }
0x3d0: {  	[tilespmem:v11+s10+$0x0] =	vst.idx.add.f32.msk $0xffff, v17;
	v11 =	vmov v13;
	v13 =	vmov v25;
	v17 =	vmov v22  }
0x3d1: {  	v23 =	vld.idx.msk [tilespmem:v16+s0+$0x0], $0xffff  }
0x3d2: {  	v19 =	vld.idx.msk [tilespmem:v15+s2+$0x0], $0xffff  }
0x3d3: {  	[tilespmem:v8+s6+$0x0] =	vst.idx.add.f32.msk $0xffff, v28  }
.Ltmp7:
0x3d4: {  	v25 =	vadd.f32 v27, v21;
	v22 =	vld.idx.msk [tilespmem:v9+s28+$0x0], $0xffff;
	(pc) =	sbr.rel @p1 .LBB2_15-.Ltmp7, $4  }
0x3d5: {  	v27 =	vmul.f32 v17, v29;
	v21 =	vld.idx.msk [tilespmem:v5+s29+$0x0], $0xffff  }
0x3d6: {  	v28 =	vmul.f32 $2.000000030e-01, v25;
	[tilespmem:v1+s8+$0x0] =	vst.idx.add.f32.msk $0xffff, v24  }
0x3d7: {  	v24 =	vadd.f32 v23, v26;
	[tilespmem:v11+s7+$0x0] =	vst.idx.add.f32.msk $0xffff, v27  }
0x3d8: {  	v25 =	vmax.f32 v25, v28;
	v23 =	vld.idx.msk [tilespmem:v12+s29+$0x0], $0xffff  }
0x3d9: {  	v55 =	vmul.f32 $2.000000030e-01, v24  }
0x3da: {  	v25 =	vmul.f32 $1.442695020e+00, v25  }
0x3db: {  	v24 =	vmax.f32 v24, v55  }
0x3dc: {  	(erf) = vpow2.f32 v25;
	v24 =	vmul.f32 $1.442695020e+00, v24;
	_ =	sdelay $0x1  }
0x3dd: {  	(erf) = vpow2.f32 v24;
	_ =	sdelay $0x1  }
0x3de: {  	v56 =	vld.idx.msk [tilespmem:v14+s2+$0x0], $0xffff  }
0x3df: {  	v3 =	vld.idx.msk [tilespmem:v3+s30+$0x0], $0xffff  }
0x3e0: {  	v22 =	vmul.f32 v18, v22;
	[tilespmem:v2+s9+$0x0] =	vst.idx.add.f32.msk $0xffff, v20  }
0x3e1: {  	[tilespmem:v2+s10+$0x0] =	vst.idx.add.f32.msk $0xffff, v6;
	v23 =	vmul.f32 v23, v17  }
0x3e2: {  	[tilespmem:v8+s7+$0x0] =	vst.idx.add.f32.msk $0xffff, v22  }
0x3e3: {  	[tilespmem:v11+s8+$0x0] =	vst.idx.add.f32.msk $0xffff, v23;
	v57 =	vpop (erf)  }
0x3e4: {  	v12 =	vld.idx.msk [tilespmem:v12+s30+$0x0], $0xffff;
	v58 =	vmul.f32 v57, v56  }
0x3e5: {  	v63 =	vld.idx.msk [tilespmem:v9+s29+$0x0], $0xffff;
	v2 =	vpop (erf)  }
0x3e6: {  	[tilespmem:v13+s6+$0x0] =	vst.idx.add.f32.msk $0xffff, v58;
	v60 =	vmul.f32 v2, v19  }
0x3e7: {  	v24 =	vld.idx.msk [tilespmem:v14+s28+$0x0], $0xffff  }
0x3e8: {  	v62 =	vmul.f32 v21, v10;
	[tilespmem:v16+s6+$0x0] =	vst.idx.add.f32.msk $0xffff, v60  }
0x3e9: {  	v59 =	vmul.f32 v12, v17;
	v12 =	vld.idx.msk [tilespmem:v15+s28+$0x0], $0xffff  }
0x3ea: {  	[tilespmem:v4+s8+$0x0] =	vst.idx.add.f32.msk $0xffff, v62;
	v3 =	vmul.f32 v3, v7  }
0x3eb: {  	v5 =	vld.idx.msk [tilespmem:v5+s30+$0x0], $0xffff  }
0x3ec: {  	[tilespmem:v1+s9+$0x0] =	vst.idx.add.f32.msk $0xffff, v3;
	v61 =	vmul.f32 v57, v24  }
0x3ed: {  	[tilespmem:v1+s10+$0x0] =	vst.idx.add.f32.msk $0xffff, v7  }
0x3ee: {  	[tilespmem:v13+s7+$0x0] =	vst.idx.add.f32.msk $0xffff, v61;
	v12 =	vmul.f32 v2, v12  }
0x3ef: {  	v6 =	vld.idx.msk [tilespmem:v14+s29+$0x0], $0xffff  }
0x3f0: {  	v3 =	vmul.f32 v63, v18;
	[tilespmem:v16+s7+$0x0] =	vst.idx.add.f32.msk $0xffff, v12  }
0x3f1: {  	v12 =	vld.idx.msk [tilespmem:v15+s29+$0x0], $0xffff  }
0x3f2: {  	v5 =	vmul.f32 v5, v10;
	[tilespmem:v8+s8+$0x0] =	vst.idx.add.f32.msk $0xffff, v3  }
0x3f3: {  	v3 =	vld.idx.msk [tilespmem:v9+s30+$0x0], $0xffff  }
0x3f4: {  	[tilespmem:v4+s9+$0x0] =	vst.idx.add.f32.msk $0xffff, v5;
	v6 =	vmul.f32 v6, v57  }
0x3f5: {  	[tilespmem:v4+s10+$0x0] =	vst.idx.add.f32.msk $0xffff, v10  }
0x3f6: {  	[tilespmem:v13+s8+$0x0] =	vst.idx.add.f32.msk $0xffff, v6;
	v1 =	vmul.f32 v12, v2  }
0x3f7: {  	v6 =	vld.idx.msk [tilespmem:v14+s30+$0x0], $0xffff  }
0x3f8: {  	[tilespmem:v16+s8+$0x0] =	vst.idx.add.f32.msk $0xffff, v1  }
0x3f9: {  	v1 =	vld.idx.msk [tilespmem:v15+s30+$0x0], $0xffff  }
0x3fa: {  	[tilespmem:v11+s9+$0x0] =	vst.idx.add.f32.msk $0xffff, v59;
	v3 =	vmul.f32 v3, v18  }
0x3fb: {  	[tilespmem:v11+s10+$0x0] =	vst.idx.add.f32.msk $0xffff, v17  }
0x3fc: {  	[tilespmem:v8+s9+$0x0] =	vst.idx.add.f32.msk $0xffff, v3;
	v6 =	vmul.f32 v6, v57  }
0x3fd: {  	[tilespmem:v8+s10+$0x0] =	vst.idx.add.f32.msk $0xffff, v18  }
0x3fe: {  	[tilespmem:v13+s9+$0x0] =	vst.idx.add.f32.msk $0xffff, v6;
	v1 =	vmul.f32 v1, v2  }
0x3ff: {  	[tilespmem:v13+s10+$0x0] =	vst.idx.add.f32.msk $0xffff, v57  }
0x400: {  	[tilespmem:v16+s9+$0x0] =	vst.idx.add.f32.msk $0xffff, v1  }
0x401: {  	[tilespmem:v16+s10+$0x0] =	vst.idx.add.f32.msk $0xffff, v2  }
0x402: {  	s18 =	simm.s32 $0x80;
	s19 =	simm.s32 $0x400;
	s1 =	rddreg [dreg:$0xd]  }
0x403: {  	[hbm4b:s1+s18] =	stream.strided.scatter [tilespmem:s6], [sflag:$0x5], $0x2800, s19, s18, $0x38;
	[tilespmem:$0x1F800] =	vst v63  }
0x404: {  	_ =	swait.ge [sflag:s22], $0x2800  }
0x405: {  	[sflag:s22] =	ssyncset.done $0x0  }
0x406: {  	s16 =	rddreg [dreg:$0xe];
	[sflag:s22] =	ssyncadd.s32 $0xFFFFD800  }
0x407: {  	[hbm4b:s16+s18] =	stream.strided.scatter [tilespmem:s7], [sflag:$0x5], $0x2800, s19, s18, $0x38;
	[tilespmem:$0x1F800] =	vst v63  }
0x408: {  	_ =	swait.ge [sflag:s22], $0x2800  }
0x409: {  	[sflag:s22] =	ssyncset.done $0x0  }
0x40a: {  	s17 =	rddreg [dreg:$0xf];
	[sflag:s22] =	ssyncadd.s32 $0xFFFFD800  }
0x40b: {  	[hbm4b:s17+s18] =	stream.strided.scatter [tilespmem:s8], [sflag:$0x5], $0x2800, s19, s18, $0x38;
	[tilespmem:$0x1F800] =	vst v63  }
0x40c: {  	_ =	swait.ge [sflag:s22], $0x2800  }
0x40d: {  	[sflag:s22] =	ssyncset.done $0x0  }
0x40e: {  	s23 =	rddreg [dreg:$0x10];
	[sflag:s22] =	ssyncadd.s32 $0xFFFFD800  }
0x40f: {  	[hbm4b:s23+s18] =	stream.strided.scatter [tilespmem:s9], [sflag:$0x5], $0x2800, s19, s18, $0x38;
	[tilespmem:$0x1F800] =	vst v63  }
0x410: {  	_ =	swait.ge [sflag:s22], $0x2800  }
0x411: {  	s4 =	simm.s32 @!p0 $0x400;
	s1 =	simm.s32 @!p0 $0x80;
	[sflag:s22] =	ssyncset.done $0x0  }
0x412: {  	s16 =	simm.s32 @!p0 $0x19000;
	s17 =	rddreg [dreg:$0x11];
	[sflag:s22] =	ssyncadd.s32 $0xFFFFD800  }
0x413: {  	[hbm4b:s17+s1] =	stream.strided.scatter @!p0 [tilespmem:s16], [sflag:$0x5], $0x2800, s4, s1, $0x38;
	[tilespmem:$0x1F800] =	vst v63  }
0x414: {  	s1 =	simm.s32 @!p0 $0x5  }
0x415: {  	_ =	swait.ge @!p0 [sflag:s1], $0x2800  }
0x416: {  	s24 =	rddreg [dreg:$0x13]  }
0x417: {  	s25 =	rddreg [dreg:$0x12];
	s16 =	sadd.s32 $0x1, s24  }
0x418: {  	p1 =	sne.s32 s16, s25  }
.Ltmp8:
0x419: {  	_ = 	snop;
	(pc) =	sbr.rel @p1 .LBB2_1-.Ltmp8, $3  }
0x41a: {  	_ =	sdelay $0x1  }
0x41b: {  	[sflag:s1] =	ssyncset.done @!p0 $0x0  }
0x41c: {  	[sflag:s1] =	ssyncadd.s32 @!p0 $0xFFFFD800  }
0x41d: {  	_ =	sfence.sel $0x180000  }
0x41e: {  	[bflag:$0x0] =	sbarrier.arrive $0xFFFF  }
0x41f: {  	_ =	strace $0x90000047  }
0x420: {  	s0 =	stileid.u32;
	[bflag:$0x2] =	sbarrier.arrive $0xFFFF  }
0x421: {  	p0 =	sne.s32 s0, $0x0;
	s0 =	rddreg [dreg:$0x2]  }
0x422: {  	s0 =	sadd.s32 @!p0 $0x100000, s0  }
0x423: {  	[sflag:s0] =	ssyncadd.tile.s32 @!p0 $0x1;
	_ =	shalt  }
.Lfunc_end2:
_tile_overlayer_lowered:
.L_overlay_start_2:
0x424: {  	(tag) =	ssettag $0x2  }
0x425: {  	s0 =	rddreg [dreg:$0x0];
	s2 =	stileid.u32  }
0x426: {  	s1 =	rddreg [dreg:$0x1];
	p0 =	sne.s32 s2, $0x0  }
0x427: {  	s3 =	rddreg [dreg:$0x2];
	[bflag:$0x3] =	sbarrier.arrive $0xFFFF;
	s2 =	simm.s32 @!p0 $0x1C05  }
0x428: {  	[timem:s3], [sflag:s2] =	dma.local @!p0 [hbm:s0], s1  }
0x429: {  	s0 =	simm.s32 @!p0 $0x5  }
0x42a: {  	_ =	swait.ge @!p0 [sflag:s0], s1  }
0x42b: {  	s1 =	ssub.s32 @!p0 $0x0, s1;
	[sflag:s0] =	ssyncset.done @!p0 $0x0  }
0x42c: {  	[sflag:s0] =	ssyncadd.s32 @!p0 s1  }
0x42d: {  	[bflag:$0x3] =	sbarrier.arrive $0xFFFF  }
0x42e: {  	_ =	shalt  }

</sc_bundles>
